<compile_context>
chip_gen: v7x
topology: tpu7x:2x2x1
jax: 0.10.2.dev20260603
libtpu: 0.0.44.dev20260713+nightly
codegen_flags: <defaults>
</compile_context>

<pallas_src>
import functools

import jax
import jax.numpy as jnp
from jax import lax
from jax.experimental import pallas as pl
from jax.experimental.pallas import tpu as pltpu
from jax.experimental.pallas import tpu_sc as plsc

_N = 10000
_E = 320000
_DF = 128
_H = 64
_STEPS = 3

_NC = 2
_NS = 16
_NW = _NC * _NS
_EPW = _E // _NW
_VPB = 25
_EPB = _VPB * 16
_NB = _EPW // _EPB


def _rne16(x):
  b = lax.bitcast_convert_type(x, jnp.int32)
  t = (b >> 16) & 1
  r = (b + 32767 + t) & jnp.int32(-65536)
  return lax.bitcast_convert_type(r, jnp.float32)


def _vgather(v, idx):
  return lax.gather(
      v,
      idx[:, None],
      lax.GatherDimensionNumbers(
          offset_dims=(), collapsed_slice_dims=(0,), start_index_map=(0,)
      ),
      slice_sizes=(1,),
      mode=lax.GatherScatterMode.PROMISE_IN_BOUNDS,
  )


def _sc_body(ev_hbm, rv_hbm, wbf_hbm, be_hbm, out_hbm, data_v, recv_v, wbf_v,
             be_v, res_v):
  wid = lax.axis_index("s") * _NC + lax.axis_index("c")
  ebase = wid * _EPW
  pltpu.sync_copy(ev_hbm.at[pl.ds(ebase * 4, _EPW * 4)],
                  data_v.at[pl.ds(0, _EPW * 4)])
  pltpu.sync_copy(rv_hbm.at[pl.ds(ebase, _EPW)], recv_v)
  pltpu.sync_copy(wbf_hbm, wbf_v)
  pltpu.sync_copy(be_hbm, be_v)

  lanes = lax.iota(jnp.int32, 16)
  zf = jnp.zeros((16,), jnp.float32)
  for j in range(5):
    res_v[pl.ds(16 * j, 16)] = zf

  def edge_accum(e_local):
    dv = data_v[pl.ds(e_local * 4, 16)]
    fb = [_rne16(jnp.full((16,), dv[k], jnp.float32)) for k in range(4)]
    for j in range(4):
      acc = be_v[pl.ds(16 * j, 16)]
      for k in range(4):
        acc = acc + fb[k] * wbf_v[pl.ds(64 * k + 16 * j, 16)]
      acc = _rne16(acc)
      res_v[pl.ds(16 * j, 16)] = res_v[pl.ds(16 * j, 16)] + acc

  def block_body(b, cf):
    base_b = b * _EPB

    def inner(v, carry):
      cfi, mi = carry
      r = recv_v[pl.ds(base_b + v * 16, 16)]
      w = jnp.where(r == 0, 1.0, 0.0)
      return (cfi + w, mi + w)

    cf2, macc = lax.fori_loop(0, _VPB, inner, (cf, zf))

    m8 = macc + _vgather(macc, (lanes + 8) & 15)
    m4 = m8 + _vgather(m8, (lanes + 4) & 15)
    m2 = m4 + _vgather(m4, (lanes + 2) & 15)
    m1 = m2 + _vgather(m2, (lanes + 1) & 15)

    @pl.when(m1[0] > 0.0)
    def _():
      def vreg_body(v, _):
        base_v = base_b + v * 16
        r = recv_v[pl.ds(base_v, 16)]
        w = jnp.where(r == 0, 1.0, 0.0)
        w8 = w + _vgather(w, (lanes + 8) & 15)
        w4 = w8 + _vgather(w8, (lanes + 4) & 15)
        w2 = w4 + _vgather(w4, (lanes + 2) & 15)
        w1 = w2 + _vgather(w2, (lanes + 1) & 15)

        @pl.when(w1[0] > 0.0)
        def _():
          def emit(l):
            @pl.when(r[l] == 0)
            def _():
              edge_accum(base_v + l)

          for l in range(16):
            emit(l)

        return 0

      lax.fori_loop(0, _VPB, vreg_body, 0)

    return cf2

  cf = lax.fori_loop(0, _NB, block_body, zf)

  c8 = cf + _vgather(cf, (lanes + 8) & 15)
  c4 = c8 + _vgather(c8, (lanes + 4) & 15)
  c2 = c4 + _vgather(c4, (lanes + 2) & 15)
  c1 = c2 + _vgather(c2, (lanes + 1) & 15)
  res_v[pl.ds(64, 16)] = jnp.where(lanes == 0, c1, 0.0)

  pltpu.sync_copy(res_v, out_hbm.at[wid])


@functools.lru_cache(maxsize=1)
def _sc_reduce():
  return pl.kernel(
      _sc_body,
      out_type=jax.ShapeDtypeStruct((_NW, 80), jnp.float32),
      mesh=plsc.VectorSubcoreMesh(
          core_axis_name="c", subcore_axis_name="s", num_cores=_NC,
          num_subcores=_NS,
      ),
      scratch_types=[
          pltpu.VMEM((_EPW * 4 + 16,), jnp.float32),
          pltpu.VMEM((_EPW,), jnp.int32),
          pltpu.VMEM((256,), jnp.float32),
          pltpu.VMEM((64,), jnp.float32),
          pltpu.VMEM((80,), jnp.float32),
      ],
      name="edge_seg_reduce_sc",
  )


def _bfr(x):
  return x.astype(jnp.bfloat16).astype(jnp.float32)


def _bfr_tc(x):
  b = lax.bitcast_convert_type(x, jnp.int32)
  t = (b >> 16) & 1
  r = (b + 32767 + t) & jnp.int32(-65536)
  return lax.bitcast_convert_type(r, jnp.float32)


def _lrelu(x):
  return jnp.where(x >= 0, x, 0.01 * x)


def _dot(a, b):
  return jax.lax.dot_general(
      a, b, (((1,), (0,)), ((), ())),
      preferred_element_type=jnp.float32,
      precision=jax.lax.Precision.HIGHEST,
  )


def _d16(a, b):
  return jnp.dot(a.astype(jnp.bfloat16), b.astype(jnp.bfloat16),
                 preferred_element_type=jnp.float32)


def _tc_body(part_ref, nodes0_ref, wn_ref, bn_ref, wm_ref, bm_ref, wu_ref,
             bu_ref, wo1_ref, bo1_ref, wo2_ref, bo2_ref, wo3_ref, bo3_ref,
             out_ref):
  red = jnp.sum(part_ref[...], axis=0, keepdims=True)
  s_bf = red[:, 0:_H]
  c0 = red[:, _H:_H + 1]

  s_hi = _bfr_tc(s_bf)
  s_mid = _bfr_tc(s_bf - s_hi)
  s_lo = _bfr_tc(s_bf - s_hi - s_mid)

  emb = _d16(nodes0_ref[...], wn_ref[...]) + bn_ref[...]
  for i in range(_STEPS):
    wm = wm_ref[i]
    agg = ((_d16(s_hi, wm) + _d16(s_mid, wm)) + _d16(s_lo, wm)
           + c0 * bm_ref[i])
    cat = jnp.concatenate([_bfr_tc(emb), _bfr_tc(agg)], axis=1)
    emb = _lrelu(_d16(cat, wu_ref[i]) + bu_ref[i])
  x1 = _lrelu(_d16(emb, wo1_ref[...]) + bo1_ref[...])
  x2 = _lrelu(_d16(x1, wo2_ref[...]) + bo2_ref[...])
  h = jnp.sum(x2 * wo3_ref[...], axis=1, keepdims=True) + bo3_ref[...]
  out_ref[...] = jnp.concatenate(
      [h, jnp.zeros((1, 127), jnp.float32)], axis=1)


@functools.lru_cache(maxsize=1)
def _tc_head():
  return pl.pallas_call(
      _tc_body,
      out_shape=jax.ShapeDtypeStruct((1, 128), jnp.float32),
      name="gcbf_head_tc",
  )


def _output_net(x, W_o1, b_o1, W_o2, b_o2, W_o3, b_o3):
  x = jax.nn.leaky_relu(x @ W_o1 + b_o1)
  x = jax.nn.leaky_relu(x @ W_o2 + b_o2)
  return x @ W_o3 + b_o3


def kernel(nodes, edges, receivers, W_node, b_node, W_edge, b_edge, W_msg,
           b_msg, W_upd, b_upd, W_att, b_att, W_o1, b_o1, W_o2, b_o2, W_o3,
           b_o3):
  del W_att, b_att
  ev = edges.reshape(-1)
  wbf = _bfr(W_edge).reshape(-1)
  partials = _sc_reduce()(ev, receivers, wbf, b_edge)

  nodes0 = lax.slice(nodes, (0, 0), (1, _DF))
  out = _tc_head()(
      partials, nodes0, W_node, b_node.reshape(1, _H), W_msg,
      b_msg.reshape(_STEPS, 1, _H), W_upd, b_upd.reshape(_STEPS, 1, _H),
      W_o1, b_o1.reshape(1, _H), W_o2, b_o2.reshape(1, _H // 2),
      W_o3.reshape(1, _H // 2), b_o3.reshape(1, 1),
  )
  h = out[0, 0]

  def cbf_fn(pos):
    mod_nodes = nodes.at[0, 3:6].set(pos)
    emb = (mod_nodes @ W_node + b_node)[0]
    return _output_net(emb, W_o1, b_o1, W_o2, b_o2, W_o3, b_o3)

  drone_pos = nodes[0, 3:6]
  grad_h = jax.grad(lambda pos: cbf_fn(pos).sum())(drone_pos)
  return h, grad_h

# --- scband reference (transcript-rebuilt; emitter-appended) ---
"""Pipeline reference for scband-gcbfgraph-net-24507083391532 (READ-ONLY COPY).

The authoritative reference and input builder live on the scoring server;
editing this copy changes nothing except your own understanding.
"""

import jax, jax.numpy as jnp
import numpy as np

N = 10000
E = 320000
D_FEAT = 128
D_EDGE = 4
H = 64
STEPS = 3
OUT = 1


def setup_inputs(seed: int = 0) -> dict:
    key = jax.random.key(seed)
    ks = jax.random.split(key, 16)

    def w(k, shape, fan_in):
        return (jax.random.normal(k, shape, dtype=jnp.float32) / np.sqrt(fan_in)).astype(jnp.float32)

    inp = {}
    inp["nodes"] = jax.random.normal(ks[0], (N, D_FEAT), dtype=jnp.float32)
    inp["edges"] = jax.random.normal(ks[1], (E, D_EDGE), dtype=jnp.float32)
    inp["receivers"] = jax.random.randint(ks[2], (E,), 0, N, dtype=jnp.int32)
    inp["W_node"] = w(ks[3], (D_FEAT, H), D_FEAT)
    inp["b_node"] = jnp.zeros((H,), jnp.float32)
    inp["W_edge"] = w(ks[4], (D_EDGE, H), D_EDGE)
    inp["b_edge"] = jnp.zeros((H,), jnp.float32)
    inp["W_msg"] = w(ks[5], (STEPS, H, H), H)
    inp["b_msg"] = jnp.zeros((STEPS, H), jnp.float32)
    inp["W_upd"] = w(ks[6], (STEPS, 2 * H, H), 2 * H)
    inp["b_upd"] = jnp.zeros((STEPS, H), jnp.float32)
    inp["W_att"] = w(ks[7], (H, 1), H)
    inp["b_att"] = jnp.zeros((1,), jnp.float32)
    inp["W_o1"] = w(ks[8], (H, H), H)
    inp["b_o1"] = jnp.zeros((H,), jnp.float32)
    inp["W_o2"] = w(ks[9], (H, H // 2), H)
    inp["b_o2"] = jnp.zeros((H // 2,), jnp.float32)
    inp["W_o3"] = w(ks[10], (H // 2, OUT), H // 2)
    inp["b_o3"] = jnp.zeros((OUT,), jnp.float32)
    return inp


def _output_net(x, W_o1, b_o1, W_o2, b_o2, W_o3, b_o3):
    x = jax.nn.leaky_relu(x @ W_o1 + b_o1)
    x = jax.nn.leaky_relu(x @ W_o2 + b_o2)
    return x @ W_o3 + b_o3


def reference(nodes, edges, receivers, W_node, b_node, W_edge, b_edge, W_msg, b_msg, W_upd, b_upd, W_att, b_att, W_o1, b_o1, W_o2, b_o2, W_o3, b_o3):
    node_emb = nodes @ W_node + b_node
    edge_emb = edges @ W_edge + b_edge
    for i in range(STEPS):
        msgs = edge_emb @ W_msg[i] + b_msg[i]
        att = jax.nn.softmax(msgs @ W_att + b_att, axis=-1)
        agg = jax.ops.segment_sum(msgs * att, receivers, num_segments=nodes.shape[0])
        node_emb = jax.nn.leaky_relu(jnp.concatenate([node_emb, agg], axis=1) @ W_upd[i] + b_upd[i])
    drone_emb = node_emb[0]
    h = _output_net(drone_emb, W_o1, b_o1, W_o2, b_o2, W_o3, b_o3)

    def cbf_fn(pos):
        mod_nodes = nodes.at[0, 3:6].set(pos)
        emb = (mod_nodes @ W_node + b_node)[0]
        return _output_net(emb, W_o1, b_o1, W_o2, b_o2, W_o3, b_o3)

    drone_pos = nodes[0, 3:6]
    grad_h = jax.grad(lambda pos: cbf_fn(pos).sum())(drone_pos)
    return (jnp.squeeze(h), grad_h)

if __name__ == "__main__":
    import jax
    _d = setup_inputs()
    print(jax.jit(kernel)(*tuple(_d.values())))

</pallas_src>

<mosaic_0001>
#map = affine_map<(d0, d1) -> (0)>
#map1 = affine_map<(d0, d1) -> (0, 0)>
module attributes {stable_mosaic.version = 14 : i64} {
  func.func @edge_seg_reduce_sc(%arg0: i32, %arg1: i32, %arg2: memref<1280000xf32, #tpu.memory_space<hbm>>, %arg3: memref<320000xi32, #tpu.memory_space<hbm>>, %arg4: memref<256xf32, #tpu.memory_space<hbm>>, %arg5: memref<64xf32, #tpu.memory_space<hbm>>, %arg6: memref<32x80xf32, #tpu.memory_space<hbm>>, %arg7: memref<40016xf32, #tpu.memory_space<vmem>>, %arg8: memref<10000xi32, #tpu.memory_space<vmem>>, %arg9: memref<256xf32, #tpu.memory_space<vmem>>, %arg10: memref<64xf32, #tpu.memory_space<vmem>>, %arg11: memref<80xf32, #tpu.memory_space<vmem>>) attributes {dimension_semantics = [#tpu.dimension_semantics<core_parallel>, #tpu.dimension_semantics<subcore_parallel>], iteration_bounds = array<i64: 2, 16>, scalar_prefetch = 0 : i64, scratch_operands = 5 : i64, tpu.core_type = #tpu.core_type<sc_vector_subcore>, window_params = [{transform_indices = #map}, {transform_indices = #map}, {transform_indices = #map}, {transform_indices = #map}, {transform_indices = #map1}]} {
    %mul3A = arith.constant 2 : i32
    %mul3A_0 = arith.muli %arg1, %mul3A : i32
    %add3A = arith.addi %mul3A_0, %arg0 : i32
    %mul3A_1 = arith.constant 10000 : i32
    %mul3A_2 = arith.muli %add3A, %mul3A_1 : i32
    %mul3A_3 = arith.constant 4 : i32
    %mul3A_4 = arith.muli %mul3A_2, %mul3A_3 : i32
    "tpu.region"() ({
      %run_scoped3A = tpu.sem_alloc : memref<!tpu.dma_semaphore, #tpu.memory_space<semaphore_mem>>
      %dma_start3A = arith.constant 0 : i32
      %dma_start3A_75 = tpu.memref_slice %arg7[%dma_start3A] : memref<40016xf32, #tpu.memory_space<vmem>> -> memref<40000xf32, #tpu.memory_space<vmem>>
      %dma_start3A_76 = tpu.memref_slice %arg2[%mul3A_4] : memref<1280000xf32, #tpu.memory_space<hbm>> -> memref<40000xf32, #tpu.memory_space<hbm>>
      %dma_start3A_77 = arith.constant 0 : i32
      %dma_start3A_78 = tpu.memref_slice %arg7[%dma_start3A_77] : memref<40016xf32, #tpu.memory_space<vmem>> -> memref<40000xf32, #tpu.memory_space<vmem>>
      %dma_start3A_79 = tpu.memref_slice %arg2[%mul3A_4] : memref<1280000xf32, #tpu.memory_space<hbm>> -> memref<40000xf32, #tpu.memory_space<hbm>>
      tpu.enqueue_dma source(%dma_start3A_79 : memref<40000xf32, #tpu.memory_space<hbm>>) target(%dma_start3A_78 : memref<40000xf32, #tpu.memory_space<vmem>>) target_semaphore(%run_scoped3A : memref<!tpu.dma_semaphore, #tpu.memory_space<semaphore_mem>>)
      %dma_wait3A = arith.constant 0 : i32
      %dma_wait3A_80 = tpu.memref_slice %arg7[%dma_wait3A] : memref<40016xf32, #tpu.memory_space<vmem>> -> memref<40000xf32, #tpu.memory_space<vmem>>
      %dma_wait3A_81 = tpu.memref_slice %arg2[%mul3A_4] : memref<1280000xf32, #tpu.memory_space<hbm>> -> memref<40000xf32, #tpu.memory_space<hbm>>
      %dma_wait3A_82 = arith.constant 0 : i32
      %dma_wait3A_83 = tpu.memref_slice %arg7[%dma_wait3A_82] : memref<40016xf32, #tpu.memory_space<vmem>> -> memref<40000xf32, #tpu.memory_space<vmem>>
      %dma_wait3A_84 = tpu.memref_slice %arg2[%mul3A_4] : memref<1280000xf32, #tpu.memory_space<hbm>> -> memref<40000xf32, #tpu.memory_space<hbm>>
      tpu.wait_dma2 semaphore(%run_scoped3A : memref<!tpu.dma_semaphore, #tpu.memory_space<semaphore_mem>>) src(%dma_wait3A_84 : memref<40000xf32, #tpu.memory_space<hbm>>) dst(%dma_wait3A_83 : memref<40000xf32, #tpu.memory_space<vmem>>)
      tpu.yield
    }) : () -> ()
    "tpu.region"() ({
      %run_scoped3A = tpu.sem_alloc : memref<!tpu.dma_semaphore, #tpu.memory_space<semaphore_mem>>
      %dma_start3A = tpu.memref_slice %arg3[%mul3A_2] : memref<320000xi32, #tpu.memory_space<hbm>> -> memref<10000xi32, #tpu.memory_space<hbm>>
      %dma_start3A_75 = tpu.memref_slice %arg3[%mul3A_2] : memref<320000xi32, #tpu.memory_space<hbm>> -> memref<10000xi32, #tpu.memory_space<hbm>>
      tpu.enqueue_dma source(%dma_start3A_75 : memref<10000xi32, #tpu.memory_space<hbm>>) target(%arg8 : memref<10000xi32, #tpu.memory_space<vmem>>) target_semaphore(%run_scoped3A : memref<!tpu.dma_semaphore, #tpu.memory_space<semaphore_mem>>)
      %dma_wait3A = tpu.memref_slice %arg3[%mul3A_2] : memref<320000xi32, #tpu.memory_space<hbm>> -> memref<10000xi32, #tpu.memory_space<hbm>>
      %dma_wait3A_76 = tpu.memref_slice %arg3[%mul3A_2] : memref<320000xi32, #tpu.memory_space<hbm>> -> memref<10000xi32, #tpu.memory_space<hbm>>
      tpu.wait_dma2 semaphore(%run_scoped3A : memref<!tpu.dma_semaphore, #tpu.memory_space<semaphore_mem>>) src(%dma_wait3A_76 : memref<10000xi32, #tpu.memory_space<hbm>>) dst(%arg8 : memref<10000xi32, #tpu.memory_space<vmem>>)
      tpu.yield
    }) : () -> ()
    "tpu.region"() ({
      %run_scoped3A = tpu.sem_alloc : memref<!tpu.dma_semaphore, #tpu.memory_space<semaphore_mem>>
      tpu.enqueue_dma source(%arg4 : memref<256xf32, #tpu.memory_space<hbm>>) target(%arg9 : memref<256xf32, #tpu.memory_space<vmem>>) target_semaphore(%run_scoped3A : memref<!tpu.dma_semaphore, #tpu.memory_space<semaphore_mem>>)
      tpu.wait_dma2 semaphore(%run_scoped3A : memref<!tpu.dma_semaphore, #tpu.memory_space<semaphore_mem>>) src(%arg4 : memref<256xf32, #tpu.memory_space<hbm>>) dst(%arg9 : memref<256xf32, #tpu.memory_space<vmem>>)
      tpu.yield
    }) : () -> ()
    "tpu.region"() ({
      %run_scoped3A = tpu.sem_alloc : memref<!tpu.dma_semaphore, #tpu.memory_space<semaphore_mem>>
      tpu.enqueue_dma source(%arg5 : memref<64xf32, #tpu.memory_space<hbm>>) target(%arg10 : memref<64xf32, #tpu.memory_space<vmem>>) target_semaphore(%run_scoped3A : memref<!tpu.dma_semaphore, #tpu.memory_space<semaphore_mem>>)
      tpu.wait_dma2 semaphore(%run_scoped3A : memref<!tpu.dma_semaphore, #tpu.memory_space<semaphore_mem>>) src(%arg5 : memref<64xf32, #tpu.memory_space<hbm>>) dst(%arg10 : memref<64xf32, #tpu.memory_space<vmem>>)
      tpu.yield
    }) : () -> ()
    %iota3A = tpu.iota {dimensions = array<i32: 0>} : vector<16xi32>
    %broadcast_in_dim3A = arith.constant 0.000000e+00 : f32
    %broadcast_in_dim3A_5 = vector.broadcast %broadcast_in_dim3A : f32 to vector<16xf32>
    %swap3A = arith.constant 0 : index
    %swap3A_6 = tpu.vector_load %arg11[%swap3A] {strides = array<i32>} : memref<80xf32, #tpu.memory_space<vmem>>, vector<16xf32>,
    %swap3A_7 = vector.shape_cast %swap3A_6 : vector<16xf32> to vector<16xf32>
    %swap3A_8 = vector.shape_cast %broadcast_in_dim3A_5 : vector<16xf32> to vector<16xf32>
    tpu.vector_store %arg11[%swap3A], %swap3A_8 {strides = array<i32>} : memref<80xf32, #tpu.memory_space<vmem>>, vector<16xf32>,
    %swap3A_9 = arith.constant 16 : index
    %swap3A_10 = tpu.vector_load %arg11[%swap3A_9] {strides = array<i32>} : memref<80xf32, #tpu.memory_space<vmem>>, vector<16xf32>,
    %swap3A_11 = vector.shape_cast %swap3A_10 : vector<16xf32> to vector<16xf32>
    %swap3A_12 = vector.shape_cast %broadcast_in_dim3A_5 : vector<16xf32> to vector<16xf32>
    tpu.vector_store %arg11[%swap3A_9], %swap3A_12 {strides = array<i32>} : memref<80xf32, #tpu.memory_space<vmem>>, vector<16xf32>,
    %swap3A_13 = arith.constant 32 : index
    %swap3A_14 = tpu.vector_load %arg11[%swap3A_13] {strides = array<i32>} : memref<80xf32, #tpu.memory_space<vmem>>, vector<16xf32>,
    %swap3A_15 = vector.shape_cast %swap3A_14 : vector<16xf32> to vector<16xf32>
    %swap3A_16 = vector.shape_cast %broadcast_in_dim3A_5 : vector<16xf32> to vector<16xf32>
    tpu.vector_store %arg11[%swap3A_13], %swap3A_16 {strides = array<i32>} : memref<80xf32, #tpu.memory_space<vmem>>, vector<16xf32>,
    %swap3A_17 = arith.constant 48 : index
    %swap3A_18 = tpu.vector_load %arg11[%swap3A_17] {strides = array<i32>} : memref<80xf32, #tpu.memory_space<vmem>>, vector<16xf32>,
    %swap3A_19 = vector.shape_cast %swap3A_18 : vector<16xf32> to vector<16xf32>
    %swap3A_20 = vector.shape_cast %broadcast_in_dim3A_5 : vector<16xf32> to vector<16xf32>
    tpu.vector_store %arg11[%swap3A_17], %swap3A_20 {strides = array<i32>} : memref<80xf32, #tpu.memory_space<vmem>>, vector<16xf32>,
    %swap3A_21 = arith.constant 64 : index
    %swap3A_22 = tpu.vector_load %arg11[%swap3A_21] {strides = array<i32>} : memref<80xf32, #tpu.memory_space<vmem>>, vector<16xf32>,
    %swap3A_23 = vector.shape_cast %swap3A_22 : vector<16xf32> to vector<16xf32>
    %swap3A_24 = vector.shape_cast %broadcast_in_dim3A_5 : vector<16xf32> to vector<16xf32>
    tpu.vector_store %arg11[%swap3A_21], %swap3A_24 {strides = array<i32>} : memref<80xf32, #tpu.memory_space<vmem>>, vector<16xf32>,
    %scan3A = arith.constant 0 : i32
    %scan3A_25 = arith.constant 25 : i32
    %scan3A_26 = arith.addi %scan3A, %scan3A_25 : i32
    %scan3A_27 = arith.constant 1 : i32
    %scan3A_28 = scf.for %scan3A_75 = %scan3A to %scan3A_26 step %scan3A_27 iter_args(%scan3A_76 = %broadcast_in_dim3A_5) -> (vector<16xf32>)  : i32 {
      %mul3A_77 = arith.constant 400 : i32
      %mul3A_78 = arith.muli %scan3A_75, %mul3A_77 : i32
      %scan3A_79 = arith.constant 0 : i32
      %scan3A_80 = arith.constant 25 : i32
      %scan3A_81 = arith.addi %scan3A_79, %scan3A_80 : i32
      %scan3A_82 = arith.constant 1 : i32
      %scan3A_83:2 = scf.for %scan3A_127 = %scan3A_79 to %scan3A_81 step %scan3A_82 iter_args(%scan3A_128 = %scan3A_76, %scan3A_129 = %broadcast_in_dim3A_5) -> (vector<16xf32>, vector<16xf32>)  : i32 {
        %mul3A_130 = arith.constant 16 : i32
        %mul3A_131 = arith.muli %scan3A_127, %mul3A_130 : i32
        %add3A_132 = arith.addi %mul3A_78, %mul3A_131 : i32
        %get3A = arith.index_cast %add3A_132 : i32 to index
        %get3A_133 = tpu.vector_load %arg8[%get3A] {strides = array<i32>} : memref<10000xi32, #tpu.memory_space<vmem>>, vector<16xi32>,
        %get3A_134 = vector.shape_cast %get3A_133 : vector<16xi32> to vector<16xi32>
        %eq3A_135 = arith.constant 0 : i32
        %eq3A_136 = vector.broadcast %eq3A_135 : i32 to vector<16xi32>
        %eq3A_137 = arith.cmpi eq, %get3A_134, %eq3A_136 : vector<16xi32>
        %jit3A_138 = arith.constant 1.000000e+00 : f32
        %jit3A_139 = arith.constant 0.000000e+00 : f32
        %broadcast_in_dim3A_140 = vector.broadcast %jit3A_138 : f32 to vector<16xf32>
        %broadcast_in_dim3A_141 = vector.broadcast %jit3A_139 : f32 to vector<16xf32>
        %select_n3A_142 = arith.select %eq3A_137, %broadcast_in_dim3A_140, %broadcast_in_dim3A_141 : vector<16xi1>, vector<16xf32>
        %add3A_143 = arith.addf %scan3A_128, %select_n3A_142 : vector<16xf32>
        %add3A_144 = arith.addf %scan3A_129, %select_n3A_142 : vector<16xf32>
        scf.yield %add3A_143, %add3A_144 : vector<16xf32>, vector<16xf32>
      }
      %scan3A_84 = arith.constant 25 : i32
      %add3A_85 = arith.constant 8 : i32
      %add3A_86 = vector.broadcast %add3A_85 : i32 to vector<16xi32>
      %add3A_87 = arith.addi %iota3A, %add3A_86 : vector<16xi32>
      %and3A_88 = arith.constant 15 : i32
      %and3A_89 = vector.broadcast %and3A_88 : i32 to vector<16xi32>
      %and3A_90 = arith.andi %add3A_87, %and3A_89 : vector<16xi32>
      %broadcast_in_dim3A_91 = vector.shape_cast %and3A_90 : vector<16xi32> to vector<16x1xi32>
      %gather3A_92 = vector.shape_cast %broadcast_in_dim3A_91 : vector<16x1xi32> to vector<16xi32>
      %gather3A_93 = tpu.dynamic_gather %scan3A_83#1[%gather3A_92] in [0] : vector<16xf32>, vector<16xi32> -> vector<16xf32>
      %add3A_94 = arith.addf %scan3A_83#1, %gather3A_93 : vector<16xf32>
      %add3A_95 = arith.constant 4 : i32
      %add3A_96 = vector.broadcast %add3A_95 : i32 to vector<16xi32>
      %add3A_97 = arith.addi %iota3A, %add3A_96 : vector<16xi32>
      %and3A_98 = arith.constant 15 : i32
      %and3A_99 = vector.broadcast %and3A_98 : i32 to vector<16xi32>
      %and3A_100 = arith.andi %add3A_97, %and3A_99 : vector<16xi32>
      %broadcast_in_dim3A_101 = vector.shape_cast %and3A_100 : vector<16xi32> to vector<16x1xi32>
      %gather3A_102 = vector.shape_cast %broadcast_in_dim3A_101 : vector<16x1xi32> to vector<16xi32>
      %gather3A_103 = tpu.dynamic_gather %add3A_94[%gather3A_102] in [0] : vector<16xf32>, vector<16xi32> -> vector<16xf32>
      %add3A_104 = arith.addf %add3A_94, %gather3A_103 : vector<16xf32>
      %add3A_105 = arith.constant 2 : i32
      %add3A_106 = vector.broadcast %add3A_105 : i32 to vector<16xi32>
      %add3A_107 = arith.addi %iota3A, %add3A_106 : vector<16xi32>
      %and3A_108 = arith.constant 15 : i32
      %and3A_109 = vector.broadcast %and3A_108 : i32 to vector<16xi32>
      %and3A_110 = arith.andi %add3A_107, %and3A_109 : vector<16xi32>
      %broadcast_in_dim3A_111 = vector.shape_cast %and3A_110 : vector<16xi32> to vector<16x1xi32>
      %gather3A_112 = vector.shape_cast %broadcast_in_dim3A_111 : vector<16x1xi32> to vector<16xi32>
      %gather3A_113 = tpu.dynamic_gather %add3A_104[%gather3A_112] in [0] : vector<16xf32>, vector<16xi32> -> vector<16xf32>
      %add3A_114 = arith.addf %add3A_104, %gather3A_113 : vector<16xf32>
      %add3A_115 = arith.constant 1 : i32
      %add3A_116 = vector.broadcast %add3A_115 : i32 to vector<16xi32>
      %add3A_117 = arith.addi %iota3A, %add3A_116 : vector<16xi32>
      %and3A_118 = arith.constant 15 : i32
      %and3A_119 = vector.broadcast %and3A_118 : i32 to vector<16xi32>
      %and3A_120 = arith.andi %add3A_117, %and3A_119 : vector<16xi32>
      %broadcast_in_dim3A_121 = vector.shape_cast %and3A_120 : vector<16xi32> to vector<16x1xi32>
      %gather3A_122 = vector.shape_cast %broadcast_in_dim3A_121 : vector<16x1xi32> to vector<16xi32>
      %gather3A_123 = tpu.dynamic_gather %add3A_114[%gather3A_122] in [0] : vector<16xf32>, vector<16xi32> -> vector<16xf32>
      %add3A_124 = arith.addf %add3A_114, %gather3A_123 : vector<16xf32>
      %slice3A = vector.extract_strided_slice %add3A_124 {offsets = [0], sizes = [1], strides = [1]} : vector<16xf32> to vector<1xf32>
      %squeeze3A = vector.extract %slice3A[0] : f32 from vector<1xf32>
      %gt3A = arith.constant 0.000000e+00 : f32
      %gt3A_125 = arith.cmpf ogt, %squeeze3A, %gt3A : f32
      %convert_element_type3A = arith.extui %gt3A_125 : i1 to i32
      %cond3A = arith.constant 0 : i32
      %cond3A_126 = arith.cmpi ne, %convert_element_type3A, %cond3A : i32
      scf.if %cond3A_126 {
        %scan3A_127 = arith.constant 0 : i32
        %scan3A_128 = arith.constant 0 : i32
        %scan3A_129 = arith.constant 25 : i32
        %scan3A_130 = arith.addi %scan3A_128, %scan3A_129 : i32
        %scan3A_131 = arith.constant 1 : i32
        %scan3A_132 = scf.for %scan3A_134 = %scan3A_128 to %scan3A_130 step %scan3A_131 iter_args(%scan3A_135 = %scan3A_127) -> (i32)  : i32 {
          %mul3A_136 = arith.constant 16 : i32
          %mul3A_137 = arith.muli %scan3A_134, %mul3A_136 : i32
          %add3A_138 = arith.addi %mul3A_78, %mul3A_137 : i32
          %get3A = arith.index_cast %add3A_138 : i32 to index
          %get3A_139 = tpu.vector_load %arg8[%get3A] {strides = array<i32>} : memref<10000xi32, #tpu.memory_space<vmem>>, vector<16xi32>,
          %get3A_140 = vector.shape_cast %get3A_139 : vector<16xi32> to vector<16xi32>
          %eq3A_141 = arith.constant 0 : i32
          %eq3A_142 = vector.broadcast %eq3A_141 : i32 to vector<16xi32>
          %eq3A_143 = arith.cmpi eq, %get3A_140, %eq3A_142 : vector<16xi32>
          %jit3A_144 = arith.constant 1.000000e+00 : f32
          %jit3A_145 = arith.constant 0.000000e+00 : f32
          %broadcast_in_dim3A_146 = vector.broadcast %jit3A_144 : f32 to vector<16xf32>
          %broadcast_in_dim3A_147 = vector.broadcast %jit3A_145 : f32 to vector<16xf32>
          %select_n3A_148 = arith.select %eq3A_143, %broadcast_in_dim3A_146, %broadcast_in_dim3A_147 : vector<16xi1>, vector<16xf32>
          %add3A_149 = arith.constant 8 : i32
          %add3A_150 = vector.broadcast %add3A_149 : i32 to vector<16xi32>
          %add3A_151 = arith.addi %iota3A, %add3A_150 : vector<16xi32>
          %and3A_152 = arith.constant 15 : i32
          %and3A_153 = vector.broadcast %and3A_152 : i32 to vector<16xi32>
          %and3A_154 = arith.andi %add3A_151, %and3A_153 : vector<16xi32>
          %broadcast_in_dim3A_155 = vector.shape_cast %and3A_154 : vector<16xi32> to vector<16x1xi32>
          %gather3A_156 = vector.shape_cast %broadcast_in_dim3A_155 : vector<16x1xi32> to vector<16xi32>
          %gather3A_157 = tpu.dynamic_gather %select_n3A_148[%gather3A_156] in [0] : vector<16xf32>, vector<16xi32> -> vector<16xf32>
          %add3A_158 = arith.addf %select_n3A_148, %gather3A_157 : vector<16xf32>
          %add3A_159 = arith.constant 4 : i32
          %add3A_160 = vector.broadcast %add3A_159 : i32 to vector<16xi32>
          %add3A_161 = arith.addi %iota3A, %add3A_160 : vector<16xi32>
          %and3A_162 = arith.constant 15 : i32
          %and3A_163 = vector.broadcast %and3A_162 : i32 to vector<16xi32>
          %and3A_164 = arith.andi %add3A_161, %and3A_163 : vector<16xi32>
          %broadcast_in_dim3A_165 = vector.shape_cast %and3A_164 : vector<16xi32> to vector<16x1xi32>
          %gather3A_166 = vector.shape_cast %broadcast_in_dim3A_165 : vector<16x1xi32> to vector<16xi32>
          %gather3A_167 = tpu.dynamic_gather %add3A_158[%gather3A_166] in [0] : vector<16xf32>, vector<16xi32> -> vector<16xf32>
          %add3A_168 = arith.addf %add3A_158, %gather3A_167 : vector<16xf32>
          %add3A_169 = arith.constant 2 : i32
          %add3A_170 = vector.broadcast %add3A_169 : i32 to vector<16xi32>
          %add3A_171 = arith.addi %iota3A, %add3A_170 : vector<16xi32>
          %and3A_172 = arith.constant 15 : i32
          %and3A_173 = vector.broadcast %and3A_172 : i32 to vector<16xi32>
          %and3A_174 = arith.andi %add3A_171, %and3A_173 : vector<16xi32>
          %broadcast_in_dim3A_175 = vector.shape_cast %and3A_174 : vector<16xi32> to vector<16x1xi32>
          %gather3A_176 = vector.shape_cast %broadcast_in_dim3A_175 : vector<16x1xi32> to vector<16xi32>
          %gather3A_177 = tpu.dynamic_gather %add3A_168[%gather3A_176] in [0] : vector<16xf32>, vector<16xi32> -> vector<16xf32>
          %add3A_178 = arith.addf %add3A_168, %gather3A_177 : vector<16xf32>
          %add3A_179 = arith.constant 1 : i32
          %add3A_180 = vector.broadcast %add3A_179 : i32 to vector<16xi32>
          %add3A_181 = arith.addi %iota3A, %add3A_180 : vector<16xi32>
          %and3A_182 = arith.constant 15 : i32
          %and3A_183 = vector.broadcast %and3A_182 : i32 to vector<16xi32>
          %and3A_184 = arith.andi %add3A_181, %and3A_183 : vector<16xi32>
          %broadcast_in_dim3A_185 = vector.shape_cast %and3A_184 : vector<16xi32> to vector<16x1xi32>
          %gather3A_186 = vector.shape_cast %broadcast_in_dim3A_185 : vector<16x1xi32> to vector<16xi32>
          %gather3A_187 = tpu.dynamic_gather %add3A_178[%gather3A_186] in [0] : vector<16xf32>, vector<16xi32> -> vector<16xf32>
          %add3A_188 = arith.addf %add3A_178, %gather3A_187 : vector<16xf32>
          %slice3A_189 = vector.extract_strided_slice %add3A_188 {offsets = [0], sizes = [1], strides = [1]} : vector<16xf32> to vector<1xf32>
          %squeeze3A_190 = vector.extract %slice3A_189[0] : f32 from vector<1xf32>
          %gt3A_191 = arith.constant 0.000000e+00 : f32
          %gt3A_192 = arith.cmpf ogt, %squeeze3A_190, %gt3A_191 : f32
          %convert_element_type3A_193 = arith.extui %gt3A_192 : i1 to i32
          %cond3A_194 = arith.constant 0 : i32
          %cond3A_195 = arith.cmpi ne, %convert_element_type3A_193, %cond3A_194 : i32
          scf.if %cond3A_195 {
            %slice3A_197 = vector.extract_strided_slice %get3A_140 {offsets = [0], sizes = [1], strides = [1]} : vector<16xi32> to vector<1xi32>
            %squeeze3A_198 = vector.extract %slice3A_197[0] : i32 from vector<1xi32>
            %eq3A_199 = arith.constant 0 : i32
            %eq3A_200 = arith.cmpi eq, %squeeze3A_198, %eq3A_199 : i32
            %convert_element_type3A_201 = arith.extui %eq3A_200 : i1 to i32
            %cond3A_202 = arith.constant 0 : i32
            %cond3A_203 = arith.cmpi ne, %convert_element_type3A_201, %cond3A_202 : i32
            scf.if %cond3A_203 {
              %add3A_309 = arith.constant 0 : i32
              %add3A_310 = arith.addi %add3A_138, %add3A_309 : i32
              %mul3A_311 = arith.constant 4 : i32
              %mul3A_312 = arith.muli %add3A_310, %mul3A_311 : i32
              %get3A_313 = arith.index_cast %mul3A_312 : i32 to index
              %get3A_314 = tpu.vector_load %arg7[%get3A_313] {strides = array<i32>} : memref<40016xf32, #tpu.memory_space<vmem>>, vector<16xf32>,
              %get3A_315 = vector.shape_cast %get3A_314 : vector<16xf32> to vector<16xf32>
              %slice3A_316 = vector.extract_strided_slice %get3A_315 {offsets = [0], sizes = [1], strides = [1]} : vector<16xf32> to vector<1xf32>
              %squeeze3A_317 = vector.extract %slice3A_316[0] : f32 from vector<1xf32>
              %broadcast_in_dim3A_318 = vector.broadcast %squeeze3A_317 : f32 to vector<16xf32>
              %bitcast_convert_type3A = tpu.bitcast %broadcast_in_dim3A_318 : vector<16xf32> -> vector<16xi32>
              %shift_right_arithmetic3A = arith.constant 16 : i32
              %shift_right_arithmetic3A_319 = vector.broadcast %shift_right_arithmetic3A : i32 to vector<16xi32>
              %shift_right_arithmetic3A_320 = arith.shrsi %bitcast_convert_type3A, %shift_right_arithmetic3A_319 : vector<16xi32>
              %and3A_321 = arith.constant 1 : i32
              %and3A_322 = vector.broadcast %and3A_321 : i32 to vector<16xi32>
              %and3A_323 = arith.andi %shift_right_arithmetic3A_320, %and3A_322 : vector<16xi32>
              %add3A_324 = arith.constant 32767 : i32
              %add3A_325 = vector.broadcast %add3A_324 : i32 to vector<16xi32>
              %add3A_326 = arith.addi %bitcast_convert_type3A, %add3A_325 : vector<16xi32>
              %add3A_327 = arith.addi %add3A_326, %and3A_323 : vector<16xi32>
              %and3A_328 = arith.constant -65536 : i32
              %and3A_329 = vector.broadcast %and3A_328 : i32 to vector<16xi32>
              %and3A_330 = arith.andi %add3A_327, %and3A_329 : vector<16xi32>
              %bitcast_convert_type3A_331 = tpu.bitcast %and3A_330 : vector<16xi32> -> vector<16xf32>
              %slice3A_332 = vector.extract_strided_slice %get3A_315 {offsets = [1], sizes = [1], strides = [1]} : vector<16xf32> to vector<1xf32>
              %squeeze3A_333 = vector.extract %slice3A_332[0] : f32 from vector<1xf32>
              %broadcast_in_dim3A_334 = vector.broadcast %squeeze3A_333 : f32 to vector<16xf32>
              %bitcast_convert_type3A_335 = tpu.bitcast %broadcast_in_dim3A_334 : vector<16xf32> -> vector<16xi32>
              %shift_right_arithmetic3A_336 = arith.constant 16 : i32
              %shift_right_arithmetic3A_337 = vector.broadcast %shift_right_arithmetic3A_336 : i32 to vector<16xi32>
              %shift_right_arithmetic3A_338 = arith.shrsi %bitcast_convert_type3A_335, %shift_right_arithmetic3A_337 : vector<16xi32>
              %and3A_339 = arith.constant 1 : i32
              %and3A_340 = vector.broadcast %and3A_339 : i32 to vector<16xi32>
              %and3A_341 = arith.andi %shift_right_arithmetic3A_338, %and3A_340 : vector<16xi32>
              %add3A_342 = arith.constant 32767 : i32
              %add3A_343 = vector.broadcast %add3A_342 : i32 to vector<16xi32>
              %add3A_344 = arith.addi %bitcast_convert_type3A_335, %add3A_343 : vector<16xi32>
              %add3A_345 = arith.addi %add3A_344, %and3A_341 : vector<16xi32>
              %and3A_346 = arith.constant -65536 : i32
              %and3A_347 = vector.broadcast %and3A_346 : i32 to vector<16xi32>
              %and3A_348 = arith.andi %add3A_345, %and3A_347 : vector<16xi32>
              %bitcast_convert_type3A_349 = tpu.bitcast %and3A_348 : vector<16xi32> -> vector<16xf32>
              %slice3A_350 = vector.extract_strided_slice %get3A_315 {offsets = [2], sizes = [1], strides = [1]} : vector<16xf32> to vector<1xf32>
              %squeeze3A_351 = vector.extract %slice3A_350[0] : f32 from vector<1xf32>
              %broadcast_in_dim3A_352 = vector.broadcast %squeeze3A_351 : f32 to vector<16xf32>
              %bitcast_convert_type3A_353 = tpu.bitcast %broadcast_in_dim3A_352 : vector<16xf32> -> vector<16xi32>
              %shift_right_arithmetic3A_354 = arith.constant 16 : i32
              %shift_right_arithmetic3A_355 = vector.broadcast %shift_right_arithmetic3A_354 : i32 to vector<16xi32>
              %shift_right_arithmetic3A_356 = arith.shrsi %bitcast_convert_type3A_353, %shift_right_arithmetic3A_355 : vector<16xi32>
              %and3A_357 = arith.constant 1 : i32
              %and3A_358 = vector.broadcast %and3A_357 : i32 to vector<16xi32>
              %and3A_359 = arith.andi %shift_right_arithmetic3A_356, %and3A_358 : vector<16xi32>
              %add3A_360 = arith.constant 32767 : i32
              %add3A_361 = vector.broadcast %add3A_360 : i32 to vector<16xi32>
              %add3A_362 = arith.addi %bitcast_convert_type3A_353, %add3A_361 : vector<16xi32>
              %add3A_363 = arith.addi %add3A_362, %and3A_359 : vector<16xi32>
              %and3A_364 = arith.constant -65536 : i32
              %and3A_365 = vector.broadcast %and3A_364 : i32 to vector<16xi32>
              %and3A_366 = arith.andi %add3A_363, %and3A_365 : vector<16xi32>
              %bitcast_convert_type3A_367 = tpu.bitcast %and3A_366 : vector<16xi32> -> vector<16xf32>
              %slice3A_368 = vector.extract_strided_slice %get3A_315 {offsets = [3], sizes = [1], strides = [1]} : vector<16xf32> to vector<1xf32>
              %squeeze3A_369 = vector.extract %slice3A_368[0] : f32 from vector<1xf32>
              %broadcast_in_dim3A_370 = vector.broadcast %squeeze3A_369 : f32 to vector<16xf32>
              %bitcast_convert_type3A_371 = tpu.bitcast %broadcast_in_dim3A_370 : vector<16xf32> -> vector<16xi32>
              %shift_right_arithmetic3A_372 = arith.constant 16 : i32
              %shift_right_arithmetic3A_373 = vector.broadcast %shift_right_arithmetic3A_372 : i32 to vector<16xi32>
              %shift_right_arithmetic3A_374 = arith.shrsi %bitcast_convert_type3A_371, %shift_right_arithmetic3A_373 : vector<16xi32>
              %and3A_375 = arith.constant 1 : i32
              %and3A_376 = vector.broadcast %and3A_375 : i32 to vector<16xi32>
              %and3A_377 = arith.andi %shift_right_arithmetic3A_374, %and3A_376 : vector<16xi32>
              %add3A_378 = arith.constant 32767 : i32
              %add3A_379 = vector.broadcast %add3A_378 : i32 to vector<16xi32>
              %add3A_380 = arith.addi %bitcast_convert_type3A_371, %add3A_379 : vector<16xi32>
              %add3A_381 = arith.addi %add3A_380, %and3A_377 : vector<16xi32>
              %and3A_382 = arith.constant -65536 : i32
              %and3A_383 = vector.broadcast %and3A_382 : i32 to vector<16xi32>
              %and3A_384 = arith.andi %add3A_381, %and3A_383 : vector<16xi32>
              %bitcast_convert_type3A_385 = tpu.bitcast %and3A_384 : vector<16xi32> -> vector<16xf32>
              %get3A_386 = arith.constant 0 : index
              %get3A_387 = tpu.vector_load %arg10[%get3A_386] {strides = array<i32>} : memref<64xf32, #tpu.memory_space<vmem>>, vector<16xf32>,
              %get3A_388 = vector.shape_cast %get3A_387 : vector<16xf32> to vector<16xf32>
              %get3A_389 = arith.constant 0 : index
              %get3A_390 = tpu.vector_load %arg9[%get3A_389] {strides = array<i32>} : memref<256xf32, #tpu.memory_space<vmem>>, vector<16xf32>,
              %get3A_391 = vector.shape_cast %get3A_390 : vector<16xf32> to vector<16xf32>
              %mul3A_392 = arith.mulf %bitcast_convert_type3A_331, %get3A_391 : vector<16xf32>
              %add3A_393 = arith.addf %get3A_388, %mul3A_392 : vector<16xf32>
              %get3A_394 = arith.constant 64 : index
              %get3A_395 = tpu.vector_load %arg9[%get3A_394] {strides = array<i32>} : memref<256xf32, #tpu.memory_space<vmem>>, vector<16xf32>,
              %get3A_396 = vector.shape_cast %get3A_395 : vector<16xf32> to vector<16xf32>
              %mul3A_397 = arith.mulf %bitcast_convert_type3A_349, %get3A_396 : vector<16xf32>
              %add3A_398 = arith.addf %add3A_393, %mul3A_397 : vector<16xf32>
              %get3A_399 = arith.constant 128 : index
              %get3A_400 = tpu.vector_load %arg9[%get3A_399] {strides = array<i32>} : memref<256xf32, #tpu.memory_space<vmem>>, vector<16xf32>,
              %get3A_401 = vector.shape_cast %get3A_400 : vector<16xf32> to vector<16xf32>
              %mul3A_402 = arith.mulf %bitcast_convert_type3A_367, %get3A_401 : vector<16xf32>
              %add3A_403 = arith.addf %add3A_398, %mul3A_402 : vector<16xf32>
              %get3A_404 = arith.constant 192 : index
              %get3A_405 = tpu.vector_load %arg9[%get3A_404] {strides = array<i32>} : memref<256xf32, #tpu.memory_space<vmem>>, vector<16xf32>,
              %get3A_406 = vector.shape_cast %get3A_405 : vector<16xf32> to vector<16xf32>
              %mul3A_407 = arith.mulf %bitcast_convert_type3A_385, %get3A_406 : vector<16xf32>
              %add3A_408 = arith.addf %add3A_403, %mul3A_407 : vector<16xf32>
              %bitcast_convert_type3A_409 = tpu.bitcast %add3A_408 : vector<16xf32> -> vector<16xi32>
              %shift_right_arithmetic3A_410 = arith.constant 16 : i32
              %shift_right_arithmetic3A_411 = vector.broadcast %shift_right_arithmetic3A_410 : i32 to vector<16xi32>
              %shift_right_arithmetic3A_412 = arith.shrsi %bitcast_convert_type3A_409, %shift_right_arithmetic3A_411 : vector<16xi32>
              %and3A_413 = arith.constant 1 : i32
              %and3A_414 = vector.broadcast %and3A_413 : i32 to vector<16xi32>
              %and3A_415 = arith.andi %shift_right_arithmetic3A_412, %and3A_414 : vector<16xi32>
              %add3A_416 = arith.constant 32767 : i32
              %add3A_417 = vector.broadcast %add3A_416 : i32 to vector<16xi32>
              %add3A_418 = arith.addi %bitcast_convert_type3A_409, %add3A_417 : vector<16xi32>
              %add3A_419 = arith.addi %add3A_418, %and3A_415 : vector<16xi32>
              %and3A_420 = arith.constant -65536 : i32
              %and3A_421 = vector.broadcast %and3A_420 : i32 to vector<16xi32>
              %and3A_422 = arith.andi %add3A_419, %and3A_421 : vector<16xi32>
              %bitcast_convert_type3A_423 = tpu.bitcast %and3A_422 : vector<16xi32> -> vector<16xf32>
              %get3A_424 = arith.constant 0 : index
              %get3A_425 = tpu.vector_load %arg11[%get3A_424] {strides = array<i32>} : memref<80xf32, #tpu.memory_space<vmem>>, vector<16xf32>,
              %get3A_426 = vector.shape_cast %get3A_425 : vector<16xf32> to vector<16xf32>
              %add3A_427 = arith.addf %get3A_426, %bitcast_convert_type3A_423 : vector<16xf32>
              %swap3A_428 = arith.constant 0 : index
              %swap3A_429 = tpu.vector_load %arg11[%swap3A_428] {strides = array<i32>} : memref<80xf32, #tpu.memory_space<vmem>>, vector<16xf32>,
              %swap3A_430 = vector.shape_cast %swap3A_429 : vector<16xf32> to vector<16xf32>
              %swap3A_431 = vector.shape_cast %add3A_427 : vector<16xf32> to vector<16xf32>
              tpu.vector_store %arg11[%swap3A_428], %swap3A_431 {strides = array<i32>} : memref<80xf32, #tpu.memory_space<vmem>>, vector<16xf32>,
              %get3A_432 = arith.constant 16 : index
              %get3A_433 = tpu.vector_load %arg10[%get3A_432] {strides = array<i32>} : memref<64xf32, #tpu.memory_space<vmem>>, vector<16xf32>,
              %get3A_434 = vector.shape_cast %get3A_433 : vector<16xf32> to vector<16xf32>
              %get3A_435 = arith.constant 16 : index
              %get3A_436 = tpu.vector_load %arg9[%get3A_435] {strides = array<i32>} : memref<256xf32, #tpu.memory_space<vmem>>, vector<16xf32>,
              %get3A_437 = vector.shape_cast %get3A_436 : vector<16xf32> to vector<16xf32>
              %mul3A_438 = arith.mulf %bitcast_convert_type3A_331, %get3A_437 : vector<16xf32>
              %add3A_439 = arith.addf %get3A_434, %mul3A_438 : vector<16xf32>
              %get3A_440 = arith.constant 80 : index
              %get3A_441 = tpu.vector_load %arg9[%get3A_440] {strides = array<i32>} : memref<256xf32, #tpu.memory_space<vmem>>, vector<16xf32>,
              %get3A_442 = vector.shape_cast %get3A_441 : vector<16xf32> to vector<16xf32>
              %mul3A_443 = arith.mulf %bitcast_convert_type3A_349, %get3A_442 : vector<16xf32>
              %add3A_444 = arith.addf %add3A_439, %mul3A_443 : vector<16xf32>
              %get3A_445 = arith.constant 144 : index
              %get3A_446 = tpu.vector_load %arg9[%get3A_445] {strides = array<i32>} : memref<256xf32, #tpu.memory_space<vmem>>, vector<16xf32>,
              %get3A_447 = vector.shape_cast %get3A_446 : vector<16xf32> to vector<16xf32>
              %mul3A_448 = arith.mulf %bitcast_convert_type3A_367, %get3A_447 : vector<16xf32>
              %add3A_449 = arith.addf %add3A_444, %mul3A_448 : vector<16xf32>
              %get3A_450 = arith.constant 208 : index
              %get3A_451 = tpu.vector_load %arg9[%get3A_450] {strides = array<i32>} : memref<256xf32, #tpu.memory_space<vmem>>, vector<16xf32>,
              %get3A_452 = vector.shape_cast %get3A_451 : vector<16xf32> to vector<16xf32>
              %mul3A_453 = arith.mulf %bitcast_convert_type3A_385, %get3A_452 : vector<16xf32>
              %add3A_454 = arith.addf %add3A_449, %mul3A_453 : vector<16xf32>
              %bitcast_convert_type3A_455 = tpu.bitcast %add3A_454 : vector<16xf32> -> vector<16xi32>
              %shift_right_arithmetic3A_456 = arith.constant 16 : i32
              %shift_right_arithmetic3A_457 = vector.broadcast %shift_right_arithmetic3A_456 : i32 to vector<16xi32>
              %shift_right_arithmetic3A_458 = arith.shrsi %bitcast_convert_type3A_455, %shift_right_arithmetic3A_457 : vector<16xi32>
              %and3A_459 = arith.constant 1 : i32
              %and3A_460 = vector.broadcast %and3A_459 : i32 to vector<16xi32>
              %and3A_461 = arith.andi %shift_right_arithmetic3A_458, %and3A_460 : vector<16xi32>
              %add3A_462 = arith.constant 32767 : i32
              %add3A_463 = vector.broadcast %add3A_462 : i32 to vector<16xi32>
              %add3A_464 = arith.addi %bitcast_convert_type3A_455, %add3A_463 : vector<16xi32>
              %add3A_465 = arith.addi %add3A_464, %and3A_461 : vector<16xi32>
              %and3A_466 = arith.constant -65536 : i32
              %and3A_467 = vector.broadcast %and3A_466 : i32 to vector<16xi32>
              %and3A_468 = arith.andi %add3A_465, %and3A_467 : vector<16xi32>
              %bitcast_convert_type3A_469 = tpu.bitcast %and3A_468 : vector<16xi32> -> vector<16xf32>
              %get3A_470 = arith.constant 16 : index
              %get3A_471 = tpu.vector_load %arg11[%get3A_470] {strides = array<i32>} : memref<80xf32, #tpu.memory_space<vmem>>, vector<16xf32>,
              %get3A_472 = vector.shape_cast %get3A_471 : vector<16xf32> to vector<16xf32>
              %add3A_473 = arith.addf %get3A_472, %bitcast_convert_type3A_469 : vector<16xf32>
              %swap3A_474 = arith.constant 16 : index
              %swap3A_475 = tpu.vector_load %arg11[%swap3A_474] {strides = array<i32>} : memref<80xf32, #tpu.memory_space<vmem>>, vector<16xf32>,
              %swap3A_476 = vector.shape_cast %swap3A_475 : vector<16xf32> to vector<16xf32>
              %swap3A_477 = vector.shape_cast %add3A_473 : vector<16xf32> to vector<16xf32>
              tpu.vector_store %arg11[%swap3A_474], %swap3A_477 {strides = array<i32>} : memref<80xf32, #tpu.memory_space<vmem>>, vector<16xf32>,
              %get3A_478 = arith.constant 32 : index
              %get3A_479 = tpu.vector_load %arg10[%get3A_478] {strides = array<i32>} : memref<64xf32, #tpu.memory_space<vmem>>, vector<16xf32>,
              %get3A_480 = vector.shape_cast %get3A_479 : vector<16xf32> to vector<16xf32>
              %get3A_481 = arith.constant 32 : index
              %get3A_482 = tpu.vector_load %arg9[%get3A_481] {strides = array<i32>} : memref<256xf32, #tpu.memory_space<vmem>>, vector<16xf32>,
              %get3A_483 = vector.shape_cast %get3A_482 : vector<16xf32> to vector<16xf32>
              %mul3A_484 = arith.mulf %bitcast_convert_type3A_331, %get3A_483 : vector<16xf32>
              %add3A_485 = arith.addf %get3A_480, %mul3A_484 : vector<16xf32>
              %get3A_486 = arith.constant 96 : index
              %get3A_487 = tpu.vector_load %arg9[%get3A_486] {strides = array<i32>} : memref<256xf32, #tpu.memory_space<vmem>>, vector<16xf32>,
              %get3A_488 = vector.shape_cast %get3A_487 : vector<16xf32> to vector<16xf32>
              %mul3A_489 = arith.mulf %bitcast_convert_type3A_349, %get3A_488 : vector<16xf32>
              %add3A_490 = arith.addf %add3A_485, %mul3A_489 : vector<16xf32>
              %get3A_491 = arith.constant 160 : index
              %get3A_492 = tpu.vector_load %arg9[%get3A_491] {strides = array<i32>} : memref<256xf32, #tpu.memory_space<vmem>>, vector<16xf32>,
              %get3A_493 = vector.shape_cast %get3A_492 : vector<16xf32> to vector<16xf32>
              %mul3A_494 = arith.mulf %bitcast_convert_type3A_367, %get3A_493 : vector<16xf32>
              %add3A_495 = arith.addf %add3A_490, %mul3A_494 : vector<16xf32>
              %get3A_496 = arith.constant 224 : index
              %get3A_497 = tpu.vector_load %arg9[%get3A_496] {strides = array<i32>} : memref<256xf32, #tpu.memory_space<vmem>>, vector<16xf32>,
              %get3A_498 = vector.shape_cast %get3A_497 : vector<16xf32> to vector<16xf32>
              %mul3A_499 = arith.mulf %bitcast_convert_type3A_385, %get3A_498 : vector<16xf32>
              %add3A_500 = arith.addf %add3A_495, %mul3A_499 : vector<16xf32>
              %bitcast_convert_type3A_501 = tpu.bitcast %add3A_500 : vector<16xf32> -> vector<16xi32>
              %shift_right_arithmetic3A_502 = arith.constant 16 : i32
              %shift_right_arithmetic3A_503 = vector.broadcast %shift_right_arithmetic3A_502 : i32 to vector<16xi32>
              %shift_right_arithmetic3A_504 = arith.shrsi %bitcast_convert_type3A_501, %shift_right_arithmetic3A_503 : vector<16xi32>
              %and3A_505 = arith.constant 1 : i32
              %and3A_506 = vector.broadcast %and3A_505 : i32 to vector<16xi32>
              %and3A_507 = arith.andi %shift_right_arithmetic3A_504, %and3A_506 : vector<16xi32>
              %add3A_508 = arith.constant 32767 : i32
              %add3A_509 = vector.broadcast %add3A_508 : i32 to vector<16xi32>
              %add3A_510 = arith.addi %bitcast_convert_type3A_501, %add3A_509 : vector<16xi32>
              %add3A_511 = arith.addi %add3A_510, %and3A_507 : vector<16xi32>
              %and3A_512 = arith.constant -65536 : i32
              %and3A_513 = vector.broadcast %and3A_512 : i32 to vector<16xi32>
              %and3A_514 = arith.andi %add3A_511, %and3A_513 : vector<16xi32>
              %bitcast_convert_type3A_515 = tpu.bitcast %and3A_514 : vector<16xi32> -> vector<16xf32>
              %get3A_516 = arith.constant 32 : index
              %get3A_517 = tpu.vector_load %arg11[%get3A_516] {strides = array<i32>} : memref<80xf32, #tpu.memory_space<vmem>>, vector<16xf32>,
              %get3A_518 = vector.shape_cast %get3A_517 : vector<16xf32> to vector<16xf32>
              %add3A_519 = arith.addf %get3A_518, %bitcast_convert_type3A_515 : vector<16xf32>
              %swap3A_520 = arith.constant 32 : index
              %swap3A_521 = tpu.vector_load %arg11[%swap3A_520] {strides = array<i32>} : memref<80xf32, #tpu.memory_space<vmem>>, vector<16xf32>,
              %swap3A_522 = vector.shape_cast %swap3A_521 : vector<16xf32> to vector<16xf32>
              %swap3A_523 = vector.shape_cast %add3A_519 : vector<16xf32> to vector<16xf32>
              tpu.vector_store %arg11[%swap3A_520], %swap3A_523 {strides = array<i32>} : memref<80xf32, #tpu.memory_space<vmem>>, vector<16xf32>,
              %get3A_524 = arith.constant 48 : index
              %get3A_525 = tpu.vector_load %arg10[%get3A_524] {strides = array<i32>} : memref<64xf32, #tpu.memory_space<vmem>>, vector<16xf32>,
              %get3A_526 = vector.shape_cast %get3A_525 : vector<16xf32> to vector<16xf32>
              %get3A_527 = arith.constant 48 : index
              %get3A_528 = tpu.vector_load %arg9[%get3A_527] {strides = array<i32>} : memref<256xf32, #tpu.memory_space<vmem>>, vector<16xf32>,
              %get3A_529 = vector.shape_cast %get3A_528 : vector<16xf32> to vector<16xf32>
              %mul3A_530 = arith.mulf %bitcast_convert_type3A_331, %get3A_529 : vector<16xf32>
              %add3A_531 = arith.addf %get3A_526, %mul3A_530 : vector<16xf32>
              %get3A_532 = arith.constant 112 : index
              %get3A_533 = tpu.vector_load %arg9[%get3A_532] {strides = array<i32>} : memref<256xf32, #tpu.memory_space<vmem>>, vector<16xf32>,
              %get3A_534 = vector.shape_cast %get3A_533 : vector<16xf32> to vector<16xf32>
              %mul3A_535 = arith.mulf %bitcast_convert_type3A_349, %get3A_534 : vector<16xf32>
              %add3A_536 = arith.addf %add3A_531, %mul3A_535 : vector<16xf32>
              %get3A_537 = arith.constant 176 : index
              %get3A_538 = tpu.vector_load %arg9[%get3A_537] {strides = array<i32>} : memref<256xf32, #tpu.memory_space<vmem>>, vector<16xf32>,
              %get3A_539 = vector.shape_cast %get3A_538 : vector<16xf32> to vector<16xf32>
              %mul3A_540 = arith.mulf %bitcast_convert_type3A_367, %get3A_539 : vector<16xf32>
              %add3A_541 = arith.addf %add3A_536, %mul3A_540 : vector<16xf32>
              %get3A_542 = arith.constant 240 : index
              %get3A_543 = tpu.vector_load %arg9[%get3A_542] {strides = array<i32>} : memref<256xf32, #tpu.memory_space<vmem>>, vector<16xf32>,
              %get3A_544 = vector.shape_cast %get3A_543 : vector<16xf32> to vector<16xf32>
              %mul3A_545 = arith.mulf %bitcast_convert_type3A_385, %get3A_544 : vector<16xf32>
              %add3A_546 = arith.addf %add3A_541, %mul3A_545 : vector<16xf32>
              %bitcast_convert_type3A_547 = tpu.bitcast %add3A_546 : vector<16xf32> -> vector<16xi32>
              %shift_right_arithmetic3A_548 = arith.constant 16 : i32
              %shift_right_arithmetic3A_549 = vector.broadcast %shift_right_arithmetic3A_548 : i32 to vector<16xi32>
              %shift_right_arithmetic3A_550 = arith.shrsi %bitcast_convert_type3A_547, %shift_right_arithmetic3A_549 : vector<16xi32>
              %and3A_551 = arith.constant 1 : i32
              %and3A_552 = vector.broadcast %and3A_551 : i32 to vector<16xi32>
              %and3A_553 = arith.andi %shift_right_arithmetic3A_550, %and3A_552 : vector<16xi32>
              %add3A_554 = arith.constant 32767 : i32
              %add3A_555 = vector.broadcast %add3A_554 : i32 to vector<16xi32>
              %add3A_556 = arith.addi %bitcast_convert_type3A_547, %add3A_555 : vector<16xi32>
              %add3A_557 = arith.addi %add3A_556, %and3A_553 : vector<16xi32>
              %and3A_558 = arith.constant -65536 : i32
              %and3A_559 = vector.broadcast %and3A_558 : i32 to vector<16xi32>
              %and3A_560 = arith.andi %add3A_557, %and3A_559 : vector<16xi32>
              %bitcast_convert_type3A_561 = tpu.bitcast %and3A_560 : vector<16xi32> -> vector<16xf32>
              %get3A_562 = arith.constant 48 : index
              %get3A_563 = tpu.vector_load %arg11[%get3A_562] {strides = array<i32>} : memref<80xf32, #tpu.memory_space<vmem>>, vector<16xf32>,
              %get3A_564 = vector.shape_cast %get3A_563 : vector<16xf32> to vector<16xf32>
              %add3A_565 = arith.addf %get3A_564, %bitcast_convert_type3A_561 : vector<16xf32>
              %swap3A_566 = arith.constant 48 : index
              %swap3A_567 = tpu.vector_load %arg11[%swap3A_566] {strides = array<i32>} : memref<80xf32, #tpu.memory_space<vmem>>, vector<16xf32>,
              %swap3A_568 = vector.shape_cast %swap3A_567 : vector<16xf32> to vector<16xf32>
              %swap3A_569 = vector.shape_cast %add3A_565 : vector<16xf32> to vector<16xf32>
              tpu.vector_store %arg11[%swap3A_566], %swap3A_569 {strides = array<i32>} : memref<80xf32, #tpu.memory_space<vmem>>, vector<16xf32>,
            } else {
            }
            %slice3A_204 = vector.extract_strided_slice %get3A_140 {offsets = [1], sizes = [1], strides = [1]} : vector<16xi32> to vector<1xi32>
            %squeeze3A_205 = vector.extract %slice3A_204[0] : i32 from vector<1xi32>
            %eq3A_206 = arith.constant 0 : i32
            %eq3A_207 = arith.cmpi eq, %squeeze3A_205, %eq3A_206 : i32
            %convert_element_type3A_208 = arith.extui %eq3A_207 : i1 to i32
            %cond3A_209 = arith.constant 0 : i32
            %cond3A_210 = arith.cmpi ne, %convert_element_type3A_208, %cond3A_209 : i32
            scf.if %cond3A_210 {
              %add3A_309 = arith.constant 1 : i32
              %add3A_310 = arith.addi %add3A_138, %add3A_309 : i32
              %mul3A_311 = arith.constant 4 : i32
              %mul3A_312 = arith.muli %add3A_310, %mul3A_311 : i32
              %get3A_313 = arith.index_cast %mul3A_312 : i32 to index
              %get3A_314 = tpu.vector_load %arg7[%get3A_313] {strides = array<i32>} : memref<40016xf32, #tpu.memory_space<vmem>>, vector<16xf32>,
              %get3A_315 = vector.shape_cast %get3A_314 : vector<16xf32> to vector<16xf32>
              %slice3A_316 = vector.extract_strided_slice %get3A_315 {offsets = [0], sizes = [1], strides = [1]} : vector<16xf32> to vector<1xf32>
              %squeeze3A_317 = vector.extract %slice3A_316[0] : f32 from vector<1xf32>
              %broadcast_in_dim3A_318 = vector.broadcast %squeeze3A_317 : f32 to vector<16xf32>
              %bitcast_convert_type3A = tpu.bitcast %broadcast_in_dim3A_318 : vector<16xf32> -> vector<16xi32>
              %shift_right_arithmetic3A = arith.constant 16 : i32
              %shift_right_arithmetic3A_319 = vector.broadcast %shift_right_arithmetic3A : i32 to vector<16xi32>
              %shift_right_arithmetic3A_320 = arith.shrsi %bitcast_convert_type3A, %shift_right_arithmetic3A_319 : vector<16xi32>
              %and3A_321 = arith.constant 1 : i32
              %and3A_322 = vector.broadcast %and3A_321 : i32 to vector<16xi32>
              %and3A_323 = arith.andi %shift_right_arithmetic3A_320, %and3A_322 : vector<16xi32>
              %add3A_324 = arith.constant 32767 : i32
              %add3A_325 = vector.broadcast %add3A_324 : i32 to vector<16xi32>
              %add3A_326 = arith.addi %bitcast_convert_type3A, %add3A_325 : vector<16xi32>
              %add3A_327 = arith.addi %add3A_326, %and3A_323 : vector<16xi32>
              %and3A_328 = arith.constant -65536 : i32
              %and3A_329 = vector.broadcast %and3A_328 : i32 to vector<16xi32>
              %and3A_330 = arith.andi %add3A_327, %and3A_329 : vector<16xi32>
              %bitcast_convert_type3A_331 = tpu.bitcast %and3A_330 : vector<16xi32> -> vector<16xf32>
              %slice3A_332 = vector.extract_strided_slice %get3A_315 {offsets = [1], sizes = [1], strides = [1]} : vector<16xf32> to vector<1xf32>
              %squeeze3A_333 = vector.extract %slice3A_332[0] : f32 from vector<1xf32>
              %broadcast_in_dim3A_334 = vector.broadcast %squeeze3A_333 : f32 to vector<16xf32>
              %bitcast_convert_type3A_335 = tpu.bitcast %broadcast_in_dim3A_334 : vector<16xf32> -> vector<16xi32>
              %shift_right_arithmetic3A_336 = arith.constant 16 : i32
              %shift_right_arithmetic3A_337 = vector.broadcast %shift_right_arithmetic3A_336 : i32 to vector<16xi32>
              %shift_right_arithmetic3A_338 = arith.shrsi %bitcast_convert_type3A_335, %shift_right_arithmetic3A_337 : vector<16xi32>
              %and3A_339 = arith.constant 1 : i32
              %and3A_340 = vector.broadcast %and3A_339 : i32 to vector<16xi32>
              %and3A_341 = arith.andi %shift_right_arithmetic3A_338, %and3A_340 : vector<16xi32>
              %add3A_342 = arith.constant 32767 : i32
              %add3A_343 = vector.broadcast %add3A_342 : i32 to vector<16xi32>
              %add3A_344 = arith.addi %bitcast_convert_type3A_335, %add3A_343 : vector<16xi32>
              %add3A_345 = arith.addi %add3A_344, %and3A_341 : vector<16xi32>
              %and3A_346 = arith.constant -65536 : i32
              %and3A_347 = vector.broadcast %and3A_346 : i32 to vector<16xi32>
              %and3A_348 = arith.andi %add3A_345, %and3A_347 : vector<16xi32>
              %bitcast_convert_type3A_349 = tpu.bitcast %and3A_348 : vector<16xi32> -> vector<16xf32>
              %slice3A_350 = vector.extract_strided_slice %get3A_315 {offsets = [2], sizes = [1], strides = [1]} : vector<16xf32> to vector<1xf32>
              %squeeze3A_351 = vector.extract %slice3A_350[0] : f32 from vector<1xf32>
              %broadcast_in_dim3A_352 = vector.broadcast %squeeze3A_351 : f32 to vector<16xf32>
              %bitcast_convert_type3A_353 = tpu.bitcast %broadcast_in_dim3A_352 : vector<16xf32> -> vector<16xi32>
              %shift_right_arithmetic3A_354 = arith.constant 16 : i32
              %shift_right_arithmetic3A_355 = vector.broadcast %shift_right_arithmetic3A_354 : i32 to vector<16xi32>
              %shift_right_arithmetic3A_356 = arith.shrsi %bitcast_convert_type3A_353, %shift_right_arithmetic3A_355 : vector<16xi32>
              %and3A_357 = arith.constant 1 : i32
              %and3A_358 = vector.broadcast %and3A_357 : i32 to vector<16xi32>
              %and3A_359 = arith.andi %shift_right_arithmetic3A_356, %and3A_358 : vector<16xi32>
              %add3A_360 = arith.constant 32767 : i32
              %add3A_361 = vector.broadcast %add3A_360 : i32 to vector<16xi32>
              %add3A_362 = arith.addi %bitcast_convert_type3A_353, %add3A_361 : vector<16xi32>
              %add3A_363 = arith.addi %add3A_362, %and3A_359 : vector<16xi32>
              %and3A_364 = arith.constant -65536 : i32
              %and3A_365 = vector.broadcast %and3A_364 : i32 to vector<16xi32>
              %and3A_366 = arith.andi %add3A_363, %and3A_365 : vector<16xi32>
              %bitcast_convert_type3A_367 = tpu.bitcast %and3A_366 : vector<16xi32> -> vector<16xf32>
              %slice3A_368 = vector.extract_strided_slice %get3A_315 {offsets = [3], sizes = [1], strides = [1]} : vector<16xf32> to vector<1xf32>
              %squeeze3A_369 = vector.extract %slice3A_368[0] : f32 from vector<1xf32>
              %broadcast_in_dim3A_370 = vector.broadcast %squeeze3A_369 : f32 to vector<16xf32>
              %bitcast_convert_type3A_371 = tpu.bitcast %broadcast_in_dim3A_370 : vector<16xf32> -> vector<16xi32>
              %shift_right_arithmetic3A_372 = arith.constant 16 : i32
              %shift_right_arithmetic3A_373 = vector.broadcast %shift_right_arithmetic3A_372 : i32 to vector<16xi32>
              %shift_right_arithmetic3A_374 = arith.shrsi %bitcast_convert_type3A_371, %shift_right_arithmetic3A_373 : vector<16xi32>
              %and3A_375 = arith.constant 1 : i32
              %and3A_376 = vector.broadcast %and3A_375 : i32 to vector<16xi32>
              %and3A_377 = arith.andi %shift_right_arithmetic3A_374, %and3A_376 : vector<16xi32>
              %add3A_378 = arith.constant 32767 : i32
              %add3A_379 = vector.broadcast %add3A_378 : i32 to vector<16xi32>
              %add3A_380 = arith.addi %bitcast_convert_type3A_371, %add3A_379 : vector<16xi32>
              %add3A_381 = arith.addi %add3A_380, %and3A_377 : vector<16xi32>
              %and3A_382 = arith.constant -65536 : i32
              %and3A_383 = vector.broadcast %and3A_382 : i32 to vector<16xi32>
              %and3A_384 = arith.andi %add3A_381, %and3A_383 : vector<16xi32>
              %bitcast_convert_type3A_385 = tpu.bitcast %and3A_384 : vector<16xi32> -> vector<16xf32>
              %get3A_386 = arith.constant 0 : index
              %get3A_387 = tpu.vector_load %arg10[%get3A_386] {strides = array<i32>} : memref<64xf32, #tpu.memory_space<vmem>>, vector<16xf32>,
              %get3A_388 = vector.shape_cast %get3A_387 : vector<16xf32> to vector<16xf32>
              %get3A_389 = arith.constant 0 : index
              %get3A_390 = tpu.vector_load %arg9[%get3A_389] {strides = array<i32>} : memref<256xf32, #tpu.memory_space<vmem>>, vector<16xf32>,
              %get3A_391 = vector.shape_cast %get3A_390 : vector<16xf32> to vector<16xf32>
              %mul3A_392 = arith.mulf %bitcast_convert_type3A_331, %get3A_391 : vector<16xf32>
              %add3A_393 = arith.addf %get3A_388, %mul3A_392 : vector<16xf32>
              %get3A_394 = arith.constant 64 : index
              %get3A_395 = tpu.vector_load %arg9[%get3A_394] {strides = array<i32>} : memref<256xf32, #tpu.memory_space<vmem>>, vector<16xf32>,
              %get3A_396 = vector.shape_cast %get3A_395 : vector<16xf32> to vector<16xf32>
              %mul3A_397 = arith.mulf %bitcast_convert_type3A_349, %get3A_396 : vector<16xf32>
              %add3A_398 = arith.addf %add3A_393, %mul3A_397 : vector<16xf32>
              %get3A_399 = arith.constant 128 : index
              %get3A_400 = tpu.vector_load %arg9[%get3A_399] {strides = array<i32>} : memref<256xf32, #tpu.memory_space<vmem>>, vector<16xf32>,
              %get3A_401 = vector.shape_cast %get3A_400 : vector<16xf32> to vector<16xf32>
              %mul3A_402 = arith.mulf %bitcast_convert_type3A_367, %get3A_401 : vector<16xf32>
              %add3A_403 = arith.addf %add3A_398, %mul3A_402 : vector<16xf32>
              %get3A_404 = arith.constant 192 : index
              %get3A_405 = tpu.vector_load %arg9[%get3A_404] {strides = array<i32>} : memref<256xf32, #tpu.memory_space<vmem>>, vector<16xf32>,
              %get3A_406 = vector.shape_cast %get3A_405 : vector<16xf32> to vector<16xf32>
              %mul3A_407 = arith.mulf %bitcast_convert_type3A_385, %get3A_406 : vector<16xf32>
              %add3A_408 = arith.addf %add3A_403, %mul3A_407 : vector<16xf32>
              %bitcast_convert_type3A_409 = tpu.bitcast %add3A_408 : vector<16xf32> -> vector<16xi32>
              %shift_right_arithmetic3A_410 = arith.constant 16 : i32
              %shift_right_arithmetic3A_411 = vector.broadcast %shift_right_arithmetic3A_410 : i32 to vector<16xi32>
              %shift_right_arithmetic3A_412 = arith.shrsi %bitcast_convert_type3A_409, %shift_right_arithmetic3A_411 : vector<16xi32>
              %and3A_413 = arith.constant 1 : i32
              %and3A_414 = vector.broadcast %and3A_413 : i32 to vector<16xi32>
              %and3A_415 = arith.andi %shift_right_arithmetic3A_412, %and3A_414 : vector<16xi32>
              %add3A_416 = arith.constant 32767 : i32
              %add3A_417 = vector.broadcast %add3A_416 : i32 to vector<16xi32>
              %add3A_418 = arith.addi %bitcast_convert_type3A_409, %add3A_417 : vector<16xi32>
              %add3A_419 = arith.addi %add3A_418, %and3A_415 : vector<16xi32>
              %and3A_420 = arith.constant -65536 : i32
              %and3A_421 = vector.broadcast %and3A_420 : i32 to vector<16xi32>
              %and3A_422 = arith.andi %add3A_419, %and3A_421 : vector<16xi32>
              %bitcast_convert_type3A_423 = tpu.bitcast %and3A_422 : vector<16xi32> -> vector<16xf32>
              %get3A_424 = arith.constant 0 : index
              %get3A_425 = tpu.vector_load %arg11[%get3A_424] {strides = array<i32>} : memref<80xf32, #tpu.memory_space<vmem>>, vector<16xf32>,
              %get3A_426 = vector.shape_cast %get3A_425 : vector<16xf32> to vector<16xf32>
              %add3A_427 = arith.addf %get3A_426, %bitcast_convert_type3A_423 : vector<16xf32>
              %swap3A_428 = arith.constant 0 : index
              %swap3A_429 = tpu.vector_load %arg11[%swap3A_428] {strides = array<i32>} : memref<80xf32, #tpu.memory_space<vmem>>, vector<16xf32>,
              %swap3A_430 = vector.shape_cast %swap3A_429 : vector<16xf32> to vector<16xf32>
              %swap3A_431 = vector.shape_cast %add3A_427 : vector<16xf32> to vector<16xf32>
              tpu.vector_store %arg11[%swap3A_428], %swap3A_431 {strides = array<i32>} : memref<80xf32, #tpu.memory_space<vmem>>, vector<16xf32>,
              %get3A_432 = arith.constant 16 : index
              %get3A_433 = tpu.vector_load %arg10[%get3A_432] {strides = array<i32>} : memref<64xf32, #tpu.memory_space<vmem>>, vector<16xf32>,
              %get3A_434 = vector.shape_cast %get3A_433 : vector<16xf32> to vector<16xf32>
              %get3A_435 = arith.constant 16 : index
              %get3A_436 = tpu.vector_load %arg9[%get3A_435] {strides = array<i32>} : memref<256xf32, #tpu.memory_space<vmem>>, vector<16xf32>,
              %get3A_437 = vector.shape_cast %get3A_436 : vector<16xf32> to vector<16xf32>
              %mul3A_438 = arith.mulf %bitcast_convert_type3A_331, %get3A_437 : vector<16xf32>
              %add3A_439 = arith.addf %get3A_434, %mul3A_438 : vector<16xf32>
              %get3A_440 = arith.constant 80 : index
              %get3A_441 = tpu.vector_load %arg9[%get3A_440] {strides = array<i32>} : memref<256xf32, #tpu.memory_space<vmem>>, vector<16xf32>,
              %get3A_442 = vector.shape_cast %get3A_441 : vector<16xf32> to vector<16xf32>
              %mul3A_443 = arith.mulf %bitcast_convert_type3A_349, %get3A_442 : vector<16xf32>
              %add3A_444 = arith.addf %add3A_439, %mul3A_443 : vector<16xf32>
              %get3A_445 = arith.constant 144 : index
              %get3A_446 = tpu.vector_load %arg9[%get3A_445] {strides = array<i32>} : memref<256xf32, #tpu.memory_space<vmem>>, vector<16xf32>,
              %get3A_447 = vector.shape_cast %get3A_446 : vector<16xf32> to vector<16xf32>
              %mul3A_448 = arith.mulf %bitcast_convert_type3A_367, %get3A_447 : vector<16xf32>
              %add3A_449 = arith.addf %add3A_444, %mul3A_448 : vector<16xf32>
              %get3A_450 = arith.constant 208 : index
              %get3A_451 = tpu.vector_load %arg9[%get3A_450] {strides = array<i32>} : memref<256xf32, #tpu.memory_space<vmem>>, vector<16xf32>,
              %get3A_452 = vector.shape_cast %get3A_451 : vector<16xf32> to vector<16xf32>
              %mul3A_453 = arith.mulf %bitcast_convert_type3A_385, %get3A_452 : vector<16xf32>
              %add3A_454 = arith.addf %add3A_449, %mul3A_453 : vector<16xf32>
              %bitcast_convert_type3A_455 = tpu.bitcast %add3A_454 : vector<16xf32> -> vector<16xi32>
              %shift_right_arithmetic3A_456 = arith.constant 16 : i32
              %shift_right_arithmetic3A_457 = vector.broadcast %shift_right_arithmetic3A_456 : i32 to vector<16xi32>
              %shift_right_arithmetic3A_458 = arith.shrsi %bitcast_convert_type3A_455, %shift_right_arithmetic3A_457 : vector<16xi32>
              %and3A_459 = arith.constant 1 : i32
              %and3A_460 = vector.broadcast %and3A_459 : i32 to vector<16xi32>
              %and3A_461 = arith.andi %shift_right_arithmetic3A_458, %and3A_460 : vector<16xi32>
              %add3A_462 = arith.constant 32767 : i32
              %add3A_463 = vector.broadcast %add3A_462 : i32 to vector<16xi32>
              %add3A_464 = arith.addi %bitcast_convert_type3A_455, %add3A_463 : vector<16xi32>
              %add3A_465 = arith.addi %add3A_464, %and3A_461 : vector<16xi32>
              %and3A_466 = arith.constant -65536 : i32
              %and3A_467 = vector.broadcast %and3A_466 : i32 to vector<16xi32>
              %and3A_468 = arith.andi %add3A_465, %and3A_467 : vector<16xi32>
              %bitcast_convert_type3A_469 = tpu.bitcast %and3A_468 : vector<16xi32> -> vector<16xf32>
              %get3A_470 = arith.constant 16 : index
              %get3A_471 = tpu.vector_load %arg11[%get3A_470] {strides = array<i32>} : memref<80xf32, #tpu.memory_space<vmem>>, vector<16xf32>,
              %get3A_472 = vector.shape_cast %get3A_471 : vector<16xf32> to vector<16xf32>
              %add3A_473 = arith.addf %get3A_472, %bitcast_convert_type3A_469 : vector<16xf32>
              %swap3A_474 = arith.constant 16 : index
              %swap3A_475 = tpu.vector_load %arg11[%swap3A_474] {strides = array<i32>} : memref<80xf32, #tpu.memory_space<vmem>>, vector<16xf32>,
              %swap3A_476 = vector.shape_cast %swap3A_475 : vector<16xf32> to vector<16xf32>
              %swap3A_477 = vector.shape_cast %add3A_473 : vector<16xf32> to vector<16xf32>
              tpu.vector_store %arg11[%swap3A_474], %swap3A_477 {strides = array<i32>} : memref<80xf32, #tpu.memory_space<vmem>>, vector<16xf32>,
              %get3A_478 = arith.constant 32 : index
              %get3A_479 = tpu.vector_load %arg10[%get3A_478] {strides = array<i32>} : memref<64xf32, #tpu.memory_space<vmem>>, vector<16xf32>,
              %get3A_480 = vector.shape_cast %get3A_479 : vector<16xf32> to vector<16xf32>
              %get3A_481 = arith.constant 32 : index
              %get3A_482 = tpu.vector_load %arg9[%get3A_481] {strides = array<i32>} : memref<256xf32, #tpu.memory_space<vmem>>, vector<16xf32>,
              %get3A_483 = vector.shape_cast %get3A_482 : vector<16xf32> to vector<16xf32>
              %mul3A_484 = arith.mulf %bitcast_convert_type3A_331, %get3A_483 : vector<16xf32>
              %add3A_485 = arith.addf %get3A_480, %mul3A_484 : vector<16xf32>
              %get3A_486 = arith.constant 96 : index
              %get3A_487 = tpu.vector_load %arg9[%get3A_486] {strides = array<i32>} : memref<256xf32, #tpu.memory_space<vmem>>, vector<16xf32>,
              %get3A_488 = vector.shape_cast %get3A_487 : vector<16xf32> to vector<16xf32>
              %mul3A_489 = arith.mulf %bitcast_convert_type3A_349, %get3A_488 : vector<16xf32>
              %add3A_490 = arith.addf %add3A_485, %mul3A_489 : vector<16xf32>
              %get3A_491 = arith.constant 160 : index
              %get3A_492 = tpu.vector_load %arg9[%get3A_491] {strides = array<i32>} : memref<256xf32, #tpu.memory_space<vmem>>, vector<16xf32>,
              %get3A_493 = vector.shape_cast %get3A_492 : vector<16xf32> to vector<16xf32>
              %mul3A_494 = arith.mulf %bitcast_convert_type3A_367, %get3A_493 : vector<16xf32>
              %add3A_495 = arith.addf %add3A_490, %mul3A_494 : vector<16xf32>
              %get3A_496 = arith.constant 224 : index
              %get3A_497 = tpu.vector_load %arg9[%get3A_496] {strides = array<i32>} : memref<256xf32, #tpu.memory_space<vmem>>, vector<16xf32>,
              %get3A_498 = vector.shape_cast %get3A_497 : vector<16xf32> to vector<16xf32>
              %mul3A_499 = arith.mulf %bitcast_convert_type3A_385, %get3A_498 : vector<16xf32>
              %add3A_500 = arith.addf %add3A_495, %mul3A_499 : vector<16xf32>
              %bitcast_convert_type3A_501 = tpu.bitcast %add3A_500 : vector<16xf32> -> vector<16xi32>
              %shift_right_arithmetic3A_502 = arith.constant 16 : i32
              %shift_right_arithmetic3A_503 = vector.broadcast %shift_right_arithmetic3A_502 : i32 to vector<16xi32>
              %shift_right_arithmetic3A_504 = arith.shrsi %bitcast_convert_type3A_501, %shift_right_arithmetic3A_503 : vector<16xi32>
              %and3A_505 = arith.constant 1 : i32
              %and3A_506 = vector.broadcast %and3A_505 : i32 to vector<16xi32>
              %and3A_507 = arith.andi %shift_right_arithmetic3A_504, %and3A_506 : vector<16xi32>
              %add3A_508 = arith.constant 32767 : i32
              %add3A_509 = vector.broadcast %add3A_508 : i32 to vector<16xi32>
              %add3A_510 = arith.addi %bitcast_convert_type3A_501, %add3A_509 : vector<16xi32>
              %add3A_511 = arith.addi %add3A_510, %and3A_507 : vector<16xi32>
              %and3A_512 = arith.constant -65536 : i32
              %and3A_513 = vector.broadcast %and3A_512 : i32 to vector<16xi32>
              %and3A_514 = arith.andi %add3A_511, %and3A_513 : vector<16xi32>
              %bitcast_convert_type3A_515 = tpu.bitcast %and3A_514 : vector<16xi32> -> vector<16xf32>
              %get3A_516 = arith.constant 32 : index
              %get3A_517 = tpu.vector_load %arg11[%get3A_516] {strides = array<i32>} : memref<80xf32, #tpu.memory_space<vmem>>, vector<16xf32>,
              %get3A_518 = vector.shape_cast %get3A_517 : vector<16xf32> to vector<16xf32>
              %add3A_519 = arith.addf %get3A_518, %bitcast_convert_type3A_515 : vector<16xf32>
              %swap3A_520 = arith.constant 32 : index
              %swap3A_521 = tpu.vector_load %arg11[%swap3A_520] {strides = array<i32>} : memref<80xf32, #tpu.memory_space<vmem>>, vector<16xf32>,
              %swap3A_522 = vector.shape_cast %swap3A_521 : vector<16xf32> to vector<16xf32>
              %swap3A_523 = vector.shape_cast %add3A_519 : vector<16xf32> to vector<16xf32>
              tpu.vector_store %arg11[%swap3A_520], %swap3A_523 {strides = array<i32>} : memref<80xf32, #tpu.memory_space<vmem>>, vector<16xf32>,
              %get3A_524 = arith.constant 48 : index
              %get3A_525 = tpu.vector_load %arg10[%get3A_524] {strides = array<i32>} : memref<64xf32, #tpu.memory_space<vmem>>, vector<16xf32>,
              %get3A_526 = vector.shape_cast %get3A_525 : vector<16xf32> to vector<16xf32>
              %get3A_527 = arith.constant 48 : index
              %get3A_528 = tpu.vector_load %arg9[%get3A_527] {strides = array<i32>} : memref<256xf32, #tpu.memory_space<vmem>>, vector<16xf32>,
              %get3A_529 = vector.shape_cast %get3A_528 : vector<16xf32> to vector<16xf32>
              %mul3A_530 = arith.mulf %bitcast_convert_type3A_331, %get3A_529 : vector<16xf32>
              %add3A_531 = arith.addf %get3A_526, %mul3A_530 : vector<16xf32>
              %get3A_532 = arith.constant 112 : index
              %get3A_533 = tpu.vector_load %arg9[%get3A_532] {strides = array<i32>} : memref<256xf32, #tpu.memory_space<vmem>>, vector<16xf32>,
              %get3A_534 = vector.shape_cast %get3A_533 : vector<16xf32> to vector<16xf32>
              %mul3A_535 = arith.mulf %bitcast_convert_type3A_349, %get3A_534 : vector<16xf32>
              %add3A_536 = arith.addf %add3A_531, %mul3A_535 : vector<16xf32>
              %get3A_537 = arith.constant 176 : index
              %get3A_538 = tpu.vector_load %arg9[%get3A_537] {strides = array<i32>} : memref<256xf32, #tpu.memory_space<vmem>>, vector<16xf32>,
              %get3A_539 = vector.shape_cast %get3A_538 : vector<16xf32> to vector<16xf32>
              %mul3A_540 = arith.mulf %bitcast_convert_type3A_367, %get3A_539 : vector<16xf32>
              %add3A_541 = arith.addf %add3A_536, %mul3A_540 : vector<16xf32>
              %get3A_542 = arith.constant 240 : index
              %get3A_543 = tpu.vector_load %arg9[%get3A_542] {strides = array<i32>} : memref<256xf32, #tpu.memory_space<vmem>>, vector<16xf32>,
              %get3A_544 = vector.shape_cast %get3A_543 : vector<16xf32> to vector<16xf32>
              %mul3A_545 = arith.mulf %bitcast_convert_type3A_385, %get3A_544 : vector<16xf32>
              %add3A_546 = arith.addf %add3A_541, %mul3A_545 : vector<16xf32>
              %bitcast_convert_type3A_547 = tpu.bitcast %add3A_546 : vector<16xf32> -> vector<16xi32>
              %shift_right_arithmetic3A_548 = arith.constant 16 : i32
              %shift_right_arithmetic3A_549 = vector.broadcast %shift_right_arithmetic3A_548 : i32 to vector<16xi32>
              %shift_right_arithmetic3A_550 = arith.shrsi %bitcast_convert_type3A_547, %shift_right_arithmetic3A_549 : vector<16xi32>
              %and3A_551 = arith.constant 1 : i32
              %and3A_552 = vector.broadcast %and3A_551 : i32 to vector<16xi32>
              %and3A_553 = arith.andi %shift_right_arithmetic3A_550, %and3A_552 : vector<16xi32>
              %add3A_554 = arith.constant 32767 : i32
              %add3A_555 = vector.broadcast %add3A_554 : i32 to vector<16xi32>
              %add3A_556 = arith.addi %bitcast_convert_type3A_547, %add3A_555 : vector<16xi32>
              %add3A_557 = arith.addi %add3A_556, %and3A_553 : vector<16xi32>
              %and3A_558 = arith.constant -65536 : i32
              %and3A_559 = vector.broadcast %and3A_558 : i32 to vector<16xi32>
              %and3A_560 = arith.andi %add3A_557, %and3A_559 : vector<16xi32>
              %bitcast_convert_type3A_561 = tpu.bitcast %and3A_560 : vector<16xi32> -> vector<16xf32>
              %get3A_562 = arith.constant 48 : index
              %get3A_563 = tpu.vector_load %arg11[%get3A_562] {strides = array<i32>} : memref<80xf32, #tpu.memory_space<vmem>>, vector<16xf32>,
              %get3A_564 = vector.shape_cast %get3A_563 : vector<16xf32> to vector<16xf32>
              %add3A_565 = arith.addf %get3A_564, %bitcast_convert_type3A_561 : vector<16xf32>
              %swap3A_566 = arith.constant 48 : index
              %swap3A_567 = tpu.vector_load %arg11[%swap3A_566] {strides = array<i32>} : memref<80xf32, #tpu.memory_space<vmem>>, vector<16xf32>,
              %swap3A_568 = vector.shape_cast %swap3A_567 : vector<16xf32> to vector<16xf32>
              %swap3A_569 = vector.shape_cast %add3A_565 : vector<16xf32> to vector<16xf32>
              tpu.vector_store %arg11[%swap3A_566], %swap3A_569 {strides = array<i32>} : memref<80xf32, #tpu.memory_space<vmem>>, vector<16xf32>,
            } else {
            }
            %slice3A_211 = vector.extract_strided_slice %get3A_140 {offsets = [2], sizes = [1], strides = [1]} : vector<16xi32> to vector<1xi32>
            %squeeze3A_212 = vector.extract %slice3A_211[0] : i32 from vector<1xi32>
            %eq3A_213 = arith.constant 0 : i32
            %eq3A_214 = arith.cmpi eq, %squeeze3A_212, %eq3A_213 : i32
            %convert_element_type3A_215 = arith.extui %eq3A_214 : i1 to i32
            %cond3A_216 = arith.constant 0 : i32
            %cond3A_217 = arith.cmpi ne, %convert_element_type3A_215, %cond3A_216 : i32
            scf.if %cond3A_217 {
              %add3A_309 = arith.constant 2 : i32
              %add3A_310 = arith.addi %add3A_138, %add3A_309 : i32
              %mul3A_311 = arith.constant 4 : i32
              %mul3A_312 = arith.muli %add3A_310, %mul3A_311 : i32
              %get3A_313 = arith.index_cast %mul3A_312 : i32 to index
              %get3A_314 = tpu.vector_load %arg7[%get3A_313] {strides = array<i32>} : memref<40016xf32, #tpu.memory_space<vmem>>, vector<16xf32>,
              %get3A_315 = vector.shape_cast %get3A_314 : vector<16xf32> to vector<16xf32>
              %slice3A_316 = vector.extract_strided_slice %get3A_315 {offsets = [0], sizes = [1], strides = [1]} : vector<16xf32> to vector<1xf32>
              %squeeze3A_317 = vector.extract %slice3A_316[0] : f32 from vector<1xf32>
              %broadcast_in_dim3A_318 = vector.broadcast %squeeze3A_317 : f32 to vector<16xf32>
              %bitcast_convert_type3A = tpu.bitcast %broadcast_in_dim3A_318 : vector<16xf32> -> vector<16xi32>
              %shift_right_arithmetic3A = arith.constant 16 : i32
              %shift_right_arithmetic3A_319 = vector.broadcast %shift_right_arithmetic3A : i32 to vector<16xi32>
              %shift_right_arithmetic3A_320 = arith.shrsi %bitcast_convert_type3A, %shift_right_arithmetic3A_319 : vector<16xi32>
              %and3A_321 = arith.constant 1 : i32
              %and3A_322 = vector.broadcast %and3A_321 : i32 to vector<16xi32>
              %and3A_323 = arith.andi %shift_right_arithmetic3A_320, %and3A_322 : vector<16xi32>
              %add3A_324 = arith.constant 32767 : i32
              %add3A_325 = vector.broadcast %add3A_324 : i32 to vector<16xi32>
              %add3A_326 = arith.addi %bitcast_convert_type3A, %add3A_325 : vector<16xi32>
              %add3A_327 = arith.addi %add3A_326, %and3A_323 : vector<16xi32>
              %and3A_328 = arith.constant -65536 : i32
              %and3A_329 = vector.broadcast %and3A_328 : i32 to vector<16xi32>
              %and3A_330 = arith.andi %add3A_327, %and3A_329 : vector<16xi32>
              %bitcast_convert_type3A_331 = tpu.bitcast %and3A_330 : vector<16xi32> -> vector<16xf32>
              %slice3A_332 = vector.extract_strided_slice %get3A_315 {offsets = [1], sizes = [1], strides = [1]} : vector<16xf32> to vector<1xf32>
              %squeeze3A_333 = vector.extract %slice3A_332[0] : f32 from vector<1xf32>
              %broadcast_in_dim3A_334 = vector.broadcast %squeeze3A_333 : f32 to vector<16xf32>
              %bitcast_convert_type3A_335 = tpu.bitcast %broadcast_in_dim3A_334 : vector<16xf32> -> vector<16xi32>
              %shift_right_arithmetic3A_336 = arith.constant 16 : i32
              %shift_right_arithmetic3A_337 = vector.broadcast %shift_right_arithmetic3A_336 : i32 to vector<16xi32>
              %shift_right_arithmetic3A_338 = arith.shrsi %bitcast_convert_type3A_335, %shift_right_arithmetic3A_337 : vector<16xi32>
              %and3A_339 = arith.constant 1 : i32
              %and3A_340 = vector.broadcast %and3A_339 : i32 to vector<16xi32>
              %and3A_341 = arith.andi %shift_right_arithmetic3A_338, %and3A_340 : vector<16xi32>
              %add3A_342 = arith.constant 32767 : i32
              %add3A_343 = vector.broadcast %add3A_342 : i32 to vector<16xi32>
              %add3A_344 = arith.addi %bitcast_convert_type3A_335, %add3A_343 : vector<16xi32>
              %add3A_345 = arith.addi %add3A_344, %and3A_341 : vector<16xi32>
              %and3A_346 = arith.constant -65536 : i32
              %and3A_347 = vector.broadcast %and3A_346 : i32 to vector<16xi32>
              %and3A_348 = arith.andi %add3A_345, %and3A_347 : vector<16xi32>
              %bitcast_convert_type3A_349 = tpu.bitcast %and3A_348 : vector<16xi32> -> vector<16xf32>
              %slice3A_350 = vector.extract_strided_slice %get3A_315 {offsets = [2], sizes = [1], strides = [1]} : vector<16xf32> to vector<1xf32>
              %squeeze3A_351 = vector.extract %slice3A_350[0] : f32 from vector<1xf32>
              %broadcast_in_dim3A_352 = vector.broadcast %squeeze3A_351 : f32 to vector<16xf32>
              %bitcast_convert_type3A_353 = tpu.bitcast %broadcast_in_dim3A_352 : vector<16xf32> -> vector<16xi32>
              %shift_right_arithmetic3A_354 = arith.constant 16 : i32
              %shift_right_arithmetic3A_355 = vector.broadcast %shift_right_arithmetic3A_354 : i32 to vector<16xi32>
              %shift_right_arithmetic3A_356 = arith.shrsi %bitcast_convert_type3A_353, %shift_right_arithmetic3A_355 : vector<16xi32>
              %and3A_357 = arith.constant 1 : i32
              %and3A_358 = vector.broadcast %and3A_357 : i32 to vector<16xi32>
              %and3A_359 = arith.andi %shift_right_arithmetic3A_356, %and3A_358 : vector<16xi32>
              %add3A_360 = arith.constant 32767 : i32
              %add3A_361 = vector.broadcast %add3A_360 : i32 to vector<16xi32>
              %add3A_362 = arith.addi %bitcast_convert_type3A_353, %add3A_361 : vector<16xi32>
              %add3A_363 = arith.addi %add3A_362, %and3A_359 : vector<16xi32>
              %and3A_364 = arith.constant -65536 : i32
              %and3A_365 = vector.broadcast %and3A_364 : i32 to vector<16xi32>
              %and3A_366 = arith.andi %add3A_363, %and3A_365 : vector<16xi32>
              %bitcast_convert_type3A_367 = tpu.bitcast %and3A_366 : vector<16xi32> -> vector<16xf32>
              %slice3A_368 = vector.extract_strided_slice %get3A_315 {offsets = [3], sizes = [1], strides = [1]} : vector<16xf32> to vector<1xf32>
              %squeeze3A_369 = vector.extract %slice3A_368[0] : f32 from vector<1xf32>
              %broadcast_in_dim3A_370 = vector.broadcast %squeeze3A_369 : f32 to vector<16xf32>
              %bitcast_convert_type3A_371 = tpu.bitcast %broadcast_in_dim3A_370 : vector<16xf32> -> vector<16xi32>
              %shift_right_arithmetic3A_372 = arith.constant 16 : i32
              %shift_right_arithmetic3A_373 = vector.broadcast %shift_right_arithmetic3A_372 : i32 to vector<16xi32>
              %shift_right_arithmetic3A_374 = arith.shrsi %bitcast_convert_type3A_371, %shift_right_arithmetic3A_373 : vector<16xi32>
              %and3A_375 = arith.constant 1 : i32
              %and3A_376 = vector.broadcast %and3A_375 : i32 to vector<16xi32>
              %and3A_377 = arith.andi %shift_right_arithmetic3A_374, %and3A_376 : vector<16xi32>
              %add3A_378 = arith.constant 32767 : i32
              %add3A_379 = vector.broadcast %add3A_378 : i32 to vector<16xi32>
              %add3A_380 = arith.addi %bitcast_convert_type3A_371, %add3A_379 : vector<16xi32>
              %add3A_381 = arith.addi %add3A_380, %and3A_377 : vector<16xi32>
              %and3A_382 = arith.constant -65536 : i32
              %and3A_383 = vector.broadcast %and3A_382 : i32 to vector<16xi32>
              %and3A_384 = arith.andi %add3A_381, %and3A_383 : vector<16xi32>
              %bitcast_convert_type3A_385 = tpu.bitcast %and3A_384 : vector<16xi32> -> vector<16xf32>
              %get3A_386 = arith.constant 0 : index
              %get3A_387 = tpu.vector_load %arg10[%get3A_386] {strides = array<i32>} : memref<64xf32, #tpu.memory_space<vmem>>, vector<16xf32>,
              %get3A_388 = vector.shape_cast %get3A_387 : vector<16xf32> to vector<16xf32>
              %get3A_389 = arith.constant 0 : index
              %get3A_390 = tpu.vector_load %arg9[%get3A_389] {strides = array<i32>} : memref<256xf32, #tpu.memory_space<vmem>>, vector<16xf32>,
              %get3A_391 = vector.shape_cast %get3A_390 : vector<16xf32> to vector<16xf32>
              %mul3A_392 = arith.mulf %bitcast_convert_type3A_331, %get3A_391 : vector<16xf32>
              %add3A_393 = arith.addf %get3A_388, %mul3A_392 : vector<16xf32>
              %get3A_394 = arith.constant 64 : index
              %get3A_395 = tpu.vector_load %arg9[%get3A_394] {strides = array<i32>} : memref<256xf32, #tpu.memory_space<vmem>>, vector<16xf32>,
              %get3A_396 = vector.shape_cast %get3A_395 : vector<16xf32> to vector<16xf32>
              %mul3A_397 = arith.mulf %bitcast_convert_type3A_349, %get3A_396 : vector<16xf32>
              %add3A_398 = arith.addf %add3A_393, %mul3A_397 : vector<16xf32>
              %get3A_399 = arith.constant 128 : index
              %get3A_400 = tpu.vector_load %arg9[%get3A_399] {strides = array<i32>} : memref<256xf32, #tpu.memory_space<vmem>>, vector<16xf32>,
              %get3A_401 = vector.shape_cast %get3A_400 : vector<16xf32> to vector<16xf32>
              %mul3A_402 = arith.mulf %bitcast_convert_type3A_367, %get3A_401 : vector<16xf32>
              %add3A_403 = arith.addf %add3A_398, %mul3A_402 : vector<16xf32>
              %get3A_404 = arith.constant 192 : index
              %get3A_405 = tpu.vector_load %arg9[%get3A_404] {strides = array<i32>} : memref<256xf32, #tpu.memory_space<vmem>>, vector<16xf32>,
              %get3A_406 = vector.shape_cast %get3A_405 : vector<16xf32> to vector<16xf32>
              %mul3A_407 = arith.mulf %bitcast_convert_type3A_385, %get3A_406 : vector<16xf32>
              %add3A_408 = arith.addf %add3A_403, %mul3A_407 : vector<16xf32>
              %bitcast_convert_type3A_409 = tpu.bitcast %add3A_408 : vector<16xf32> -> vector<16xi32>
              %shift_right_arithmetic3A_410 = arith.constant 16 : i32
              %shift_right_arithmetic3A_411 = vector.broadcast %shift_right_arithmetic3A_410 : i32 to vector<16xi32>
              %shift_right_arithmetic3A_412 = arith.shrsi %bitcast_convert_type3A_409, %shift_right_arithmetic3A_411 : vector<16xi32>
              %and3A_413 = arith.constant 1 : i32
              %and3A_414 = vector.broadcast %and3A_413 : i32 to vector<16xi32>
              %and3A_415 = arith.andi %shift_right_arithmetic3A_412, %and3A_414 : vector<16xi32>
              %add3A_416 = arith.constant 32767 : i32
              %add3A_417 = vector.broadcast %add3A_416 : i32 to vector<16xi32>
              %add3A_418 = arith.addi %bitcast_convert_type3A_409, %add3A_417 : vector<16xi32>
              %add3A_419 = arith.addi %add3A_418, %and3A_415 : vector<16xi32>
              %and3A_420 = arith.constant -65536 : i32
              %and3A_421 = vector.broadcast %and3A_420 : i32 to vector<16xi32>
              %and3A_422 = arith.andi %add3A_419, %and3A_421 : vector<16xi32>
              %bitcast_convert_type3A_423 = tpu.bitcast %and3A_422 : vector<16xi32> -> vector<16xf32>
              %get3A_424 = arith.constant 0 : index
              %get3A_425 = tpu.vector_load %arg11[%get3A_424] {strides = array<i32>} : memref<80xf32, #tpu.memory_space<vmem>>, vector<16xf32>,
              %get3A_426 = vector.shape_cast %get3A_425 : vector<16xf32> to vector<16xf32>
              %add3A_427 = arith.addf %get3A_426, %bitcast_convert_type3A_423 : vector<16xf32>
              %swap3A_428 = arith.constant 0 : index
              %swap3A_429 = tpu.vector_load %arg11[%swap3A_428] {strides = array<i32>} : memref<80xf32, #tpu.memory_space<vmem>>, vector<16xf32>,
              %swap3A_430 = vector.shape_cast %swap3A_429 : vector<16xf32> to vector<16xf32>
              %swap3A_431 = vector.shape_cast %add3A_427 : vector<16xf32> to vector<16xf32>
              tpu.vector_store %arg11[%swap3A_428], %swap3A_431 {strides = array<i32>} : memref<80xf32, #tpu.memory_space<vmem>>, vector<16xf32>,
              %get3A_432 = arith.constant 16 : index
              %get3A_433 = tpu.vector_load %arg10[%get3A_432] {strides = array<i32>} : memref<64xf32, #tpu.memory_space<vmem>>, vector<16xf32>,
              %get3A_434 = vector.shape_cast %get3A_433 : vector<16xf32> to vector<16xf32>
              %get3A_435 = arith.constant 16 : index
              %get3A_436 = tpu.vector_load %arg9[%get3A_435] {strides = array<i32>} : memref<256xf32, #tpu.memory_space<vmem>>, vector<16xf32>,
              %get3A_437 = vector.shape_cast %get3A_436 : vector<16xf32> to vector<16xf32>
              %mul3A_438 = arith.mulf %bitcast_convert_type3A_331, %get3A_437 : vector<16xf32>
              %add3A_439 = arith.addf %get3A_434, %mul3A_438 : vector<16xf32>
              %get3A_440 = arith.constant 80 : index
              %get3A_441 = tpu.vector_load %arg9[%get3A_440] {strides = array<i32>} : memref<256xf32, #tpu.memory_space<vmem>>, vector<16xf32>,
              %get3A_442 = vector.shape_cast %get3A_441 : vector<16xf32> to vector<16xf32>
              %mul3A_443 = arith.mulf %bitcast_convert_type3A_349, %get3A_442 : vector<16xf32>
              %add3A_444 = arith.addf %add3A_439, %mul3A_443 : vector<16xf32>
              %get3A_445 = arith.constant 144 : index
              %get3A_446 = tpu.vector_load %arg9[%get3A_445] {strides = array<i32>} : memref<256xf32, #tpu.memory_space<vmem>>, vector<16xf32>,
              %get3A_447 = vector.shape_cast %get3A_446 : vector<16xf32> to vector<16xf32>
              %mul3A_448 = arith.mulf %bitcast_convert_type3A_367, %get3A_447 : vector<16xf32>
              %add3A_449 = arith.addf %add3A_444, %mul3A_448 : vector<16xf32>
              %get3A_450 = arith.constant 208 : index
              %get3A_451 = tpu.vector_load %arg9[%get3A_450] {strides = array<i32>} : memref<256xf32, #tpu.memory_space<vmem>>, vector<16xf32>,
              %get3A_452 = vector.shape_cast %get3A_451 : vector<16xf32> to vector<16xf32>
              %mul3A_453 = arith.mulf %bitcast_convert_type3A_385, %get3A_452 : vector<16xf32>
              %add3A_454 = arith.addf %add3A_449, %mul3A_453 : vector<16xf32>
              %bitcast_convert_type3A_455 = tpu.bitcast %add3A_454 : vector<16xf32> -> vector<16xi32>
              %shift_right_arithmetic3A_456 = arith.constant 16 : i32
              %shift_right_arithmetic3A_457 = vector.broadcast %shift_right_arithmetic3A_456 : i32 to vector<16xi32>
              %shift_right_arithmetic3A_458 = arith.shrsi %bitcast_convert_type3A_455, %shift_right_arithmetic3A_457 : vector<16xi32>
              %and3A_459 = arith.constant 1 : i32
              %and3A_460 = vector.broadcast %and3A_459 : i32 to vector<16xi32>
              %and3A_461 = arith.andi %shift_right_arithmetic3A_458, %and3A_460 : vector<16xi32>
              %add3A_462 = arith.constant 32767 : i32
              %add3A_463 = vector.broadcast %add3A_462 : i32 to vector<16xi32>
              %add3A_464 = arith.addi %bitcast_convert_type3A_455, %add3A_463 : vector<16xi32>
              %add3A_465 = arith.addi %add3A_464, %and3A_461 : vector<16xi32>
              %and3A_466 = arith.constant -65536 : i32
              %and3A_467 = vector.broadcast %and3A_466 : i32 to vector<16xi32>
              %and3A_468 = arith.andi %add3A_465, %and3A_467 : vector<16xi32>
              %bitcast_convert_type3A_469 = tpu.bitcast %and3A_468 : vector<16xi32> -> vector<16xf32>
              %get3A_470 = arith.constant 16 : index
              %get3A_471 = tpu.vector_load %arg11[%get3A_470] {strides = array<i32>} : memref<80xf32, #tpu.memory_space<vmem>>, vector<16xf32>,
              %get3A_472 = vector.shape_cast %get3A_471 : vector<16xf32> to vector<16xf32>
              %add3A_473 = arith.addf %get3A_472, %bitcast_convert_type3A_469 : vector<16xf32>
              %swap3A_474 = arith.constant 16 : index
              %swap3A_475 = tpu.vector_load %arg11[%swap3A_474] {strides = array<i32>} : memref<80xf32, #tpu.memory_space<vmem>>, vector<16xf32>,
              %swap3A_476 = vector.shape_cast %swap3A_475 : vector<16xf32> to vector<16xf32>
              %swap3A_477 = vector.shape_cast %add3A_473 : vector<16xf32> to vector<16xf32>
              tpu.vector_store %arg11[%swap3A_474], %swap3A_477 {strides = array<i32>} : memref<80xf32, #tpu.memory_space<vmem>>, vector<16xf32>,
              %get3A_478 = arith.constant 32 : index
              %get3A_479 = tpu.vector_load %arg10[%get3A_478] {strides = array<i32>} : memref<64xf32, #tpu.memory_space<vmem>>, vector<16xf32>,
              %get3A_480 = vector.shape_cast %get3A_479 : vector<16xf32> to vector<16xf32>
              %get3A_481 = arith.constant 32 : index
              %get3A_482 = tpu.vector_load %arg9[%get3A_481] {strides = array<i32>} : memref<256xf32, #tpu.memory_space<vmem>>, vector<16xf32>,
              %get3A_483 = vector.shape_cast %get3A_482 : vector<16xf32> to vector<16xf32>
              %mul3A_484 = arith.mulf %bitcast_convert_type3A_331, %get3A_483 : vector<16xf32>
              %add3A_485 = arith.addf %get3A_480, %mul3A_484 : vector<16xf32>
              %get3A_486 = arith.constant 96 : index
              %get3A_487 = tpu.vector_load %arg9[%get3A_486] {strides = array<i32>} : memref<256xf32, #tpu.memory_space<vmem>>, vector<16xf32>,
              %get3A_488 = vector.shape_cast %get3A_487 : vector<16xf32> to vector<16xf32>
              %mul3A_489 = arith.mulf %bitcast_convert_type3A_349, %get3A_488 : vector<16xf32>
              %add3A_490 = arith.addf %add3A_485, %mul3A_489 : vector<16xf32>
              %get3A_491 = arith.constant 160 : index
              %get3A_492 = tpu.vector_load %arg9[%get3A_491] {strides = array<i32>} : memref<256xf32, #tpu.memory_space<vmem>>, vector<16xf32>,
              %get3A_493 = vector.shape_cast %get3A_492 : vector<16xf32> to vector<16xf32>
              %mul3A_494 = arith.mulf %bitcast_convert_type3A_367, %get3A_493 : vector<16xf32>
              %add3A_495 = arith.addf %add3A_490, %mul3A_494 : vector<16xf32>
              %get3A_496 = arith.constant 224 : index
              %get3A_497 = tpu.vector_load %arg9[%get3A_496] {strides = array<i32>} : memref<256xf32, #tpu.memory_space<vmem>>, vector<16xf32>,
              %get3A_498 = vector.shape_cast %get3A_497 : vector<16xf32> to vector<16xf32>
              %mul3A_499 = arith.mulf %bitcast_convert_type3A_385, %get3A_498 : vector<16xf32>
              %add3A_500 = arith.addf %add3A_495, %mul3A_499 : vector<16xf32>
              %bitcast_convert_type3A_501 = tpu.bitcast %add3A_500 : vector<16xf32> -> vector<16xi32>
              %shift_right_arithmetic3A_502 = arith.constant 16 : i32
              %shift_right_arithmetic3A_503 = vector.broadcast %shift_right_arithmetic3A_502 : i32 to vector<16xi32>
              %shift_right_arithmetic3A_504 = arith.shrsi %bitcast_convert_type3A_501, %shift_right_arithmetic3A_503 : vector<16xi32>
              %and3A_505 = arith.constant 1 : i32
              %and3A_506 = vector.broadcast %and3A_505 : i32 to vector<16xi32>
              %and3A_507 = arith.andi %shift_right_arithmetic3A_504, %and3A_506 : vector<16xi32>
              %add3A_508 = arith.constant 32767 : i32
              %add3A_509 = vector.broadcast %add3A_508 : i32 to vector<16xi32>
              %add3A_510 = arith.addi %bitcast_convert_type3A_501, %add3A_509 : vector<16xi32>
              %add3A_511 = arith.addi %add3A_510, %and3A_507 : vector<16xi32>
              %and3A_512 = arith.constant -65536 : i32
              %and3A_513 = vector.broadcast %and3A_512 : i32 to vector<16xi32>
              %and3A_514 = arith.andi %add3A_511, %and3A_513 : vector<16xi32>
              %bitcast_convert_type3A_515 = tpu.bitcast %and3A_514 : vector<16xi32> -> vector<16xf32>
              %get3A_516 = arith.constant 32 : index
              %get3A_517 = tpu.vector_load %arg11[%get3A_516] {strides = array<i32>} : memref<80xf32, #tpu.memory_space<vmem>>, vector<16xf32>,
              %get3A_518 = vector.shape_cast %get3A_517 : vector<16xf32> to vector<16xf32>
              %add3A_519 = arith.addf %get3A_518, %bitcast_convert_type3A_515 : vector<16xf32>
              %swap3A_520 = arith.constant 32 : index
              %swap3A_521 = tpu.vector_load %arg11[%swap3A_520] {strides = array<i32>} : memref<80xf32, #tpu.memory_space<vmem>>, vector<16xf32>,
              %swap3A_522 = vector.shape_cast %swap3A_521 : vector<16xf32> to vector<16xf32>
              %swap3A_523 = vector.shape_cast %add3A_519 : vector<16xf32> to vector<16xf32>
              tpu.vector_store %arg11[%swap3A_520], %swap3A_523 {strides = array<i32>} : memref<80xf32, #tpu.memory_space<vmem>>, vector<16xf32>,
              %get3A_524 = arith.constant 48 : index
              %get3A_525 = tpu.vector_load %arg10[%get3A_524] {strides = array<i32>} : memref<64xf32, #tpu.memory_space<vmem>>, vector<16xf32>,
              %get3A_526 = vector.shape_cast %get3A_525 : vector<16xf32> to vector<16xf32>
              %get3A_527 = arith.constant 48 : index
              %get3A_528 = tpu.vector_load %arg9[%get3A_527] {strides = array<i32>} : memref<256xf32, #tpu.memory_space<vmem>>, vector<16xf32>,
              %get3A_529 = vector.shape_cast %get3A_528 : vector<16xf32> to vector<16xf32>
              %mul3A_530 = arith.mulf %bitcast_convert_type3A_331, %get3A_529 : vector<16xf32>
              %add3A_531 = arith.addf %get3A_526, %mul3A_530 : vector<16xf32>
              %get3A_532 = arith.constant 112 : index
              %get3A_533 = tpu.vector_load %arg9[%get3A_532] {strides = array<i32>} : memref<256xf32, #tpu.memory_space<vmem>>, vector<16xf32>,
              %get3A_534 = vector.shape_cast %get3A_533 : vector<16xf32> to vector<16xf32>
              %mul3A_535 = arith.mulf %bitcast_convert_type3A_349, %get3A_534 : vector<16xf32>
              %add3A_536 = arith.addf %add3A_531, %mul3A_535 : vector<16xf32>
              %get3A_537 = arith.constant 176 : index
              %get3A_538 = tpu.vector_load %arg9[%get3A_537] {strides = array<i32>} : memref<256xf32, #tpu.memory_space<vmem>>, vector<16xf32>,
              %get3A_539 = vector.shape_cast %get3A_538 : vector<16xf32> to vector<16xf32>
              %mul3A_540 = arith.mulf %bitcast_convert_type3A_367, %get3A_539 : vector<16xf32>
              %add3A_541 = arith.addf %add3A_536, %mul3A_540 : vector<16xf32>
              %get3A_542 = arith.constant 240 : index
              %get3A_543 = tpu.vector_load %arg9[%get3A_542] {strides = array<i32>} : memref<256xf32, #tpu.memory_space<vmem>>, vector<16xf32>,
              %get3A_544 = vector.shape_cast %get3A_543 : vector<16xf32> to vector<16xf32>
              %mul3A_545 = arith.mulf %bitcast_convert_type3A_385, %get3A_544 : vector<16xf32>
              %add3A_546 = arith.addf %add3A_541, %mul3A_545 : vector<16xf32>
              %bitcast_convert_type3A_547 = tpu.bitcast %add3A_546 : vector<16xf32> -> vector<16xi32>
              %shift_right_arithmetic3A_548 = arith.constant 16 : i32
              %shift_right_arithmetic3A_549 = vector.broadcast %shift_right_arithmetic3A_548 : i32 to vector<16xi32>
              %shift_right_arithmetic3A_550 = arith.shrsi %bitcast_convert_type3A_547, %shift_right_arithmetic3A_549 : vector<16xi32>
              %and3A_551 = arith.constant 1 : i32
              %and3A_552 = vector.broadcast %and3A_551 : i32 to vector<16xi32>
              %and3A_553 = arith.andi %shift_right_arithmetic3A_550, %and3A_552 : vector<16xi32>
              %add3A_554 = arith.constant 32767 : i32
              %add3A_555 = vector.broadcast %add3A_554 : i32 to vector<16xi32>
              %add3A_556 = arith.addi %bitcast_convert_type3A_547, %add3A_555 : vector<16xi32>
              %add3A_557 = arith.addi %add3A_556, %and3A_553 : vector<16xi32>
              %and3A_558 = arith.constant -65536 : i32
              %and3A_559 = vector.broadcast %and3A_558 : i32 to vector<16xi32>
              %and3A_560 = arith.andi %add3A_557, %and3A_559 : vector<16xi32>
              %bitcast_convert_type3A_561 = tpu.bitcast %and3A_560 : vector<16xi32> -> vector<16xf32>
              %get3A_562 = arith.constant 48 : index
              %get3A_563 = tpu.vector_load %arg11[%get3A_562] {strides = array<i32>} : memref<80xf32, #tpu.memory_space<vmem>>, vector<16xf32>,
              %get3A_564 = vector.shape_cast %get3A_563 : vector<16xf32> to vector<16xf32>
              %add3A_565 = arith.addf %get3A_564, %bitcast_convert_type3A_561 : vector<16xf32>
              %swap3A_566 = arith.constant 48 : index
              %swap3A_567 = tpu.vector_load %arg11[%swap3A_566] {strides = array<i32>} : memref<80xf32, #tpu.memory_space<vmem>>, vector<16xf32>,
              %swap3A_568 = vector.shape_cast %swap3A_567 : vector<16xf32> to vector<16xf32>
              %swap3A_569 = vector.shape_cast %add3A_565 : vector<16xf32> to vector<16xf32>
              tpu.vector_store %arg11[%swap3A_566], %swap3A_569 {strides = array<i32>} : memref<80xf32, #tpu.memory_space<vmem>>, vector<16xf32>,
            } else {
            }
            %slice3A_218 = vector.extract_strided_slice %get3A_140 {offsets = [3], sizes = [1], strides = [1]} : vector<16xi32> to vector<1xi32>
            %squeeze3A_219 = vector.extract %slice3A_218[0] : i32 from vector<1xi32>
            %eq3A_220 = arith.constant 0 : i32
            %eq3A_221 = arith.cmpi eq, %squeeze3A_219, %eq3A_220 : i32
            %convert_element_type3A_222 = arith.extui %eq3A_221 : i1 to i32
            %cond3A_223 = arith.constant 0 : i32
            %cond3A_224 = arith.cmpi ne, %convert_element_type3A_222, %cond3A_223 : i32
            scf.if %cond3A_224 {
              %add3A_309 = arith.constant 3 : i32
              %add3A_310 = arith.addi %add3A_138, %add3A_309 : i32
              %mul3A_311 = arith.constant 4 : i32
              %mul3A_312 = arith.muli %add3A_310, %mul3A_311 : i32
              %get3A_313 = arith.index_cast %mul3A_312 : i32 to index
              %get3A_314 = tpu.vector_load %arg7[%get3A_313] {strides = array<i32>} : memref<40016xf32, #tpu.memory_space<vmem>>, vector<16xf32>,
              %get3A_315 = vector.shape_cast %get3A_314 : vector<16xf32> to vector<16xf32>
              %slice3A_316 = vector.extract_strided_slice %get3A_315 {offsets = [0], sizes = [1], strides = [1]} : vector<16xf32> to vector<1xf32>
              %squeeze3A_317 = vector.extract %slice3A_316[0] : f32 from vector<1xf32>
              %broadcast_in_dim3A_318 = vector.broadcast %squeeze3A_317 : f32 to vector<16xf32>
              %bitcast_convert_type3A = tpu.bitcast %broadcast_in_dim3A_318 : vector<16xf32> -> vector<16xi32>
              %shift_right_arithmetic3A = arith.constant 16 : i32
              %shift_right_arithmetic3A_319 = vector.broadcast %shift_right_arithmetic3A : i32 to vector<16xi32>
              %shift_right_arithmetic3A_320 = arith.shrsi %bitcast_convert_type3A, %shift_right_arithmetic3A_319 : vector<16xi32>
              %and3A_321 = arith.constant 1 : i32
              %and3A_322 = vector.broadcast %and3A_321 : i32 to vector<16xi32>
              %and3A_323 = arith.andi %shift_right_arithmetic3A_320, %and3A_322 : vector<16xi32>
              %add3A_324 = arith.constant 32767 : i32
              %add3A_325 = vector.broadcast %add3A_324 : i32 to vector<16xi32>
              %add3A_326 = arith.addi %bitcast_convert_type3A, %add3A_325 : vector<16xi32>
              %add3A_327 = arith.addi %add3A_326, %and3A_323 : vector<16xi32>
              %and3A_328 = arith.constant -65536 : i32
              %and3A_329 = vector.broadcast %and3A_328 : i32 to vector<16xi32>
              %and3A_330 = arith.andi %add3A_327, %and3A_329 : vector<16xi32>
              %bitcast_convert_type3A_331 = tpu.bitcast %and3A_330 : vector<16xi32> -> vector<16xf32>
              %slice3A_332 = vector.extract_strided_slice %get3A_315 {offsets = [1], sizes = [1], strides = [1]} : vector<16xf32> to vector<1xf32>
              %squeeze3A_333 = vector.extract %slice3A_332[0] : f32 from vector<1xf32>
              %broadcast_in_dim3A_334 = vector.broadcast %squeeze3A_333 : f32 to vector<16xf32>
              %bitcast_convert_type3A_335 = tpu.bitcast %broadcast_in_dim3A_334 : vector<16xf32> -> vector<16xi32>
              %shift_right_arithmetic3A_336 = arith.constant 16 : i32
              %shift_right_arithmetic3A_337 = vector.broadcast %shift_right_arithmetic3A_336 : i32 to vector<16xi32>
              %shift_right_arithmetic3A_338 = arith.shrsi %bitcast_convert_type3A_335, %shift_right_arithmetic3A_337 : vector<16xi32>
              %and3A_339 = arith.constant 1 : i32
              %and3A_340 = vector.broadcast %and3A_339 : i32 to vector<16xi32>
              %and3A_341 = arith.andi %shift_right_arithmetic3A_338, %and3A_340 : vector<16xi32>
              %add3A_342 = arith.constant 32767 : i32
              %add3A_343 = vector.broadcast %add3A_342 : i32 to vector<16xi32>
              %add3A_344 = arith.addi %bitcast_convert_type3A_335, %add3A_343 : vector<16xi32>
              %add3A_345 = arith.addi %add3A_344, %and3A_341 : vector<16xi32>
              %and3A_346 = arith.constant -65536 : i32
              %and3A_347 = vector.broadcast %and3A_346 : i32 to vector<16xi32>
              %and3A_348 = arith.andi %add3A_345, %and3A_347 : vector<16xi32>
              %bitcast_convert_type3A_349 = tpu.bitcast %and3A_348 : vector<16xi32> -> vector<16xf32>
              %slice3A_350 = vector.extract_strided_slice %get3A_315 {offsets = [2], sizes = [1], strides = [1]} : vector<16xf32> to vector<1xf32>
              %squeeze3A_351 = vector.extract %slice3A_350[0] : f32 from vector<1xf32>
              %broadcast_in_dim3A_352 = vector.broadcast %squeeze3A_351 : f32 to vector<16xf32>
              %bitcast_convert_type3A_353 = tpu.bitcast %broadcast_in_dim3A_352 : vector<16xf32> -> vector<16xi32>
              %shift_right_arithmetic3A_354 = arith.constant 16 : i32
              %shift_right_arithmetic3A_355 = vector.broadcast %shift_right_arithmetic3A_354 : i32 to vector<16xi32>
              %shift_right_arithmetic3A_356 = arith.shrsi %bitcast_convert_type3A_353, %shift_right_arithmetic3A_355 : vector<16xi32>
              %and3A_357 = arith.constant 1 : i32
              %and3A_358 = vector.broadcast %and3A_357 : i32 to vector<16xi32>
              %and3A_359 = arith.andi %shift_right_arithmetic3A_356, %and3A_358 : vector<16xi32>
              %add3A_360 = arith.constant 32767 : i32
              %add3A_361 = vector.broadcast %add3A_360 : i32 to vector<16xi32>
              %add3A_362 = arith.addi %bitcast_convert_type3A_353, %add3A_361 : vector<16xi32>
              %add3A_363 = arith.addi %add3A_362, %and3A_359 : vector<16xi32>
              %and3A_364 = arith.constant -65536 : i32
              %and3A_365 = vector.broadcast %and3A_364 : i32 to vector<16xi32>
              %and3A_366 = arith.andi %add3A_363, %and3A_365 : vector<16xi32>
              %bitcast_convert_type3A_367 = tpu.bitcast %and3A_366 : vector<16xi32> -> vector<16xf32>
              %slice3A_368 = vector.extract_strided_slice %get3A_315 {offsets = [3], sizes = [1], strides = [1]} : vector<16xf32> to vector<1xf32>
              %squeeze3A_369 = vector.extract %slice3A_368[0] : f32 from vector<1xf32>
              %broadcast_in_dim3A_370 = vector.broadcast %squeeze3A_369 : f32 to vector<16xf32>
              %bitcast_convert_type3A_371 = tpu.bitcast %broadcast_in_dim3A_370 : vector<16xf32> -> vector<16xi32>
              %shift_right_arithmetic3A_372 = arith.constant 16 : i32
              %shift_right_arithmetic3A_373 = vector.broadcast %shift_right_arithmetic3A_372 : i32 to vector<16xi32>
              %shift_right_arithmetic3A_374 = arith.shrsi %bitcast_convert_type3A_371, %shift_right_arithmetic3A_373 : vector<16xi32>
              %and3A_375 = arith.constant 1 : i32
              %and3A_376 = vector.broadcast %and3A_375 : i32 to vector<16xi32>
              %and3A_377 = arith.andi %shift_right_arithmetic3A_374, %and3A_376 : vector<16xi32>
              %add3A_378 = arith.constant 32767 : i32
              %add3A_379 = vector.broadcast %add3A_378 : i32 to vector<16xi32>
              %add3A_380 = arith.addi %bitcast_convert_type3A_371, %add3A_379 : vector<16xi32>
              %add3A_381 = arith.addi %add3A_380, %and3A_377 : vector<16xi32>
              %and3A_382 = arith.constant -65536 : i32
              %and3A_383 = vector.broadcast %and3A_382 : i32 to vector<16xi32>
              %and3A_384 = arith.andi %add3A_381, %and3A_383 : vector<16xi32>
              %bitcast_convert_type3A_385 = tpu.bitcast %and3A_384 : vector<16xi32> -> vector<16xf32>
              %get3A_386 = arith.constant 0 : index
              %get3A_387 = tpu.vector_load %arg10[%get3A_386] {strides = array<i32>} : memref<64xf32, #tpu.memory_space<vmem>>, vector<16xf32>,
              %get3A_388 = vector.shape_cast %get3A_387 : vector<16xf32> to vector<16xf32>
              %get3A_389 = arith.constant 0 : index
              %get3A_390 = tpu.vector_load %arg9[%get3A_389] {strides = array<i32>} : memref<256xf32, #tpu.memory_space<vmem>>, vector<16xf32>,
              %get3A_391 = vector.shape_cast %get3A_390 : vector<16xf32> to vector<16xf32>
              %mul3A_392 = arith.mulf %bitcast_convert_type3A_331, %get3A_391 : vector<16xf32>
              %add3A_393 = arith.addf %get3A_388, %mul3A_392 : vector<16xf32>
              %get3A_394 = arith.constant 64 : index
              %get3A_395 = tpu.vector_load %arg9[%get3A_394] {strides = array<i32>} : memref<256xf32, #tpu.memory_space<vmem>>, vector<16xf32>,
              %get3A_396 = vector.shape_cast %get3A_395 : vector<16xf32> to vector<16xf32>
              %mul3A_397 = arith.mulf %bitcast_convert_type3A_349, %get3A_396 : vector<16xf32>
              %add3A_398 = arith.addf %add3A_393, %mul3A_397 : vector<16xf32>
              %get3A_399 = arith.constant 128 : index
              %get3A_400 = tpu.vector_load %arg9[%get3A_399] {strides = array<i32>} : memref<256xf32, #tpu.memory_space<vmem>>, vector<16xf32>,
              %get3A_401 = vector.shape_cast %get3A_400 : vector<16xf32> to vector<16xf32>
              %mul3A_402 = arith.mulf %bitcast_convert_type3A_367, %get3A_401 : vector<16xf32>
              %add3A_403 = arith.addf %add3A_398, %mul3A_402 : vector<16xf32>
              %get3A_404 = arith.constant 192 : index
              %get3A_405 = tpu.vector_load %arg9[%get3A_404] {strides = array<i32>} : memref<256xf32, #tpu.memory_space<vmem>>, vector<16xf32>,
              %get3A_406 = vector.shape_cast %get3A_405 : vector<16xf32> to vector<16xf32>
              %mul3A_407 = arith.mulf %bitcast_convert_type3A_385, %get3A_406 : vector<16xf32>
              %add3A_408 = arith.addf %add3A_403, %mul3A_407 : vector<16xf32>
              %bitcast_convert_type3A_409 = tpu.bitcast %add3A_408 : vector<16xf32> -> vector<16xi32>
              %shift_right_arithmetic3A_410 = arith.constant 16 : i32
              %shift_right_arithmetic3A_411 = vector.broadcast %shift_right_arithmetic3A_410 : i32 to vector<16xi32>
              %shift_right_arithmetic3A_412 = arith.shrsi %bitcast_convert_type3A_409, %shift_right_arithmetic3A_411 : vector<16xi32>
              %and3A_413 = arith.constant 1 : i32
              %and3A_414 = vector.broadcast %and3A_413 : i32 to vector<16xi32>
              %and3A_415 = arith.andi %shift_right_arithmetic3A_412, %and3A_414 : vector<16xi32>
              %add3A_416 = arith.constant 32767 : i32
              %add3A_417 = vector.broadcast %add3A_416 : i32 to vector<16xi32>
              %add3A_418 = arith.addi %bitcast_convert_type3A_409, %add3A_417 : vector<16xi32>
              %add3A_419 = arith.addi %add3A_418, %and3A_415 : vector<16xi32>
              %and3A_420 = arith.constant -65536 : i32
              %and3A_421 = vector.broadcast %and3A_420 : i32 to vector<16xi32>
              %and3A_422 = arith.andi %add3A_419, %and3A_421 : vector<16xi32>
              %bitcast_convert_type3A_423 = tpu.bitcast %and3A_422 : vector<16xi32> -> vector<16xf32>
              %get3A_424 = arith.constant 0 : index
              %get3A_425 = tpu.vector_load %arg11[%get3A_424] {strides = array<i32>} : memref<80xf32, #tpu.memory_space<vmem>>, vector<16xf32>,
              %get3A_426 = vector.shape_cast %get3A_425 : vector<16xf32> to vector<16xf32>
              %add3A_427 = arith.addf %get3A_426, %bitcast_convert_type3A_423 : vector<16xf32>
              %swap3A_428 = arith.constant 0 : index
              %swap3A_429 = tpu.vector_load %arg11[%swap3A_428] {strides = array<i32>} : memref<80xf32, #tpu.memory_space<vmem>>, vector<16xf32>,
              %swap3A_430 = vector.shape_cast %swap3A_429 : vector<16xf32> to vector<16xf32>
              %swap3A_431 = vector.shape_cast %add3A_427 : vector<16xf32> to vector<16xf32>
              tpu.vector_store %arg11[%swap3A_428], %swap3A_431 {strides = array<i32>} : memref<80xf32, #tpu.memory_space<vmem>>, vector<16xf32>,
              %get3A_432 = arith.constant 16 : index
              %get3A_433 = tpu.vector_load %arg10[%get3A_432] {strides = array<i32>} : memref<64xf32, #tpu.memory_space<vmem>>, vector<16xf32>,
              %get3A_434 = vector.shape_cast %get3A_433 : vector<16xf32> to vector<16xf32>
              %get3A_435 = arith.constant 16 : index
              %get3A_436 = tpu.vector_load %arg9[%get3A_435] {strides = array<i32>} : memref<256xf32, #tpu.memory_space<vmem>>, vector<16xf32>,
              %get3A_437 = vector.shape_cast %get3A_436 : vector<16xf32> to vector<16xf32>
              %mul3A_438 = arith.mulf %bitcast_convert_type3A_331, %get3A_437 : vector<16xf32>
              %add3A_439 = arith.addf %get3A_434, %mul3A_438 : vector<16xf32>
              %get3A_440 = arith.constant 80 : index
              %get3A_441 = tpu.vector_load %arg9[%get3A_440] {strides = array<i32>} : memref<256xf32, #tpu.memory_space<vmem>>, vector<16xf32>,
              %get3A_442 = vector.shape_cast %get3A_441 : vector<16xf32> to vector<16xf32>
              %mul3A_443 = arith.mulf %bitcast_convert_type3A_349, %get3A_442 : vector<16xf32>
              %add3A_444 = arith.addf %add3A_439, %mul3A_443 : vector<16xf32>
              %get3A_445 = arith.constant 144 : index
              %get3A_446 = tpu.vector_load %arg9[%get3A_445] {strides = array<i32>} : memref<256xf32, #tpu.memory_space<vmem>>, vector<16xf32>,
              %get3A_447 = vector.shape_cast %get3A_446 : vector<16xf32> to vector<16xf32>
              %mul3A_448 = arith.mulf %bitcast_convert_type3A_367, %get3A_447 : vector<16xf32>
              %add3A_449 = arith.addf %add3A_444, %mul3A_448 : vector<16xf32>
              %get3A_450 = arith.constant 208 : index
              %get3A_451 = tpu.vector_load %arg9[%get3A_450] {strides = array<i32>} : memref<256xf32, #tpu.memory_space<vmem>>, vector<16xf32>,
              %get3A_452 = vector.shape_cast %get3A_451 : vector<16xf32> to vector<16xf32>
              %mul3A_453 = arith.mulf %bitcast_convert_type3A_385, %get3A_452 : vector<16xf32>
              %add3A_454 = arith.addf %add3A_449, %mul3A_453 : vector<16xf32>
              %bitcast_convert_type3A_455 = tpu.bitcast %add3A_454 : vector<16xf32> -> vector<16xi32>
              %shift_right_arithmetic3A_456 = arith.constant 16 : i32
              %shift_right_arithmetic3A_457 = vector.broadcast %shift_right_arithmetic3A_456 : i32 to vector<16xi32>
              %shift_right_arithmetic3A_458 = arith.shrsi %bitcast_convert_type3A_455, %shift_right_arithmetic3A_457 : vector<16xi32>
              %and3A_459 = arith.constant 1 : i32
              %and3A_460 = vector.broadcast %and3A_459 : i32 to vector<16xi32>
              %and3A_461 = arith.andi %shift_right_arithmetic3A_458, %and3A_460 : vector<16xi32>
              %add3A_462 = arith.constant 32767 : i32
              %add3A_463 = vector.broadcast %add3A_462 : i32 to vector<16xi32>
              %add3A_464 = arith.addi %bitcast_convert_type3A_455, %add3A_463 : vector<16xi32>
              %add3A_465 = arith.addi %add3A_464, %and3A_461 : vector<16xi32>
              %and3A_466 = arith.constant -65536 : i32
              %and3A_467 = vector.broadcast %and3A_466 : i32 to vector<16xi32>
              %and3A_468 = arith.andi %add3A_465, %and3A_467 : vector<16xi32>
              %bitcast_convert_type3A_469 = tpu.bitcast %and3A_468 : vector<16xi32> -> vector<16xf32>
              %get3A_470 = arith.constant 16 : index
              %get3A_471 = tpu.vector_load %arg11[%get3A_470] {strides = array<i32>} : memref<80xf32, #tpu.memory_space<vmem>>, vector<16xf32>,
              %get3A_472 = vector.shape_cast %get3A_471 : vector<16xf32> to vector<16xf32>
              %add3A_473 = arith.addf %get3A_472, %bitcast_convert_type3A_469 : vector<16xf32>
              %swap3A_474 = arith.constant 16 : index
              %swap3A_475 = tpu.vector_load %arg11[%swap3A_474] {strides = array<i32>} : memref<80xf32, #tpu.memory_space<vmem>>, vector<16xf32>,
              %swap3A_476 = vector.shape_cast %swap3A_475 : vector<16xf32> to vector<16xf32>
              %swap3A_477 = vector.shape_cast %add3A_473 : vector<16xf32> to vector<16xf32>
              tpu.vector_store %arg11[%swap3A_474], %swap3A_477 {strides = array<i32>} : memref<80xf32, #tpu.memory_space<vmem>>, vector<16xf32>,
              %get3A_478 = arith.constant 32 : index
              %get3A_479 = tpu.vector_load %arg10[%get3A_478] {strides = array<i32>} : memref<64xf32, #tpu.memory_space<vmem>>, vector<16xf32>,
              %get3A_480 = vector.shape_cast %get3A_479 : vector<16xf32> to vector<16xf32>
              %get3A_481 = arith.constant 32 : index
              %get3A_482 = tpu.vector_load %arg9[%get3A_481] {strides = array<i32>} : memref<256xf32, #tpu.memory_space<vmem>>, vector<16xf32>,
              %get3A_483 = vector.shape_cast %get3A_482 : vector<16xf32> to vector<16xf32>
              %mul3A_484 = arith.mulf %bitcast_convert_type3A_331, %get3A_483 : vector<16xf32>
              %add3A_485 = arith.addf %get3A_480, %mul3A_484 : vector<16xf32>
              %get3A_486 = arith.constant 96 : index
              %get3A_487 = tpu.vector_load %arg9[%get3A_486] {strides = array<i32>} : memref<256xf32, #tpu.memory_space<vmem>>, vector<16xf32>,
              %get3A_488 = vector.shape_cast %get3A_487 : vector<16xf32> to vector<16xf32>
              %mul3A_489 = arith.mulf %bitcast_convert_type3A_349, %get3A_488 : vector<16xf32>
              %add3A_490 = arith.addf %add3A_485, %mul3A_489 : vector<16xf32>
              %get3A_491 = arith.constant 160 : index
              %get3A_492 = tpu.vector_load %arg9[%get3A_491] {strides = array<i32>} : memref<256xf32, #tpu.memory_space<vmem>>, vector<16xf32>,
              %get3A_493 = vector.shape_cast %get3A_492 : vector<16xf32> to vector<16xf32>
              %mul3A_494 = arith.mulf %bitcast_convert_type3A_367, %get3A_493 : vector<16xf32>
              %add3A_495 = arith.addf %add3A_490, %mul3A_494 : vector<16xf32>
              %get3A_496 = arith.constant 224 : index
              %get3A_497 = tpu.vector_load %arg9[%get3A_496] {strides = array<i32>} : memref<256xf32, #tpu.memory_space<vmem>>, vector<16xf32>,
              %get3A_498 = vector.shape_cast %get3A_497 : vector<16xf32> to vector<16xf32>
              %mul3A_499 = arith.mulf %bitcast_convert_type3A_385, %get3A_498 : vector<16xf32>
              %add3A_500 = arith.addf %add3A_495, %mul3A_499 : vector<16xf32>
              %bitcast_convert_type3A_501 = tpu.bitcast %add3A_500 : vector<16xf32> -> vector<16xi32>
              %shift_right_arithmetic3A_502 = arith.constant 16 : i32
              %shift_right_arithmetic3A_503 = vector.broadcast %shift_right_arithmetic3A_502 : i32 to vector<16xi32>
              %shift_right_arithmetic3A_504 = arith.shrsi %bitcast_convert_type3A_501, %shift_right_arithmetic3A_503 : vector<16xi32>
              %and3A_505 = arith.constant 1 : i32
              %and3A_506 = vector.broadcast %and3A_505 : i32 to vector<16xi32>
              %and3A_507 = arith.andi %shift_right_arithmetic3A_504, %and3A_506 : vector<16xi32>
              %add3A_508 = arith.constant 32767 : i32
              %add3A_509 = vector.broadcast %add3A_508 : i32 to vector<16xi32>
              %add3A_510 = arith.addi %bitcast_convert_type3A_501, %add3A_509 : vector<16xi32>
              %add3A_511 = arith.addi %add3A_510, %and3A_507 : vector<16xi32>
              %and3A_512 = arith.constant -65536 : i32
              %and3A_513 = vector.broadcast %and3A_512 : i32 to vector<16xi32>
              %and3A_514 = arith.andi %add3A_511, %and3A_513 : vector<16xi32>
              %bitcast_convert_type3A_515 = tpu.bitcast %and3A_514 : vector<16xi32> -> vector<16xf32>
              %get3A_516 = arith.constant 32 : index
              %get3A_517 = tpu.vector_load %arg11[%get3A_516] {strides = array<i32>} : memref<80xf32, #tpu.memory_space<vmem>>, vector<16xf32>,
              %get3A_518 = vector.shape_cast %get3A_517 : vector<16xf32> to vector<16xf32>
              %add3A_519 = arith.addf %get3A_518, %bitcast_convert_type3A_515 : vector<16xf32>
              %swap3A_520 = arith.constant 32 : index
              %swap3A_521 = tpu.vector_load %arg11[%swap3A_520] {strides = array<i32>} : memref<80xf32, #tpu.memory_space<vmem>>, vector<16xf32>,
              %swap3A_522 = vector.shape_cast %swap3A_521 : vector<16xf32> to vector<16xf32>
              %swap3A_523 = vector.shape_cast %add3A_519 : vector<16xf32> to vector<16xf32>
              tpu.vector_store %arg11[%swap3A_520], %swap3A_523 {strides = array<i32>} : memref<80xf32, #tpu.memory_space<vmem>>, vector<16xf32>,
              %get3A_524 = arith.constant 48 : index
              %get3A_525 = tpu.vector_load %arg10[%get3A_524] {strides = array<i32>} : memref<64xf32, #tpu.memory_space<vmem>>, vector<16xf32>,
              %get3A_526 = vector.shape_cast %get3A_525 : vector<16xf32> to vector<16xf32>
              %get3A_527 = arith.constant 48 : index
              %get3A_528 = tpu.vector_load %arg9[%get3A_527] {strides = array<i32>} : memref<256xf32, #tpu.memory_space<vmem>>, vector<16xf32>,
              %get3A_529 = vector.shape_cast %get3A_528 : vector<16xf32> to vector<16xf32>
              %mul3A_530 = arith.mulf %bitcast_convert_type3A_331, %get3A_529 : vector<16xf32>
              %add3A_531 = arith.addf %get3A_526, %mul3A_530 : vector<16xf32>
              %get3A_532 = arith.constant 112 : index
              %get3A_533 = tpu.vector_load %arg9[%get3A_532] {strides = array<i32>} : memref<256xf32, #tpu.memory_space<vmem>>, vector<16xf32>,
              %get3A_534 = vector.shape_cast %get3A_533 : vector<16xf32> to vector<16xf32>
              %mul3A_535 = arith.mulf %bitcast_convert_type3A_349, %get3A_534 : vector<16xf32>
              %add3A_536 = arith.addf %add3A_531, %mul3A_535 : vector<16xf32>
              %get3A_537 = arith.constant 176 : index
              %get3A_538 = tpu.vector_load %arg9[%get3A_537] {strides = array<i32>} : memref<256xf32, #tpu.memory_space<vmem>>, vector<16xf32>,
              %get3A_539 = vector.shape_cast %get3A_538 : vector<16xf32> to vector<16xf32>
              %mul3A_540 = arith.mulf %bitcast_convert_type3A_367, %get3A_539 : vector<16xf32>
              %add3A_541 = arith.addf %add3A_536, %mul3A_540 : vector<16xf32>
              %get3A_542 = arith.constant 240 : index
              %get3A_543 = tpu.vector_load %arg9[%get3A_542] {strides = array<i32>} : memref<256xf32, #tpu.memory_space<vmem>>, vector<16xf32>,
              %get3A_544 = vector.shape_cast %get3A_543 : vector<16xf32> to vector<16xf32>
              %mul3A_545 = arith.mulf %bitcast_convert_type3A_385, %get3A_544 : vector<16xf32>
              %add3A_546 = arith.addf %add3A_541, %mul3A_545 : vector<16xf32>
              %bitcast_convert_type3A_547 = tpu.bitcast %add3A_546 : vector<16xf32> -> vector<16xi32>
              %shift_right_arithmetic3A_548 = arith.constant 16 : i32
              %shift_right_arithmetic3A_549 = vector.broadcast %shift_right_arithmetic3A_548 : i32 to vector<16xi32>
              %shift_right_arithmetic3A_550 = arith.shrsi %bitcast_convert_type3A_547, %shift_right_arithmetic3A_549 : vector<16xi32>
              %and3A_551 = arith.constant 1 : i32
              %and3A_552 = vector.broadcast %and3A_551 : i32 to vector<16xi32>
              %and3A_553 = arith.andi %shift_right_arithmetic3A_550, %and3A_552 : vector<16xi32>
              %add3A_554 = arith.constant 32767 : i32
              %add3A_555 = vector.broadcast %add3A_554 : i32 to vector<16xi32>
              %add3A_556 = arith.addi %bitcast_convert_type3A_547, %add3A_555 : vector<16xi32>
              %add3A_557 = arith.addi %add3A_556, %and3A_553 : vector<16xi32>
              %and3A_558 = arith.constant -65536 : i32
              %and3A_559 = vector.broadcast %and3A_558 : i32 to vector<16xi32>
              %and3A_560 = arith.andi %add3A_557, %and3A_559 : vector<16xi32>
              %bitcast_convert_type3A_561 = tpu.bitcast %and3A_560 : vector<16xi32> -> vector<16xf32>
              %get3A_562 = arith.constant 48 : index
              %get3A_563 = tpu.vector_load %arg11[%get3A_562] {strides = array<i32>} : memref<80xf32, #tpu.memory_space<vmem>>, vector<16xf32>,
              %get3A_564 = vector.shape_cast %get3A_563 : vector<16xf32> to vector<16xf32>
              %add3A_565 = arith.addf %get3A_564, %bitcast_convert_type3A_561 : vector<16xf32>
              %swap3A_566 = arith.constant 48 : index
              %swap3A_567 = tpu.vector_load %arg11[%swap3A_566] {strides = array<i32>} : memref<80xf32, #tpu.memory_space<vmem>>, vector<16xf32>,
              %swap3A_568 = vector.shape_cast %swap3A_567 : vector<16xf32> to vector<16xf32>
              %swap3A_569 = vector.shape_cast %add3A_565 : vector<16xf32> to vector<16xf32>
              tpu.vector_store %arg11[%swap3A_566], %swap3A_569 {strides = array<i32>} : memref<80xf32, #tpu.memory_space<vmem>>, vector<16xf32>,
            } else {
            }
            %slice3A_225 = vector.extract_strided_slice %get3A_140 {offsets = [4], sizes = [1], strides = [1]} : vector<16xi32> to vector<1xi32>
            %squeeze3A_226 = vector.extract %slice3A_225[0] : i32 from vector<1xi32>
            %eq3A_227 = arith.constant 0 : i32
            %eq3A_228 = arith.cmpi eq, %squeeze3A_226, %eq3A_227 : i32
            %convert_element_type3A_229 = arith.extui %eq3A_228 : i1 to i32
            %cond3A_230 = arith.constant 0 : i32
            %cond3A_231 = arith.cmpi ne, %convert_element_type3A_229, %cond3A_230 : i32
            scf.if %cond3A_231 {
              %add3A_309 = arith.constant 4 : i32
              %add3A_310 = arith.addi %add3A_138, %add3A_309 : i32
              %mul3A_311 = arith.constant 4 : i32
              %mul3A_312 = arith.muli %add3A_310, %mul3A_311 : i32
              %get3A_313 = arith.index_cast %mul3A_312 : i32 to index
              %get3A_314 = tpu.vector_load %arg7[%get3A_313] {strides = array<i32>} : memref<40016xf32, #tpu.memory_space<vmem>>, vector<16xf32>,
              %get3A_315 = vector.shape_cast %get3A_314 : vector<16xf32> to vector<16xf32>
              %slice3A_316 = vector.extract_strided_slice %get3A_315 {offsets = [0], sizes = [1], strides = [1]} : vector<16xf32> to vector<1xf32>
              %squeeze3A_317 = vector.extract %slice3A_316[0] : f32 from vector<1xf32>
              %broadcast_in_dim3A_318 = vector.broadcast %squeeze3A_317 : f32 to vector<16xf32>
              %bitcast_convert_type3A = tpu.bitcast %broadcast_in_dim3A_318 : vector<16xf32> -> vector<16xi32>
              %shift_right_arithmetic3A = arith.constant 16 : i32
              %shift_right_arithmetic3A_319 = vector.broadcast %shift_right_arithmetic3A : i32 to vector<16xi32>
              %shift_right_arithmetic3A_320 = arith.shrsi %bitcast_convert_type3A, %shift_right_arithmetic3A_319 : vector<16xi32>
              %and3A_321 = arith.constant 1 : i32
              %and3A_322 = vector.broadcast %and3A_321 : i32 to vector<16xi32>
              %and3A_323 = arith.andi %shift_right_arithmetic3A_320, %and3A_322 : vector<16xi32>
              %add3A_324 = arith.constant 32767 : i32
              %add3A_325 = vector.broadcast %add3A_324 : i32 to vector<16xi32>
              %add3A_326 = arith.addi %bitcast_convert_type3A, %add3A_325 : vector<16xi32>
              %add3A_327 = arith.addi %add3A_326, %and3A_323 : vector<16xi32>
              %and3A_328 = arith.constant -65536 : i32
              %and3A_329 = vector.broadcast %and3A_328 : i32 to vector<16xi32>
              %and3A_330 = arith.andi %add3A_327, %and3A_329 : vector<16xi32>
              %bitcast_convert_type3A_331 = tpu.bitcast %and3A_330 : vector<16xi32> -> vector<16xf32>
              %slice3A_332 = vector.extract_strided_slice %get3A_315 {offsets = [1], sizes = [1], strides = [1]} : vector<16xf32> to vector<1xf32>
              %squeeze3A_333 = vector.extract %slice3A_332[0] : f32 from vector<1xf32>
              %broadcast_in_dim3A_334 = vector.broadcast %squeeze3A_333 : f32 to vector<16xf32>
              %bitcast_convert_type3A_335 = tpu.bitcast %broadcast_in_dim3A_334 : vector<16xf32> -> vector<16xi32>
              %shift_right_arithmetic3A_336 = arith.constant 16 : i32
              %shift_right_arithmetic3A_337 = vector.broadcast %shift_right_arithmetic3A_336 : i32 to vector<16xi32>
              %shift_right_arithmetic3A_338 = arith.shrsi %bitcast_convert_type3A_335, %shift_right_arithmetic3A_337 : vector<16xi32>
              %and3A_339 = arith.constant 1 : i32
              %and3A_340 = vector.broadcast %and3A_339 : i32 to vector<16xi32>
              %and3A_341 = arith.andi %shift_right_arithmetic3A_338, %and3A_340 : vector<16xi32>
              %add3A_342 = arith.constant 32767 : i32
              %add3A_343 = vector.broadcast %add3A_342 : i32 to vector<16xi32>
              %add3A_344 = arith.addi %bitcast_convert_type3A_335, %add3A_343 : vector<16xi32>
              %add3A_345 = arith.addi %add3A_344, %and3A_341 : vector<16xi32>
              %and3A_346 = arith.constant -65536 : i32
              %and3A_347 = vector.broadcast %and3A_346 : i32 to vector<16xi32>
              %and3A_348 = arith.andi %add3A_345, %and3A_347 : vector<16xi32>
              %bitcast_convert_type3A_349 = tpu.bitcast %and3A_348 : vector<16xi32> -> vector<16xf32>
              %slice3A_350 = vector.extract_strided_slice %get3A_315 {offsets = [2], sizes = [1], strides = [1]} : vector<16xf32> to vector<1xf32>
              %squeeze3A_351 = vector.extract %slice3A_350[0] : f32 from vector<1xf32>
              %broadcast_in_dim3A_352 = vector.broadcast %squeeze3A_351 : f32 to vector<16xf32>
              %bitcast_convert_type3A_353 = tpu.bitcast %broadcast_in_dim3A_352 : vector<16xf32> -> vector<16xi32>
              %shift_right_arithmetic3A_354 = arith.constant 16 : i32
              %shift_right_arithmetic3A_355 = vector.broadcast %shift_right_arithmetic3A_354 : i32 to vector<16xi32>
              %shift_right_arithmetic3A_356 = arith.shrsi %bitcast_convert_type3A_353, %shift_right_arithmetic3A_355 : vector<16xi32>
              %and3A_357 = arith.constant 1 : i32
              %and3A_358 = vector.broadcast %and3A_357 : i32 to vector<16xi32>
              %and3A_359 = arith.andi %shift_right_arithmetic3A_356, %and3A_358 : vector<16xi32>
              %add3A_360 = arith.constant 32767 : i32
              %add3A_361 = vector.broadcast %add3A_360 : i32 to vector<16xi32>
              %add3A_362 = arith.addi %bitcast_convert_type3A_353, %add3A_361 : vector<16xi32>
              %add3A_363 = arith.addi %add3A_362, %and3A_359 : vector<16xi32>
              %and3A_364 = arith.constant -65536 : i32
              %and3A_365 = vector.broadcast %and3A_364 : i32 to vector<16xi32>
              %and3A_366 = arith.andi %add3A_363, %and3A_365 : vector<16xi32>
              %bitcast_convert_type3A_367 = tpu.bitcast %and3A_366 : vector<16xi32> -> vector<16xf32>
              %slice3A_368 = vector.extract_strided_slice %get3A_315 {offsets = [3], sizes = [1], strides = [1]} : vector<16xf32> to vector<1xf32>
              %squeeze3A_369 = vector.extract %slice3A_368[0] : f32 from vector<1xf32>
              %broadcast_in_dim3A_370 = vector.broadcast %squeeze3A_369 : f32 to vector<16xf32>
              %bitcast_convert_type3A_371 = tpu.bitcast %broadcast_in_dim3A_370 : vector<16xf32> -> vector<16xi32>
              %shift_right_arithmetic3A_372 = arith.constant 16 : i32
              %shift_right_arithmetic3A_373 = vector.broadcast %shift_right_arithmetic3A_372 : i32 to vector<16xi32>
              %shift_right_arithmetic3A_374 = arith.shrsi %bitcast_convert_type3A_371, %shift_right_arithmetic3A_373 : vector<16xi32>
              %and3A_375 = arith.constant 1 : i32
              %and3A_376 = vector.broadcast %and3A_375 : i32 to vector<16xi32>
              %and3A_377 = arith.andi %shift_right_arithmetic3A_374, %and3A_376 : vector<16xi32>
              %add3A_378 = arith.constant 32767 : i32
              %add3A_379 = vector.broadcast %add3A_378 : i32 to vector<16xi32>
              %add3A_380 = arith.addi %bitcast_convert_type3A_371, %add3A_379 : vector<16xi32>
              %add3A_381 = arith.addi %add3A_380, %and3A_377 : vector<16xi32>
              %and3A_382 = arith.constant -65536 : i32
              %and3A_383 = vector.broadcast %and3A_382 : i32 to vector<16xi32>
              %and3A_384 = arith.andi %add3A_381, %and3A_383 : vector<16xi32>
              %bitcast_convert_type3A_385 = tpu.bitcast %and3A_384 : vector<16xi32> -> vector<16xf32>
              %get3A_386 = arith.constant 0 : index
              %get3A_387 = tpu.vector_load %arg10[%get3A_386] {strides = array<i32>} : memref<64xf32, #tpu.memory_space<vmem>>, vector<16xf32>,
              %get3A_388 = vector.shape_cast %get3A_387 : vector<16xf32> to vector<16xf32>
              %get3A_389 = arith.constant 0 : index
              %get3A_390 = tpu.vector_load %arg9[%get3A_389] {strides = array<i32>} : memref<256xf32, #tpu.memory_space<vmem>>, vector<16xf32>,
              %get3A_391 = vector.shape_cast %get3A_390 : vector<16xf32> to vector<16xf32>
              %mul3A_392 = arith.mulf %bitcast_convert_type3A_331, %get3A_391 : vector<16xf32>
              %add3A_393 = arith.addf %get3A_388, %mul3A_392 : vector<16xf32>
              %get3A_394 = arith.constant 64 : index
              %get3A_395 = tpu.vector_load %arg9[%get3A_394] {strides = array<i32>} : memref<256xf32, #tpu.memory_space<vmem>>, vector<16xf32>,
              %get3A_396 = vector.shape_cast %get3A_395 : vector<16xf32> to vector<16xf32>
              %mul3A_397 = arith.mulf %bitcast_convert_type3A_349, %get3A_396 : vector<16xf32>
              %add3A_398 = arith.addf %add3A_393, %mul3A_397 : vector<16xf32>
              %get3A_399 = arith.constant 128 : index
              %get3A_400 = tpu.vector_load %arg9[%get3A_399] {strides = array<i32>} : memref<256xf32, #tpu.memory_space<vmem>>, vector<16xf32>,
              %get3A_401 = vector.shape_cast %get3A_400 : vector<16xf32> to vector<16xf32>
              %mul3A_402 = arith.mulf %bitcast_convert_type3A_367, %get3A_401 : vector<16xf32>
              %add3A_403 = arith.addf %add3A_398, %mul3A_402 : vector<16xf32>
              %get3A_404 = arith.constant 192 : index
              %get3A_405 = tpu.vector_load %arg9[%get3A_404] {strides = array<i32>} : memref<256xf32, #tpu.memory_space<vmem>>, vector<16xf32>,
              %get3A_406 = vector.shape_cast %get3A_405 : vector<16xf32> to vector<16xf32>
              %mul3A_407 = arith.mulf %bitcast_convert_type3A_385, %get3A_406 : vector<16xf32>
              %add3A_408 = arith.addf %add3A_403, %mul3A_407 : vector<16xf32>
              %bitcast_convert_type3A_409 = tpu.bitcast %add3A_408 : vector<16xf32> -> vector<16xi32>
              %shift_right_arithmetic3A_410 = arith.constant 16 : i32
              %shift_right_arithmetic3A_411 = vector.broadcast %shift_right_arithmetic3A_410 : i32 to vector<16xi32>
              %shift_right_arithmetic3A_412 = arith.shrsi %bitcast_convert_type3A_409, %shift_right_arithmetic3A_411 : vector<16xi32>
              %and3A_413 = arith.constant 1 : i32
              %and3A_414 = vector.broadcast %and3A_413 : i32 to vector<16xi32>
              %and3A_415 = arith.andi %shift_right_arithmetic3A_412, %and3A_414 : vector<16xi32>
              %add3A_416 = arith.constant 32767 : i32
              %add3A_417 = vector.broadcast %add3A_416 : i32 to vector<16xi32>
              %add3A_418 = arith.addi %bitcast_convert_type3A_409, %add3A_417 : vector<16xi32>
              %add3A_419 = arith.addi %add3A_418, %and3A_415 : vector<16xi32>
              %and3A_420 = arith.constant -65536 : i32
              %and3A_421 = vector.broadcast %and3A_420 : i32 to vector<16xi32>
              %and3A_422 = arith.andi %add3A_419, %and3A_421 : vector<16xi32>
              %bitcast_convert_type3A_423 = tpu.bitcast %and3A_422 : vector<16xi32> -> vector<16xf32>
              %get3A_424 = arith.constant 0 : index
              %get3A_425 = tpu.vector_load %arg11[%get3A_424] {strides = array<i32>} : memref<80xf32, #tpu.memory_space<vmem>>, vector<16xf32>,
              %get3A_426 = vector.shape_cast %get3A_425 : vector<16xf32> to vector<16xf32>
              %add3A_427 = arith.addf %get3A_426, %bitcast_convert_type3A_423 : vector<16xf32>
              %swap3A_428 = arith.constant 0 : index
              %swap3A_429 = tpu.vector_load %arg11[%swap3A_428] {strides = array<i32>} : memref<80xf32, #tpu.memory_space<vmem>>, vector<16xf32>,
              %swap3A_430 = vector.shape_cast %swap3A_429 : vector<16xf32> to vector<16xf32>
              %swap3A_431 = vector.shape_cast %add3A_427 : vector<16xf32> to vector<16xf32>
              tpu.vector_store %arg11[%swap3A_428], %swap3A_431 {strides = array<i32>} : memref<80xf32, #tpu.memory_space<vmem>>, vector<16xf32>,
              %get3A_432 = arith.constant 16 : index
              %get3A_433 = tpu.vector_load %arg10[%get3A_432] {strides = array<i32>} : memref<64xf32, #tpu.memory_space<vmem>>, vector<16xf32>,
              %get3A_434 = vector.shape_cast %get3A_433 : vector<16xf32> to vector<16xf32>
              %get3A_435 = arith.constant 16 : index
              %get3A_436 = tpu.vector_load %arg9[%get3A_435] {strides = array<i32>} : memref<256xf32, #tpu.memory_space<vmem>>, vector<16xf32>,
              %get3A_437 = vector.shape_cast %get3A_436 : vector<16xf32> to vector<16xf32>
              %mul3A_438 = arith.mulf %bitcast_convert_type3A_331, %get3A_437 : vector<16xf32>
              %add3A_439 = arith.addf %get3A_434, %mul3A_438 : vector<16xf32>
              %get3A_440 = arith.constant 80 : index
              %get3A_441 = tpu.vector_load %arg9[%get3A_440] {strides = array<i32>} : memref<256xf32, #tpu.memory_space<vmem>>, vector<16xf32>,
              %get3A_442 = vector.shape_cast %get3A_441 : vector<16xf32> to vector<16xf32>
              %mul3A_443 = arith.mulf %bitcast_convert_type3A_349, %get3A_442 : vector<16xf32>
              %add3A_444 = arith.addf %add3A_439, %mul3A_443 : vector<16xf32>
              %get3A_445 = arith.constant 144 : index
              %get3A_446 = tpu.vector_load %arg9[%get3A_445] {strides = array<i32>} : memref<256xf32, #tpu.memory_space<vmem>>, vector<16xf32>,
              %get3A_447 = vector.shape_cast %get3A_446 : vector<16xf32> to vector<16xf32>
              %mul3A_448 = arith.mulf %bitcast_convert_type3A_367, %get3A_447 : vector<16xf32>
              %add3A_449 = arith.addf %add3A_444, %mul3A_448 : vector<16xf32>
              %get3A_450 = arith.constant 208 : index
              %get3A_451 = tpu.vector_load %arg9[%get3A_450] {strides = array<i32>} : memref<256xf32, #tpu.memory_space<vmem>>, vector<16xf32>,
              %get3A_452 = vector.shape_cast %get3A_451 : vector<16xf32> to vector<16xf32>
              %mul3A_453 = arith.mulf %bitcast_convert_type3A_385, %get3A_452 : vector<16xf32>
              %add3A_454 = arith.addf %add3A_449, %mul3A_453 : vector<16xf32>
              %bitcast_convert_type3A_455 = tpu.bitcast %add3A_454 : vector<16xf32> -> vector<16xi32>
              %shift_right_arithmetic3A_456 = arith.constant 16 : i32
              %shift_right_arithmetic3A_457 = vector.broadcast %shift_right_arithmetic3A_456 : i32 to vector<16xi32>
              %shift_right_arithmetic3A_458 = arith.shrsi %bitcast_convert_type3A_455, %shift_right_arithmetic3A_457 : vector<16xi32>
              %and3A_459 = arith.constant 1 : i32
              %and3A_460 = vector.broadcast %and3A_459 : i32 to vector<16xi32>
              %and3A_461 = arith.andi %shift_right_arithmetic3A_458, %and3A_460 : vector<16xi32>
              %add3A_462 = arith.constant 32767 : i32
              %add3A_463 = vector.broadcast %add3A_462 : i32 to vector<16xi32>
              %add3A_464 = arith.addi %bitcast_convert_type3A_455, %add3A_463 : vector<16xi32>
              %add3A_465 = arith.addi %add3A_464, %and3A_461 : vector<16xi32>
              %and3A_466 = arith.constant -65536 : i32
              %and3A_467 = vector.broadcast %and3A_466 : i32 to vector<16xi32>
              %and3A_468 = arith.andi %add3A_465, %and3A_467 : vector<16xi32>
              %bitcast_convert_type3A_469 = tpu.bitcast %and3A_468 : vector<16xi32> -> vector<16xf32>
              %get3A_470 = arith.constant 16 : index
              %get3A_471 = tpu.vector_load %arg11[%get3A_470] {strides = array<i32>} : memref<80xf32, #tpu.memory_space<vmem>>, vector<16xf32>,
              %get3A_472 = vector.shape_cast %get3A_471 : vector<16xf32> to vector<16xf32>
              %add3A_473 = arith.addf %get3A_472, %bitcast_convert_type3A_469 : vector<16xf32>
              %swap3A_474 = arith.constant 16 : index
              %swap3A_475 = tpu.vector_load %arg11[%swap3A_474] {strides = array<i32>} : memref<80xf32, #tpu.memory_space<vmem>>, vector<16xf32>,
              %swap3A_476 = vector.shape_cast %swap3A_475 : vector<16xf32> to vector<16xf32>
              %swap3A_477 = vector.shape_cast %add3A_473 : vector<16xf32> to vector<16xf32>
              tpu.vector_store %arg11[%swap3A_474], %swap3A_477 {strides = array<i32>} : memref<80xf32, #tpu.memory_space<vmem>>, vector<16xf32>,
              %get3A_478 = arith.constant 32 : index
              %get3A_479 = tpu.vector_load %arg10[%get3A_478] {strides = array<i32>} : memref<64xf32, #tpu.memory_space<vmem>>, vector<16xf32>,
              %get3A_480 = vector.shape_cast %get3A_479 : vector<16xf32> to vector<16xf32>
              %get3A_481 = arith.constant 32 : index
              %get3A_482 = tpu.vector_load %arg9[%get3A_481] {strides = array<i32>} : memref<256xf32, #tpu.memory_space<vmem>>, vector<16xf32>,
              %get3A_483 = vector.shape_cast %get3A_482 : vector<16xf32> to vector<16xf32>
              %mul3A_484 = arith.mulf %bitcast_convert_type3A_331, %get3A_483 : vector<16xf32>
              %add3A_485 = arith.addf %get3A_480, %mul3A_484 : vector<16xf32>
              %get3A_486 = arith.constant 96 : index
              %get3A_487 = tpu.vector_load %arg9[%get3A_486] {strides = array<i32>} : memref<256xf32, #tpu.memory_space<vmem>>, vector<16xf32>,
              %get3A_488 = vector.shape_cast %get3A_487 : vector<16xf32> to vector<16xf32>
              %mul3A_489 = arith.mulf %bitcast_convert_type3A_349, %get3A_488 : vector<16xf32>
              %add3A_490 = arith.addf %add3A_485, %mul3A_489 : vector<16xf32>
              %get3A_491 = arith.constant 160 : index
              %get3A_492 = tpu.vector_load %arg9[%get3A_491] {strides = array<i32>} : memref<256xf32, #tpu.memory_space<vmem>>, vector<16xf32>,
              %get3A_493 = vector.shape_cast %get3A_492 : vector<16xf32> to vector<16xf32>
              %mul3A_494 = arith.mulf %bitcast_convert_type3A_367, %get3A_493 : vector<16xf32>
              %add3A_495 = arith.addf %add3A_490, %mul3A_494 : vector<16xf32>
              %get3A_496 = arith.constant 224 : index
              %get3A_497 = tpu.vector_load %arg9[%get3A_496] {strides = array<i32>} : memref<256xf32, #tpu.memory_space<vmem>>, vector<16xf32>,
              %get3A_498 = vector.shape_cast %get3A_497 : vector<16xf32> to vector<16xf32>
              %mul3A_499 = arith.mulf %bitcast_convert_type3A_385, %get3A_498 : vector<16xf32>
              %add3A_500 = arith.addf %add3A_495, %mul3A_499 : vector<16xf32>
              %bitcast_convert_type3A_501 = tpu.bitcast %add3A_500 : vector<16xf32> -> vector<16xi32>
              %shift_right_arithmetic3A_502 = arith.constant 16 : i32
              %shift_right_arithmetic3A_503 = vector.broadcast %shift_right_arithmetic3A_502 : i32 to vector<16xi32>
              %shift_right_arithmetic3A_504 = arith.shrsi %bitcast_convert_type3A_501, %shift_right_arithmetic3A_503 : vector<16xi32>
              %and3A_505 = arith.constant 1 : i32
              %and3A_506 = vector.broadcast %and3A_505 : i32 to vector<16xi32>
              %and3A_507 = arith.andi %shift_right_arithmetic3A_504, %and3A_506 : vector<16xi32>
              %add3A_508 = arith.constant 32767 : i32
              %add3A_509 = vector.broadcast %add3A_508 : i32 to vector<16xi32>
              %add3A_510 = arith.addi %bitcast_convert_type3A_501, %add3A_509 : vector<16xi32>
              %add3A_511 = arith.addi %add3A_510, %and3A_507 : vector<16xi32>
              %and3A_512 = arith.constant -65536 : i32
              %and3A_513 = vector.broadcast %and3A_512 : i32 to vector<16xi32>
              %and3A_514 = arith.andi %add3A_511, %and3A_513 : vector<16xi32>
              %bitcast_convert_type3A_515 = tpu.bitcast %and3A_514 : vector<16xi32> -> vector<16xf32>
              %get3A_516 = arith.constant 32 : index
              %get3A_517 = tpu.vector_load %arg11[%get3A_516] {strides = array<i32>} : memref<80xf32, #tpu.memory_space<vmem>>, vector<16xf32>,
              %get3A_518 = vector.shape_cast %get3A_517 : vector<16xf32> to vector<16xf32>
              %add3A_519 = arith.addf %get3A_518, %bitcast_convert_type3A_515 : vector<16xf32>
              %swap3A_520 = arith.constant 32 : index
              %swap3A_521 = tpu.vector_load %arg11[%swap3A_520] {strides = array<i32>} : memref<80xf32, #tpu.memory_space<vmem>>, vector<16xf32>,
              %swap3A_522 = vector.shape_cast %swap3A_521 : vector<16xf32> to vector<16xf32>
              %swap3A_523 = vector.shape_cast %add3A_519 : vector<16xf32> to vector<16xf32>
              tpu.vector_store %arg11[%swap3A_520], %swap3A_523 {strides = array<i32>} : memref<80xf32, #tpu.memory_space<vmem>>, vector<16xf32>,
              %get3A_524 = arith.constant 48 : index
              %get3A_525 = tpu.vector_load %arg10[%get3A_524] {strides = array<i32>} : memref<64xf32, #tpu.memory_space<vmem>>, vector<16xf32>,
              %get3A_526 = vector.shape_cast %get3A_525 : vector<16xf32> to vector<16xf32>
              %get3A_527 = arith.constant 48 : index
              %get3A_528 = tpu.vector_load %arg9[%get3A_527] {strides = array<i32>} : memref<256xf32, #tpu.memory_space<vmem>>, vector<16xf32>,
              %get3A_529 = vector.shape_cast %get3A_528 : vector<16xf32> to vector<16xf32>
              %mul3A_530 = arith.mulf %bitcast_convert_type3A_331, %get3A_529 : vector<16xf32>
              %add3A_531 = arith.addf %get3A_526, %mul3A_530 : vector<16xf32>
              %get3A_532 = arith.constant 112 : index
              %get3A_533 = tpu.vector_load %arg9[%get3A_532] {strides = array<i32>} : memref<256xf32, #tpu.memory_space<vmem>>, vector<16xf32>,
              %get3A_534 = vector.shape_cast %get3A_533 : vector<16xf32> to vector<16xf32>
              %mul3A_535 = arith.mulf %bitcast_convert_type3A_349, %get3A_534 : vector<16xf32>
              %add3A_536 = arith.addf %add3A_531, %mul3A_535 : vector<16xf32>
              %get3A_537 = arith.constant 176 : index
              %get3A_538 = tpu.vector_load %arg9[%get3A_537] {strides = array<i32>} : memref<256xf32, #tpu.memory_space<vmem>>, vector<16xf32>,
              %get3A_539 = vector.shape_cast %get3A_538 : vector<16xf32> to vector<16xf32>
              %mul3A_540 = arith.mulf %bitcast_convert_type3A_367, %get3A_539 : vector<16xf32>
              %add3A_541 = arith.addf %add3A_536, %mul3A_540 : vector<16xf32>
              %get3A_542 = arith.constant 240 : index
              %get3A_543 = tpu.vector_load %arg9[%get3A_542] {strides = array<i32>} : memref<256xf32, #tpu.memory_space<vmem>>, vector<16xf32>,
              %get3A_544 = vector.shape_cast %get3A_543 : vector<16xf32> to vector<16xf32>
              %mul3A_545 = arith.mulf %bitcast_convert_type3A_385, %get3A_544 : vector<16xf32>
              %add3A_546 = arith.addf %add3A_541, %mul3A_545 : vector<16xf32>
              %bitcast_convert_type3A_547 = tpu.bitcast %add3A_546 : vector<16xf32> -> vector<16xi32>
              %shift_right_arithmetic3A_548 = arith.constant 16 : i32
              %shift_right_arithmetic3A_549 = vector.broadcast %shift_right_arithmetic3A_548 : i32 to vector<16xi32>
              %shift_right_arithmetic3A_550 = arith.shrsi %bitcast_convert_type3A_547, %shift_right_arithmetic3A_549 : vector<16xi32>
              %and3A_551 = arith.constant 1 : i32
              %and3A_552 = vector.broadcast %and3A_551 : i32 to vector<16xi32>
              %and3A_553 = arith.andi %shift_right_arithmetic3A_550, %and3A_552 : vector<16xi32>
              %add3A_554 = arith.constant 32767 : i32
              %add3A_555 = vector.broadcast %add3A_554 : i32 to vector<16xi32>
              %add3A_556 = arith.addi %bitcast_convert_type3A_547, %add3A_555 : vector<16xi32>
              %add3A_557 = arith.addi %add3A_556, %and3A_553 : vector<16xi32>
              %and3A_558 = arith.constant -65536 : i32
              %and3A_559 = vector.broadcast %and3A_558 : i32 to vector<16xi32>
              %and3A_560 = arith.andi %add3A_557, %and3A_559 : vector<16xi32>
              %bitcast_convert_type3A_561 = tpu.bitcast %and3A_560 : vector<16xi32> -> vector<16xf32>
              %get3A_562 = arith.constant 48 : index
              %get3A_563 = tpu.vector_load %arg11[%get3A_562] {strides = array<i32>} : memref<80xf32, #tpu.memory_space<vmem>>, vector<16xf32>,
              %get3A_564 = vector.shape_cast %get3A_563 : vector<16xf32> to vector<16xf32>
              %add3A_565 = arith.addf %get3A_564, %bitcast_convert_type3A_561 : vector<16xf32>
              %swap3A_566 = arith.constant 48 : index
              %swap3A_567 = tpu.vector_load %arg11[%swap3A_566] {strides = array<i32>} : memref<80xf32, #tpu.memory_space<vmem>>, vector<16xf32>,
              %swap3A_568 = vector.shape_cast %swap3A_567 : vector<16xf32> to vector<16xf32>
              %swap3A_569 = vector.shape_cast %add3A_565 : vector<16xf32> to vector<16xf32>
              tpu.vector_store %arg11[%swap3A_566], %swap3A_569 {strides = array<i32>} : memref<80xf32, #tpu.memory_space<vmem>>, vector<16xf32>,
            } else {
            }
            %slice3A_232 = vector.extract_strided_slice %get3A_140 {offsets = [5], sizes = [1], strides = [1]} : vector<16xi32> to vector<1xi32>
            %squeeze3A_233 = vector.extract %slice3A_232[0] : i32 from vector<1xi32>
            %eq3A_234 = arith.constant 0 : i32
            %eq3A_235 = arith.cmpi eq, %squeeze3A_233, %eq3A_234 : i32
            %convert_element_type3A_236 = arith.extui %eq3A_235 : i1 to i32
            %cond3A_237 = arith.constant 0 : i32
            %cond3A_238 = arith.cmpi ne, %convert_element_type3A_236, %cond3A_237 : i32
            scf.if %cond3A_238 {
              %add3A_309 = arith.constant 5 : i32
              %add3A_310 = arith.addi %add3A_138, %add3A_309 : i32
              %mul3A_311 = arith.constant 4 : i32
              %mul3A_312 = arith.muli %add3A_310, %mul3A_311 : i32
              %get3A_313 = arith.index_cast %mul3A_312 : i32 to index
              %get3A_314 = tpu.vector_load %arg7[%get3A_313] {strides = array<i32>} : memref<40016xf32, #tpu.memory_space<vmem>>, vector<16xf32>,
              %get3A_315 = vector.shape_cast %get3A_314 : vector<16xf32> to vector<16xf32>
              %slice3A_316 = vector.extract_strided_slice %get3A_315 {offsets = [0], sizes = [1], strides = [1]} : vector<16xf32> to vector<1xf32>
              %squeeze3A_317 = vector.extract %slice3A_316[0] : f32 from vector<1xf32>
              %broadcast_in_dim3A_318 = vector.broadcast %squeeze3A_317 : f32 to vector<16xf32>
              %bitcast_convert_type3A = tpu.bitcast %broadcast_in_dim3A_318 : vector<16xf32> -> vector<16xi32>
              %shift_right_arithmetic3A = arith.constant 16 : i32
              %shift_right_arithmetic3A_319 = vector.broadcast %shift_right_arithmetic3A : i32 to vector<16xi32>
              %shift_right_arithmetic3A_320 = arith.shrsi %bitcast_convert_type3A, %shift_right_arithmetic3A_319 : vector<16xi32>
              %and3A_321 = arith.constant 1 : i32
              %and3A_322 = vector.broadcast %and3A_321 : i32 to vector<16xi32>
              %and3A_323 = arith.andi %shift_right_arithmetic3A_320, %and3A_322 : vector<16xi32>
              %add3A_324 = arith.constant 32767 : i32
              %add3A_325 = vector.broadcast %add3A_324 : i32 to vector<16xi32>
              %add3A_326 = arith.addi %bitcast_convert_type3A, %add3A_325 : vector<16xi32>
              %add3A_327 = arith.addi %add3A_326, %and3A_323 : vector<16xi32>
              %and3A_328 = arith.constant -65536 : i32
              %and3A_329 = vector.broadcast %and3A_328 : i32 to vector<16xi32>
              %and3A_330 = arith.andi %add3A_327, %and3A_329 : vector<16xi32>
              %bitcast_convert_type3A_331 = tpu.bitcast %and3A_330 : vector<16xi32> -> vector<16xf32>
              %slice3A_332 = vector.extract_strided_slice %get3A_315 {offsets = [1], sizes = [1], strides = [1]} : vector<16xf32> to vector<1xf32>
              %squeeze3A_333 = vector.extract %slice3A_332[0] : f32 from vector<1xf32>
              %broadcast_in_dim3A_334 = vector.broadcast %squeeze3A_333 : f32 to vector<16xf32>
              %bitcast_convert_type3A_335 = tpu.bitcast %broadcast_in_dim3A_334 : vector<16xf32> -> vector<16xi32>
              %shift_right_arithmetic3A_336 = arith.constant 16 : i32
              %shift_right_arithmetic3A_337 = vector.broadcast %shift_right_arithmetic3A_336 : i32 to vector<16xi32>
              %shift_right_arithmetic3A_338 = arith.shrsi %bitcast_convert_type3A_335, %shift_right_arithmetic3A_337 : vector<16xi32>
              %and3A_339 = arith.constant 1 : i32
              %and3A_340 = vector.broadcast %and3A_339 : i32 to vector<16xi32>
              %and3A_341 = arith.andi %shift_right_arithmetic3A_338, %and3A_340 : vector<16xi32>
              %add3A_342 = arith.constant 32767 : i32
              %add3A_343 = vector.broadcast %add3A_342 : i32 to vector<16xi32>
              %add3A_344 = arith.addi %bitcast_convert_type3A_335, %add3A_343 : vector<16xi32>
              %add3A_345 = arith.addi %add3A_344, %and3A_341 : vector<16xi32>
              %and3A_346 = arith.constant -65536 : i32
              %and3A_347 = vector.broadcast %and3A_346 : i32 to vector<16xi32>
              %and3A_348 = arith.andi %add3A_345, %and3A_347 : vector<16xi32>
              %bitcast_convert_type3A_349 = tpu.bitcast %and3A_348 : vector<16xi32> -> vector<16xf32>
              %slice3A_350 = vector.extract_strided_slice %get3A_315 {offsets = [2], sizes = [1], strides = [1]} : vector<16xf32> to vector<1xf32>
              %squeeze3A_351 = vector.extract %slice3A_350[0] : f32 from vector<1xf32>
              %broadcast_in_dim3A_352 = vector.broadcast %squeeze3A_351 : f32 to vector<16xf32>
              %bitcast_convert_type3A_353 = tpu.bitcast %broadcast_in_dim3A_352 : vector<16xf32> -> vector<16xi32>
              %shift_right_arithmetic3A_354 = arith.constant 16 : i32
              %shift_right_arithmetic3A_355 = vector.broadcast %shift_right_arithmetic3A_354 : i32 to vector<16xi32>
              %shift_right_arithmetic3A_356 = arith.shrsi %bitcast_convert_type3A_353, %shift_right_arithmetic3A_355 : vector<16xi32>
              %and3A_357 = arith.constant 1 : i32
              %and3A_358 = vector.broadcast %and3A_357 : i32 to vector<16xi32>
              %and3A_359 = arith.andi %shift_right_arithmetic3A_356, %and3A_358 : vector<16xi32>
              %add3A_360 = arith.constant 32767 : i32
              %add3A_361 = vector.broadcast %add3A_360 : i32 to vector<16xi32>
              %add3A_362 = arith.addi %bitcast_convert_type3A_353, %add3A_361 : vector<16xi32>
              %add3A_363 = arith.addi %add3A_362, %and3A_359 : vector<16xi32>
              %and3A_364 = arith.constant -65536 : i32
              %and3A_365 = vector.broadcast %and3A_364 : i32 to vector<16xi32>
              %and3A_366 = arith.andi %add3A_363, %and3A_365 : vector<16xi32>
              %bitcast_convert_type3A_367 = tpu.bitcast %and3A_366 : vector<16xi32> -> vector<16xf32>
              %slice3A_368 = vector.extract_strided_slice %get3A_315 {offsets = [3], sizes = [1], strides = [1]} : vector<16xf32> to vector<1xf32>
              %squeeze3A_369 = vector.extract %slice3A_368[0] : f32 from vector<1xf32>
              %broadcast_in_dim3A_370 = vector.broadcast %squeeze3A_369 : f32 to vector<16xf32>
              %bitcast_convert_type3A_371 = tpu.bitcast %broadcast_in_dim3A_370 : vector<16xf32> -> vector<16xi32>
              %shift_right_arithmetic3A_372 = arith.constant 16 : i32
              %shift_right_arithmetic3A_373 = vector.broadcast %shift_right_arithmetic3A_372 : i32 to vector<16xi32>
              %shift_right_arithmetic3A_374 = arith.shrsi %bitcast_convert_type3A_371, %shift_right_arithmetic3A_373 : vector<16xi32>
              %and3A_375 = arith.constant 1 : i32
              %and3A_376 = vector.broadcast %and3A_375 : i32 to vector<16xi32>
              %and3A_377 = arith.andi %shift_right_arithmetic3A_374, %and3A_376 : vector<16xi32>
              %add3A_378 = arith.constant 32767 : i32
              %add3A_379 = vector.broadcast %add3A_378 : i32 to vector<16xi32>
              %add3A_380 = arith.addi %bitcast_convert_type3A_371, %add3A_379 : vector<16xi32>
              %add3A_381 = arith.addi %add3A_380, %and3A_377 : vector<16xi32>
              %and3A_382 = arith.constant -65536 : i32
              %and3A_383 = vector.broadcast %and3A_382 : i32 to vector<16xi32>
              %and3A_384 = arith.andi %add3A_381, %and3A_383 : vector<16xi32>
              %bitcast_convert_type3A_385 = tpu.bitcast %and3A_384 : vector<16xi32> -> vector<16xf32>
              %get3A_386 = arith.constant 0 : index
              %get3A_387 = tpu.vector_load %arg10[%get3A_386] {strides = array<i32>} : memref<64xf32, #tpu.memory_space<vmem>>, vector<16xf32>,
              %get3A_388 = vector.shape_cast %get3A_387 : vector<16xf32> to vector<16xf32>
              %get3A_389 = arith.constant 0 : index
              %get3A_390 = tpu.vector_load %arg9[%get3A_389] {strides = array<i32>} : memref<256xf32, #tpu.memory_space<vmem>>, vector<16xf32>,
              %get3A_391 = vector.shape_cast %get3A_390 : vector<16xf32> to vector<16xf32>
              %mul3A_392 = arith.mulf %bitcast_convert_type3A_331, %get3A_391 : vector<16xf32>
              %add3A_393 = arith.addf %get3A_388, %mul3A_392 : vector<16xf32>
              %get3A_394 = arith.constant 64 : index
              %get3A_395 = tpu.vector_load %arg9[%get3A_394] {strides = array<i32>} : memref<256xf32, #tpu.memory_space<vmem>>, vector<16xf32>,
              %get3A_396 = vector.shape_cast %get3A_395 : vector<16xf32> to vector<16xf32>
              %mul3A_397 = arith.mulf %bitcast_convert_type3A_349, %get3A_396 : vector<16xf32>
              %add3A_398 = arith.addf %add3A_393, %mul3A_397 : vector<16xf32>
              %get3A_399 = arith.constant 128 : index
              %get3A_400 = tpu.vector_load %arg9[%get3A_399] {strides = array<i32>} : memref<256xf32, #tpu.memory_space<vmem>>, vector<16xf32>,
              %get3A_401 = vector.shape_cast %get3A_400 : vector<16xf32> to vector<16xf32>
              %mul3A_402 = arith.mulf %bitcast_convert_type3A_367, %get3A_401 : vector<16xf32>
              %add3A_403 = arith.addf %add3A_398, %mul3A_402 : vector<16xf32>
              %get3A_404 = arith.constant 192 : index
              %get3A_405 = tpu.vector_load %arg9[%get3A_404] {strides = array<i32>} : memref<256xf32, #tpu.memory_space<vmem>>, vector<16xf32>,
              %get3A_406 = vector.shape_cast %get3A_405 : vector<16xf32> to vector<16xf32>
              %mul3A_407 = arith.mulf %bitcast_convert_type3A_385, %get3A_406 : vector<16xf32>
              %add3A_408 = arith.addf %add3A_403, %mul3A_407 : vector<16xf32>
              %bitcast_convert_type3A_409 = tpu.bitcast %add3A_408 : vector<16xf32> -> vector<16xi32>
              %shift_right_arithmetic3A_410 = arith.constant 16 : i32
              %shift_right_arithmetic3A_411 = vector.broadcast %shift_right_arithmetic3A_410 : i32 to vector<16xi32>
              %shift_right_arithmetic3A_412 = arith.shrsi %bitcast_convert_type3A_409, %shift_right_arithmetic3A_411 : vector<16xi32>
              %and3A_413 = arith.constant 1 : i32
              %and3A_414 = vector.broadcast %and3A_413 : i32 to vector<16xi32>
              %and3A_415 = arith.andi %shift_right_arithmetic3A_412, %and3A_414 : vector<16xi32>
              %add3A_416 = arith.constant 32767 : i32
              %add3A_417 = vector.broadcast %add3A_416 : i32 to vector<16xi32>
              %add3A_418 = arith.addi %bitcast_convert_type3A_409, %add3A_417 : vector<16xi32>
              %add3A_419 = arith.addi %add3A_418, %and3A_415 : vector<16xi32>
              %and3A_420 = arith.constant -65536 : i32
              %and3A_421 = vector.broadcast %and3A_420 : i32 to vector<16xi32>
              %and3A_422 = arith.andi %add3A_419, %and3A_421 : vector<16xi32>
              %bitcast_convert_type3A_423 = tpu.bitcast %and3A_422 : vector<16xi32> -> vector<16xf32>
              %get3A_424 = arith.constant 0 : index
              %get3A_425 = tpu.vector_load %arg11[%get3A_424] {strides = array<i32>} : memref<80xf32, #tpu.memory_space<vmem>>, vector<16xf32>,
              %get3A_426 = vector.shape_cast %get3A_425 : vector<16xf32> to vector<16xf32>
              %add3A_427 = arith.addf %get3A_426, %bitcast_convert_type3A_423 : vector<16xf32>
              %swap3A_428 = arith.constant 0 : index
              %swap3A_429 = tpu.vector_load %arg11[%swap3A_428] {strides = array<i32>} : memref<80xf32, #tpu.memory_space<vmem>>, vector<16xf32>,
              %swap3A_430 = vector.shape_cast %swap3A_429 : vector<16xf32> to vector<16xf32>
              %swap3A_431 = vector.shape_cast %add3A_427 : vector<16xf32> to vector<16xf32>
              tpu.vector_store %arg11[%swap3A_428], %swap3A_431 {strides = array<i32>} : memref<80xf32, #tpu.memory_space<vmem>>, vector<16xf32>,
              %get3A_432 = arith.constant 16 : index
              %get3A_433 = tpu.vector_load %arg10[%get3A_432] {strides = array<i32>} : memref<64xf32, #tpu.memory_space<vmem>>, vector<16xf32>,
              %get3A_434 = vector.shape_cast %get3A_433 : vector<16xf32> to vector<16xf32>
              %get3A_435 = arith.constant 16 : index
              %get3A_436 = tpu.vector_load %arg9[%get3A_435] {strides = array<i32>} : memref<256xf32, #tpu.memory_space<vmem>>, vector<16xf32>,
              %get3A_437 = vector.shape_cast %get3A_436 : vector<16xf32> to vector<16xf32>
              %mul3A_438 = arith.mulf %bitcast_convert_type3A_331, %get3A_437 : vector<16xf32>
              %add3A_439 = arith.addf %get3A_434, %mul3A_438 : vector<16xf32>
              %get3A_440 = arith.constant 80 : index
              %get3A_441 = tpu.vector_load %arg9[%get3A_440] {strides = array<i32>} : memref<256xf32, #tpu.memory_space<vmem>>, vector<16xf32>,
              %get3A_442 = vector.shape_cast %get3A_441 : vector<16xf32> to vector<16xf32>
              %mul3A_443 = arith.mulf %bitcast_convert_type3A_349, %get3A_442 : vector<16xf32>
              %add3A_444 = arith.addf %add3A_439, %mul3A_443 : vector<16xf32>
              %get3A_445 = arith.constant 144 : index
              %get3A_446 = tpu.vector_load %arg9[%get3A_445] {strides = array<i32>} : memref<256xf32, #tpu.memory_space<vmem>>, vector<16xf32>,
              %get3A_447 = vector.shape_cast %get3A_446 : vector<16xf32> to vector<16xf32>
              %mul3A_448 = arith.mulf %bitcast_convert_type3A_367, %get3A_447 : vector<16xf32>
              %add3A_449 = arith.addf %add3A_444, %mul3A_448 : vector<16xf32>
              %get3A_450 = arith.constant 208 : index
              %get3A_451 = tpu.vector_load %arg9[%get3A_450] {strides = array<i32>} : memref<256xf32, #tpu.memory_space<vmem>>, vector<16xf32>,
              %get3A_452 = vector.shape_cast %get3A_451 : vector<16xf32> to vector<16xf32>
              %mul3A_453 = arith.mulf %bitcast_convert_type3A_385, %get3A_452 : vector<16xf32>
              %add3A_454 = arith.addf %add3A_449, %mul3A_453 : vector<16xf32>
              %bitcast_convert_type3A_455 = tpu.bitcast %add3A_454 : vector<16xf32> -> vector<16xi32>
              %shift_right_arithmetic3A_456 = arith.constant 16 : i32
              %shift_right_arithmetic3A_457 = vector.broadcast %shift_right_arithmetic3A_456 : i32 to vector<16xi32>
              %shift_right_arithmetic3A_458 = arith.shrsi %bitcast_convert_type3A_455, %shift_right_arithmetic3A_457 : vector<16xi32>
              %and3A_459 = arith.constant 1 : i32
              %and3A_460 = vector.broadcast %and3A_459 : i32 to vector<16xi32>
              %and3A_461 = arith.andi %shift_right_arithmetic3A_458, %and3A_460 : vector<16xi32>
              %add3A_462 = arith.constant 32767 : i32
              %add3A_463 = vector.broadcast %add3A_462 : i32 to vector<16xi32>
              %add3A_464 = arith.addi %bitcast_convert_type3A_455, %add3A_463 : vector<16xi32>
              %add3A_465 = arith.addi %add3A_464, %and3A_461 : vector<16xi32>
              %and3A_466 = arith.constant -65536 : i32
              %and3A_467 = vector.broadcast %and3A_466 : i32 to vector<16xi32>
              %and3A_468 = arith.andi %add3A_465, %and3A_467 : vector<16xi32>
              %bitcast_convert_type3A_469 = tpu.bitcast %and3A_468 : vector<16xi32> -> vector<16xf32>
              %get3A_470 = arith.constant 16 : index
              %get3A_471 = tpu.vector_load %arg11[%get3A_470] {strides = array<i32>} : memref<80xf32, #tpu.memory_space<vmem>>, vector<16xf32>,
              %get3A_472 = vector.shape_cast %get3A_471 : vector<16xf32> to vector<16xf32>
              %add3A_473 = arith.addf %get3A_472, %bitcast_convert_type3A_469 : vector<16xf32>
              %swap3A_474 = arith.constant 16 : index
              %swap3A_475 = tpu.vector_load %arg11[%swap3A_474] {strides = array<i32>} : memref<80xf32, #tpu.memory_space<vmem>>, vector<16xf32>,
              %swap3A_476 = vector.shape_cast %swap3A_475 : vector<16xf32> to vector<16xf32>
              %swap3A_477 = vector.shape_cast %add3A_473 : vector<16xf32> to vector<16xf32>
              tpu.vector_store %arg11[%swap3A_474], %swap3A_477 {strides = array<i32>} : memref<80xf32, #tpu.memory_space<vmem>>, vector<16xf32>,
              %get3A_478 = arith.constant 32 : index
              %get3A_479 = tpu.vector_load %arg10[%get3A_478] {strides = array<i32>} : memref<64xf32, #tpu.memory_space<vmem>>, vector<16xf32>,
              %get3A_480 = vector.shape_cast %get3A_479 : vector<16xf32> to vector<16xf32>
              %get3A_481 = arith.constant 32 : index
              %get3A_482 = tpu.vector_load %arg9[%get3A_481] {strides = array<i32>} : memref<256xf32, #tpu.memory_space<vmem>>, vector<16xf32>,
              %get3A_483 = vector.shape_cast %get3A_482 : vector<16xf32> to vector<16xf32>
              %mul3A_484 = arith.mulf %bitcast_convert_type3A_331, %get3A_483 : vector<16xf32>
              %add3A_485 = arith.addf %get3A_480, %mul3A_484 : vector<16xf32>
              %get3A_486 = arith.constant 96 : index
              %get3A_487 = tpu.vector_load %arg9[%get3A_486] {strides = array<i32>} : memref<256xf32, #tpu.memory_space<vmem>>, vector<16xf32>,
              %get3A_488 = vector.shape_cast %get3A_487 : vector<16xf32> to vector<16xf32>
              %mul3A_489 = arith.mulf %bitcast_convert_type3A_349, %get3A_488 : vector<16xf32>
              %add3A_490 = arith.addf %add3A_485, %mul3A_489 : vector<16xf32>
              %get3A_491 = arith.constant 160 : index
              %get3A_492 = tpu.vector_load %arg9[%get3A_491] {strides = array<i32>} : memref<256xf32, #tpu.memory_space<vmem>>, vector<16xf32>,
              %get3A_493 = vector.shape_cast %get3A_492 : vector<16xf32> to vector<16xf32>
              %mul3A_494 = arith.mulf %bitcast_convert_type3A_367, %get3A_493 : vector<16xf32>
              %add3A_495 = arith.addf %add3A_490, %mul3A_494 : vector<16xf32>
              %get3A_496 = arith.constant 224 : index
              %get3A_497 = tpu.vector_load %arg9[%get3A_496] {strides = array<i32>} : memref<256xf32, #tpu.memory_space<vmem>>, vector<16xf32>,
              %get3A_498 = vector.shape_cast %get3A_497 : vector<16xf32> to vector<16xf32>
              %mul3A_499 = arith.mulf %bitcast_convert_type3A_385, %get3A_498 : vector<16xf32>
              %add3A_500 = arith.addf %add3A_495, %mul3A_499 : vector<16xf32>
              %bitcast_convert_type3A_501 = tpu.bitcast %add3A_500 : vector<16xf32> -> vector<16xi32>
              %shift_right_arithmetic3A_502 = arith.constant 16 : i32
              %shift_right_arithmetic3A_503 = vector.broadcast %shift_right_arithmetic3A_502 : i32 to vector<16xi32>
              %shift_right_arithmetic3A_504 = arith.shrsi %bitcast_convert_type3A_501, %shift_right_arithmetic3A_503 : vector<16xi32>
              %and3A_505 = arith.constant 1 : i32
              %and3A_506 = vector.broadcast %and3A_505 : i32 to vector<16xi32>
              %and3A_507 = arith.andi %shift_right_arithmetic3A_504, %and3A_506 : vector<16xi32>
              %add3A_508 = arith.constant 32767 : i32
              %add3A_509 = vector.broadcast %add3A_508 : i32 to vector<16xi32>
              %add3A_510 = arith.addi %bitcast_convert_type3A_501, %add3A_509 : vector<16xi32>
              %add3A_511 = arith.addi %add3A_510, %and3A_507 : vector<16xi32>
              %and3A_512 = arith.constant -65536 : i32
              %and3A_513 = vector.broadcast %and3A_512 : i32 to vector<16xi32>
              %and3A_514 = arith.andi %add3A_511, %and3A_513 : vector<16xi32>
              %bitcast_convert_type3A_515 = tpu.bitcast %and3A_514 : vector<16xi32> -> vector<16xf32>
              %get3A_516 = arith.constant 32 : index
              %get3A_517 = tpu.vector_load %arg11[%get3A_516] {strides = array<i32>} : memref<80xf32, #tpu.memory_space<vmem>>, vector<16xf32>,
              %get3A_518 = vector.shape_cast %get3A_517 : vector<16xf32> to vector<16xf32>
              %add3A_519 = arith.addf %get3A_518, %bitcast_convert_type3A_515 : vector<16xf32>
              %swap3A_520 = arith.constant 32 : index
              %swap3A_521 = tpu.vector_load %arg11[%swap3A_520] {strides = array<i32>} : memref<80xf32, #tpu.memory_space<vmem>>, vector<16xf32>,
              %swap3A_522 = vector.shape_cast %swap3A_521 : vector<16xf32> to vector<16xf32>
              %swap3A_523 = vector.shape_cast %add3A_519 : vector<16xf32> to vector<16xf32>
              tpu.vector_store %arg11[%swap3A_520], %swap3A_523 {strides = array<i32>} : memref<80xf32, #tpu.memory_space<vmem>>, vector<16xf32>,
              %get3A_524 = arith.constant 48 : index
              %get3A_525 = tpu.vector_load %arg10[%get3A_524] {strides = array<i32>} : memref<64xf32, #tpu.memory_space<vmem>>, vector<16xf32>,
              %get3A_526 = vector.shape_cast %get3A_525 : vector<16xf32> to vector<16xf32>
              %get3A_527 = arith.constant 48 : index
              %get3A_528 = tpu.vector_load %arg9[%get3A_527] {strides = array<i32>} : memref<256xf32, #tpu.memory_space<vmem>>, vector<16xf32>,
              %get3A_529 = vector.shape_cast %get3A_528 : vector<16xf32> to vector<16xf32>
              %mul3A_530 = arith.mulf %bitcast_convert_type3A_331, %get3A_529 : vector<16xf32>
              %add3A_531 = arith.addf %get3A_526, %mul3A_530 : vector<16xf32>
              %get3A_532 = arith.constant 112 : index
              %get3A_533 = tpu.vector_load %arg9[%get3A_532] {strides = array<i32>} : memref<256xf32, #tpu.memory_space<vmem>>, vector<16xf32>,
              %get3A_534 = vector.shape_cast %get3A_533 : vector<16xf32> to vector<16xf32>
              %mul3A_535 = arith.mulf %bitcast_convert_type3A_349, %get3A_534 : vector<16xf32>
              %add3A_536 = arith.addf %add3A_531, %mul3A_535 : vector<16xf32>
              %get3A_537 = arith.constant 176 : index
              %get3A_538 = tpu.vector_load %arg9[%get3A_537] {strides = array<i32>} : memref<256xf32, #tpu.memory_space<vmem>>, vector<16xf32>,
              %get3A_539 = vector.shape_cast %get3A_538 : vector<16xf32> to vector<16xf32>
              %mul3A_540 = arith.mulf %bitcast_convert_type3A_367, %get3A_539 : vector<16xf32>
              %add3A_541 = arith.addf %add3A_536, %mul3A_540 : vector<16xf32>
              %get3A_542 = arith.constant 240 : index
              %get3A_543 = tpu.vector_load %arg9[%get3A_542] {strides = array<i32>} : memref<256xf32, #tpu.memory_space<vmem>>, vector<16xf32>,
              %get3A_544 = vector.shape_cast %get3A_543 : vector<16xf32> to vector<16xf32>
              %mul3A_545 = arith.mulf %bitcast_convert_type3A_385, %get3A_544 : vector<16xf32>
              %add3A_546 = arith.addf %add3A_541, %mul3A_545 : vector<16xf32>
              %bitcast_convert_type3A_547 = tpu.bitcast %add3A_546 : vector<16xf32> -> vector<16xi32>
              %shift_right_arithmetic3A_548 = arith.constant 16 : i32
              %shift_right_arithmetic3A_549 = vector.broadcast %shift_right_arithmetic3A_548 : i32 to vector<16xi32>
              %shift_right_arithmetic3A_550 = arith.shrsi %bitcast_convert_type3A_547, %shift_right_arithmetic3A_549 : vector<16xi32>
              %and3A_551 = arith.constant 1 : i32
              %and3A_552 = vector.broadcast %and3A_551 : i32 to vector<16xi32>
              %and3A_553 = arith.andi %shift_right_arithmetic3A_550, %and3A_552 : vector<16xi32>
              %add3A_554 = arith.constant 32767 : i32
              %add3A_555 = vector.broadcast %add3A_554 : i32 to vector<16xi32>
              %add3A_556 = arith.addi %bitcast_convert_type3A_547, %add3A_555 : vector<16xi32>
              %add3A_557 = arith.addi %add3A_556, %and3A_553 : vector<16xi32>
              %and3A_558 = arith.constant -65536 : i32
              %and3A_559 = vector.broadcast %and3A_558 : i32 to vector<16xi32>
              %and3A_560 = arith.andi %add3A_557, %and3A_559 : vector<16xi32>
              %bitcast_convert_type3A_561 = tpu.bitcast %and3A_560 : vector<16xi32> -> vector<16xf32>
              %get3A_562 = arith.constant 48 : index
              %get3A_563 = tpu.vector_load %arg11[%get3A_562] {strides = array<i32>} : memref<80xf32, #tpu.memory_space<vmem>>, vector<16xf32>,
              %get3A_564 = vector.shape_cast %get3A_563 : vector<16xf32> to vector<16xf32>
              %add3A_565 = arith.addf %get3A_564, %bitcast_convert_type3A_561 : vector<16xf32>
              %swap3A_566 = arith.constant 48 : index
              %swap3A_567 = tpu.vector_load %arg11[%swap3A_566] {strides = array<i32>} : memref<80xf32, #tpu.memory_space<vmem>>, vector<16xf32>,
              %swap3A_568 = vector.shape_cast %swap3A_567 : vector<16xf32> to vector<16xf32>
              %swap3A_569 = vector.shape_cast %add3A_565 : vector<16xf32> to vector<16xf32>
              tpu.vector_store %arg11[%swap3A_566], %swap3A_569 {strides = array<i32>} : memref<80xf32, #tpu.memory_space<vmem>>, vector<16xf32>,
            } else {
            }
            %slice3A_239 = vector.extract_strided_slice %get3A_140 {offsets = [6], sizes = [1], strides = [1]} : vector<16xi32> to vector<1xi32>
            %squeeze3A_240 = vector.extract %slice3A_239[0] : i32 from vector<1xi32>
            %eq3A_241 = arith.constant 0 : i32
            %eq3A_242 = arith.cmpi eq, %squeeze3A_240, %eq3A_241 : i32
            %convert_element_type3A_243 = arith.extui %eq3A_242 : i1 to i32
            %cond3A_244 = arith.constant 0 : i32
            %cond3A_245 = arith.cmpi ne, %convert_element_type3A_243, %cond3A_244 : i32
            scf.if %cond3A_245 {
              %add3A_309 = arith.constant 6 : i32
              %add3A_310 = arith.addi %add3A_138, %add3A_309 : i32
              %mul3A_311 = arith.constant 4 : i32
              %mul3A_312 = arith.muli %add3A_310, %mul3A_311 : i32
              %get3A_313 = arith.index_cast %mul3A_312 : i32 to index
              %get3A_314 = tpu.vector_load %arg7[%get3A_313] {strides = array<i32>} : memref<40016xf32, #tpu.memory_space<vmem>>, vector<16xf32>,
              %get3A_315 = vector.shape_cast %get3A_314 : vector<16xf32> to vector<16xf32>
              %slice3A_316 = vector.extract_strided_slice %get3A_315 {offsets = [0], sizes = [1], strides = [1]} : vector<16xf32> to vector<1xf32>
              %squeeze3A_317 = vector.extract %slice3A_316[0] : f32 from vector<1xf32>
              %broadcast_in_dim3A_318 = vector.broadcast %squeeze3A_317 : f32 to vector<16xf32>
              %bitcast_convert_type3A = tpu.bitcast %broadcast_in_dim3A_318 : vector<16xf32> -> vector<16xi32>
              %shift_right_arithmetic3A = arith.constant 16 : i32
              %shift_right_arithmetic3A_319 = vector.broadcast %shift_right_arithmetic3A : i32 to vector<16xi32>
              %shift_right_arithmetic3A_320 = arith.shrsi %bitcast_convert_type3A, %shift_right_arithmetic3A_319 : vector<16xi32>
              %and3A_321 = arith.constant 1 : i32
              %and3A_322 = vector.broadcast %and3A_321 : i32 to vector<16xi32>
              %and3A_323 = arith.andi %shift_right_arithmetic3A_320, %and3A_322 : vector<16xi32>
              %add3A_324 = arith.constant 32767 : i32
              %add3A_325 = vector.broadcast %add3A_324 : i32 to vector<16xi32>
              %add3A_326 = arith.addi %bitcast_convert_type3A, %add3A_325 : vector<16xi32>
              %add3A_327 = arith.addi %add3A_326, %and3A_323 : vector<16xi32>
              %and3A_328 = arith.constant -65536 : i32
              %and3A_329 = vector.broadcast %and3A_328 : i32 to vector<16xi32>
              %and3A_330 = arith.andi %add3A_327, %and3A_329 : vector<16xi32>
              %bitcast_convert_type3A_331 = tpu.bitcast %and3A_330 : vector<16xi32> -> vector<16xf32>
              %slice3A_332 = vector.extract_strided_slice %get3A_315 {offsets = [1], sizes = [1], strides = [1]} : vector<16xf32> to vector<1xf32>
              %squeeze3A_333 = vector.extract %slice3A_332[0] : f32 from vector<1xf32>
              %broadcast_in_dim3A_334 = vector.broadcast %squeeze3A_333 : f32 to vector<16xf32>
              %bitcast_convert_type3A_335 = tpu.bitcast %broadcast_in_dim3A_334 : vector<16xf32> -> vector<16xi32>
              %shift_right_arithmetic3A_336 = arith.constant 16 : i32
              %shift_right_arithmetic3A_337 = vector.broadcast %shift_right_arithmetic3A_336 : i32 to vector<16xi32>
              %shift_right_arithmetic3A_338 = arith.shrsi %bitcast_convert_type3A_335, %shift_right_arithmetic3A_337 : vector<16xi32>
              %and3A_339 = arith.constant 1 : i32
              %and3A_340 = vector.broadcast %and3A_339 : i32 to vector<16xi32>
              %and3A_341 = arith.andi %shift_right_arithmetic3A_338, %and3A_340 : vector<16xi32>
              %add3A_342 = arith.constant 32767 : i32
              %add3A_343 = vector.broadcast %add3A_342 : i32 to vector<16xi32>
              %add3A_344 = arith.addi %bitcast_convert_type3A_335, %add3A_343 : vector<16xi32>
              %add3A_345 = arith.addi %add3A_344, %and3A_341 : vector<16xi32>
              %and3A_346 = arith.constant -65536 : i32
              %and3A_347 = vector.broadcast %and3A_346 : i32 to vector<16xi32>
              %and3A_348 = arith.andi %add3A_345, %and3A_347 : vector<16xi32>
              %bitcast_convert_type3A_349 = tpu.bitcast %and3A_348 : vector<16xi32> -> vector<16xf32>
              %slice3A_350 = vector.extract_strided_slice %get3A_315 {offsets = [2], sizes = [1], strides = [1]} : vector<16xf32> to vector<1xf32>
              %squeeze3A_351 = vector.extract %slice3A_350[0] : f32 from vector<1xf32>
              %broadcast_in_dim3A_352 = vector.broadcast %squeeze3A_351 : f32 to vector<16xf32>
              %bitcast_convert_type3A_353 = tpu.bitcast %broadcast_in_dim3A_352 : vector<16xf32> -> vector<16xi32>
              %shift_right_arithmetic3A_354 = arith.constant 16 : i32
              %shift_right_arithmetic3A_355 = vector.broadcast %shift_right_arithmetic3A_354 : i32 to vector<16xi32>
              %shift_right_arithmetic3A_356 = arith.shrsi %bitcast_convert_type3A_353, %shift_right_arithmetic3A_355 : vector<16xi32>
              %and3A_357 = arith.constant 1 : i32
              %and3A_358 = vector.broadcast %and3A_357 : i32 to vector<16xi32>
              %and3A_359 = arith.andi %shift_right_arithmetic3A_356, %and3A_358 : vector<16xi32>
              %add3A_360 = arith.constant 32767 : i32
              %add3A_361 = vector.broadcast %add3A_360 : i32 to vector<16xi32>
              %add3A_362 = arith.addi %bitcast_convert_type3A_353, %add3A_361 : vector<16xi32>
              %add3A_363 = arith.addi %add3A_362, %and3A_359 : vector<16xi32>
              %and3A_364 = arith.constant -65536 : i32
              %and3A_365 = vector.broadcast %and3A_364 : i32 to vector<16xi32>
              %and3A_366 = arith.andi %add3A_363, %and3A_365 : vector<16xi32>
              %bitcast_convert_type3A_367 = tpu.bitcast %and3A_366 : vector<16xi32> -> vector<16xf32>
              %slice3A_368 = vector.extract_strided_slice %get3A_315 {offsets = [3], sizes = [1], strides = [1]} : vector<16xf32> to vector<1xf32>
              %squeeze3A_369 = vector.extract %slice3A_368[0] : f32 from vector<1xf32>
              %broadcast_in_dim3A_370 = vector.broadcast %squeeze3A_369 : f32 to vector<16xf32>
              %bitcast_convert_type3A_371 = tpu.bitcast %broadcast_in_dim3A_370 : vector<16xf32> -> vector<16xi32>
              %shift_right_arithmetic3A_372 = arith.constant 16 : i32
              %shift_right_arithmetic3A_373 = vector.broadcast %shift_right_arithmetic3A_372 : i32 to vector<16xi32>
              %shift_right_arithmetic3A_374 = arith.shrsi %bitcast_convert_type3A_371, %shift_right_arithmetic3A_373 : vector<16xi32>
              %and3A_375 = arith.constant 1 : i32
              %and3A_376 = vector.broadcast %and3A_375 : i32 to vector<16xi32>
              %and3A_377 = arith.andi %shift_right_arithmetic3A_374, %and3A_376 : vector<16xi32>
              %add3A_378 = arith.constant 32767 : i32
              %add3A_379 = vector.broadcast %add3A_378 : i32 to vector<16xi32>
              %add3A_380 = arith.addi %bitcast_convert_type3A_371, %add3A_379 : vector<16xi32>
              %add3A_381 = arith.addi %add3A_380, %and3A_377 : vector<16xi32>
              %and3A_382 = arith.constant -65536 : i32
              %and3A_383 = vector.broadcast %and3A_382 : i32 to vector<16xi32>
              %and3A_384 = arith.andi %add3A_381, %and3A_383 : vector<16xi32>
              %bitcast_convert_type3A_385 = tpu.bitcast %and3A_384 : vector<16xi32> -> vector<16xf32>
              %get3A_386 = arith.constant 0 : index
              %get3A_387 = tpu.vector_load %arg10[%get3A_386] {strides = array<i32>} : memref<64xf32, #tpu.memory_space<vmem>>, vector<16xf32>,
              %get3A_388 = vector.shape_cast %get3A_387 : vector<16xf32> to vector<16xf32>
              %get3A_389 = arith.constant 0 : index
              %get3A_390 = tpu.vector_load %arg9[%get3A_389] {strides = array<i32>} : memref<256xf32, #tpu.memory_space<vmem>>, vector<16xf32>,
              %get3A_391 = vector.shape_cast %get3A_390 : vector<16xf32> to vector<16xf32>
              %mul3A_392 = arith.mulf %bitcast_convert_type3A_331, %get3A_391 : vector<16xf32>
              %add3A_393 = arith.addf %get3A_388, %mul3A_392 : vector<16xf32>
              %get3A_394 = arith.constant 64 : index
              %get3A_395 = tpu.vector_load %arg9[%get3A_394] {strides = array<i32>} : memref<256xf32, #tpu.memory_space<vmem>>, vector<16xf32>,
              %get3A_396 = vector.shape_cast %get3A_395 : vector<16xf32> to vector<16xf32>
              %mul3A_397 = arith.mulf %bitcast_convert_type3A_349, %get3A_396 : vector<16xf32>
              %add3A_398 = arith.addf %add3A_393, %mul3A_397 : vector<16xf32>
              %get3A_399 = arith.constant 128 : index
              %get3A_400 = tpu.vector_load %arg9[%get3A_399] {strides = array<i32>} : memref<256xf32, #tpu.memory_space<vmem>>, vector<16xf32>,
              %get3A_401 = vector.shape_cast %get3A_400 : vector<16xf32> to vector<16xf32>
              %mul3A_402 = arith.mulf %bitcast_convert_type3A_367, %get3A_401 : vector<16xf32>
              %add3A_403 = arith.addf %add3A_398, %mul3A_402 : vector<16xf32>
              %get3A_404 = arith.constant 192 : index
              %get3A_405 = tpu.vector_load %arg9[%get3A_404] {strides = array<i32>} : memref<256xf32, #tpu.memory_space<vmem>>, vector<16xf32>,
              %get3A_406 = vector.shape_cast %get3A_405 : vector<16xf32> to vector<16xf32>
              %mul3A_407 = arith.mulf %bitcast_convert_type3A_385, %get3A_406 : vector<16xf32>
              %add3A_408 = arith.addf %add3A_403, %mul3A_407 : vector<16xf32>
              %bitcast_convert_type3A_409 = tpu.bitcast %add3A_408 : vector<16xf32> -> vector<16xi32>
              %shift_right_arithmetic3A_410 = arith.constant 16 : i32
              %shift_right_arithmetic3A_411 = vector.broadcast %shift_right_arithmetic3A_410 : i32 to vector<16xi32>
              %shift_right_arithmetic3A_412 = arith.shrsi %bitcast_convert_type3A_409, %shift_right_arithmetic3A_411 : vector<16xi32>
              %and3A_413 = arith.constant 1 : i32
              %and3A_414 = vector.broadcast %and3A_413 : i32 to vector<16xi32>
              %and3A_415 = arith.andi %shift_right_arithmetic3A_412, %and3A_414 : vector<16xi32>
              %add3A_416 = arith.constant 32767 : i32
              %add3A_417 = vector.broadcast %add3A_416 : i32 to vector<16xi32>
              %add3A_418 = arith.addi %bitcast_convert_type3A_409, %add3A_417 : vector<16xi32>
              %add3A_419 = arith.addi %add3A_418, %and3A_415 : vector<16xi32>
              %and3A_420 = arith.constant -65536 : i32
              %and3A_421 = vector.broadcast %and3A_420 : i32 to vector<16xi32>
              %and3A_422 = arith.andi %add3A_419, %and3A_421 : vector<16xi32>
              %bitcast_convert_type3A_423 = tpu.bitcast %and3A_422 : vector<16xi32> -> vector<16xf32>
              %get3A_424 = arith.constant 0 : index
              %get3A_425 = tpu.vector_load %arg11[%get3A_424] {strides = array<i32>} : memref<80xf32, #tpu.memory_space<vmem>>, vector<16xf32>,
              %get3A_426 = vector.shape_cast %get3A_425 : vector<16xf32> to vector<16xf32>
              %add3A_427 = arith.addf %get3A_426, %bitcast_convert_type3A_423 : vector<16xf32>
              %swap3A_428 = arith.constant 0 : index
              %swap3A_429 = tpu.vector_load %arg11[%swap3A_428] {strides = array<i32>} : memref<80xf32, #tpu.memory_space<vmem>>, vector<16xf32>,
              %swap3A_430 = vector.shape_cast %swap3A_429 : vector<16xf32> to vector<16xf32>
              %swap3A_431 = vector.shape_cast %add3A_427 : vector<16xf32> to vector<16xf32>
              tpu.vector_store %arg11[%swap3A_428], %swap3A_431 {strides = array<i32>} : memref<80xf32, #tpu.memory_space<vmem>>, vector<16xf32>,
              %get3A_432 = arith.constant 16 : index
              %get3A_433 = tpu.vector_load %arg10[%get3A_432] {strides = array<i32>} : memref<64xf32, #tpu.memory_space<vmem>>, vector<16xf32>,
              %get3A_434 = vector.shape_cast %get3A_433 : vector<16xf32> to vector<16xf32>
              %get3A_435 = arith.constant 16 : index
              %get3A_436 = tpu.vector_load %arg9[%get3A_435] {strides = array<i32>} : memref<256xf32, #tpu.memory_space<vmem>>, vector<16xf32>,
              %get3A_437 = vector.shape_cast %get3A_436 : vector<16xf32> to vector<16xf32>
              %mul3A_438 = arith.mulf %bitcast_convert_type3A_331, %get3A_437 : vector<16xf32>
              %add3A_439 = arith.addf %get3A_434, %mul3A_438 : vector<16xf32>
              %get3A_440 = arith.constant 80 : index
              %get3A_441 = tpu.vector_load %arg9[%get3A_440] {strides = array<i32>} : memref<256xf32, #tpu.memory_space<vmem>>, vector<16xf32>,
              %get3A_442 = vector.shape_cast %get3A_441 : vector<16xf32> to vector<16xf32>
              %mul3A_443 = arith.mulf %bitcast_convert_type3A_349, %get3A_442 : vector<16xf32>
              %add3A_444 = arith.addf %add3A_439, %mul3A_443 : vector<16xf32>
              %get3A_445 = arith.constant 144 : index
              %get3A_446 = tpu.vector_load %arg9[%get3A_445] {strides = array<i32>} : memref<256xf32, #tpu.memory_space<vmem>>, vector<16xf32>,
              %get3A_447 = vector.shape_cast %get3A_446 : vector<16xf32> to vector<16xf32>
              %mul3A_448 = arith.mulf %bitcast_convert_type3A_367, %get3A_447 : vector<16xf32>
              %add3A_449 = arith.addf %add3A_444, %mul3A_448 : vector<16xf32>
              %get3A_450 = arith.constant 208 : index
              %get3A_451 = tpu.vector_load %arg9[%get3A_450] {strides = array<i32>} : memref<256xf32, #tpu.memory_space<vmem>>, vector<16xf32>,
              %get3A_452 = vector.shape_cast %get3A_451 : vector<16xf32> to vector<16xf32>
              %mul3A_453 = arith.mulf %bitcast_convert_type3A_385, %get3A_452 : vector<16xf32>
              %add3A_454 = arith.addf %add3A_449, %mul3A_453 : vector<16xf32>
              %bitcast_convert_type3A_455 = tpu.bitcast %add3A_454 : vector<16xf32> -> vector<16xi32>
              %shift_right_arithmetic3A_456 = arith.constant 16 : i32
              %shift_right_arithmetic3A_457 = vector.broadcast %shift_right_arithmetic3A_456 : i32 to vector<16xi32>
              %shift_right_arithmetic3A_458 = arith.shrsi %bitcast_convert_type3A_455, %shift_right_arithmetic3A_457 : vector<16xi32>
              %and3A_459 = arith.constant 1 : i32
              %and3A_460 = vector.broadcast %and3A_459 : i32 to vector<16xi32>
              %and3A_461 = arith.andi %shift_right_arithmetic3A_458, %and3A_460 : vector<16xi32>
              %add3A_462 = arith.constant 32767 : i32
              %add3A_463 = vector.broadcast %add3A_462 : i32 to vector<16xi32>
              %add3A_464 = arith.addi %bitcast_convert_type3A_455, %add3A_463 : vector<16xi32>
              %add3A_465 = arith.addi %add3A_464, %and3A_461 : vector<16xi32>
              %and3A_466 = arith.constant -65536 : i32
              %and3A_467 = vector.broadcast %and3A_466 : i32 to vector<16xi32>
              %and3A_468 = arith.andi %add3A_465, %and3A_467 : vector<16xi32>
              %bitcast_convert_type3A_469 = tpu.bitcast %and3A_468 : vector<16xi32> -> vector<16xf32>
              %get3A_470 = arith.constant 16 : index
              %get3A_471 = tpu.vector_load %arg11[%get3A_470] {strides = array<i32>} : memref<80xf32, #tpu.memory_space<vmem>>, vector<16xf32>,
              %get3A_472 = vector.shape_cast %get3A_471 : vector<16xf32> to vector<16xf32>
              %add3A_473 = arith.addf %get3A_472, %bitcast_convert_type3A_469 : vector<16xf32>
              %swap3A_474 = arith.constant 16 : index
              %swap3A_475 = tpu.vector_load %arg11[%swap3A_474] {strides = array<i32>} : memref<80xf32, #tpu.memory_space<vmem>>, vector<16xf32>,
              %swap3A_476 = vector.shape_cast %swap3A_475 : vector<16xf32> to vector<16xf32>
              %swap3A_477 = vector.shape_cast %add3A_473 : vector<16xf32> to vector<16xf32>
              tpu.vector_store %arg11[%swap3A_474], %swap3A_477 {strides = array<i32>} : memref<80xf32, #tpu.memory_space<vmem>>, vector<16xf32>,
              %get3A_478 = arith.constant 32 : index
              %get3A_479 = tpu.vector_load %arg10[%get3A_478] {strides = array<i32>} : memref<64xf32, #tpu.memory_space<vmem>>, vector<16xf32>,
              %get3A_480 = vector.shape_cast %get3A_479 : vector<16xf32> to vector<16xf32>
              %get3A_481 = arith.constant 32 : index
              %get3A_482 = tpu.vector_load %arg9[%get3A_481] {strides = array<i32>} : memref<256xf32, #tpu.memory_space<vmem>>, vector<16xf32>,
              %get3A_483 = vector.shape_cast %get3A_482 : vector<16xf32> to vector<16xf32>
              %mul3A_484 = arith.mulf %bitcast_convert_type3A_331, %get3A_483 : vector<16xf32>
              %add3A_485 = arith.addf %get3A_480, %mul3A_484 : vector<16xf32>
              %get3A_486 = arith.constant 96 : index
              %get3A_487 = tpu.vector_load %arg9[%get3A_486] {strides = array<i32>} : memref<256xf32, #tpu.memory_space<vmem>>, vector<16xf32>,
              %get3A_488 = vector.shape_cast %get3A_487 : vector<16xf32> to vector<16xf32>
              %mul3A_489 = arith.mulf %bitcast_convert_type3A_349, %get3A_488 : vector<16xf32>
              %add3A_490 = arith.addf %add3A_485, %mul3A_489 : vector<16xf32>
              %get3A_491 = arith.constant 160 : index
              %get3A_492 = tpu.vector_load %arg9[%get3A_491] {strides = array<i32>} : memref<256xf32, #tpu.memory_space<vmem>>, vector<16xf32>,
              %get3A_493 = vector.shape_cast %get3A_492 : vector<16xf32> to vector<16xf32>
              %mul3A_494 = arith.mulf %bitcast_convert_type3A_367, %get3A_493 : vector<16xf32>
              %add3A_495 = arith.addf %add3A_490, %mul3A_494 : vector<16xf32>
              %get3A_496 = arith.constant 224 : index
              %get3A_497 = tpu.vector_load %arg9[%get3A_496] {strides = array<i32>} : memref<256xf32, #tpu.memory_space<vmem>>, vector<16xf32>,
              %get3A_498 = vector.shape_cast %get3A_497 : vector<16xf32> to vector<16xf32>
              %mul3A_499 = arith.mulf %bitcast_convert_type3A_385, %get3A_498 : vector<16xf32>
              %add3A_500 = arith.addf %add3A_495, %mul3A_499 : vector<16xf32>
              %bitcast_convert_type3A_501 = tpu.bitcast %add3A_500 : vector<16xf32> -> vector<16xi32>
              %shift_right_arithmetic3A_502 = arith.constant 16 : i32
              %shift_right_arithmetic3A_503 = vector.broadcast %shift_right_arithmetic3A_502 : i32 to vector<16xi32>
              %shift_right_arithmetic3A_504 = arith.shrsi %bitcast_convert_type3A_501, %shift_right_arithmetic3A_503 : vector<16xi32>
              %and3A_505 = arith.constant 1 : i32
              %and3A_506 = vector.broadcast %and3A_505 : i32 to vector<16xi32>
              %and3A_507 = arith.andi %shift_right_arithmetic3A_504, %and3A_506 : vector<16xi32>
              %add3A_508 = arith.constant 32767 : i32
              %add3A_509 = vector.broadcast %add3A_508 : i32 to vector<16xi32>
              %add3A_510 = arith.addi %bitcast_convert_type3A_501, %add3A_509 : vector<16xi32>
              %add3A_511 = arith.addi %add3A_510, %and3A_507 : vector<16xi32>
              %and3A_512 = arith.constant -65536 : i32
              %and3A_513 = vector.broadcast %and3A_512 : i32 to vector<16xi32>
              %and3A_514 = arith.andi %add3A_511, %and3A_513 : vector<16xi32>
              %bitcast_convert_type3A_515 = tpu.bitcast %and3A_514 : vector<16xi32> -> vector<16xf32>
              %get3A_516 = arith.constant 32 : index
              %get3A_517 = tpu.vector_load %arg11[%get3A_516] {strides = array<i32>} : memref<80xf32, #tpu.memory_space<vmem>>, vector<16xf32>,
              %get3A_518 = vector.shape_cast %get3A_517 : vector<16xf32> to vector<16xf32>
              %add3A_519 = arith.addf %get3A_518, %bitcast_convert_type3A_515 : vector<16xf32>
              %swap3A_520 = arith.constant 32 : index
              %swap3A_521 = tpu.vector_load %arg11[%swap3A_520] {strides = array<i32>} : memref<80xf32, #tpu.memory_space<vmem>>, vector<16xf32>,
              %swap3A_522 = vector.shape_cast %swap3A_521 : vector<16xf32> to vector<16xf32>
              %swap3A_523 = vector.shape_cast %add3A_519 : vector<16xf32> to vector<16xf32>
              tpu.vector_store %arg11[%swap3A_520], %swap3A_523 {strides = array<i32>} : memref<80xf32, #tpu.memory_space<vmem>>, vector<16xf32>,
              %get3A_524 = arith.constant 48 : index
              %get3A_525 = tpu.vector_load %arg10[%get3A_524] {strides = array<i32>} : memref<64xf32, #tpu.memory_space<vmem>>, vector<16xf32>,
              %get3A_526 = vector.shape_cast %get3A_525 : vector<16xf32> to vector<16xf32>
              %get3A_527 = arith.constant 48 : index
              %get3A_528 = tpu.vector_load %arg9[%get3A_527] {strides = array<i32>} : memref<256xf32, #tpu.memory_space<vmem>>, vector<16xf32>,
              %get3A_529 = vector.shape_cast %get3A_528 : vector<16xf32> to vector<16xf32>
              %mul3A_530 = arith.mulf %bitcast_convert_type3A_331, %get3A_529 : vector<16xf32>
              %add3A_531 = arith.addf %get3A_526, %mul3A_530 : vector<16xf32>
              %get3A_532 = arith.constant 112 : index
              %get3A_533 = tpu.vector_load %arg9[%get3A_532] {strides = array<i32>} : memref<256xf32, #tpu.memory_space<vmem>>, vector<16xf32>,
              %get3A_534 = vector.shape_cast %get3A_533 : vector<16xf32> to vector<16xf32>
              %mul3A_535 = arith.mulf %bitcast_convert_type3A_349, %get3A_534 : vector<16xf32>
              %add3A_536 = arith.addf %add3A_531, %mul3A_535 : vector<16xf32>
              %get3A_537 = arith.constant 176 : index
              %get3A_538 = tpu.vector_load %arg9[%get3A_537] {strides = array<i32>} : memref<256xf32, #tpu.memory_space<vmem>>, vector<16xf32>,
              %get3A_539 = vector.shape_cast %get3A_538 : vector<16xf32> to vector<16xf32>
              %mul3A_540 = arith.mulf %bitcast_convert_type3A_367, %get3A_539 : vector<16xf32>
              %add3A_541 = arith.addf %add3A_536, %mul3A_540 : vector<16xf32>
              %get3A_542 = arith.constant 240 : index
              %get3A_543 = tpu.vector_load %arg9[%get3A_542] {strides = array<i32>} : memref<256xf32, #tpu.memory_space<vmem>>, vector<16xf32>,
              %get3A_544 = vector.shape_cast %get3A_543 : vector<16xf32> to vector<16xf32>
              %mul3A_545 = arith.mulf %bitcast_convert_type3A_385, %get3A_544 : vector<16xf32>
              %add3A_546 = arith.addf %add3A_541, %mul3A_545 : vector<16xf32>
              %bitcast_convert_type3A_547 = tpu.bitcast %add3A_546 : vector<16xf32> -> vector<16xi32>
              %shift_right_arithmetic3A_548 = arith.constant 16 : i32
              %shift_right_arithmetic3A_549 = vector.broadcast %shift_right_arithmetic3A_548 : i32 to vector<16xi32>
              %shift_right_arithmetic3A_550 = arith.shrsi %bitcast_convert_type3A_547, %shift_right_arithmetic3A_549 : vector<16xi32>
              %and3A_551 = arith.constant 1 : i32
              %and3A_552 = vector.broadcast %and3A_551 : i32 to vector<16xi32>
              %and3A_553 = arith.andi %shift_right_arithmetic3A_550, %and3A_552 : vector<16xi32>
              %add3A_554 = arith.constant 32767 : i32
              %add3A_555 = vector.broadcast %add3A_554 : i32 to vector<16xi32>
              %add3A_556 = arith.addi %bitcast_convert_type3A_547, %add3A_555 : vector<16xi32>
              %add3A_557 = arith.addi %add3A_556, %and3A_553 : vector<16xi32>
              %and3A_558 = arith.constant -65536 : i32
              %and3A_559 = vector.broadcast %and3A_558 : i32 to vector<16xi32>
              %and3A_560 = arith.andi %add3A_557, %and3A_559 : vector<16xi32>
              %bitcast_convert_type3A_561 = tpu.bitcast %and3A_560 : vector<16xi32> -> vector<16xf32>
              %get3A_562 = arith.constant 48 : index
              %get3A_563 = tpu.vector_load %arg11[%get3A_562] {strides = array<i32>} : memref<80xf32, #tpu.memory_space<vmem>>, vector<16xf32>,
              %get3A_564 = vector.shape_cast %get3A_563 : vector<16xf32> to vector<16xf32>
              %add3A_565 = arith.addf %get3A_564, %bitcast_convert_type3A_561 : vector<16xf32>
              %swap3A_566 = arith.constant 48 : index
              %swap3A_567 = tpu.vector_load %arg11[%swap3A_566] {strides = array<i32>} : memref<80xf32, #tpu.memory_space<vmem>>, vector<16xf32>,
              %swap3A_568 = vector.shape_cast %swap3A_567 : vector<16xf32> to vector<16xf32>
              %swap3A_569 = vector.shape_cast %add3A_565 : vector<16xf32> to vector<16xf32>
              tpu.vector_store %arg11[%swap3A_566], %swap3A_569 {strides = array<i32>} : memref<80xf32, #tpu.memory_space<vmem>>, vector<16xf32>,
            } else {
            }
            %slice3A_246 = vector.extract_strided_slice %get3A_140 {offsets = [7], sizes = [1], strides = [1]} : vector<16xi32> to vector<1xi32>
            %squeeze3A_247 = vector.extract %slice3A_246[0] : i32 from vector<1xi32>
            %eq3A_248 = arith.constant 0 : i32
            %eq3A_249 = arith.cmpi eq, %squeeze3A_247, %eq3A_248 : i32
            %convert_element_type3A_250 = arith.extui %eq3A_249 : i1 to i32
            %cond3A_251 = arith.constant 0 : i32
            %cond3A_252 = arith.cmpi ne, %convert_element_type3A_250, %cond3A_251 : i32
            scf.if %cond3A_252 {
              %add3A_309 = arith.constant 7 : i32
              %add3A_310 = arith.addi %add3A_138, %add3A_309 : i32
              %mul3A_311 = arith.constant 4 : i32
              %mul3A_312 = arith.muli %add3A_310, %mul3A_311 : i32
              %get3A_313 = arith.index_cast %mul3A_312 : i32 to index
              %get3A_314 = tpu.vector_load %arg7[%get3A_313] {strides = array<i32>} : memref<40016xf32, #tpu.memory_space<vmem>>, vector<16xf32>,
              %get3A_315 = vector.shape_cast %get3A_314 : vector<16xf32> to vector<16xf32>
              %slice3A_316 = vector.extract_strided_slice %get3A_315 {offsets = [0], sizes = [1], strides = [1]} : vector<16xf32> to vector<1xf32>
              %squeeze3A_317 = vector.extract %slice3A_316[0] : f32 from vector<1xf32>
              %broadcast_in_dim3A_318 = vector.broadcast %squeeze3A_317 : f32 to vector<16xf32>
              %bitcast_convert_type3A = tpu.bitcast %broadcast_in_dim3A_318 : vector<16xf32> -> vector<16xi32>
              %shift_right_arithmetic3A = arith.constant 16 : i32
              %shift_right_arithmetic3A_319 = vector.broadcast %shift_right_arithmetic3A : i32 to vector<16xi32>
              %shift_right_arithmetic3A_320 = arith.shrsi %bitcast_convert_type3A, %shift_right_arithmetic3A_319 : vector<16xi32>
              %and3A_321 = arith.constant 1 : i32
              %and3A_322 = vector.broadcast %and3A_321 : i32 to vector<16xi32>
              %and3A_323 = arith.andi %shift_right_arithmetic3A_320, %and3A_322 : vector<16xi32>
              %add3A_324 = arith.constant 32767 : i32
              %add3A_325 = vector.broadcast %add3A_324 : i32 to vector<16xi32>
              %add3A_326 = arith.addi %bitcast_convert_type3A, %add3A_325 : vector<16xi32>
              %add3A_327 = arith.addi %add3A_326, %and3A_323 : vector<16xi32>
              %and3A_328 = arith.constant -65536 : i32
              %and3A_329 = vector.broadcast %and3A_328 : i32 to vector<16xi32>
              %and3A_330 = arith.andi %add3A_327, %and3A_329 : vector<16xi32>
              %bitcast_convert_type3A_331 = tpu.bitcast %and3A_330 : vector<16xi32> -> vector<16xf32>
              %slice3A_332 = vector.extract_strided_slice %get3A_315 {offsets = [1], sizes = [1], strides = [1]} : vector<16xf32> to vector<1xf32>
              %squeeze3A_333 = vector.extract %slice3A_332[0] : f32 from vector<1xf32>
              %broadcast_in_dim3A_334 = vector.broadcast %squeeze3A_333 : f32 to vector<16xf32>
              %bitcast_convert_type3A_335 = tpu.bitcast %broadcast_in_dim3A_334 : vector<16xf32> -> vector<16xi32>
              %shift_right_arithmetic3A_336 = arith.constant 16 : i32
              %shift_right_arithmetic3A_337 = vector.broadcast %shift_right_arithmetic3A_336 : i32 to vector<16xi32>
              %shift_right_arithmetic3A_338 = arith.shrsi %bitcast_convert_type3A_335, %shift_right_arithmetic3A_337 : vector<16xi32>
              %and3A_339 = arith.constant 1 : i32
              %and3A_340 = vector.broadcast %and3A_339 : i32 to vector<16xi32>
              %and3A_341 = arith.andi %shift_right_arithmetic3A_338, %and3A_340 : vector<16xi32>
              %add3A_342 = arith.constant 32767 : i32
              %add3A_343 = vector.broadcast %add3A_342 : i32 to vector<16xi32>
              %add3A_344 = arith.addi %bitcast_convert_type3A_335, %add3A_343 : vector<16xi32>
              %add3A_345 = arith.addi %add3A_344, %and3A_341 : vector<16xi32>
              %and3A_346 = arith.constant -65536 : i32
              %and3A_347 = vector.broadcast %and3A_346 : i32 to vector<16xi32>
              %and3A_348 = arith.andi %add3A_345, %and3A_347 : vector<16xi32>
              %bitcast_convert_type3A_349 = tpu.bitcast %and3A_348 : vector<16xi32> -> vector<16xf32>
              %slice3A_350 = vector.extract_strided_slice %get3A_315 {offsets = [2], sizes = [1], strides = [1]} : vector<16xf32> to vector<1xf32>
              %squeeze3A_351 = vector.extract %slice3A_350[0] : f32 from vector<1xf32>
              %broadcast_in_dim3A_352 = vector.broadcast %squeeze3A_351 : f32 to vector<16xf32>
              %bitcast_convert_type3A_353 = tpu.bitcast %broadcast_in_dim3A_352 : vector<16xf32> -> vector<16xi32>
              %shift_right_arithmetic3A_354 = arith.constant 16 : i32
              %shift_right_arithmetic3A_355 = vector.broadcast %shift_right_arithmetic3A_354 : i32 to vector<16xi32>
              %shift_right_arithmetic3A_356 = arith.shrsi %bitcast_convert_type3A_353, %shift_right_arithmetic3A_355 : vector<16xi32>
              %and3A_357 = arith.constant 1 : i32
              %and3A_358 = vector.broadcast %and3A_357 : i32 to vector<16xi32>
              %and3A_359 = arith.andi %shift_right_arithmetic3A_356, %and3A_358 : vector<16xi32>
              %add3A_360 = arith.constant 32767 : i32
              %add3A_361 = vector.broadcast %add3A_360 : i32 to vector<16xi32>
              %add3A_362 = arith.addi %bitcast_convert_type3A_353, %add3A_361 : vector<16xi32>
              %add3A_363 = arith.addi %add3A_362, %and3A_359 : vector<16xi32>
              %and3A_364 = arith.constant -65536 : i32
              %and3A_365 = vector.broadcast %and3A_364 : i32 to vector<16xi32>
              %and3A_366 = arith.andi %add3A_363, %and3A_365 : vector<16xi32>
              %bitcast_convert_type3A_367 = tpu.bitcast %and3A_366 : vector<16xi32> -> vector<16xf32>
              %slice3A_368 = vector.extract_strided_slice %get3A_315 {offsets = [3], sizes = [1], strides = [1]} : vector<16xf32> to vector<1xf32>
              %squeeze3A_369 = vector.extract %slice3A_368[0] : f32 from vector<1xf32>
              %broadcast_in_dim3A_370 = vector.broadcast %squeeze3A_369 : f32 to vector<16xf32>
              %bitcast_convert_type3A_371 = tpu.bitcast %broadcast_in_dim3A_370 : vector<16xf32> -> vector<16xi32>
              %shift_right_arithmetic3A_372 = arith.constant 16 : i32
              %shift_right_arithmetic3A_373 = vector.broadcast %shift_right_arithmetic3A_372 : i32 to vector<16xi32>
              %shift_right_arithmetic3A_374 = arith.shrsi %bitcast_convert_type3A_371, %shift_right_arithmetic3A_373 : vector<16xi32>
              %and3A_375 = arith.constant 1 : i32
              %and3A_376 = vector.broadcast %and3A_375 : i32 to vector<16xi32>
              %and3A_377 = arith.andi %shift_right_arithmetic3A_374, %and3A_376 : vector<16xi32>
              %add3A_378 = arith.constant 32767 : i32
              %add3A_379 = vector.broadcast %add3A_378 : i32 to vector<16xi32>
              %add3A_380 = arith.addi %bitcast_convert_type3A_371, %add3A_379 : vector<16xi32>
              %add3A_381 = arith.addi %add3A_380, %and3A_377 : vector<16xi32>
              %and3A_382 = arith.constant -65536 : i32
              %and3A_383 = vector.broadcast %and3A_382 : i32 to vector<16xi32>
              %and3A_384 = arith.andi %add3A_381, %and3A_383 : vector<16xi32>
              %bitcast_convert_type3A_385 = tpu.bitcast %and3A_384 : vector<16xi32> -> vector<16xf32>
              %get3A_386 = arith.constant 0 : index
              %get3A_387 = tpu.vector_load %arg10[%get3A_386] {strides = array<i32>} : memref<64xf32, #tpu.memory_space<vmem>>, vector<16xf32>,
              %get3A_388 = vector.shape_cast %get3A_387 : vector<16xf32> to vector<16xf32>
              %get3A_389 = arith.constant 0 : index
              %get3A_390 = tpu.vector_load %arg9[%get3A_389] {strides = array<i32>} : memref<256xf32, #tpu.memory_space<vmem>>, vector<16xf32>,
              %get3A_391 = vector.shape_cast %get3A_390 : vector<16xf32> to vector<16xf32>
              %mul3A_392 = arith.mulf %bitcast_convert_type3A_331, %get3A_391 : vector<16xf32>
              %add3A_393 = arith.addf %get3A_388, %mul3A_392 : vector<16xf32>
              %get3A_394 = arith.constant 64 : index
              %get3A_395 = tpu.vector_load %arg9[%get3A_394] {strides = array<i32>} : memref<256xf32, #tpu.memory_space<vmem>>, vector<16xf32>,
              %get3A_396 = vector.shape_cast %get3A_395 : vector<16xf32> to vector<16xf32>
              %mul3A_397 = arith.mulf %bitcast_convert_type3A_349, %get3A_396 : vector<16xf32>
              %add3A_398 = arith.addf %add3A_393, %mul3A_397 : vector<16xf32>
              %get3A_399 = arith.constant 128 : index
              %get3A_400 = tpu.vector_load %arg9[%get3A_399] {strides = array<i32>} : memref<256xf32, #tpu.memory_space<vmem>>, vector<16xf32>,
              %get3A_401 = vector.shape_cast %get3A_400 : vector<16xf32> to vector<16xf32>
              %mul3A_402 = arith.mulf %bitcast_convert_type3A_367, %get3A_401 : vector<16xf32>
              %add3A_403 = arith.addf %add3A_398, %mul3A_402 : vector<16xf32>
              %get3A_404 = arith.constant 192 : index
              %get3A_405 = tpu.vector_load %arg9[%get3A_404] {strides = array<i32>} : memref<256xf32, #tpu.memory_space<vmem>>, vector<16xf32>,
              %get3A_406 = vector.shape_cast %get3A_405 : vector<16xf32> to vector<16xf32>
              %mul3A_407 = arith.mulf %bitcast_convert_type3A_385, %get3A_406 : vector<16xf32>
              %add3A_408 = arith.addf %add3A_403, %mul3A_407 : vector<16xf32>
              %bitcast_convert_type3A_409 = tpu.bitcast %add3A_408 : vector<16xf32> -> vector<16xi32>
              %shift_right_arithmetic3A_410 = arith.constant 16 : i32
              %shift_right_arithmetic3A_411 = vector.broadcast %shift_right_arithmetic3A_410 : i32 to vector<16xi32>
              %shift_right_arithmetic3A_412 = arith.shrsi %bitcast_convert_type3A_409, %shift_right_arithmetic3A_411 : vector<16xi32>
              %and3A_413 = arith.constant 1 : i32
              %and3A_414 = vector.broadcast %and3A_413 : i32 to vector<16xi32>
              %and3A_415 = arith.andi %shift_right_arithmetic3A_412, %and3A_414 : vector<16xi32>
              %add3A_416 = arith.constant 32767 : i32
              %add3A_417 = vector.broadcast %add3A_416 : i32 to vector<16xi32>
              %add3A_418 = arith.addi %bitcast_convert_type3A_409, %add3A_417 : vector<16xi32>
              %add3A_419 = arith.addi %add3A_418, %and3A_415 : vector<16xi32>
              %and3A_420 = arith.constant -65536 : i32
              %and3A_421 = vector.broadcast %and3A_420 : i32 to vector<16xi32>
              %and3A_422 = arith.andi %add3A_419, %and3A_421 : vector<16xi32>
              %bitcast_convert_type3A_423 = tpu.bitcast %and3A_422 : vector<16xi32> -> vector<16xf32>
              %get3A_424 = arith.constant 0 : index
              %get3A_425 = tpu.vector_load %arg11[%get3A_424] {strides = array<i32>} : memref<80xf32, #tpu.memory_space<vmem>>, vector<16xf32>,
              %get3A_426 = vector.shape_cast %get3A_425 : vector<16xf32> to vector<16xf32>
              %add3A_427 = arith.addf %get3A_426, %bitcast_convert_type3A_423 : vector<16xf32>
              %swap3A_428 = arith.constant 0 : index
              %swap3A_429 = tpu.vector_load %arg11[%swap3A_428] {strides = array<i32>} : memref<80xf32, #tpu.memory_space<vmem>>, vector<16xf32>,
              %swap3A_430 = vector.shape_cast %swap3A_429 : vector<16xf32> to vector<16xf32>
              %swap3A_431 = vector.shape_cast %add3A_427 : vector<16xf32> to vector<16xf32>
              tpu.vector_store %arg11[%swap3A_428], %swap3A_431 {strides = array<i32>} : memref<80xf32, #tpu.memory_space<vmem>>, vector<16xf32>,
              %get3A_432 = arith.constant 16 : index
              %get3A_433 = tpu.vector_load %arg10[%get3A_432] {strides = array<i32>} : memref<64xf32, #tpu.memory_space<vmem>>, vector<16xf32>,
              %get3A_434 = vector.shape_cast %get3A_433 : vector<16xf32> to vector<16xf32>
              %get3A_435 = arith.constant 16 : index
              %get3A_436 = tpu.vector_load %arg9[%get3A_435] {strides = array<i32>} : memref<256xf32, #tpu.memory_space<vmem>>, vector<16xf32>,
              %get3A_437 = vector.shape_cast %get3A_436 : vector<16xf32> to vector<16xf32>
              %mul3A_438 = arith.mulf %bitcast_convert_type3A_331, %get3A_437 : vector<16xf32>
              %add3A_439 = arith.addf %get3A_434, %mul3A_438 : vector<16xf32>
              %get3A_440 = arith.constant 80 : index
              %get3A_441 = tpu.vector_load %arg9[%get3A_440] {strides = array<i32>} : memref<256xf32, #tpu.memory_space<vmem>>, vector<16xf32>,
              %get3A_442 = vector.shape_cast %get3A_441 : vector<16xf32> to vector<16xf32>
              %mul3A_443 = arith.mulf %bitcast_convert_type3A_349, %get3A_442 : vector<16xf32>
              %add3A_444 = arith.addf %add3A_439, %mul3A_443 : vector<16xf32>
              %get3A_445 = arith.constant 144 : index
              %get3A_446 = tpu.vector_load %arg9[%get3A_445] {strides = array<i32>} : memref<256xf32, #tpu.memory_space<vmem>>, vector<16xf32>,
              %get3A_447 = vector.shape_cast %get3A_446 : vector<16xf32> to vector<16xf32>
              %mul3A_448 = arith.mulf %bitcast_convert_type3A_367, %get3A_447 : vector<16xf32>
              %add3A_449 = arith.addf %add3A_444, %mul3A_448 : vector<16xf32>
              %get3A_450 = arith.constant 208 : index
              %get3A_451 = tpu.vector_load %arg9[%get3A_450] {strides = array<i32>} : memref<256xf32, #tpu.memory_space<vmem>>, vector<16xf32>,
              %get3A_452 = vector.shape_cast %get3A_451 : vector<16xf32> to vector<16xf32>
              %mul3A_453 = arith.mulf %bitcast_convert_type3A_385, %get3A_452 : vector<16xf32>
              %add3A_454 = arith.addf %add3A_449, %mul3A_453 : vector<16xf32>
              %bitcast_convert_type3A_455 = tpu.bitcast %add3A_454 : vector<16xf32> -> vector<16xi32>
              %shift_right_arithmetic3A_456 = arith.constant 16 : i32
              %shift_right_arithmetic3A_457 = vector.broadcast %shift_right_arithmetic3A_456 : i32 to vector<16xi32>
              %shift_right_arithmetic3A_458 = arith.shrsi %bitcast_convert_type3A_455, %shift_right_arithmetic3A_457 : vector<16xi32>
              %and3A_459 = arith.constant 1 : i32
              %and3A_460 = vector.broadcast %and3A_459 : i32 to vector<16xi32>
              %and3A_461 = arith.andi %shift_right_arithmetic3A_458, %and3A_460 : vector<16xi32>
              %add3A_462 = arith.constant 32767 : i32
              %add3A_463 = vector.broadcast %add3A_462 : i32 to vector<16xi32>
              %add3A_464 = arith.addi %bitcast_convert_type3A_455, %add3A_463 : vector<16xi32>
              %add3A_465 = arith.addi %add3A_464, %and3A_461 : vector<16xi32>
              %and3A_466 = arith.constant -65536 : i32
              %and3A_467 = vector.broadcast %and3A_466 : i32 to vector<16xi32>
              %and3A_468 = arith.andi %add3A_465, %and3A_467 : vector<16xi32>
              %bitcast_convert_type3A_469 = tpu.bitcast %and3A_468 : vector<16xi32> -> vector<16xf32>
              %get3A_470 = arith.constant 16 : index
              %get3A_471 = tpu.vector_load %arg11[%get3A_470] {strides = array<i32>} : memref<80xf32, #tpu.memory_space<vmem>>, vector<16xf32>,
              %get3A_472 = vector.shape_cast %get3A_471 : vector<16xf32> to vector<16xf32>
              %add3A_473 = arith.addf %get3A_472, %bitcast_convert_type3A_469 : vector<16xf32>
              %swap3A_474 = arith.constant 16 : index
              %swap3A_475 = tpu.vector_load %arg11[%swap3A_474] {strides = array<i32>} : memref<80xf32, #tpu.memory_space<vmem>>, vector<16xf32>,
              %swap3A_476 = vector.shape_cast %swap3A_475 : vector<16xf32> to vector<16xf32>
              %swap3A_477 = vector.shape_cast %add3A_473 : vector<16xf32> to vector<16xf32>
              tpu.vector_store %arg11[%swap3A_474], %swap3A_477 {strides = array<i32>} : memref<80xf32, #tpu.memory_space<vmem>>, vector<16xf32>,
              %get3A_478 = arith.constant 32 : index
              %get3A_479 = tpu.vector_load %arg10[%get3A_478] {strides = array<i32>} : memref<64xf32, #tpu.memory_space<vmem>>, vector<16xf32>,
              %get3A_480 = vector.shape_cast %get3A_479 : vector<16xf32> to vector<16xf32>
              %get3A_481 = arith.constant 32 : index
              %get3A_482 = tpu.vector_load %arg9[%get3A_481] {strides = array<i32>} : memref<256xf32, #tpu.memory_space<vmem>>, vector<16xf32>,
              %get3A_483 = vector.shape_cast %get3A_482 : vector<16xf32> to vector<16xf32>
              %mul3A_484 = arith.mulf %bitcast_convert_type3A_331, %get3A_483 : vector<16xf32>
              %add3A_485 = arith.addf %get3A_480, %mul3A_484 : vector<16xf32>
              %get3A_486 = arith.constant 96 : index
              %get3A_487 = tpu.vector_load %arg9[%get3A_486] {strides = array<i32>} : memref<256xf32, #tpu.memory_space<vmem>>, vector<16xf32>,
              %get3A_488 = vector.shape_cast %get3A_487 : vector<16xf32> to vector<16xf32>
              %mul3A_489 = arith.mulf %bitcast_convert_type3A_349, %get3A_488 : vector<16xf32>
              %add3A_490 = arith.addf %add3A_485, %mul3A_489 : vector<16xf32>
              %get3A_491 = arith.constant 160 : index
              %get3A_492 = tpu.vector_load %arg9[%get3A_491] {strides = array<i32>} : memref<256xf32, #tpu.memory_space<vmem>>, vector<16xf32>,
              %get3A_493 = vector.shape_cast %get3A_492 : vector<16xf32> to vector<16xf32>
              %mul3A_494 = arith.mulf %bitcast_convert_type3A_367, %get3A_493 : vector<16xf32>
              %add3A_495 = arith.addf %add3A_490, %mul3A_494 : vector<16xf32>
              %get3A_496 = arith.constant 224 : index
              %get3A_497 = tpu.vector_load %arg9[%get3A_496] {strides = array<i32>} : memref<256xf32, #tpu.memory_space<vmem>>, vector<16xf32>,
              %get3A_498 = vector.shape_cast %get3A_497 : vector<16xf32> to vector<16xf32>
              %mul3A_499 = arith.mulf %bitcast_convert_type3A_385, %get3A_498 : vector<16xf32>
              %add3A_500 = arith.addf %add3A_495, %mul3A_499 : vector<16xf32>
              %bitcast_convert_type3A_501 = tpu.bitcast %add3A_500 : vector<16xf32> -> vector<16xi32>
              %shift_right_arithmetic3A_502 = arith.constant 16 : i32
              %shift_right_arithmetic3A_503 = vector.broadcast %shift_right_arithmetic3A_502 : i32 to vector<16xi32>
              %shift_right_arithmetic3A_504 = arith.shrsi %bitcast_convert_type3A_501, %shift_right_arithmetic3A_503 : vector<16xi32>
              %and3A_505 = arith.constant 1 : i32
              %and3A_506 = vector.broadcast %and3A_505 : i32 to vector<16xi32>
              %and3A_507 = arith.andi %shift_right_arithmetic3A_504, %and3A_506 : vector<16xi32>
              %add3A_508 = arith.constant 32767 : i32
              %add3A_509 = vector.broadcast %add3A_508 : i32 to vector<16xi32>
              %add3A_510 = arith.addi %bitcast_convert_type3A_501, %add3A_509 : vector<16xi32>
              %add3A_511 = arith.addi %add3A_510, %and3A_507 : vector<16xi32>
              %and3A_512 = arith.constant -65536 : i32
              %and3A_513 = vector.broadcast %and3A_512 : i32 to vector<16xi32>
              %and3A_514 = arith.andi %add3A_511, %and3A_513 : vector<16xi32>
              %bitcast_convert_type3A_515 = tpu.bitcast %and3A_514 : vector<16xi32> -> vector<16xf32>
              %get3A_516 = arith.constant 32 : index
              %get3A_517 = tpu.vector_load %arg11[%get3A_516] {strides = array<i32>} : memref<80xf32, #tpu.memory_space<vmem>>, vector<16xf32>,
              %get3A_518 = vector.shape_cast %get3A_517 : vector<16xf32> to vector<16xf32>
              %add3A_519 = arith.addf %get3A_518, %bitcast_convert_type3A_515 : vector<16xf32>
              %swap3A_520 = arith.constant 32 : index
              %swap3A_521 = tpu.vector_load %arg11[%swap3A_520] {strides = array<i32>} : memref<80xf32, #tpu.memory_space<vmem>>, vector<16xf32>,
              %swap3A_522 = vector.shape_cast %swap3A_521 : vector<16xf32> to vector<16xf32>
              %swap3A_523 = vector.shape_cast %add3A_519 : vector<16xf32> to vector<16xf32>
              tpu.vector_store %arg11[%swap3A_520], %swap3A_523 {strides = array<i32>} : memref<80xf32, #tpu.memory_space<vmem>>, vector<16xf32>,
              %get3A_524 = arith.constant 48 : index
              %get3A_525 = tpu.vector_load %arg10[%get3A_524] {strides = array<i32>} : memref<64xf32, #tpu.memory_space<vmem>>, vector<16xf32>,
              %get3A_526 = vector.shape_cast %get3A_525 : vector<16xf32> to vector<16xf32>
              %get3A_527 = arith.constant 48 : index
              %get3A_528 = tpu.vector_load %arg9[%get3A_527] {strides = array<i32>} : memref<256xf32, #tpu.memory_space<vmem>>, vector<16xf32>,
              %get3A_529 = vector.shape_cast %get3A_528 : vector<16xf32> to vector<16xf32>
              %mul3A_530 = arith.mulf %bitcast_convert_type3A_331, %get3A_529 : vector<16xf32>
              %add3A_531 = arith.addf %get3A_526, %mul3A_530 : vector<16xf32>
              %get3A_532 = arith.constant 112 : index
              %get3A_533 = tpu.vector_load %arg9[%get3A_532] {strides = array<i32>} : memref<256xf32, #tpu.memory_space<vmem>>, vector<16xf32>,
              %get3A_534 = vector.shape_cast %get3A_533 : vector<16xf32> to vector<16xf32>
              %mul3A_535 = arith.mulf %bitcast_convert_type3A_349, %get3A_534 : vector<16xf32>
              %add3A_536 = arith.addf %add3A_531, %mul3A_535 : vector<16xf32>
              %get3A_537 = arith.constant 176 : index
              %get3A_538 = tpu.vector_load %arg9[%get3A_537] {strides = array<i32>} : memref<256xf32, #tpu.memory_space<vmem>>, vector<16xf32>,
              %get3A_539 = vector.shape_cast %get3A_538 : vector<16xf32> to vector<16xf32>
              %mul3A_540 = arith.mulf %bitcast_convert_type3A_367, %get3A_539 : vector<16xf32>
              %add3A_541 = arith.addf %add3A_536, %mul3A_540 : vector<16xf32>
              %get3A_542 = arith.constant 240 : index
              %get3A_543 = tpu.vector_load %arg9[%get3A_542] {strides = array<i32>} : memref<256xf32, #tpu.memory_space<vmem>>, vector<16xf32>,
              %get3A_544 = vector.shape_cast %get3A_543 : vector<16xf32> to vector<16xf32>
              %mul3A_545 = arith.mulf %bitcast_convert_type3A_385, %get3A_544 : vector<16xf32>
              %add3A_546 = arith.addf %add3A_541, %mul3A_545 : vector<16xf32>
              %bitcast_convert_type3A_547 = tpu.bitcast %add3A_546 : vector<16xf32> -> vector<16xi32>
              %shift_right_arithmetic3A_548 = arith.constant 16 : i32
              %shift_right_arithmetic3A_549 = vector.broadcast %shift_right_arithmetic3A_548 : i32 to vector<16xi32>
              %shift_right_arithmetic3A_550 = arith.shrsi %bitcast_convert_type3A_547, %shift_right_arithmetic3A_549 : vector<16xi32>
              %and3A_551 = arith.constant 1 : i32
              %and3A_552 = vector.broadcast %and3A_551 : i32 to vector<16xi32>
              %and3A_553 = arith.andi %shift_right_arithmetic3A_550, %and3A_552 : vector<16xi32>
              %add3A_554 = arith.constant 32767 : i32
              %add3A_555 = vector.broadcast %add3A_554 : i32 to vector<16xi32>
              %add3A_556 = arith.addi %bitcast_convert_type3A_547, %add3A_555 : vector<16xi32>
              %add3A_557 = arith.addi %add3A_556, %and3A_553 : vector<16xi32>
              %and3A_558 = arith.constant -65536 : i32
              %and3A_559 = vector.broadcast %and3A_558 : i32 to vector<16xi32>
              %and3A_560 = arith.andi %add3A_557, %and3A_559 : vector<16xi32>
              %bitcast_convert_type3A_561 = tpu.bitcast %and3A_560 : vector<16xi32> -> vector<16xf32>
              %get3A_562 = arith.constant 48 : index
              %get3A_563 = tpu.vector_load %arg11[%get3A_562] {strides = array<i32>} : memref<80xf32, #tpu.memory_space<vmem>>, vector<16xf32>,
              %get3A_564 = vector.shape_cast %get3A_563 : vector<16xf32> to vector<16xf32>
              %add3A_565 = arith.addf %get3A_564, %bitcast_convert_type3A_561 : vector<16xf32>
              %swap3A_566 = arith.constant 48 : index
              %swap3A_567 = tpu.vector_load %arg11[%swap3A_566] {strides = array<i32>} : memref<80xf32, #tpu.memory_space<vmem>>, vector<16xf32>,
              %swap3A_568 = vector.shape_cast %swap3A_567 : vector<16xf32> to vector<16xf32>
              %swap3A_569 = vector.shape_cast %add3A_565 : vector<16xf32> to vector<16xf32>
              tpu.vector_store %arg11[%swap3A_566], %swap3A_569 {strides = array<i32>} : memref<80xf32, #tpu.memory_space<vmem>>, vector<16xf32>,
            } else {
            }
            %slice3A_253 = vector.extract_strided_slice %get3A_140 {offsets = [8], sizes = [1], strides = [1]} : vector<16xi32> to vector<1xi32>
            %squeeze3A_254 = vector.extract %slice3A_253[0] : i32 from vector<1xi32>
            %eq3A_255 = arith.constant 0 : i32
            %eq3A_256 = arith.cmpi eq, %squeeze3A_254, %eq3A_255 : i32
            %convert_element_type3A_257 = arith.extui %eq3A_256 : i1 to i32
            %cond3A_258 = arith.constant 0 : i32
            %cond3A_259 = arith.cmpi ne, %convert_element_type3A_257, %cond3A_258 : i32
            scf.if %cond3A_259 {
              %add3A_309 = arith.constant 8 : i32
              %add3A_310 = arith.addi %add3A_138, %add3A_309 : i32
              %mul3A_311 = arith.constant 4 : i32
              %mul3A_312 = arith.muli %add3A_310, %mul3A_311 : i32
              %get3A_313 = arith.index_cast %mul3A_312 : i32 to index
              %get3A_314 = tpu.vector_load %arg7[%get3A_313] {strides = array<i32>} : memref<40016xf32, #tpu.memory_space<vmem>>, vector<16xf32>,
              %get3A_315 = vector.shape_cast %get3A_314 : vector<16xf32> to vector<16xf32>
              %slice3A_316 = vector.extract_strided_slice %get3A_315 {offsets = [0], sizes = [1], strides = [1]} : vector<16xf32> to vector<1xf32>
              %squeeze3A_317 = vector.extract %slice3A_316[0] : f32 from vector<1xf32>
              %broadcast_in_dim3A_318 = vector.broadcast %squeeze3A_317 : f32 to vector<16xf32>
              %bitcast_convert_type3A = tpu.bitcast %broadcast_in_dim3A_318 : vector<16xf32> -> vector<16xi32>
              %shift_right_arithmetic3A = arith.constant 16 : i32
              %shift_right_arithmetic3A_319 = vector.broadcast %shift_right_arithmetic3A : i32 to vector<16xi32>
              %shift_right_arithmetic3A_320 = arith.shrsi %bitcast_convert_type3A, %shift_right_arithmetic3A_319 : vector<16xi32>
              %and3A_321 = arith.constant 1 : i32
              %and3A_322 = vector.broadcast %and3A_321 : i32 to vector<16xi32>
              %and3A_323 = arith.andi %shift_right_arithmetic3A_320, %and3A_322 : vector<16xi32>
              %add3A_324 = arith.constant 32767 : i32
              %add3A_325 = vector.broadcast %add3A_324 : i32 to vector<16xi32>
              %add3A_326 = arith.addi %bitcast_convert_type3A, %add3A_325 : vector<16xi32>
              %add3A_327 = arith.addi %add3A_326, %and3A_323 : vector<16xi32>
              %and3A_328 = arith.constant -65536 : i32
              %and3A_329 = vector.broadcast %and3A_328 : i32 to vector<16xi32>
              %and3A_330 = arith.andi %add3A_327, %and3A_329 : vector<16xi32>
              %bitcast_convert_type3A_331 = tpu.bitcast %and3A_330 : vector<16xi32> -> vector<16xf32>
              %slice3A_332 = vector.extract_strided_slice %get3A_315 {offsets = [1], sizes = [1], strides = [1]} : vector<16xf32> to vector<1xf32>
              %squeeze3A_333 = vector.extract %slice3A_332[0] : f32 from vector<1xf32>
              %broadcast_in_dim3A_334 = vector.broadcast %squeeze3A_333 : f32 to vector<16xf32>
              %bitcast_convert_type3A_335 = tpu.bitcast %broadcast_in_dim3A_334 : vector<16xf32> -> vector<16xi32>
              %shift_right_arithmetic3A_336 = arith.constant 16 : i32
              %shift_right_arithmetic3A_337 = vector.broadcast %shift_right_arithmetic3A_336 : i32 to vector<16xi32>
              %shift_right_arithmetic3A_338 = arith.shrsi %bitcast_convert_type3A_335, %shift_right_arithmetic3A_337 : vector<16xi32>
              %and3A_339 = arith.constant 1 : i32
              %and3A_340 = vector.broadcast %and3A_339 : i32 to vector<16xi32>
              %and3A_341 = arith.andi %shift_right_arithmetic3A_338, %and3A_340 : vector<16xi32>
              %add3A_342 = arith.constant 32767 : i32
              %add3A_343 = vector.broadcast %add3A_342 : i32 to vector<16xi32>
              %add3A_344 = arith.addi %bitcast_convert_type3A_335, %add3A_343 : vector<16xi32>
              %add3A_345 = arith.addi %add3A_344, %and3A_341 : vector<16xi32>
              %and3A_346 = arith.constant -65536 : i32
              %and3A_347 = vector.broadcast %and3A_346 : i32 to vector<16xi32>
              %and3A_348 = arith.andi %add3A_345, %and3A_347 : vector<16xi32>
              %bitcast_convert_type3A_349 = tpu.bitcast %and3A_348 : vector<16xi32> -> vector<16xf32>
              %slice3A_350 = vector.extract_strided_slice %get3A_315 {offsets = [2], sizes = [1], strides = [1]} : vector<16xf32> to vector<1xf32>
              %squeeze3A_351 = vector.extract %slice3A_350[0] : f32 from vector<1xf32>
              %broadcast_in_dim3A_352 = vector.broadcast %squeeze3A_351 : f32 to vector<16xf32>
              %bitcast_convert_type3A_353 = tpu.bitcast %broadcast_in_dim3A_352 : vector<16xf32> -> vector<16xi32>
              %shift_right_arithmetic3A_354 = arith.constant 16 : i32
              %shift_right_arithmetic3A_355 = vector.broadcast %shift_right_arithmetic3A_354 : i32 to vector<16xi32>
              %shift_right_arithmetic3A_356 = arith.shrsi %bitcast_convert_type3A_353, %shift_right_arithmetic3A_355 : vector<16xi32>
              %and3A_357 = arith.constant 1 : i32
              %and3A_358 = vector.broadcast %and3A_357 : i32 to vector<16xi32>
              %and3A_359 = arith.andi %shift_right_arithmetic3A_356, %and3A_358 : vector<16xi32>
              %add3A_360 = arith.constant 32767 : i32
              %add3A_361 = vector.broadcast %add3A_360 : i32 to vector<16xi32>
              %add3A_362 = arith.addi %bitcast_convert_type3A_353, %add3A_361 : vector<16xi32>
              %add3A_363 = arith.addi %add3A_362, %and3A_359 : vector<16xi32>
              %and3A_364 = arith.constant -65536 : i32
              %and3A_365 = vector.broadcast %and3A_364 : i32 to vector<16xi32>
              %and3A_366 = arith.andi %add3A_363, %and3A_365 : vector<16xi32>
              %bitcast_convert_type3A_367 = tpu.bitcast %and3A_366 : vector<16xi32> -> vector<16xf32>
              %slice3A_368 = vector.extract_strided_slice %get3A_315 {offsets = [3], sizes = [1], strides = [1]} : vector<16xf32> to vector<1xf32>
              %squeeze3A_369 = vector.extract %slice3A_368[0] : f32 from vector<1xf32>
              %broadcast_in_dim3A_370 = vector.broadcast %squeeze3A_369 : f32 to vector<16xf32>
              %bitcast_convert_type3A_371 = tpu.bitcast %broadcast_in_dim3A_370 : vector<16xf32> -> vector<16xi32>
              %shift_right_arithmetic3A_372 = arith.constant 16 : i32
              %shift_right_arithmetic3A_373 = vector.broadcast %shift_right_arithmetic3A_372 : i32 to vector<16xi32>
              %shift_right_arithmetic3A_374 = arith.shrsi %bitcast_convert_type3A_371, %shift_right_arithmetic3A_373 : vector<16xi32>
              %and3A_375 = arith.constant 1 : i32
              %and3A_376 = vector.broadcast %and3A_375 : i32 to vector<16xi32>
              %and3A_377 = arith.andi %shift_right_arithmetic3A_374, %and3A_376 : vector<16xi32>
              %add3A_378 = arith.constant 32767 : i32
              %add3A_379 = vector.broadcast %add3A_378 : i32 to vector<16xi32>
              %add3A_380 = arith.addi %bitcast_convert_type3A_371, %add3A_379 : vector<16xi32>
              %add3A_381 = arith.addi %add3A_380, %and3A_377 : vector<16xi32>
              %and3A_382 = arith.constant -65536 : i32
              %and3A_383 = vector.broadcast %and3A_382 : i32 to vector<16xi32>
              %and3A_384 = arith.andi %add3A_381, %and3A_383 : vector<16xi32>
              %bitcast_convert_type3A_385 = tpu.bitcast %and3A_384 : vector<16xi32> -> vector<16xf32>
              %get3A_386 = arith.constant 0 : index
              %get3A_387 = tpu.vector_load %arg10[%get3A_386] {strides = array<i32>} : memref<64xf32, #tpu.memory_space<vmem>>, vector<16xf32>,
              %get3A_388 = vector.shape_cast %get3A_387 : vector<16xf32> to vector<16xf32>
              %get3A_389 = arith.constant 0 : index
              %get3A_390 = tpu.vector_load %arg9[%get3A_389] {strides = array<i32>} : memref<256xf32, #tpu.memory_space<vmem>>, vector<16xf32>,
              %get3A_391 = vector.shape_cast %get3A_390 : vector<16xf32> to vector<16xf32>
              %mul3A_392 = arith.mulf %bitcast_convert_type3A_331, %get3A_391 : vector<16xf32>
              %add3A_393 = arith.addf %get3A_388, %mul3A_392 : vector<16xf32>
              %get3A_394 = arith.constant 64 : index
              %get3A_395 = tpu.vector_load %arg9[%get3A_394] {strides = array<i32>} : memref<256xf32, #tpu.memory_space<vmem>>, vector<16xf32>,
              %get3A_396 = vector.shape_cast %get3A_395 : vector<16xf32> to vector<16xf32>
              %mul3A_397 = arith.mulf %bitcast_convert_type3A_349, %get3A_396 : vector<16xf32>
              %add3A_398 = arith.addf %add3A_393, %mul3A_397 : vector<16xf32>
              %get3A_399 = arith.constant 128 : index
              %get3A_400 = tpu.vector_load %arg9[%get3A_399] {strides = array<i32>} : memref<256xf32, #tpu.memory_space<vmem>>, vector<16xf32>,
              %get3A_401 = vector.shape_cast %get3A_400 : vector<16xf32> to vector<16xf32>
              %mul3A_402 = arith.mulf %bitcast_convert_type3A_367, %get3A_401 : vector<16xf32>
              %add3A_403 = arith.addf %add3A_398, %mul3A_402 : vector<16xf32>
              %get3A_404 = arith.constant 192 : index
              %get3A_405 = tpu.vector_load %arg9[%get3A_404] {strides = array<i32>} : memref<256xf32, #tpu.memory_space<vmem>>, vector<16xf32>,
              %get3A_406 = vector.shape_cast %get3A_405 : vector<16xf32> to vector<16xf32>
              %mul3A_407 = arith.mulf %bitcast_convert_type3A_385, %get3A_406 : vector<16xf32>
              %add3A_408 = arith.addf %add3A_403, %mul3A_407 : vector<16xf32>
              %bitcast_convert_type3A_409 = tpu.bitcast %add3A_408 : vector<16xf32> -> vector<16xi32>
              %shift_right_arithmetic3A_410 = arith.constant 16 : i32
              %shift_right_arithmetic3A_411 = vector.broadcast %shift_right_arithmetic3A_410 : i32 to vector<16xi32>
              %shift_right_arithmetic3A_412 = arith.shrsi %bitcast_convert_type3A_409, %shift_right_arithmetic3A_411 : vector<16xi32>
              %and3A_413 = arith.constant 1 : i32
              %and3A_414 = vector.broadcast %and3A_413 : i32 to vector<16xi32>
              %and3A_415 = arith.andi %shift_right_arithmetic3A_412, %and3A_414 : vector<16xi32>
              %add3A_416 = arith.constant 32767 : i32
              %add3A_417 = vector.broadcast %add3A_416 : i32 to vector<16xi32>
              %add3A_418 = arith.addi %bitcast_convert_type3A_409, %add3A_417 : vector<16xi32>
              %add3A_419 = arith.addi %add3A_418, %and3A_415 : vector<16xi32>
              %and3A_420 = arith.constant -65536 : i32
              %and3A_421 = vector.broadcast %and3A_420 : i32 to vector<16xi32>
              %and3A_422 = arith.andi %add3A_419, %and3A_421 : vector<16xi32>
              %bitcast_convert_type3A_423 = tpu.bitcast %and3A_422 : vector<16xi32> -> vector<16xf32>
              %get3A_424 = arith.constant 0 : index
              %get3A_425 = tpu.vector_load %arg11[%get3A_424] {strides = array<i32>} : memref<80xf32, #tpu.memory_space<vmem>>, vector<16xf32>,
              %get3A_426 = vector.shape_cast %get3A_425 : vector<16xf32> to vector<16xf32>
              %add3A_427 = arith.addf %get3A_426, %bitcast_convert_type3A_423 : vector<16xf32>
              %swap3A_428 = arith.constant 0 : index
              %swap3A_429 = tpu.vector_load %arg11[%swap3A_428] {strides = array<i32>} : memref<80xf32, #tpu.memory_space<vmem>>, vector<16xf32>,
              %swap3A_430 = vector.shape_cast %swap3A_429 : vector<16xf32> to vector<16xf32>
              %swap3A_431 = vector.shape_cast %add3A_427 : vector<16xf32> to vector<16xf32>
              tpu.vector_store %arg11[%swap3A_428], %swap3A_431 {strides = array<i32>} : memref<80xf32, #tpu.memory_space<vmem>>, vector<16xf32>,
              %get3A_432 = arith.constant 16 : index
              %get3A_433 = tpu.vector_load %arg10[%get3A_432] {strides = array<i32>} : memref<64xf32, #tpu.memory_space<vmem>>, vector<16xf32>,
              %get3A_434 = vector.shape_cast %get3A_433 : vector<16xf32> to vector<16xf32>
              %get3A_435 = arith.constant 16 : index
              %get3A_436 = tpu.vector_load %arg9[%get3A_435] {strides = array<i32>} : memref<256xf32, #tpu.memory_space<vmem>>, vector<16xf32>,
              %get3A_437 = vector.shape_cast %get3A_436 : vector<16xf32> to vector<16xf32>
              %mul3A_438 = arith.mulf %bitcast_convert_type3A_331, %get3A_437 : vector<16xf32>
              %add3A_439 = arith.addf %get3A_434, %mul3A_438 : vector<16xf32>
              %get3A_440 = arith.constant 80 : index
              %get3A_441 = tpu.vector_load %arg9[%get3A_440] {strides = array<i32>} : memref<256xf32, #tpu.memory_space<vmem>>, vector<16xf32>,
              %get3A_442 = vector.shape_cast %get3A_441 : vector<16xf32> to vector<16xf32>
              %mul3A_443 = arith.mulf %bitcast_convert_type3A_349, %get3A_442 : vector<16xf32>
              %add3A_444 = arith.addf %add3A_439, %mul3A_443 : vector<16xf32>
              %get3A_445 = arith.constant 144 : index
              %get3A_446 = tpu.vector_load %arg9[%get3A_445] {strides = array<i32>} : memref<256xf32, #tpu.memory_space<vmem>>, vector<16xf32>,
              %get3A_447 = vector.shape_cast %get3A_446 : vector<16xf32> to vector<16xf32>
              %mul3A_448 = arith.mulf %bitcast_convert_type3A_367, %get3A_447 : vector<16xf32>
              %add3A_449 = arith.addf %add3A_444, %mul3A_448 : vector<16xf32>
              %get3A_450 = arith.constant 208 : index
              %get3A_451 = tpu.vector_load %arg9[%get3A_450] {strides = array<i32>} : memref<256xf32, #tpu.memory_space<vmem>>, vector<16xf32>,
              %get3A_452 = vector.shape_cast %get3A_451 : vector<16xf32> to vector<16xf32>
              %mul3A_453 = arith.mulf %bitcast_convert_type3A_385, %get3A_452 : vector<16xf32>
              %add3A_454 = arith.addf %add3A_449, %mul3A_453 : vector<16xf32>
              %bitcast_convert_type3A_455 = tpu.bitcast %add3A_454 : vector<16xf32> -> vector<16xi32>
              %shift_right_arithmetic3A_456 = arith.constant 16 : i32
              %shift_right_arithmetic3A_457 = vector.broadcast %shift_right_arithmetic3A_456 : i32 to vector<16xi32>
              %shift_right_arithmetic3A_458 = arith.shrsi %bitcast_convert_type3A_455, %shift_right_arithmetic3A_457 : vector<16xi32>
              %and3A_459 = arith.constant 1 : i32
              %and3A_460 = vector.broadcast %and3A_459 : i32 to vector<16xi32>
              %and3A_461 = arith.andi %shift_right_arithmetic3A_458, %and3A_460 : vector<16xi32>
              %add3A_462 = arith.constant 32767 : i32
              %add3A_463 = vector.broadcast %add3A_462 : i32 to vector<16xi32>
              %add3A_464 = arith.addi %bitcast_convert_type3A_455, %add3A_463 : vector<16xi32>
              %add3A_465 = arith.addi %add3A_464, %and3A_461 : vector<16xi32>
              %and3A_466 = arith.constant -65536 : i32
              %and3A_467 = vector.broadcast %and3A_466 : i32 to vector<16xi32>
              %and3A_468 = arith.andi %add3A_465, %and3A_467 : vector<16xi32>
              %bitcast_convert_type3A_469 = tpu.bitcast %and3A_468 : vector<16xi32> -> vector<16xf32>
              %get3A_470 = arith.constant 16 : index
              %get3A_471 = tpu.vector_load %arg11[%get3A_470] {strides = array<i32>} : memref<80xf32, #tpu.memory_space<vmem>>, vector<16xf32>,
              %get3A_472 = vector.shape_cast %get3A_471 : vector<16xf32> to vector<16xf32>
              %add3A_473 = arith.addf %get3A_472, %bitcast_convert_type3A_469 : vector<16xf32>
              %swap3A_474 = arith.constant 16 : index
              %swap3A_475 = tpu.vector_load %arg11[%swap3A_474] {strides = array<i32>} : memref<80xf32, #tpu.memory_space<vmem>>, vector<16xf32>,
              %swap3A_476 = vector.shape_cast %swap3A_475 : vector<16xf32> to vector<16xf32>
              %swap3A_477 = vector.shape_cast %add3A_473 : vector<16xf32> to vector<16xf32>
              tpu.vector_store %arg11[%swap3A_474], %swap3A_477 {strides = array<i32>} : memref<80xf32, #tpu.memory_space<vmem>>, vector<16xf32>,
              %get3A_478 = arith.constant 32 : index
              %get3A_479 = tpu.vector_load %arg10[%get3A_478] {strides = array<i32>} : memref<64xf32, #tpu.memory_space<vmem>>, vector<16xf32>,
              %get3A_480 = vector.shape_cast %get3A_479 : vector<16xf32> to vector<16xf32>
              %get3A_481 = arith.constant 32 : index
              %get3A_482 = tpu.vector_load %arg9[%get3A_481] {strides = array<i32>} : memref<256xf32, #tpu.memory_space<vmem>>, vector<16xf32>,
              %get3A_483 = vector.shape_cast %get3A_482 : vector<16xf32> to vector<16xf32>
              %mul3A_484 = arith.mulf %bitcast_convert_type3A_331, %get3A_483 : vector<16xf32>
              %add3A_485 = arith.addf %get3A_480, %mul3A_484 : vector<16xf32>
              %get3A_486 = arith.constant 96 : index
              %get3A_487 = tpu.vector_load %arg9[%get3A_486] {strides = array<i32>} : memref<256xf32, #tpu.memory_space<vmem>>, vector<16xf32>,
              %get3A_488 = vector.shape_cast %get3A_487 : vector<16xf32> to vector<16xf32>
              %mul3A_489 = arith.mulf %bitcast_convert_type3A_349, %get3A_488 : vector<16xf32>
              %add3A_490 = arith.addf %add3A_485, %mul3A_489 : vector<16xf32>
              %get3A_491 = arith.constant 160 : index
              %get3A_492 = tpu.vector_load %arg9[%get3A_491] {strides = array<i32>} : memref<256xf32, #tpu.memory_space<vmem>>, vector<16xf32>,
              %get3A_493 = vector.shape_cast %get3A_492 : vector<16xf32> to vector<16xf32>
              %mul3A_494 = arith.mulf %bitcast_convert_type3A_367, %get3A_493 : vector<16xf32>
              %add3A_495 = arith.addf %add3A_490, %mul3A_494 : vector<16xf32>
              %get3A_496 = arith.constant 224 : index
              %get3A_497 = tpu.vector_load %arg9[%get3A_496] {strides = array<i32>} : memref<256xf32, #tpu.memory_space<vmem>>, vector<16xf32>,
              %get3A_498 = vector.shape_cast %get3A_497 : vector<16xf32> to vector<16xf32>
              %mul3A_499 = arith.mulf %bitcast_convert_type3A_385, %get3A_498 : vector<16xf32>
              %add3A_500 = arith.addf %add3A_495, %mul3A_499 : vector<16xf32>
              %bitcast_convert_type3A_501 = tpu.bitcast %add3A_500 : vector<16xf32> -> vector<16xi32>
              %shift_right_arithmetic3A_502 = arith.constant 16 : i32
              %shift_right_arithmetic3A_503 = vector.broadcast %shift_right_arithmetic3A_502 : i32 to vector<16xi32>
              %shift_right_arithmetic3A_504 = arith.shrsi %bitcast_convert_type3A_501, %shift_right_arithmetic3A_503 : vector<16xi32>
              %and3A_505 = arith.constant 1 : i32
              %and3A_506 = vector.broadcast %and3A_505 : i32 to vector<16xi32>
              %and3A_507 = arith.andi %shift_right_arithmetic3A_504, %and3A_506 : vector<16xi32>
              %add3A_508 = arith.constant 32767 : i32
              %add3A_509 = vector.broadcast %add3A_508 : i32 to vector<16xi32>
              %add3A_510 = arith.addi %bitcast_convert_type3A_501, %add3A_509 : vector<16xi32>
              %add3A_511 = arith.addi %add3A_510, %and3A_507 : vector<16xi32>
              %and3A_512 = arith.constant -65536 : i32
              %and3A_513 = vector.broadcast %and3A_512 : i32 to vector<16xi32>
              %and3A_514 = arith.andi %add3A_511, %and3A_513 : vector<16xi32>
              %bitcast_convert_type3A_515 = tpu.bitcast %and3A_514 : vector<16xi32> -> vector<16xf32>
              %get3A_516 = arith.constant 32 : index
              %get3A_517 = tpu.vector_load %arg11[%get3A_516] {strides = array<i32>} : memref<80xf32, #tpu.memory_space<vmem>>, vector<16xf32>,
              %get3A_518 = vector.shape_cast %get3A_517 : vector<16xf32> to vector<16xf32>
              %add3A_519 = arith.addf %get3A_518, %bitcast_convert_type3A_515 : vector<16xf32>
              %swap3A_520 = arith.constant 32 : index
              %swap3A_521 = tpu.vector_load %arg11[%swap3A_520] {strides = array<i32>} : memref<80xf32, #tpu.memory_space<vmem>>, vector<16xf32>,
              %swap3A_522 = vector.shape_cast %swap3A_521 : vector<16xf32> to vector<16xf32>
              %swap3A_523 = vector.shape_cast %add3A_519 : vector<16xf32> to vector<16xf32>
              tpu.vector_store %arg11[%swap3A_520], %swap3A_523 {strides = array<i32>} : memref<80xf32, #tpu.memory_space<vmem>>, vector<16xf32>,
              %get3A_524 = arith.constant 48 : index
              %get3A_525 = tpu.vector_load %arg10[%get3A_524] {strides = array<i32>} : memref<64xf32, #tpu.memory_space<vmem>>, vector<16xf32>,
              %get3A_526 = vector.shape_cast %get3A_525 : vector<16xf32> to vector<16xf32>
              %get3A_527 = arith.constant 48 : index
              %get3A_528 = tpu.vector_load %arg9[%get3A_527] {strides = array<i32>} : memref<256xf32, #tpu.memory_space<vmem>>, vector<16xf32>,
              %get3A_529 = vector.shape_cast %get3A_528 : vector<16xf32> to vector<16xf32>
              %mul3A_530 = arith.mulf %bitcast_convert_type3A_331, %get3A_529 : vector<16xf32>
              %add3A_531 = arith.addf %get3A_526, %mul3A_530 : vector<16xf32>
              %get3A_532 = arith.constant 112 : index
              %get3A_533 = tpu.vector_load %arg9[%get3A_532] {strides = array<i32>} : memref<256xf32, #tpu.memory_space<vmem>>, vector<16xf32>,
              %get3A_534 = vector.shape_cast %get3A_533 : vector<16xf32> to vector<16xf32>
              %mul3A_535 = arith.mulf %bitcast_convert_type3A_349, %get3A_534 : vector<16xf32>
              %add3A_536 = arith.addf %add3A_531, %mul3A_535 : vector<16xf32>
              %get3A_537 = arith.constant 176 : index
              %get3A_538 = tpu.vector_load %arg9[%get3A_537] {strides = array<i32>} : memref<256xf32, #tpu.memory_space<vmem>>, vector<16xf32>,
              %get3A_539 = vector.shape_cast %get3A_538 : vector<16xf32> to vector<16xf32>
              %mul3A_540 = arith.mulf %bitcast_convert_type3A_367, %get3A_539 : vector<16xf32>
              %add3A_541 = arith.addf %add3A_536, %mul3A_540 : vector<16xf32>
              %get3A_542 = arith.constant 240 : index
              %get3A_543 = tpu.vector_load %arg9[%get3A_542] {strides = array<i32>} : memref<256xf32, #tpu.memory_space<vmem>>, vector<16xf32>,
              %get3A_544 = vector.shape_cast %get3A_543 : vector<16xf32> to vector<16xf32>
              %mul3A_545 = arith.mulf %bitcast_convert_type3A_385, %get3A_544 : vector<16xf32>
              %add3A_546 = arith.addf %add3A_541, %mul3A_545 : vector<16xf32>
              %bitcast_convert_type3A_547 = tpu.bitcast %add3A_546 : vector<16xf32> -> vector<16xi32>
              %shift_right_arithmetic3A_548 = arith.constant 16 : i32
              %shift_right_arithmetic3A_549 = vector.broadcast %shift_right_arithmetic3A_548 : i32 to vector<16xi32>
              %shift_right_arithmetic3A_550 = arith.shrsi %bitcast_convert_type3A_547, %shift_right_arithmetic3A_549 : vector<16xi32>
              %and3A_551 = arith.constant 1 : i32
              %and3A_552 = vector.broadcast %and3A_551 : i32 to vector<16xi32>
              %and3A_553 = arith.andi %shift_right_arithmetic3A_550, %and3A_552 : vector<16xi32>
              %add3A_554 = arith.constant 32767 : i32
              %add3A_555 = vector.broadcast %add3A_554 : i32 to vector<16xi32>
              %add3A_556 = arith.addi %bitcast_convert_type3A_547, %add3A_555 : vector<16xi32>
              %add3A_557 = arith.addi %add3A_556, %and3A_553 : vector<16xi32>
              %and3A_558 = arith.constant -65536 : i32
              %and3A_559 = vector.broadcast %and3A_558 : i32 to vector<16xi32>
              %and3A_560 = arith.andi %add3A_557, %and3A_559 : vector<16xi32>
              %bitcast_convert_type3A_561 = tpu.bitcast %and3A_560 : vector<16xi32> -> vector<16xf32>
              %get3A_562 = arith.constant 48 : index
              %get3A_563 = tpu.vector_load %arg11[%get3A_562] {strides = array<i32>} : memref<80xf32, #tpu.memory_space<vmem>>, vector<16xf32>,
              %get3A_564 = vector.shape_cast %get3A_563 : vector<16xf32> to vector<16xf32>
              %add3A_565 = arith.addf %get3A_564, %bitcast_convert_type3A_561 : vector<16xf32>
              %swap3A_566 = arith.constant 48 : index
              %swap3A_567 = tpu.vector_load %arg11[%swap3A_566] {strides = array<i32>} : memref<80xf32, #tpu.memory_space<vmem>>, vector<16xf32>,
              %swap3A_568 = vector.shape_cast %swap3A_567 : vector<16xf32> to vector<16xf32>
              %swap3A_569 = vector.shape_cast %add3A_565 : vector<16xf32> to vector<16xf32>
              tpu.vector_store %arg11[%swap3A_566], %swap3A_569 {strides = array<i32>} : memref<80xf32, #tpu.memory_space<vmem>>, vector<16xf32>,
            } else {
            }
            %slice3A_260 = vector.extract_strided_slice %get3A_140 {offsets = [9], sizes = [1], strides = [1]} : vector<16xi32> to vector<1xi32>
            %squeeze3A_261 = vector.extract %slice3A_260[0] : i32 from vector<1xi32>
            %eq3A_262 = arith.constant 0 : i32
            %eq3A_263 = arith.cmpi eq, %squeeze3A_261, %eq3A_262 : i32
            %convert_element_type3A_264 = arith.extui %eq3A_263 : i1 to i32
            %cond3A_265 = arith.constant 0 : i32
            %cond3A_266 = arith.cmpi ne, %convert_element_type3A_264, %cond3A_265 : i32
            scf.if %cond3A_266 {
              %add3A_309 = arith.constant 9 : i32
              %add3A_310 = arith.addi %add3A_138, %add3A_309 : i32
              %mul3A_311 = arith.constant 4 : i32
              %mul3A_312 = arith.muli %add3A_310, %mul3A_311 : i32
              %get3A_313 = arith.index_cast %mul3A_312 : i32 to index
              %get3A_314 = tpu.vector_load %arg7[%get3A_313] {strides = array<i32>} : memref<40016xf32, #tpu.memory_space<vmem>>, vector<16xf32>,
              %get3A_315 = vector.shape_cast %get3A_314 : vector<16xf32> to vector<16xf32>
              %slice3A_316 = vector.extract_strided_slice %get3A_315 {offsets = [0], sizes = [1], strides = [1]} : vector<16xf32> to vector<1xf32>
              %squeeze3A_317 = vector.extract %slice3A_316[0] : f32 from vector<1xf32>
              %broadcast_in_dim3A_318 = vector.broadcast %squeeze3A_317 : f32 to vector<16xf32>
              %bitcast_convert_type3A = tpu.bitcast %broadcast_in_dim3A_318 : vector<16xf32> -> vector<16xi32>
              %shift_right_arithmetic3A = arith.constant 16 : i32
              %shift_right_arithmetic3A_319 = vector.broadcast %shift_right_arithmetic3A : i32 to vector<16xi32>
              %shift_right_arithmetic3A_320 = arith.shrsi %bitcast_convert_type3A, %shift_right_arithmetic3A_319 : vector<16xi32>
              %and3A_321 = arith.constant 1 : i32
              %and3A_322 = vector.broadcast %and3A_321 : i32 to vector<16xi32>
              %and3A_323 = arith.andi %shift_right_arithmetic3A_320, %and3A_322 : vector<16xi32>
              %add3A_324 = arith.constant 32767 : i32
              %add3A_325 = vector.broadcast %add3A_324 : i32 to vector<16xi32>
              %add3A_326 = arith.addi %bitcast_convert_type3A, %add3A_325 : vector<16xi32>
              %add3A_327 = arith.addi %add3A_326, %and3A_323 : vector<16xi32>
              %and3A_328 = arith.constant -65536 : i32
              %and3A_329 = vector.broadcast %and3A_328 : i32 to vector<16xi32>
              %and3A_330 = arith.andi %add3A_327, %and3A_329 : vector<16xi32>
              %bitcast_convert_type3A_331 = tpu.bitcast %and3A_330 : vector<16xi32> -> vector<16xf32>
              %slice3A_332 = vector.extract_strided_slice %get3A_315 {offsets = [1], sizes = [1], strides = [1]} : vector<16xf32> to vector<1xf32>
              %squeeze3A_333 = vector.extract %slice3A_332[0] : f32 from vector<1xf32>
              %broadcast_in_dim3A_334 = vector.broadcast %squeeze3A_333 : f32 to vector<16xf32>
              %bitcast_convert_type3A_335 = tpu.bitcast %broadcast_in_dim3A_334 : vector<16xf32> -> vector<16xi32>
              %shift_right_arithmetic3A_336 = arith.constant 16 : i32
              %shift_right_arithmetic3A_337 = vector.broadcast %shift_right_arithmetic3A_336 : i32 to vector<16xi32>
              %shift_right_arithmetic3A_338 = arith.shrsi %bitcast_convert_type3A_335, %shift_right_arithmetic3A_337 : vector<16xi32>
              %and3A_339 = arith.constant 1 : i32
              %and3A_340 = vector.broadcast %and3A_339 : i32 to vector<16xi32>
              %and3A_341 = arith.andi %shift_right_arithmetic3A_338, %and3A_340 : vector<16xi32>
              %add3A_342 = arith.constant 32767 : i32
              %add3A_343 = vector.broadcast %add3A_342 : i32 to vector<16xi32>
              %add3A_344 = arith.addi %bitcast_convert_type3A_335, %add3A_343 : vector<16xi32>
              %add3A_345 = arith.addi %add3A_344, %and3A_341 : vector<16xi32>
              %and3A_346 = arith.constant -65536 : i32
              %and3A_347 = vector.broadcast %and3A_346 : i32 to vector<16xi32>
              %and3A_348 = arith.andi %add3A_345, %and3A_347 : vector<16xi32>
              %bitcast_convert_type3A_349 = tpu.bitcast %and3A_348 : vector<16xi32> -> vector<16xf32>
              %slice3A_350 = vector.extract_strided_slice %get3A_315 {offsets = [2], sizes = [1], strides = [1]} : vector<16xf32> to vector<1xf32>
              %squeeze3A_351 = vector.extract %slice3A_350[0] : f32 from vector<1xf32>
              %broadcast_in_dim3A_352 = vector.broadcast %squeeze3A_351 : f32 to vector<16xf32>
              %bitcast_convert_type3A_353 = tpu.bitcast %broadcast_in_dim3A_352 : vector<16xf32> -> vector<16xi32>
              %shift_right_arithmetic3A_354 = arith.constant 16 : i32
              %shift_right_arithmetic3A_355 = vector.broadcast %shift_right_arithmetic3A_354 : i32 to vector<16xi32>
              %shift_right_arithmetic3A_356 = arith.shrsi %bitcast_convert_type3A_353, %shift_right_arithmetic3A_355 : vector<16xi32>
              %and3A_357 = arith.constant 1 : i32
              %and3A_358 = vector.broadcast %and3A_357 : i32 to vector<16xi32>
              %and3A_359 = arith.andi %shift_right_arithmetic3A_356, %and3A_358 : vector<16xi32>
              %add3A_360 = arith.constant 32767 : i32
              %add3A_361 = vector.broadcast %add3A_360 : i32 to vector<16xi32>
              %add3A_362 = arith.addi %bitcast_convert_type3A_353, %add3A_361 : vector<16xi32>
              %add3A_363 = arith.addi %add3A_362, %and3A_359 : vector<16xi32>
              %and3A_364 = arith.constant -65536 : i32
              %and3A_365 = vector.broadcast %and3A_364 : i32 to vector<16xi32>
              %and3A_366 = arith.andi %add3A_363, %and3A_365 : vector<16xi32>
              %bitcast_convert_type3A_367 = tpu.bitcast %and3A_366 : vector<16xi32> -> vector<16xf32>
              %slice3A_368 = vector.extract_strided_slice %get3A_315 {offsets = [3], sizes = [1], strides = [1]} : vector<16xf32> to vector<1xf32>
              %squeeze3A_369 = vector.extract %slice3A_368[0] : f32 from vector<1xf32>
              %broadcast_in_dim3A_370 = vector.broadcast %squeeze3A_369 : f32 to vector<16xf32>
              %bitcast_convert_type3A_371 = tpu.bitcast %broadcast_in_dim3A_370 : vector<16xf32> -> vector<16xi32>
              %shift_right_arithmetic3A_372 = arith.constant 16 : i32
              %shift_right_arithmetic3A_373 = vector.broadcast %shift_right_arithmetic3A_372 : i32 to vector<16xi32>
              %shift_right_arithmetic3A_374 = arith.shrsi %bitcast_convert_type3A_371, %shift_right_arithmetic3A_373 : vector<16xi32>
              %and3A_375 = arith.constant 1 : i32
              %and3A_376 = vector.broadcast %and3A_375 : i32 to vector<16xi32>
              %and3A_377 = arith.andi %shift_right_arithmetic3A_374, %and3A_376 : vector<16xi32>
              %add3A_378 = arith.constant 32767 : i32
              %add3A_379 = vector.broadcast %add3A_378 : i32 to vector<16xi32>
              %add3A_380 = arith.addi %bitcast_convert_type3A_371, %add3A_379 : vector<16xi32>
              %add3A_381 = arith.addi %add3A_380, %and3A_377 : vector<16xi32>
              %and3A_382 = arith.constant -65536 : i32
              %and3A_383 = vector.broadcast %and3A_382 : i32 to vector<16xi32>
              %and3A_384 = arith.andi %add3A_381, %and3A_383 : vector<16xi32>
              %bitcast_convert_type3A_385 = tpu.bitcast %and3A_384 : vector<16xi32> -> vector<16xf32>
              %get3A_386 = arith.constant 0 : index
              %get3A_387 = tpu.vector_load %arg10[%get3A_386] {strides = array<i32>} : memref<64xf32, #tpu.memory_space<vmem>>, vector<16xf32>,
              %get3A_388 = vector.shape_cast %get3A_387 : vector<16xf32> to vector<16xf32>
              %get3A_389 = arith.constant 0 : index
              %get3A_390 = tpu.vector_load %arg9[%get3A_389] {strides = array<i32>} : memref<256xf32, #tpu.memory_space<vmem>>, vector<16xf32>,
              %get3A_391 = vector.shape_cast %get3A_390 : vector<16xf32> to vector<16xf32>
              %mul3A_392 = arith.mulf %bitcast_convert_type3A_331, %get3A_391 : vector<16xf32>
              %add3A_393 = arith.addf %get3A_388, %mul3A_392 : vector<16xf32>
              %get3A_394 = arith.constant 64 : index
              %get3A_395 = tpu.vector_load %arg9[%get3A_394] {strides = array<i32>} : memref<256xf32, #tpu.memory_space<vmem>>, vector<16xf32>,
              %get3A_396 = vector.shape_cast %get3A_395 : vector<16xf32> to vector<16xf32>
              %mul3A_397 = arith.mulf %bitcast_convert_type3A_349, %get3A_396 : vector<16xf32>
              %add3A_398 = arith.addf %add3A_393, %mul3A_397 : vector<16xf32>
              %get3A_399 = arith.constant 128 : index
              %get3A_400 = tpu.vector_load %arg9[%get3A_399] {strides = array<i32>} : memref<256xf32, #tpu.memory_space<vmem>>, vector<16xf32>,
              %get3A_401 = vector.shape_cast %get3A_400 : vector<16xf32> to vector<16xf32>
              %mul3A_402 = arith.mulf %bitcast_convert_type3A_367, %get3A_401 : vector<16xf32>
              %add3A_403 = arith.addf %add3A_398, %mul3A_402 : vector<16xf32>
              %get3A_404 = arith.constant 192 : index
              %get3A_405 = tpu.vector_load %arg9[%get3A_404] {strides = array<i32>} : memref<256xf32, #tpu.memory_space<vmem>>, vector<16xf32>,
              %get3A_406 = vector.shape_cast %get3A_405 : vector<16xf32> to vector<16xf32>
              %mul3A_407 = arith.mulf %bitcast_convert_type3A_385, %get3A_406 : vector<16xf32>
              %add3A_408 = arith.addf %add3A_403, %mul3A_407 : vector<16xf32>
              %bitcast_convert_type3A_409 = tpu.bitcast %add3A_408 : vector<16xf32> -> vector<16xi32>
              %shift_right_arithmetic3A_410 = arith.constant 16 : i32
              %shift_right_arithmetic3A_411 = vector.broadcast %shift_right_arithmetic3A_410 : i32 to vector<16xi32>
              %shift_right_arithmetic3A_412 = arith.shrsi %bitcast_convert_type3A_409, %shift_right_arithmetic3A_411 : vector<16xi32>
              %and3A_413 = arith.constant 1 : i32
              %and3A_414 = vector.broadcast %and3A_413 : i32 to vector<16xi32>
              %and3A_415 = arith.andi %shift_right_arithmetic3A_412, %and3A_414 : vector<16xi32>
              %add3A_416 = arith.constant 32767 : i32
              %add3A_417 = vector.broadcast %add3A_416 : i32 to vector<16xi32>
              %add3A_418 = arith.addi %bitcast_convert_type3A_409, %add3A_417 : vector<16xi32>
              %add3A_419 = arith.addi %add3A_418, %and3A_415 : vector<16xi32>
              %and3A_420 = arith.constant -65536 : i32
              %and3A_421 = vector.broadcast %and3A_420 : i32 to vector<16xi32>
              %and3A_422 = arith.andi %add3A_419, %and3A_421 : vector<16xi32>
              %bitcast_convert_type3A_423 = tpu.bitcast %and3A_422 : vector<16xi32> -> vector<16xf32>
              %get3A_424 = arith.constant 0 : index
              %get3A_425 = tpu.vector_load %arg11[%get3A_424] {strides = array<i32>} : memref<80xf32, #tpu.memory_space<vmem>>, vector<16xf32>,
              %get3A_426 = vector.shape_cast %get3A_425 : vector<16xf32> to vector<16xf32>
              %add3A_427 = arith.addf %get3A_426, %bitcast_convert_type3A_423 : vector<16xf32>
              %swap3A_428 = arith.constant 0 : index
              %swap3A_429 = tpu.vector_load %arg11[%swap3A_428] {strides = array<i32>} : memref<80xf32, #tpu.memory_space<vmem>>, vector<16xf32>,
              %swap3A_430 = vector.shape_cast %swap3A_429 : vector<16xf32> to vector<16xf32>
              %swap3A_431 = vector.shape_cast %add3A_427 : vector<16xf32> to vector<16xf32>
              tpu.vector_store %arg11[%swap3A_428], %swap3A_431 {strides = array<i32>} : memref<80xf32, #tpu.memory_space<vmem>>, vector<16xf32>,
              %get3A_432 = arith.constant 16 : index
              %get3A_433 = tpu.vector_load %arg10[%get3A_432] {strides = array<i32>} : memref<64xf32, #tpu.memory_space<vmem>>, vector<16xf32>,
              %get3A_434 = vector.shape_cast %get3A_433 : vector<16xf32> to vector<16xf32>
              %get3A_435 = arith.constant 16 : index
              %get3A_436 = tpu.vector_load %arg9[%get3A_435] {strides = array<i32>} : memref<256xf32, #tpu.memory_space<vmem>>, vector<16xf32>,
              %get3A_437 = vector.shape_cast %get3A_436 : vector<16xf32> to vector<16xf32>
              %mul3A_438 = arith.mulf %bitcast_convert_type3A_331, %get3A_437 : vector<16xf32>
              %add3A_439 = arith.addf %get3A_434, %mul3A_438 : vector<16xf32>
              %get3A_440 = arith.constant 80 : index
              %get3A_441 = tpu.vector_load %arg9[%get3A_440] {strides = array<i32>} : memref<256xf32, #tpu.memory_space<vmem>>, vector<16xf32>,
              %get3A_442 = vector.shape_cast %get3A_441 : vector<16xf32> to vector<16xf32>
              %mul3A_443 = arith.mulf %bitcast_convert_type3A_349, %get3A_442 : vector<16xf32>
              %add3A_444 = arith.addf %add3A_439, %mul3A_443 : vector<16xf32>
              %get3A_445 = arith.constant 144 : index
              %get3A_446 = tpu.vector_load %arg9[%get3A_445] {strides = array<i32>} : memref<256xf32, #tpu.memory_space<vmem>>, vector<16xf32>,
              %get3A_447 = vector.shape_cast %get3A_446 : vector<16xf32> to vector<16xf32>
              %mul3A_448 = arith.mulf %bitcast_convert_type3A_367, %get3A_447 : vector<16xf32>
              %add3A_449 = arith.addf %add3A_444, %mul3A_448 : vector<16xf32>
              %get3A_450 = arith.constant 208 : index
              %get3A_451 = tpu.vector_load %arg9[%get3A_450] {strides = array<i32>} : memref<256xf32, #tpu.memory_space<vmem>>, vector<16xf32>,
              %get3A_452 = vector.shape_cast %get3A_451 : vector<16xf32> to vector<16xf32>
              %mul3A_453 = arith.mulf %bitcast_convert_type3A_385, %get3A_452 : vector<16xf32>
              %add3A_454 = arith.addf %add3A_449, %mul3A_453 : vector<16xf32>
              %bitcast_convert_type3A_455 = tpu.bitcast %add3A_454 : vector<16xf32> -> vector<16xi32>
              %shift_right_arithmetic3A_456 = arith.constant 16 : i32
              %shift_right_arithmetic3A_457 = vector.broadcast %shift_right_arithmetic3A_456 : i32 to vector<16xi32>
              %shift_right_arithmetic3A_458 = arith.shrsi %bitcast_convert_type3A_455, %shift_right_arithmetic3A_457 : vector<16xi32>
              %and3A_459 = arith.constant 1 : i32
              %and3A_460 = vector.broadcast %and3A_459 : i32 to vector<16xi32>
              %and3A_461 = arith.andi %shift_right_arithmetic3A_458, %and3A_460 : vector<16xi32>
              %add3A_462 = arith.constant 32767 : i32
              %add3A_463 = vector.broadcast %add3A_462 : i32 to vector<16xi32>
              %add3A_464 = arith.addi %bitcast_convert_type3A_455, %add3A_463 : vector<16xi32>
              %add3A_465 = arith.addi %add3A_464, %and3A_461 : vector<16xi32>
              %and3A_466 = arith.constant -65536 : i32
              %and3A_467 = vector.broadcast %and3A_466 : i32 to vector<16xi32>
              %and3A_468 = arith.andi %add3A_465, %and3A_467 : vector<16xi32>
              %bitcast_convert_type3A_469 = tpu.bitcast %and3A_468 : vector<16xi32> -> vector<16xf32>
              %get3A_470 = arith.constant 16 : index
              %get3A_471 = tpu.vector_load %arg11[%get3A_470] {strides = array<i32>} : memref<80xf32, #tpu.memory_space<vmem>>, vector<16xf32>,
              %get3A_472 = vector.shape_cast %get3A_471 : vector<16xf32> to vector<16xf32>
              %add3A_473 = arith.addf %get3A_472, %bitcast_convert_type3A_469 : vector<16xf32>
              %swap3A_474 = arith.constant 16 : index
              %swap3A_475 = tpu.vector_load %arg11[%swap3A_474] {strides = array<i32>} : memref<80xf32, #tpu.memory_space<vmem>>, vector<16xf32>,
              %swap3A_476 = vector.shape_cast %swap3A_475 : vector<16xf32> to vector<16xf32>
              %swap3A_477 = vector.shape_cast %add3A_473 : vector<16xf32> to vector<16xf32>
              tpu.vector_store %arg11[%swap3A_474], %swap3A_477 {strides = array<i32>} : memref<80xf32, #tpu.memory_space<vmem>>, vector<16xf32>,
              %get3A_478 = arith.constant 32 : index
              %get3A_479 = tpu.vector_load %arg10[%get3A_478] {strides = array<i32>} : memref<64xf32, #tpu.memory_space<vmem>>, vector<16xf32>,
              %get3A_480 = vector.shape_cast %get3A_479 : vector<16xf32> to vector<16xf32>
              %get3A_481 = arith.constant 32 : index
              %get3A_482 = tpu.vector_load %arg9[%get3A_481] {strides = array<i32>} : memref<256xf32, #tpu.memory_space<vmem>>, vector<16xf32>,
              %get3A_483 = vector.shape_cast %get3A_482 : vector<16xf32> to vector<16xf32>
              %mul3A_484 = arith.mulf %bitcast_convert_type3A_331, %get3A_483 : vector<16xf32>
              %add3A_485 = arith.addf %get3A_480, %mul3A_484 : vector<16xf32>
              %get3A_486 = arith.constant 96 : index
              %get3A_487 = tpu.vector_load %arg9[%get3A_486] {strides = array<i32>} : memref<256xf32, #tpu.memory_space<vmem>>, vector<16xf32>,
              %get3A_488 = vector.shape_cast %get3A_487 : vector<16xf32> to vector<16xf32>
              %mul3A_489 = arith.mulf %bitcast_convert_type3A_349, %get3A_488 : vector<16xf32>
              %add3A_490 = arith.addf %add3A_485, %mul3A_489 : vector<16xf32>
              %get3A_491 = arith.constant 160 : index
              %get3A_492 = tpu.vector_load %arg9[%get3A_491] {strides = array<i32>} : memref<256xf32, #tpu.memory_space<vmem>>, vector<16xf32>,
              %get3A_493 = vector.shape_cast %get3A_492 : vector<16xf32> to vector<16xf32>
              %mul3A_494 = arith.mulf %bitcast_convert_type3A_367, %get3A_493 : vector<16xf32>
              %add3A_495 = arith.addf %add3A_490, %mul3A_494 : vector<16xf32>
              %get3A_496 = arith.constant 224 : index
              %get3A_497 = tpu.vector_load %arg9[%get3A_496] {strides = array<i32>} : memref<256xf32, #tpu.memory_space<vmem>>, vector<16xf32>,
              %get3A_498 = vector.shape_cast %get3A_497 : vector<16xf32> to vector<16xf32>
              %mul3A_499 = arith.mulf %bitcast_convert_type3A_385, %get3A_498 : vector<16xf32>
              %add3A_500 = arith.addf %add3A_495, %mul3A_499 : vector<16xf32>
              %bitcast_convert_type3A_501 = tpu.bitcast %add3A_500 : vector<16xf32> -> vector<16xi32>
              %shift_right_arithmetic3A_502 = arith.constant 16 : i32
              %shift_right_arithmetic3A_503 = vector.broadcast %shift_right_arithmetic3A_502 : i32 to vector<16xi32>
              %shift_right_arithmetic3A_504 = arith.shrsi %bitcast_convert_type3A_501, %shift_right_arithmetic3A_503 : vector<16xi32>
              %and3A_505 = arith.constant 1 : i32
              %and3A_506 = vector.broadcast %and3A_505 : i32 to vector<16xi32>
              %and3A_507 = arith.andi %shift_right_arithmetic3A_504, %and3A_506 : vector<16xi32>
              %add3A_508 = arith.constant 32767 : i32
              %add3A_509 = vector.broadcast %add3A_508 : i32 to vector<16xi32>
              %add3A_510 = arith.addi %bitcast_convert_type3A_501, %add3A_509 : vector<16xi32>
              %add3A_511 = arith.addi %add3A_510, %and3A_507 : vector<16xi32>
              %and3A_512 = arith.constant -65536 : i32
              %and3A_513 = vector.broadcast %and3A_512 : i32 to vector<16xi32>
              %and3A_514 = arith.andi %add3A_511, %and3A_513 : vector<16xi32>
              %bitcast_convert_type3A_515 = tpu.bitcast %and3A_514 : vector<16xi32> -> vector<16xf32>
              %get3A_516 = arith.constant 32 : index
              %get3A_517 = tpu.vector_load %arg11[%get3A_516] {strides = array<i32>} : memref<80xf32, #tpu.memory_space<vmem>>, vector<16xf32>,
              %get3A_518 = vector.shape_cast %get3A_517 : vector<16xf32> to vector<16xf32>
              %add3A_519 = arith.addf %get3A_518, %bitcast_convert_type3A_515 : vector<16xf32>
              %swap3A_520 = arith.constant 32 : index
              %swap3A_521 = tpu.vector_load %arg11[%swap3A_520] {strides = array<i32>} : memref<80xf32, #tpu.memory_space<vmem>>, vector<16xf32>,
              %swap3A_522 = vector.shape_cast %swap3A_521 : vector<16xf32> to vector<16xf32>
              %swap3A_523 = vector.shape_cast %add3A_519 : vector<16xf32> to vector<16xf32>
              tpu.vector_store %arg11[%swap3A_520], %swap3A_523 {strides = array<i32>} : memref<80xf32, #tpu.memory_space<vmem>>, vector<16xf32>,
              %get3A_524 = arith.constant 48 : index
              %get3A_525 = tpu.vector_load %arg10[%get3A_524] {strides = array<i32>} : memref<64xf32, #tpu.memory_space<vmem>>, vector<16xf32>,
              %get3A_526 = vector.shape_cast %get3A_525 : vector<16xf32> to vector<16xf32>
              %get3A_527 = arith.constant 48 : index
              %get3A_528 = tpu.vector_load %arg9[%get3A_527] {strides = array<i32>} : memref<256xf32, #tpu.memory_space<vmem>>, vector<16xf32>,
              %get3A_529 = vector.shape_cast %get3A_528 : vector<16xf32> to vector<16xf32>
              %mul3A_530 = arith.mulf %bitcast_convert_type3A_331, %get3A_529 : vector<16xf32>
              %add3A_531 = arith.addf %get3A_526, %mul3A_530 : vector<16xf32>
              %get3A_532 = arith.constant 112 : index
              %get3A_533 = tpu.vector_load %arg9[%get3A_532] {strides = array<i32>} : memref<256xf32, #tpu.memory_space<vmem>>, vector<16xf32>,
              %get3A_534 = vector.shape_cast %get3A_533 : vector<16xf32> to vector<16xf32>
              %mul3A_535 = arith.mulf %bitcast_convert_type3A_349, %get3A_534 : vector<16xf32>
              %add3A_536 = arith.addf %add3A_531, %mul3A_535 : vector<16xf32>
              %get3A_537 = arith.constant 176 : index
              %get3A_538 = tpu.vector_load %arg9[%get3A_537] {strides = array<i32>} : memref<256xf32, #tpu.memory_space<vmem>>, vector<16xf32>,
              %get3A_539 = vector.shape_cast %get3A_538 : vector<16xf32> to vector<16xf32>
              %mul3A_540 = arith.mulf %bitcast_convert_type3A_367, %get3A_539 : vector<16xf32>
              %add3A_541 = arith.addf %add3A_536, %mul3A_540 : vector<16xf32>
              %get3A_542 = arith.constant 240 : index
              %get3A_543 = tpu.vector_load %arg9[%get3A_542] {strides = array<i32>} : memref<256xf32, #tpu.memory_space<vmem>>, vector<16xf32>,
              %get3A_544 = vector.shape_cast %get3A_543 : vector<16xf32> to vector<16xf32>
              %mul3A_545 = arith.mulf %bitcast_convert_type3A_385, %get3A_544 : vector<16xf32>
              %add3A_546 = arith.addf %add3A_541, %mul3A_545 : vector<16xf32>
              %bitcast_convert_type3A_547 = tpu.bitcast %add3A_546 : vector<16xf32> -> vector<16xi32>
              %shift_right_arithmetic3A_548 = arith.constant 16 : i32
              %shift_right_arithmetic3A_549 = vector.broadcast %shift_right_arithmetic3A_548 : i32 to vector<16xi32>
              %shift_right_arithmetic3A_550 = arith.shrsi %bitcast_convert_type3A_547, %shift_right_arithmetic3A_549 : vector<16xi32>
              %and3A_551 = arith.constant 1 : i32
              %and3A_552 = vector.broadcast %and3A_551 : i32 to vector<16xi32>
              %and3A_553 = arith.andi %shift_right_arithmetic3A_550, %and3A_552 : vector<16xi32>
              %add3A_554 = arith.constant 32767 : i32
              %add3A_555 = vector.broadcast %add3A_554 : i32 to vector<16xi32>
              %add3A_556 = arith.addi %bitcast_convert_type3A_547, %add3A_555 : vector<16xi32>
              %add3A_557 = arith.addi %add3A_556, %and3A_553 : vector<16xi32>
              %and3A_558 = arith.constant -65536 : i32
              %and3A_559 = vector.broadcast %and3A_558 : i32 to vector<16xi32>
              %and3A_560 = arith.andi %add3A_557, %and3A_559 : vector<16xi32>
              %bitcast_convert_type3A_561 = tpu.bitcast %and3A_560 : vector<16xi32> -> vector<16xf32>
              %get3A_562 = arith.constant 48 : index
              %get3A_563 = tpu.vector_load %arg11[%get3A_562] {strides = array<i32>} : memref<80xf32, #tpu.memory_space<vmem>>, vector<16xf32>,
              %get3A_564 = vector.shape_cast %get3A_563 : vector<16xf32> to vector<16xf32>
              %add3A_565 = arith.addf %get3A_564, %bitcast_convert_type3A_561 : vector<16xf32>
              %swap3A_566 = arith.constant 48 : index
              %swap3A_567 = tpu.vector_load %arg11[%swap3A_566] {strides = array<i32>} : memref<80xf32, #tpu.memory_space<vmem>>, vector<16xf32>,
              %swap3A_568 = vector.shape_cast %swap3A_567 : vector<16xf32> to vector<16xf32>
              %swap3A_569 = vector.shape_cast %add3A_565 : vector<16xf32> to vector<16xf32>
              tpu.vector_store %arg11[%swap3A_566], %swap3A_569 {strides = array<i32>} : memref<80xf32, #tpu.memory_space<vmem>>, vector<16xf32>,
            } else {
            }
            %slice3A_267 = vector.extract_strided_slice %get3A_140 {offsets = [10], sizes = [1], strides = [1]} : vector<16xi32> to vector<1xi32>
            %squeeze3A_268 = vector.extract %slice3A_267[0] : i32 from vector<1xi32>
            %eq3A_269 = arith.constant 0 : i32
            %eq3A_270 = arith.cmpi eq, %squeeze3A_268, %eq3A_269 : i32
            %convert_element_type3A_271 = arith.extui %eq3A_270 : i1 to i32
            %cond3A_272 = arith.constant 0 : i32
            %cond3A_273 = arith.cmpi ne, %convert_element_type3A_271, %cond3A_272 : i32
            scf.if %cond3A_273 {
              %add3A_309 = arith.constant 10 : i32
              %add3A_310 = arith.addi %add3A_138, %add3A_309 : i32
              %mul3A_311 = arith.constant 4 : i32
              %mul3A_312 = arith.muli %add3A_310, %mul3A_311 : i32
              %get3A_313 = arith.index_cast %mul3A_312 : i32 to index
              %get3A_314 = tpu.vector_load %arg7[%get3A_313] {strides = array<i32>} : memref<40016xf32, #tpu.memory_space<vmem>>, vector<16xf32>,
              %get3A_315 = vector.shape_cast %get3A_314 : vector<16xf32> to vector<16xf32>
              %slice3A_316 = vector.extract_strided_slice %get3A_315 {offsets = [0], sizes = [1], strides = [1]} : vector<16xf32> to vector<1xf32>
              %squeeze3A_317 = vector.extract %slice3A_316[0] : f32 from vector<1xf32>
              %broadcast_in_dim3A_318 = vector.broadcast %squeeze3A_317 : f32 to vector<16xf32>
              %bitcast_convert_type3A = tpu.bitcast %broadcast_in_dim3A_318 : vector<16xf32> -> vector<16xi32>
              %shift_right_arithmetic3A = arith.constant 16 : i32
              %shift_right_arithmetic3A_319 = vector.broadcast %shift_right_arithmetic3A : i32 to vector<16xi32>
              %shift_right_arithmetic3A_320 = arith.shrsi %bitcast_convert_type3A, %shift_right_arithmetic3A_319 : vector<16xi32>
              %and3A_321 = arith.constant 1 : i32
              %and3A_322 = vector.broadcast %and3A_321 : i32 to vector<16xi32>
              %and3A_323 = arith.andi %shift_right_arithmetic3A_320, %and3A_322 : vector<16xi32>
              %add3A_324 = arith.constant 32767 : i32
              %add3A_325 = vector.broadcast %add3A_324 : i32 to vector<16xi32>
              %add3A_326 = arith.addi %bitcast_convert_type3A, %add3A_325 : vector<16xi32>
              %add3A_327 = arith.addi %add3A_326, %and3A_323 : vector<16xi32>
              %and3A_328 = arith.constant -65536 : i32
              %and3A_329 = vector.broadcast %and3A_328 : i32 to vector<16xi32>
              %and3A_330 = arith.andi %add3A_327, %and3A_329 : vector<16xi32>
              %bitcast_convert_type3A_331 = tpu.bitcast %and3A_330 : vector<16xi32> -> vector<16xf32>
              %slice3A_332 = vector.extract_strided_slice %get3A_315 {offsets = [1], sizes = [1], strides = [1]} : vector<16xf32> to vector<1xf32>
              %squeeze3A_333 = vector.extract %slice3A_332[0] : f32 from vector<1xf32>
              %broadcast_in_dim3A_334 = vector.broadcast %squeeze3A_333 : f32 to vector<16xf32>
              %bitcast_convert_type3A_335 = tpu.bitcast %broadcast_in_dim3A_334 : vector<16xf32> -> vector<16xi32>
              %shift_right_arithmetic3A_336 = arith.constant 16 : i32
              %shift_right_arithmetic3A_337 = vector.broadcast %shift_right_arithmetic3A_336 : i32 to vector<16xi32>
              %shift_right_arithmetic3A_338 = arith.shrsi %bitcast_convert_type3A_335, %shift_right_arithmetic3A_337 : vector<16xi32>
              %and3A_339 = arith.constant 1 : i32
              %and3A_340 = vector.broadcast %and3A_339 : i32 to vector<16xi32>
              %and3A_341 = arith.andi %shift_right_arithmetic3A_338, %and3A_340 : vector<16xi32>
              %add3A_342 = arith.constant 32767 : i32
              %add3A_343 = vector.broadcast %add3A_342 : i32 to vector<16xi32>
              %add3A_344 = arith.addi %bitcast_convert_type3A_335, %add3A_343 : vector<16xi32>
              %add3A_345 = arith.addi %add3A_344, %and3A_341 : vector<16xi32>
              %and3A_346 = arith.constant -65536 : i32
              %and3A_347 = vector.broadcast %and3A_346 : i32 to vector<16xi32>
              %and3A_348 = arith.andi %add3A_345, %and3A_347 : vector<16xi32>
              %bitcast_convert_type3A_349 = tpu.bitcast %and3A_348 : vector<16xi32> -> vector<16xf32>
              %slice3A_350 = vector.extract_strided_slice %get3A_315 {offsets = [2], sizes = [1], strides = [1]} : vector<16xf32> to vector<1xf32>
              %squeeze3A_351 = vector.extract %slice3A_350[0] : f32 from vector<1xf32>
              %broadcast_in_dim3A_352 = vector.broadcast %squeeze3A_351 : f32 to vector<16xf32>
              %bitcast_convert_type3A_353 = tpu.bitcast %broadcast_in_dim3A_352 : vector<16xf32> -> vector<16xi32>
              %shift_right_arithmetic3A_354 = arith.constant 16 : i32
              %shift_right_arithmetic3A_355 = vector.broadcast %shift_right_arithmetic3A_354 : i32 to vector<16xi32>
              %shift_right_arithmetic3A_356 = arith.shrsi %bitcast_convert_type3A_353, %shift_right_arithmetic3A_355 : vector<16xi32>
              %and3A_357 = arith.constant 1 : i32
              %and3A_358 = vector.broadcast %and3A_357 : i32 to vector<16xi32>
              %and3A_359 = arith.andi %shift_right_arithmetic3A_356, %and3A_358 : vector<16xi32>
              %add3A_360 = arith.constant 32767 : i32
              %add3A_361 = vector.broadcast %add3A_360 : i32 to vector<16xi32>
              %add3A_362 = arith.addi %bitcast_convert_type3A_353, %add3A_361 : vector<16xi32>
              %add3A_363 = arith.addi %add3A_362, %and3A_359 : vector<16xi32>
              %and3A_364 = arith.constant -65536 : i32
              %and3A_365 = vector.broadcast %and3A_364 : i32 to vector<16xi32>
              %and3A_366 = arith.andi %add3A_363, %and3A_365 : vector<16xi32>
              %bitcast_convert_type3A_367 = tpu.bitcast %and3A_366 : vector<16xi32> -> vector<16xf32>
              %slice3A_368 = vector.extract_strided_slice %get3A_315 {offsets = [3], sizes = [1], strides = [1]} : vector<16xf32> to vector<1xf32>
              %squeeze3A_369 = vector.extract %slice3A_368[0] : f32 from vector<1xf32>
              %broadcast_in_dim3A_370 = vector.broadcast %squeeze3A_369 : f32 to vector<16xf32>
              %bitcast_convert_type3A_371 = tpu.bitcast %broadcast_in_dim3A_370 : vector<16xf32> -> vector<16xi32>
              %shift_right_arithmetic3A_372 = arith.constant 16 : i32
              %shift_right_arithmetic3A_373 = vector.broadcast %shift_right_arithmetic3A_372 : i32 to vector<16xi32>
              %shift_right_arithmetic3A_374 = arith.shrsi %bitcast_convert_type3A_371, %shift_right_arithmetic3A_373 : vector<16xi32>
              %and3A_375 = arith.constant 1 : i32
              %and3A_376 = vector.broadcast %and3A_375 : i32 to vector<16xi32>
              %and3A_377 = arith.andi %shift_right_arithmetic3A_374, %and3A_376 : vector<16xi32>
              %add3A_378 = arith.constant 32767 : i32
              %add3A_379 = vector.broadcast %add3A_378 : i32 to vector<16xi32>
              %add3A_380 = arith.addi %bitcast_convert_type3A_371, %add3A_379 : vector<16xi32>
              %add3A_381 = arith.addi %add3A_380, %and3A_377 : vector<16xi32>
              %and3A_382 = arith.constant -65536 : i32
              %and3A_383 = vector.broadcast %and3A_382 : i32 to vector<16xi32>
              %and3A_384 = arith.andi %add3A_381, %and3A_383 : vector<16xi32>
              %bitcast_convert_type3A_385 = tpu.bitcast %and3A_384 : vector<16xi32> -> vector<16xf32>
              %get3A_386 = arith.constant 0 : index
              %get3A_387 = tpu.vector_load %arg10[%get3A_386] {strides = array<i32>} : memref<64xf32, #tpu.memory_space<vmem>>, vector<16xf32>,
              %get3A_388 = vector.shape_cast %get3A_387 : vector<16xf32> to vector<16xf32>
              %get3A_389 = arith.constant 0 : index
              %get3A_390 = tpu.vector_load %arg9[%get3A_389] {strides = array<i32>} : memref<256xf32, #tpu.memory_space<vmem>>, vector<16xf32>,
              %get3A_391 = vector.shape_cast %get3A_390 : vector<16xf32> to vector<16xf32>
              %mul3A_392 = arith.mulf %bitcast_convert_type3A_331, %get3A_391 : vector<16xf32>
              %add3A_393 = arith.addf %get3A_388, %mul3A_392 : vector<16xf32>
              %get3A_394 = arith.constant 64 : index
              %get3A_395 = tpu.vector_load %arg9[%get3A_394] {strides = array<i32>} : memref<256xf32, #tpu.memory_space<vmem>>, vector<16xf32>,
              %get3A_396 = vector.shape_cast %get3A_395 : vector<16xf32> to vector<16xf32>
              %mul3A_397 = arith.mulf %bitcast_convert_type3A_349, %get3A_396 : vector<16xf32>
              %add3A_398 = arith.addf %add3A_393, %mul3A_397 : vector<16xf32>
              %get3A_399 = arith.constant 128 : index
              %get3A_400 = tpu.vector_load %arg9[%get3A_399] {strides = array<i32>} : memref<256xf32, #tpu.memory_space<vmem>>, vector<16xf32>,
              %get3A_401 = vector.shape_cast %get3A_400 : vector<16xf32> to vector<16xf32>
              %mul3A_402 = arith.mulf %bitcast_convert_type3A_367, %get3A_401 : vector<16xf32>
              %add3A_403 = arith.addf %add3A_398, %mul3A_402 : vector<16xf32>
              %get3A_404 = arith.constant 192 : index
              %get3A_405 = tpu.vector_load %arg9[%get3A_404] {strides = array<i32>} : memref<256xf32, #tpu.memory_space<vmem>>, vector<16xf32>,
              %get3A_406 = vector.shape_cast %get3A_405 : vector<16xf32> to vector<16xf32>
              %mul3A_407 = arith.mulf %bitcast_convert_type3A_385, %get3A_406 : vector<16xf32>
              %add3A_408 = arith.addf %add3A_403, %mul3A_407 : vector<16xf32>
              %bitcast_convert_type3A_409 = tpu.bitcast %add3A_408 : vector<16xf32> -> vector<16xi32>
              %shift_right_arithmetic3A_410 = arith.constant 16 : i32
              %shift_right_arithmetic3A_411 = vector.broadcast %shift_right_arithmetic3A_410 : i32 to vector<16xi32>
              %shift_right_arithmetic3A_412 = arith.shrsi %bitcast_convert_type3A_409, %shift_right_arithmetic3A_411 : vector<16xi32>
              %and3A_413 = arith.constant 1 : i32
              %and3A_414 = vector.broadcast %and3A_413 : i32 to vector<16xi32>
              %and3A_415 = arith.andi %shift_right_arithmetic3A_412, %and3A_414 : vector<16xi32>
              %add3A_416 = arith.constant 32767 : i32
              %add3A_417 = vector.broadcast %add3A_416 : i32 to vector<16xi32>
              %add3A_418 = arith.addi %bitcast_convert_type3A_409, %add3A_417 : vector<16xi32>
              %add3A_419 = arith.addi %add3A_418, %and3A_415 : vector<16xi32>
              %and3A_420 = arith.constant -65536 : i32
              %and3A_421 = vector.broadcast %and3A_420 : i32 to vector<16xi32>
              %and3A_422 = arith.andi %add3A_419, %and3A_421 : vector<16xi32>
              %bitcast_convert_type3A_423 = tpu.bitcast %and3A_422 : vector<16xi32> -> vector<16xf32>
              %get3A_424 = arith.constant 0 : index
              %get3A_425 = tpu.vector_load %arg11[%get3A_424] {strides = array<i32>} : memref<80xf32, #tpu.memory_space<vmem>>, vector<16xf32>,
              %get3A_426 = vector.shape_cast %get3A_425 : vector<16xf32> to vector<16xf32>
              %add3A_427 = arith.addf %get3A_426, %bitcast_convert_type3A_423 : vector<16xf32>
              %swap3A_428 = arith.constant 0 : index
              %swap3A_429 = tpu.vector_load %arg11[%swap3A_428] {strides = array<i32>} : memref<80xf32, #tpu.memory_space<vmem>>, vector<16xf32>,
              %swap3A_430 = vector.shape_cast %swap3A_429 : vector<16xf32> to vector<16xf32>
              %swap3A_431 = vector.shape_cast %add3A_427 : vector<16xf32> to vector<16xf32>
              tpu.vector_store %arg11[%swap3A_428], %swap3A_431 {strides = array<i32>} : memref<80xf32, #tpu.memory_space<vmem>>, vector<16xf32>,
              %get3A_432 = arith.constant 16 : index
              %get3A_433 = tpu.vector_load %arg10[%get3A_432] {strides = array<i32>} : memref<64xf32, #tpu.memory_space<vmem>>, vector<16xf32>,
              %get3A_434 = vector.shape_cast %get3A_433 : vector<16xf32> to vector<16xf32>
              %get3A_435 = arith.constant 16 : index
              %get3A_436 = tpu.vector_load %arg9[%get3A_435] {strides = array<i32>} : memref<256xf32, #tpu.memory_space<vmem>>, vector<16xf32>,
              %get3A_437 = vector.shape_cast %get3A_436 : vector<16xf32> to vector<16xf32>
              %mul3A_438 = arith.mulf %bitcast_convert_type3A_331, %get3A_437 : vector<16xf32>
              %add3A_439 = arith.addf %get3A_434, %mul3A_438 : vector<16xf32>
              %get3A_440 = arith.constant 80 : index
              %get3A_441 = tpu.vector_load %arg9[%get3A_440] {strides = array<i32>} : memref<256xf32, #tpu.memory_space<vmem>>, vector<16xf32>,
              %get3A_442 = vector.shape_cast %get3A_441 : vector<16xf32> to vector<16xf32>
              %mul3A_443 = arith.mulf %bitcast_convert_type3A_349, %get3A_442 : vector<16xf32>
              %add3A_444 = arith.addf %add3A_439, %mul3A_443 : vector<16xf32>
              %get3A_445 = arith.constant 144 : index
              %get3A_446 = tpu.vector_load %arg9[%get3A_445] {strides = array<i32>} : memref<256xf32, #tpu.memory_space<vmem>>, vector<16xf32>,
              %get3A_447 = vector.shape_cast %get3A_446 : vector<16xf32> to vector<16xf32>
              %mul3A_448 = arith.mulf %bitcast_convert_type3A_367, %get3A_447 : vector<16xf32>
              %add3A_449 = arith.addf %add3A_444, %mul3A_448 : vector<16xf32>
              %get3A_450 = arith.constant 208 : index
              %get3A_451 = tpu.vector_load %arg9[%get3A_450] {strides = array<i32>} : memref<256xf32, #tpu.memory_space<vmem>>, vector<16xf32>,
              %get3A_452 = vector.shape_cast %get3A_451 : vector<16xf32> to vector<16xf32>
              %mul3A_453 = arith.mulf %bitcast_convert_type3A_385, %get3A_452 : vector<16xf32>
              %add3A_454 = arith.addf %add3A_449, %mul3A_453 : vector<16xf32>
              %bitcast_convert_type3A_455 = tpu.bitcast %add3A_454 : vector<16xf32> -> vector<16xi32>
              %shift_right_arithmetic3A_456 = arith.constant 16 : i32
              %shift_right_arithmetic3A_457 = vector.broadcast %shift_right_arithmetic3A_456 : i32 to vector<16xi32>
              %shift_right_arithmetic3A_458 = arith.shrsi %bitcast_convert_type3A_455, %shift_right_arithmetic3A_457 : vector<16xi32>
              %and3A_459 = arith.constant 1 : i32
              %and3A_460 = vector.broadcast %and3A_459 : i32 to vector<16xi32>
              %and3A_461 = arith.andi %shift_right_arithmetic3A_458, %and3A_460 : vector<16xi32>
              %add3A_462 = arith.constant 32767 : i32
              %add3A_463 = vector.broadcast %add3A_462 : i32 to vector<16xi32>
              %add3A_464 = arith.addi %bitcast_convert_type3A_455, %add3A_463 : vector<16xi32>
              %add3A_465 = arith.addi %add3A_464, %and3A_461 : vector<16xi32>
              %and3A_466 = arith.constant -65536 : i32
              %and3A_467 = vector.broadcast %and3A_466 : i32 to vector<16xi32>
              %and3A_468 = arith.andi %add3A_465, %and3A_467 : vector<16xi32>
              %bitcast_convert_type3A_469 = tpu.bitcast %and3A_468 : vector<16xi32> -> vector<16xf32>
              %get3A_470 = arith.constant 16 : index
              %get3A_471 = tpu.vector_load %arg11[%get3A_470] {strides = array<i32>} : memref<80xf32, #tpu.memory_space<vmem>>, vector<16xf32>,
              %get3A_472 = vector.shape_cast %get3A_471 : vector<16xf32> to vector<16xf32>
              %add3A_473 = arith.addf %get3A_472, %bitcast_convert_type3A_469 : vector<16xf32>
              %swap3A_474 = arith.constant 16 : index
              %swap3A_475 = tpu.vector_load %arg11[%swap3A_474] {strides = array<i32>} : memref<80xf32, #tpu.memory_space<vmem>>, vector<16xf32>,
              %swap3A_476 = vector.shape_cast %swap3A_475 : vector<16xf32> to vector<16xf32>
              %swap3A_477 = vector.shape_cast %add3A_473 : vector<16xf32> to vector<16xf32>
              tpu.vector_store %arg11[%swap3A_474], %swap3A_477 {strides = array<i32>} : memref<80xf32, #tpu.memory_space<vmem>>, vector<16xf32>,
              %get3A_478 = arith.constant 32 : index
              %get3A_479 = tpu.vector_load %arg10[%get3A_478] {strides = array<i32>} : memref<64xf32, #tpu.memory_space<vmem>>, vector<16xf32>,
              %get3A_480 = vector.shape_cast %get3A_479 : vector<16xf32> to vector<16xf32>
              %get3A_481 = arith.constant 32 : index
              %get3A_482 = tpu.vector_load %arg9[%get3A_481] {strides = array<i32>} : memref<256xf32, #tpu.memory_space<vmem>>, vector<16xf32>,
              %get3A_483 = vector.shape_cast %get3A_482 : vector<16xf32> to vector<16xf32>
              %mul3A_484 = arith.mulf %bitcast_convert_type3A_331, %get3A_483 : vector<16xf32>
              %add3A_485 = arith.addf %get3A_480, %mul3A_484 : vector<16xf32>
              %get3A_486 = arith.constant 96 : index
              %get3A_487 = tpu.vector_load %arg9[%get3A_486] {strides = array<i32>} : memref<256xf32, #tpu.memory_space<vmem>>, vector<16xf32>,
              %get3A_488 = vector.shape_cast %get3A_487 : vector<16xf32> to vector<16xf32>
              %mul3A_489 = arith.mulf %bitcast_convert_type3A_349, %get3A_488 : vector<16xf32>
              %add3A_490 = arith.addf %add3A_485, %mul3A_489 : vector<16xf32>
              %get3A_491 = arith.constant 160 : index
              %get3A_492 = tpu.vector_load %arg9[%get3A_491] {strides = array<i32>} : memref<256xf32, #tpu.memory_space<vmem>>, vector<16xf32>,
              %get3A_493 = vector.shape_cast %get3A_492 : vector<16xf32> to vector<16xf32>
              %mul3A_494 = arith.mulf %bitcast_convert_type3A_367, %get3A_493 : vector<16xf32>
              %add3A_495 = arith.addf %add3A_490, %mul3A_494 : vector<16xf32>
              %get3A_496 = arith.constant 224 : index
              %get3A_497 = tpu.vector_load %arg9[%get3A_496] {strides = array<i32>} : memref<256xf32, #tpu.memory_space<vmem>>, vector<16xf32>,
              %get3A_498 = vector.shape_cast %get3A_497 : vector<16xf32> to vector<16xf32>
              %mul3A_499 = arith.mulf %bitcast_convert_type3A_385, %get3A_498 : vector<16xf32>
              %add3A_500 = arith.addf %add3A_495, %mul3A_499 : vector<16xf32>
              %bitcast_convert_type3A_501 = tpu.bitcast %add3A_500 : vector<16xf32> -> vector<16xi32>
              %shift_right_arithmetic3A_502 = arith.constant 16 : i32
              %shift_right_arithmetic3A_503 = vector.broadcast %shift_right_arithmetic3A_502 : i32 to vector<16xi32>
              %shift_right_arithmetic3A_504 = arith.shrsi %bitcast_convert_type3A_501, %shift_right_arithmetic3A_503 : vector<16xi32>
              %and3A_505 = arith.constant 1 : i32
              %and3A_506 = vector.broadcast %and3A_505 : i32 to vector<16xi32>
              %and3A_507 = arith.andi %shift_right_arithmetic3A_504, %and3A_506 : vector<16xi32>
              %add3A_508 = arith.constant 32767 : i32
              %add3A_509 = vector.broadcast %add3A_508 : i32 to vector<16xi32>
              %add3A_510 = arith.addi %bitcast_convert_type3A_501, %add3A_509 : vector<16xi32>
              %add3A_511 = arith.addi %add3A_510, %and3A_507 : vector<16xi32>
              %and3A_512 = arith.constant -65536 : i32
              %and3A_513 = vector.broadcast %and3A_512 : i32 to vector<16xi32>
              %and3A_514 = arith.andi %add3A_511, %and3A_513 : vector<16xi32>
              %bitcast_convert_type3A_515 = tpu.bitcast %and3A_514 : vector<16xi32> -> vector<16xf32>
              %get3A_516 = arith.constant 32 : index
              %get3A_517 = tpu.vector_load %arg11[%get3A_516] {strides = array<i32>} : memref<80xf32, #tpu.memory_space<vmem>>, vector<16xf32>,
              %get3A_518 = vector.shape_cast %get3A_517 : vector<16xf32> to vector<16xf32>
              %add3A_519 = arith.addf %get3A_518, %bitcast_convert_type3A_515 : vector<16xf32>
              %swap3A_520 = arith.constant 32 : index
              %swap3A_521 = tpu.vector_load %arg11[%swap3A_520] {strides = array<i32>} : memref<80xf32, #tpu.memory_space<vmem>>, vector<16xf32>,
              %swap3A_522 = vector.shape_cast %swap3A_521 : vector<16xf32> to vector<16xf32>
              %swap3A_523 = vector.shape_cast %add3A_519 : vector<16xf32> to vector<16xf32>
              tpu.vector_store %arg11[%swap3A_520], %swap3A_523 {strides = array<i32>} : memref<80xf32, #tpu.memory_space<vmem>>, vector<16xf32>,
              %get3A_524 = arith.constant 48 : index
              %get3A_525 = tpu.vector_load %arg10[%get3A_524] {strides = array<i32>} : memref<64xf32, #tpu.memory_space<vmem>>, vector<16xf32>,
              %get3A_526 = vector.shape_cast %get3A_525 : vector<16xf32> to vector<16xf32>
              %get3A_527 = arith.constant 48 : index
              %get3A_528 = tpu.vector_load %arg9[%get3A_527] {strides = array<i32>} : memref<256xf32, #tpu.memory_space<vmem>>, vector<16xf32>,
              %get3A_529 = vector.shape_cast %get3A_528 : vector<16xf32> to vector<16xf32>
              %mul3A_530 = arith.mulf %bitcast_convert_type3A_331, %get3A_529 : vector<16xf32>
              %add3A_531 = arith.addf %get3A_526, %mul3A_530 : vector<16xf32>
              %get3A_532 = arith.constant 112 : index
              %get3A_533 = tpu.vector_load %arg9[%get3A_532] {strides = array<i32>} : memref<256xf32, #tpu.memory_space<vmem>>, vector<16xf32>,
              %get3A_534 = vector.shape_cast %get3A_533 : vector<16xf32> to vector<16xf32>
              %mul3A_535 = arith.mulf %bitcast_convert_type3A_349, %get3A_534 : vector<16xf32>
              %add3A_536 = arith.addf %add3A_531, %mul3A_535 : vector<16xf32>
              %get3A_537 = arith.constant 176 : index
              %get3A_538 = tpu.vector_load %arg9[%get3A_537] {strides = array<i32>} : memref<256xf32, #tpu.memory_space<vmem>>, vector<16xf32>,
              %get3A_539 = vector.shape_cast %get3A_538 : vector<16xf32> to vector<16xf32>
              %mul3A_540 = arith.mulf %bitcast_convert_type3A_367, %get3A_539 : vector<16xf32>
              %add3A_541 = arith.addf %add3A_536, %mul3A_540 : vector<16xf32>
              %get3A_542 = arith.constant 240 : index
              %get3A_543 = tpu.vector_load %arg9[%get3A_542] {strides = array<i32>} : memref<256xf32, #tpu.memory_space<vmem>>, vector<16xf32>,
              %get3A_544 = vector.shape_cast %get3A_543 : vector<16xf32> to vector<16xf32>
              %mul3A_545 = arith.mulf %bitcast_convert_type3A_385, %get3A_544 : vector<16xf32>
              %add3A_546 = arith.addf %add3A_541, %mul3A_545 : vector<16xf32>
              %bitcast_convert_type3A_547 = tpu.bitcast %add3A_546 : vector<16xf32> -> vector<16xi32>
              %shift_right_arithmetic3A_548 = arith.constant 16 : i32
              %shift_right_arithmetic3A_549 = vector.broadcast %shift_right_arithmetic3A_548 : i32 to vector<16xi32>
              %shift_right_arithmetic3A_550 = arith.shrsi %bitcast_convert_type3A_547, %shift_right_arithmetic3A_549 : vector<16xi32>
              %and3A_551 = arith.constant 1 : i32
              %and3A_552 = vector.broadcast %and3A_551 : i32 to vector<16xi32>
              %and3A_553 = arith.andi %shift_right_arithmetic3A_550, %and3A_552 : vector<16xi32>
              %add3A_554 = arith.constant 32767 : i32
              %add3A_555 = vector.broadcast %add3A_554 : i32 to vector<16xi32>
              %add3A_556 = arith.addi %bitcast_convert_type3A_547, %add3A_555 : vector<16xi32>
              %add3A_557 = arith.addi %add3A_556, %and3A_553 : vector<16xi32>
              %and3A_558 = arith.constant -65536 : i32
              %and3A_559 = vector.broadcast %and3A_558 : i32 to vector<16xi32>
              %and3A_560 = arith.andi %add3A_557, %and3A_559 : vector<16xi32>
              %bitcast_convert_type3A_561 = tpu.bitcast %and3A_560 : vector<16xi32> -> vector<16xf32>
              %get3A_562 = arith.constant 48 : index
              %get3A_563 = tpu.vector_load %arg11[%get3A_562] {strides = array<i32>} : memref<80xf32, #tpu.memory_space<vmem>>, vector<16xf32>,
              %get3A_564 = vector.shape_cast %get3A_563 : vector<16xf32> to vector<16xf32>
              %add3A_565 = arith.addf %get3A_564, %bitcast_convert_type3A_561 : vector<16xf32>
              %swap3A_566 = arith.constant 48 : index
              %swap3A_567 = tpu.vector_load %arg11[%swap3A_566] {strides = array<i32>} : memref<80xf32, #tpu.memory_space<vmem>>, vector<16xf32>,
              %swap3A_568 = vector.shape_cast %swap3A_567 : vector<16xf32> to vector<16xf32>
              %swap3A_569 = vector.shape_cast %add3A_565 : vector<16xf32> to vector<16xf32>
              tpu.vector_store %arg11[%swap3A_566], %swap3A_569 {strides = array<i32>} : memref<80xf32, #tpu.memory_space<vmem>>, vector<16xf32>,
            } else {
            }
            %slice3A_274 = vector.extract_strided_slice %get3A_140 {offsets = [11], sizes = [1], strides = [1]} : vector<16xi32> to vector<1xi32>
            %squeeze3A_275 = vector.extract %slice3A_274[0] : i32 from vector<1xi32>
            %eq3A_276 = arith.constant 0 : i32
            %eq3A_277 = arith.cmpi eq, %squeeze3A_275, %eq3A_276 : i32
            %convert_element_type3A_278 = arith.extui %eq3A_277 : i1 to i32
            %cond3A_279 = arith.constant 0 : i32
            %cond3A_280 = arith.cmpi ne, %convert_element_type3A_278, %cond3A_279 : i32
            scf.if %cond3A_280 {
              %add3A_309 = arith.constant 11 : i32
              %add3A_310 = arith.addi %add3A_138, %add3A_309 : i32
              %mul3A_311 = arith.constant 4 : i32
              %mul3A_312 = arith.muli %add3A_310, %mul3A_311 : i32
              %get3A_313 = arith.index_cast %mul3A_312 : i32 to index
              %get3A_314 = tpu.vector_load %arg7[%get3A_313] {strides = array<i32>} : memref<40016xf32, #tpu.memory_space<vmem>>, vector<16xf32>,
              %get3A_315 = vector.shape_cast %get3A_314 : vector<16xf32> to vector<16xf32>
              %slice3A_316 = vector.extract_strided_slice %get3A_315 {offsets = [0], sizes = [1], strides = [1]} : vector<16xf32> to vector<1xf32>
              %squeeze3A_317 = vector.extract %slice3A_316[0] : f32 from vector<1xf32>
              %broadcast_in_dim3A_318 = vector.broadcast %squeeze3A_317 : f32 to vector<16xf32>
              %bitcast_convert_type3A = tpu.bitcast %broadcast_in_dim3A_318 : vector<16xf32> -> vector<16xi32>
              %shift_right_arithmetic3A = arith.constant 16 : i32
              %shift_right_arithmetic3A_319 = vector.broadcast %shift_right_arithmetic3A : i32 to vector<16xi32>
              %shift_right_arithmetic3A_320 = arith.shrsi %bitcast_convert_type3A, %shift_right_arithmetic3A_319 : vector<16xi32>
              %and3A_321 = arith.constant 1 : i32
              %and3A_322 = vector.broadcast %and3A_321 : i32 to vector<16xi32>
              %and3A_323 = arith.andi %shift_right_arithmetic3A_320, %and3A_322 : vector<16xi32>
              %add3A_324 = arith.constant 32767 : i32
              %add3A_325 = vector.broadcast %add3A_324 : i32 to vector<16xi32>
              %add3A_326 = arith.addi %bitcast_convert_type3A, %add3A_325 : vector<16xi32>
              %add3A_327 = arith.addi %add3A_326, %and3A_323 : vector<16xi32>
              %and3A_328 = arith.constant -65536 : i32
              %and3A_329 = vector.broadcast %and3A_328 : i32 to vector<16xi32>
              %and3A_330 = arith.andi %add3A_327, %and3A_329 : vector<16xi32>
              %bitcast_convert_type3A_331 = tpu.bitcast %and3A_330 : vector<16xi32> -> vector<16xf32>
              %slice3A_332 = vector.extract_strided_slice %get3A_315 {offsets = [1], sizes = [1], strides = [1]} : vector<16xf32> to vector<1xf32>
              %squeeze3A_333 = vector.extract %slice3A_332[0] : f32 from vector<1xf32>
              %broadcast_in_dim3A_334 = vector.broadcast %squeeze3A_333 : f32 to vector<16xf32>
              %bitcast_convert_type3A_335 = tpu.bitcast %broadcast_in_dim3A_334 : vector<16xf32> -> vector<16xi32>
              %shift_right_arithmetic3A_336 = arith.constant 16 : i32
              %shift_right_arithmetic3A_337 = vector.broadcast %shift_right_arithmetic3A_336 : i32 to vector<16xi32>
              %shift_right_arithmetic3A_338 = arith.shrsi %bitcast_convert_type3A_335, %shift_right_arithmetic3A_337 : vector<16xi32>
              %and3A_339 = arith.constant 1 : i32
              %and3A_340 = vector.broadcast %and3A_339 : i32 to vector<16xi32>
              %and3A_341 = arith.andi %shift_right_arithmetic3A_338, %and3A_340 : vector<16xi32>
              %add3A_342 = arith.constant 32767 : i32
              %add3A_343 = vector.broadcast %add3A_342 : i32 to vector<16xi32>
              %add3A_344 = arith.addi %bitcast_convert_type3A_335, %add3A_343 : vector<16xi32>
              %add3A_345 = arith.addi %add3A_344, %and3A_341 : vector<16xi32>
              %and3A_346 = arith.constant -65536 : i32
              %and3A_347 = vector.broadcast %and3A_346 : i32 to vector<16xi32>
              %and3A_348 = arith.andi %add3A_345, %and3A_347 : vector<16xi32>
              %bitcast_convert_type3A_349 = tpu.bitcast %and3A_348 : vector<16xi32> -> vector<16xf32>
              %slice3A_350 = vector.extract_strided_slice %get3A_315 {offsets = [2], sizes = [1], strides = [1]} : vector<16xf32> to vector<1xf32>
              %squeeze3A_351 = vector.extract %slice3A_350[0] : f32 from vector<1xf32>
              %broadcast_in_dim3A_352 = vector.broadcast %squeeze3A_351 : f32 to vector<16xf32>
              %bitcast_convert_type3A_353 = tpu.bitcast %broadcast_in_dim3A_352 : vector<16xf32> -> vector<16xi32>
              %shift_right_arithmetic3A_354 = arith.constant 16 : i32
              %shift_right_arithmetic3A_355 = vector.broadcast %shift_right_arithmetic3A_354 : i32 to vector<16xi32>
              %shift_right_arithmetic3A_356 = arith.shrsi %bitcast_convert_type3A_353, %shift_right_arithmetic3A_355 : vector<16xi32>
              %and3A_357 = arith.constant 1 : i32
              %and3A_358 = vector.broadcast %and3A_357 : i32 to vector<16xi32>
              %and3A_359 = arith.andi %shift_right_arithmetic3A_356, %and3A_358 : vector<16xi32>
              %add3A_360 = arith.constant 32767 : i32
              %add3A_361 = vector.broadcast %add3A_360 : i32 to vector<16xi32>
              %add3A_362 = arith.addi %bitcast_convert_type3A_353, %add3A_361 : vector<16xi32>
              %add3A_363 = arith.addi %add3A_362, %and3A_359 : vector<16xi32>
              %and3A_364 = arith.constant -65536 : i32
              %and3A_365 = vector.broadcast %and3A_364 : i32 to vector<16xi32>
              %and3A_366 = arith.andi %add3A_363, %and3A_365 : vector<16xi32>
              %bitcast_convert_type3A_367 = tpu.bitcast %and3A_366 : vector<16xi32> -> vector<16xf32>
              %slice3A_368 = vector.extract_strided_slice %get3A_315 {offsets = [3], sizes = [1], strides = [1]} : vector<16xf32> to vector<1xf32>
              %squeeze3A_369 = vector.extract %slice3A_368[0] : f32 from vector<1xf32>
              %broadcast_in_dim3A_370 = vector.broadcast %squeeze3A_369 : f32 to vector<16xf32>
              %bitcast_convert_type3A_371 = tpu.bitcast %broadcast_in_dim3A_370 : vector<16xf32> -> vector<16xi32>
              %shift_right_arithmetic3A_372 = arith.constant 16 : i32
              %shift_right_arithmetic3A_373 = vector.broadcast %shift_right_arithmetic3A_372 : i32 to vector<16xi32>
              %shift_right_arithmetic3A_374 = arith.shrsi %bitcast_convert_type3A_371, %shift_right_arithmetic3A_373 : vector<16xi32>
              %and3A_375 = arith.constant 1 : i32
              %and3A_376 = vector.broadcast %and3A_375 : i32 to vector<16xi32>
              %and3A_377 = arith.andi %shift_right_arithmetic3A_374, %and3A_376 : vector<16xi32>
              %add3A_378 = arith.constant 32767 : i32
              %add3A_379 = vector.broadcast %add3A_378 : i32 to vector<16xi32>
              %add3A_380 = arith.addi %bitcast_convert_type3A_371, %add3A_379 : vector<16xi32>
              %add3A_381 = arith.addi %add3A_380, %and3A_377 : vector<16xi32>
              %and3A_382 = arith.constant -65536 : i32
              %and3A_383 = vector.broadcast %and3A_382 : i32 to vector<16xi32>
              %and3A_384 = arith.andi %add3A_381, %and3A_383 : vector<16xi32>
              %bitcast_convert_type3A_385 = tpu.bitcast %and3A_384 : vector<16xi32> -> vector<16xf32>
              %get3A_386 = arith.constant 0 : index
              %get3A_387 = tpu.vector_load %arg10[%get3A_386] {strides = array<i32>} : memref<64xf32, #tpu.memory_space<vmem>>, vector<16xf32>,
              %get3A_388 = vector.shape_cast %get3A_387 : vector<16xf32> to vector<16xf32>
              %get3A_389 = arith.constant 0 : index
              %get3A_390 = tpu.vector_load %arg9[%get3A_389] {strides = array<i32>} : memref<256xf32, #tpu.memory_space<vmem>>, vector<16xf32>,
              %get3A_391 = vector.shape_cast %get3A_390 : vector<16xf32> to vector<16xf32>
              %mul3A_392 = arith.mulf %bitcast_convert_type3A_331, %get3A_391 : vector<16xf32>
              %add3A_393 = arith.addf %get3A_388, %mul3A_392 : vector<16xf32>
              %get3A_394 = arith.constant 64 : index
              %get3A_395 = tpu.vector_load %arg9[%get3A_394] {strides = array<i32>} : memref<256xf32, #tpu.memory_space<vmem>>, vector<16xf32>,
              %get3A_396 = vector.shape_cast %get3A_395 : vector<16xf32> to vector<16xf32>
              %mul3A_397 = arith.mulf %bitcast_convert_type3A_349, %get3A_396 : vector<16xf32>
              %add3A_398 = arith.addf %add3A_393, %mul3A_397 : vector<16xf32>
              %get3A_399 = arith.constant 128 : index
              %get3A_400 = tpu.vector_load %arg9[%get3A_399] {strides = array<i32>} : memref<256xf32, #tpu.memory_space<vmem>>, vector<16xf32>,
              %get3A_401 = vector.shape_cast %get3A_400 : vector<16xf32> to vector<16xf32>
              %mul3A_402 = arith.mulf %bitcast_convert_type3A_367, %get3A_401 : vector<16xf32>
              %add3A_403 = arith.addf %add3A_398, %mul3A_402 : vector<16xf32>
              %get3A_404 = arith.constant 192 : index
              %get3A_405 = tpu.vector_load %arg9[%get3A_404] {strides = array<i32>} : memref<256xf32, #tpu.memory_space<vmem>>, vector<16xf32>,
              %get3A_406 = vector.shape_cast %get3A_405 : vector<16xf32> to vector<16xf32>
              %mul3A_407 = arith.mulf %bitcast_convert_type3A_385, %get3A_406 : vector<16xf32>
              %add3A_408 = arith.addf %add3A_403, %mul3A_407 : vector<16xf32>
              %bitcast_convert_type3A_409 = tpu.bitcast %add3A_408 : vector<16xf32> -> vector<16xi32>
              %shift_right_arithmetic3A_410 = arith.constant 16 : i32
              %shift_right_arithmetic3A_411 = vector.broadcast %shift_right_arithmetic3A_410 : i32 to vector<16xi32>
              %shift_right_arithmetic3A_412 = arith.shrsi %bitcast_convert_type3A_409, %shift_right_arithmetic3A_411 : vector<16xi32>
              %and3A_413 = arith.constant 1 : i32
              %and3A_414 = vector.broadcast %and3A_413 : i32 to vector<16xi32>
              %and3A_415 = arith.andi %shift_right_arithmetic3A_412, %and3A_414 : vector<16xi32>
              %add3A_416 = arith.constant 32767 : i32
              %add3A_417 = vector.broadcast %add3A_416 : i32 to vector<16xi32>
              %add3A_418 = arith.addi %bitcast_convert_type3A_409, %add3A_417 : vector<16xi32>
              %add3A_419 = arith.addi %add3A_418, %and3A_415 : vector<16xi32>
              %and3A_420 = arith.constant -65536 : i32
              %and3A_421 = vector.broadcast %and3A_420 : i32 to vector<16xi32>
              %and3A_422 = arith.andi %add3A_419, %and3A_421 : vector<16xi32>
              %bitcast_convert_type3A_423 = tpu.bitcast %and3A_422 : vector<16xi32> -> vector<16xf32>
              %get3A_424 = arith.constant 0 : index
              %get3A_425 = tpu.vector_load %arg11[%get3A_424] {strides = array<i32>} : memref<80xf32, #tpu.memory_space<vmem>>, vector<16xf32>,
              %get3A_426 = vector.shape_cast %get3A_425 : vector<16xf32> to vector<16xf32>
              %add3A_427 = arith.addf %get3A_426, %bitcast_convert_type3A_423 : vector<16xf32>
              %swap3A_428 = arith.constant 0 : index
              %swap3A_429 = tpu.vector_load %arg11[%swap3A_428] {strides = array<i32>} : memref<80xf32, #tpu.memory_space<vmem>>, vector<16xf32>,
              %swap3A_430 = vector.shape_cast %swap3A_429 : vector<16xf32> to vector<16xf32>
              %swap3A_431 = vector.shape_cast %add3A_427 : vector<16xf32> to vector<16xf32>
              tpu.vector_store %arg11[%swap3A_428], %swap3A_431 {strides = array<i32>} : memref<80xf32, #tpu.memory_space<vmem>>, vector<16xf32>,
              %get3A_432 = arith.constant 16 : index
              %get3A_433 = tpu.vector_load %arg10[%get3A_432] {strides = array<i32>} : memref<64xf32, #tpu.memory_space<vmem>>, vector<16xf32>,
              %get3A_434 = vector.shape_cast %get3A_433 : vector<16xf32> to vector<16xf32>
              %get3A_435 = arith.constant 16 : index
              %get3A_436 = tpu.vector_load %arg9[%get3A_435] {strides = array<i32>} : memref<256xf32, #tpu.memory_space<vmem>>, vector<16xf32>,
              %get3A_437 = vector.shape_cast %get3A_436 : vector<16xf32> to vector<16xf32>
              %mul3A_438 = arith.mulf %bitcast_convert_type3A_331, %get3A_437 : vector<16xf32>
              %add3A_439 = arith.addf %get3A_434, %mul3A_438 : vector<16xf32>
              %get3A_440 = arith.constant 80 : index
              %get3A_441 = tpu.vector_load %arg9[%get3A_440] {strides = array<i32>} : memref<256xf32, #tpu.memory_space<vmem>>, vector<16xf32>,
              %get3A_442 = vector.shape_cast %get3A_441 : vector<16xf32> to vector<16xf32>
              %mul3A_443 = arith.mulf %bitcast_convert_type3A_349, %get3A_442 : vector<16xf32>
              %add3A_444 = arith.addf %add3A_439, %mul3A_443 : vector<16xf32>
              %get3A_445 = arith.constant 144 : index
              %get3A_446 = tpu.vector_load %arg9[%get3A_445] {strides = array<i32>} : memref<256xf32, #tpu.memory_space<vmem>>, vector<16xf32>,
              %get3A_447 = vector.shape_cast %get3A_446 : vector<16xf32> to vector<16xf32>
              %mul3A_448 = arith.mulf %bitcast_convert_type3A_367, %get3A_447 : vector<16xf32>
              %add3A_449 = arith.addf %add3A_444, %mul3A_448 : vector<16xf32>
              %get3A_450 = arith.constant 208 : index
              %get3A_451 = tpu.vector_load %arg9[%get3A_450] {strides = array<i32>} : memref<256xf32, #tpu.memory_space<vmem>>, vector<16xf32>,
              %get3A_452 = vector.shape_cast %get3A_451 : vector<16xf32> to vector<16xf32>
              %mul3A_453 = arith.mulf %bitcast_convert_type3A_385, %get3A_452 : vector<16xf32>
              %add3A_454 = arith.addf %add3A_449, %mul3A_453 : vector<16xf32>
              %bitcast_convert_type3A_455 = tpu.bitcast %add3A_454 : vector<16xf32> -> vector<16xi32>
              %shift_right_arithmetic3A_456 = arith.constant 16 : i32
              %shift_right_arithmetic3A_457 = vector.broadcast %shift_right_arithmetic3A_456 : i32 to vector<16xi32>
              %shift_right_arithmetic3A_458 = arith.shrsi %bitcast_convert_type3A_455, %shift_right_arithmetic3A_457 : vector<16xi32>
              %and3A_459 = arith.constant 1 : i32
              %and3A_460 = vector.broadcast %and3A_459 : i32 to vector<16xi32>
              %and3A_461 = arith.andi %shift_right_arithmetic3A_458, %and3A_460 : vector<16xi32>
              %add3A_462 = arith.constant 32767 : i32
              %add3A_463 = vector.broadcast %add3A_462 : i32 to vector<16xi32>
              %add3A_464 = arith.addi %bitcast_convert_type3A_455, %add3A_463 : vector<16xi32>
              %add3A_465 = arith.addi %add3A_464, %and3A_461 : vector<16xi32>
              %and3A_466 = arith.constant -65536 : i32
              %and3A_467 = vector.broadcast %and3A_466 : i32 to vector<16xi32>
              %and3A_468 = arith.andi %add3A_465, %and3A_467 : vector<16xi32>
              %bitcast_convert_type3A_469 = tpu.bitcast %and3A_468 : vector<16xi32> -> vector<16xf32>
              %get3A_470 = arith.constant 16 : index
              %get3A_471 = tpu.vector_load %arg11[%get3A_470] {strides = array<i32>} : memref<80xf32, #tpu.memory_space<vmem>>, vector<16xf32>,
              %get3A_472 = vector.shape_cast %get3A_471 : vector<16xf32> to vector<16xf32>
              %add3A_473 = arith.addf %get3A_472, %bitcast_convert_type3A_469 : vector<16xf32>
              %swap3A_474 = arith.constant 16 : index
              %swap3A_475 = tpu.vector_load %arg11[%swap3A_474] {strides = array<i32>} : memref<80xf32, #tpu.memory_space<vmem>>, vector<16xf32>,
              %swap3A_476 = vector.shape_cast %swap3A_475 : vector<16xf32> to vector<16xf32>
              %swap3A_477 = vector.shape_cast %add3A_473 : vector<16xf32> to vector<16xf32>
              tpu.vector_store %arg11[%swap3A_474], %swap3A_477 {strides = array<i32>} : memref<80xf32, #tpu.memory_space<vmem>>, vector<16xf32>,
              %get3A_478 = arith.constant 32 : index
              %get3A_479 = tpu.vector_load %arg10[%get3A_478] {strides = array<i32>} : memref<64xf32, #tpu.memory_space<vmem>>, vector<16xf32>,
              %get3A_480 = vector.shape_cast %get3A_479 : vector<16xf32> to vector<16xf32>
              %get3A_481 = arith.constant 32 : index
              %get3A_482 = tpu.vector_load %arg9[%get3A_481] {strides = array<i32>} : memref<256xf32, #tpu.memory_space<vmem>>, vector<16xf32>,
              %get3A_483 = vector.shape_cast %get3A_482 : vector<16xf32> to vector<16xf32>
              %mul3A_484 = arith.mulf %bitcast_convert_type3A_331, %get3A_483 : vector<16xf32>
              %add3A_485 = arith.addf %get3A_480, %mul3A_484 : vector<16xf32>
              %get3A_486 = arith.constant 96 : index
              %get3A_487 = tpu.vector_load %arg9[%get3A_486] {strides = array<i32>} : memref<256xf32, #tpu.memory_space<vmem>>, vector<16xf32>,
              %get3A_488 = vector.shape_cast %get3A_487 : vector<16xf32> to vector<16xf32>
              %mul3A_489 = arith.mulf %bitcast_convert_type3A_349, %get3A_488 : vector<16xf32>
              %add3A_490 = arith.addf %add3A_485, %mul3A_489 : vector<16xf32>
              %get3A_491 = arith.constant 160 : index
              %get3A_492 = tpu.vector_load %arg9[%get3A_491] {strides = array<i32>} : memref<256xf32, #tpu.memory_space<vmem>>, vector<16xf32>,
              %get3A_493 = vector.shape_cast %get3A_492 : vector<16xf32> to vector<16xf32>
              %mul3A_494 = arith.mulf %bitcast_convert_type3A_367, %get3A_493 : vector<16xf32>
              %add3A_495 = arith.addf %add3A_490, %mul3A_494 : vector<16xf32>
              %get3A_496 = arith.constant 224 : index
              %get3A_497 = tpu.vector_load %arg9[%get3A_496] {strides = array<i32>} : memref<256xf32, #tpu.memory_space<vmem>>, vector<16xf32>,
              %get3A_498 = vector.shape_cast %get3A_497 : vector<16xf32> to vector<16xf32>
              %mul3A_499 = arith.mulf %bitcast_convert_type3A_385, %get3A_498 : vector<16xf32>
              %add3A_500 = arith.addf %add3A_495, %mul3A_499 : vector<16xf32>
              %bitcast_convert_type3A_501 = tpu.bitcast %add3A_500 : vector<16xf32> -> vector<16xi32>
              %shift_right_arithmetic3A_502 = arith.constant 16 : i32
              %shift_right_arithmetic3A_503 = vector.broadcast %shift_right_arithmetic3A_502 : i32 to vector<16xi32>
              %shift_right_arithmetic3A_504 = arith.shrsi %bitcast_convert_type3A_501, %shift_right_arithmetic3A_503 : vector<16xi32>
              %and3A_505 = arith.constant 1 : i32
              %and3A_506 = vector.broadcast %and3A_505 : i32 to vector<16xi32>
              %and3A_507 = arith.andi %shift_right_arithmetic3A_504, %and3A_506 : vector<16xi32>
              %add3A_508 = arith.constant 32767 : i32
              %add3A_509 = vector.broadcast %add3A_508 : i32 to vector<16xi32>
              %add3A_510 = arith.addi %bitcast_convert_type3A_501, %add3A_509 : vector<16xi32>
              %add3A_511 = arith.addi %add3A_510, %and3A_507 : vector<16xi32>
              %and3A_512 = arith.constant -65536 : i32
              %and3A_513 = vector.broadcast %and3A_512 : i32 to vector<16xi32>
              %and3A_514 = arith.andi %add3A_511, %and3A_513 : vector<16xi32>
              %bitcast_convert_type3A_515 = tpu.bitcast %and3A_514 : vector<16xi32> -> vector<16xf32>
              %get3A_516 = arith.constant 32 : index
              %get3A_517 = tpu.vector_load %arg11[%get3A_516] {strides = array<i32>} : memref<80xf32, #tpu.memory_space<vmem>>, vector<16xf32>,
              %get3A_518 = vector.shape_cast %get3A_517 : vector<16xf32> to vector<16xf32>
              %add3A_519 = arith.addf %get3A_518, %bitcast_convert_type3A_515 : vector<16xf32>
              %swap3A_520 = arith.constant 32 : index
              %swap3A_521 = tpu.vector_load %arg11[%swap3A_520] {strides = array<i32>} : memref<80xf32, #tpu.memory_space<vmem>>, vector<16xf32>,
              %swap3A_522 = vector.shape_cast %swap3A_521 : vector<16xf32> to vector<16xf32>
              %swap3A_523 = vector.shape_cast %add3A_519 : vector<16xf32> to vector<16xf32>
              tpu.vector_store %arg11[%swap3A_520], %swap3A_523 {strides = array<i32>} : memref<80xf32, #tpu.memory_space<vmem>>, vector<16xf32>,
              %get3A_524 = arith.constant 48 : index
              %get3A_525 = tpu.vector_load %arg10[%get3A_524] {strides = array<i32>} : memref<64xf32, #tpu.memory_space<vmem>>, vector<16xf32>,
              %get3A_526 = vector.shape_cast %get3A_525 : vector<16xf32> to vector<16xf32>
              %get3A_527 = arith.constant 48 : index
              %get3A_528 = tpu.vector_load %arg9[%get3A_527] {strides = array<i32>} : memref<256xf32, #tpu.memory_space<vmem>>, vector<16xf32>,
              %get3A_529 = vector.shape_cast %get3A_528 : vector<16xf32> to vector<16xf32>
              %mul3A_530 = arith.mulf %bitcast_convert_type3A_331, %get3A_529 : vector<16xf32>
              %add3A_531 = arith.addf %get3A_526, %mul3A_530 : vector<16xf32>
              %get3A_532 = arith.constant 112 : index
              %get3A_533 = tpu.vector_load %arg9[%get3A_532] {strides = array<i32>} : memref<256xf32, #tpu.memory_space<vmem>>, vector<16xf32>,
              %get3A_534 = vector.shape_cast %get3A_533 : vector<16xf32> to vector<16xf32>
              %mul3A_535 = arith.mulf %bitcast_convert_type3A_349, %get3A_534 : vector<16xf32>
              %add3A_536 = arith.addf %add3A_531, %mul3A_535 : vector<16xf32>
              %get3A_537 = arith.constant 176 : index
              %get3A_538 = tpu.vector_load %arg9[%get3A_537] {strides = array<i32>} : memref<256xf32, #tpu.memory_space<vmem>>, vector<16xf32>,
              %get3A_539 = vector.shape_cast %get3A_538 : vector<16xf32> to vector<16xf32>
              %mul3A_540 = arith.mulf %bitcast_convert_type3A_367, %get3A_539 : vector<16xf32>
              %add3A_541 = arith.addf %add3A_536, %mul3A_540 : vector<16xf32>
              %get3A_542 = arith.constant 240 : index
              %get3A_543 = tpu.vector_load %arg9[%get3A_542] {strides = array<i32>} : memref<256xf32, #tpu.memory_space<vmem>>, vector<16xf32>,
              %get3A_544 = vector.shape_cast %get3A_543 : vector<16xf32> to vector<16xf32>
              %mul3A_545 = arith.mulf %bitcast_convert_type3A_385, %get3A_544 : vector<16xf32>
              %add3A_546 = arith.addf %add3A_541, %mul3A_545 : vector<16xf32>
              %bitcast_convert_type3A_547 = tpu.bitcast %add3A_546 : vector<16xf32> -> vector<16xi32>
              %shift_right_arithmetic3A_548 = arith.constant 16 : i32
              %shift_right_arithmetic3A_549 = vector.broadcast %shift_right_arithmetic3A_548 : i32 to vector<16xi32>
              %shift_right_arithmetic3A_550 = arith.shrsi %bitcast_convert_type3A_547, %shift_right_arithmetic3A_549 : vector<16xi32>
              %and3A_551 = arith.constant 1 : i32
              %and3A_552 = vector.broadcast %and3A_551 : i32 to vector<16xi32>
              %and3A_553 = arith.andi %shift_right_arithmetic3A_550, %and3A_552 : vector<16xi32>
              %add3A_554 = arith.constant 32767 : i32
              %add3A_555 = vector.broadcast %add3A_554 : i32 to vector<16xi32>
              %add3A_556 = arith.addi %bitcast_convert_type3A_547, %add3A_555 : vector<16xi32>
              %add3A_557 = arith.addi %add3A_556, %and3A_553 : vector<16xi32>
              %and3A_558 = arith.constant -65536 : i32
              %and3A_559 = vector.broadcast %and3A_558 : i32 to vector<16xi32>
              %and3A_560 = arith.andi %add3A_557, %and3A_559 : vector<16xi32>
              %bitcast_convert_type3A_561 = tpu.bitcast %and3A_560 : vector<16xi32> -> vector<16xf32>
              %get3A_562 = arith.constant 48 : index
              %get3A_563 = tpu.vector_load %arg11[%get3A_562] {strides = array<i32>} : memref<80xf32, #tpu.memory_space<vmem>>, vector<16xf32>,
              %get3A_564 = vector.shape_cast %get3A_563 : vector<16xf32> to vector<16xf32>
              %add3A_565 = arith.addf %get3A_564, %bitcast_convert_type3A_561 : vector<16xf32>
              %swap3A_566 = arith.constant 48 : index
              %swap3A_567 = tpu.vector_load %arg11[%swap3A_566] {strides = array<i32>} : memref<80xf32, #tpu.memory_space<vmem>>, vector<16xf32>,
              %swap3A_568 = vector.shape_cast %swap3A_567 : vector<16xf32> to vector<16xf32>
              %swap3A_569 = vector.shape_cast %add3A_565 : vector<16xf32> to vector<16xf32>
              tpu.vector_store %arg11[%swap3A_566], %swap3A_569 {strides = array<i32>} : memref<80xf32, #tpu.memory_space<vmem>>, vector<16xf32>,
            } else {
            }
            %slice3A_281 = vector.extract_strided_slice %get3A_140 {offsets = [12], sizes = [1], strides = [1]} : vector<16xi32> to vector<1xi32>
            %squeeze3A_282 = vector.extract %slice3A_281[0] : i32 from vector<1xi32>
            %eq3A_283 = arith.constant 0 : i32
            %eq3A_284 = arith.cmpi eq, %squeeze3A_282, %eq3A_283 : i32
            %convert_element_type3A_285 = arith.extui %eq3A_284 : i1 to i32
            %cond3A_286 = arith.constant 0 : i32
            %cond3A_287 = arith.cmpi ne, %convert_element_type3A_285, %cond3A_286 : i32
            scf.if %cond3A_287 {
              %add3A_309 = arith.constant 12 : i32
              %add3A_310 = arith.addi %add3A_138, %add3A_309 : i32
              %mul3A_311 = arith.constant 4 : i32
              %mul3A_312 = arith.muli %add3A_310, %mul3A_311 : i32
              %get3A_313 = arith.index_cast %mul3A_312 : i32 to index
              %get3A_314 = tpu.vector_load %arg7[%get3A_313] {strides = array<i32>} : memref<40016xf32, #tpu.memory_space<vmem>>, vector<16xf32>,
              %get3A_315 = vector.shape_cast %get3A_314 : vector<16xf32> to vector<16xf32>
              %slice3A_316 = vector.extract_strided_slice %get3A_315 {offsets = [0], sizes = [1], strides = [1]} : vector<16xf32> to vector<1xf32>
              %squeeze3A_317 = vector.extract %slice3A_316[0] : f32 from vector<1xf32>
              %broadcast_in_dim3A_318 = vector.broadcast %squeeze3A_317 : f32 to vector<16xf32>
              %bitcast_convert_type3A = tpu.bitcast %broadcast_in_dim3A_318 : vector<16xf32> -> vector<16xi32>
              %shift_right_arithmetic3A = arith.constant 16 : i32
              %shift_right_arithmetic3A_319 = vector.broadcast %shift_right_arithmetic3A : i32 to vector<16xi32>
              %shift_right_arithmetic3A_320 = arith.shrsi %bitcast_convert_type3A, %shift_right_arithmetic3A_319 : vector<16xi32>
              %and3A_321 = arith.constant 1 : i32
              %and3A_322 = vector.broadcast %and3A_321 : i32 to vector<16xi32>
              %and3A_323 = arith.andi %shift_right_arithmetic3A_320, %and3A_322 : vector<16xi32>
              %add3A_324 = arith.constant 32767 : i32
              %add3A_325 = vector.broadcast %add3A_324 : i32 to vector<16xi32>
              %add3A_326 = arith.addi %bitcast_convert_type3A, %add3A_325 : vector<16xi32>
              %add3A_327 = arith.addi %add3A_326, %and3A_323 : vector<16xi32>
              %and3A_328 = arith.constant -65536 : i32
              %and3A_329 = vector.broadcast %and3A_328 : i32 to vector<16xi32>
              %and3A_330 = arith.andi %add3A_327, %and3A_329 : vector<16xi32>
              %bitcast_convert_type3A_331 = tpu.bitcast %and3A_330 : vector<16xi32> -> vector<16xf32>
              %slice3A_332 = vector.extract_strided_slice %get3A_315 {offsets = [1], sizes = [1], strides = [1]} : vector<16xf32> to vector<1xf32>
              %squeeze3A_333 = vector.extract %slice3A_332[0] : f32 from vector<1xf32>
              %broadcast_in_dim3A_334 = vector.broadcast %squeeze3A_333 : f32 to vector<16xf32>
              %bitcast_convert_type3A_335 = tpu.bitcast %broadcast_in_dim3A_334 : vector<16xf32> -> vector<16xi32>
              %shift_right_arithmetic3A_336 = arith.constant 16 : i32
              %shift_right_arithmetic3A_337 = vector.broadcast %shift_right_arithmetic3A_336 : i32 to vector<16xi32>
              %shift_right_arithmetic3A_338 = arith.shrsi %bitcast_convert_type3A_335, %shift_right_arithmetic3A_337 : vector<16xi32>
              %and3A_339 = arith.constant 1 : i32
              %and3A_340 = vector.broadcast %and3A_339 : i32 to vector<16xi32>
              %and3A_341 = arith.andi %shift_right_arithmetic3A_338, %and3A_340 : vector<16xi32>
              %add3A_342 = arith.constant 32767 : i32
              %add3A_343 = vector.broadcast %add3A_342 : i32 to vector<16xi32>
              %add3A_344 = arith.addi %bitcast_convert_type3A_335, %add3A_343 : vector<16xi32>
              %add3A_345 = arith.addi %add3A_344, %and3A_341 : vector<16xi32>
              %and3A_346 = arith.constant -65536 : i32
              %and3A_347 = vector.broadcast %and3A_346 : i32 to vector<16xi32>
              %and3A_348 = arith.andi %add3A_345, %and3A_347 : vector<16xi32>
              %bitcast_convert_type3A_349 = tpu.bitcast %and3A_348 : vector<16xi32> -> vector<16xf32>
              %slice3A_350 = vector.extract_strided_slice %get3A_315 {offsets = [2], sizes = [1], strides = [1]} : vector<16xf32> to vector<1xf32>
              %squeeze3A_351 = vector.extract %slice3A_350[0] : f32 from vector<1xf32>
              %broadcast_in_dim3A_352 = vector.broadcast %squeeze3A_351 : f32 to vector<16xf32>
              %bitcast_convert_type3A_353 = tpu.bitcast %broadcast_in_dim3A_352 : vector<16xf32> -> vector<16xi32>
              %shift_right_arithmetic3A_354 = arith.constant 16 : i32
              %shift_right_arithmetic3A_355 = vector.broadcast %shift_right_arithmetic3A_354 : i32 to vector<16xi32>
              %shift_right_arithmetic3A_356 = arith.shrsi %bitcast_convert_type3A_353, %shift_right_arithmetic3A_355 : vector<16xi32>
              %and3A_357 = arith.constant 1 : i32
              %and3A_358 = vector.broadcast %and3A_357 : i32 to vector<16xi32>
              %and3A_359 = arith.andi %shift_right_arithmetic3A_356, %and3A_358 : vector<16xi32>
              %add3A_360 = arith.constant 32767 : i32
              %add3A_361 = vector.broadcast %add3A_360 : i32 to vector<16xi32>
              %add3A_362 = arith.addi %bitcast_convert_type3A_353, %add3A_361 : vector<16xi32>
              %add3A_363 = arith.addi %add3A_362, %and3A_359 : vector<16xi32>
              %and3A_364 = arith.constant -65536 : i32
              %and3A_365 = vector.broadcast %and3A_364 : i32 to vector<16xi32>
              %and3A_366 = arith.andi %add3A_363, %and3A_365 : vector<16xi32>
              %bitcast_convert_type3A_367 = tpu.bitcast %and3A_366 : vector<16xi32> -> vector<16xf32>
              %slice3A_368 = vector.extract_strided_slice %get3A_315 {offsets = [3], sizes = [1], strides = [1]} : vector<16xf32> to vector<1xf32>
              %squeeze3A_369 = vector.extract %slice3A_368[0] : f32 from vector<1xf32>
              %broadcast_in_dim3A_370 = vector.broadcast %squeeze3A_369 : f32 to vector<16xf32>
              %bitcast_convert_type3A_371 = tpu.bitcast %broadcast_in_dim3A_370 : vector<16xf32> -> vector<16xi32>
              %shift_right_arithmetic3A_372 = arith.constant 16 : i32
              %shift_right_arithmetic3A_373 = vector.broadcast %shift_right_arithmetic3A_372 : i32 to vector<16xi32>
              %shift_right_arithmetic3A_374 = arith.shrsi %bitcast_convert_type3A_371, %shift_right_arithmetic3A_373 : vector<16xi32>
              %and3A_375 = arith.constant 1 : i32
              %and3A_376 = vector.broadcast %and3A_375 : i32 to vector<16xi32>
              %and3A_377 = arith.andi %shift_right_arithmetic3A_374, %and3A_376 : vector<16xi32>
              %add3A_378 = arith.constant 32767 : i32
              %add3A_379 = vector.broadcast %add3A_378 : i32 to vector<16xi32>
              %add3A_380 = arith.addi %bitcast_convert_type3A_371, %add3A_379 : vector<16xi32>
              %add3A_381 = arith.addi %add3A_380, %and3A_377 : vector<16xi32>
              %and3A_382 = arith.constant -65536 : i32
              %and3A_383 = vector.broadcast %and3A_382 : i32 to vector<16xi32>
              %and3A_384 = arith.andi %add3A_381, %and3A_383 : vector<16xi32>
              %bitcast_convert_type3A_385 = tpu.bitcast %and3A_384 : vector<16xi32> -> vector<16xf32>
              %get3A_386 = arith.constant 0 : index
              %get3A_387 = tpu.vector_load %arg10[%get3A_386] {strides = array<i32>} : memref<64xf32, #tpu.memory_space<vmem>>, vector<16xf32>,
              %get3A_388 = vector.shape_cast %get3A_387 : vector<16xf32> to vector<16xf32>
              %get3A_389 = arith.constant 0 : index
              %get3A_390 = tpu.vector_load %arg9[%get3A_389] {strides = array<i32>} : memref<256xf32, #tpu.memory_space<vmem>>, vector<16xf32>,
              %get3A_391 = vector.shape_cast %get3A_390 : vector<16xf32> to vector<16xf32>
              %mul3A_392 = arith.mulf %bitcast_convert_type3A_331, %get3A_391 : vector<16xf32>
              %add3A_393 = arith.addf %get3A_388, %mul3A_392 : vector<16xf32>
              %get3A_394 = arith.constant 64 : index
              %get3A_395 = tpu.vector_load %arg9[%get3A_394] {strides = array<i32>} : memref<256xf32, #tpu.memory_space<vmem>>, vector<16xf32>,
              %get3A_396 = vector.shape_cast %get3A_395 : vector<16xf32> to vector<16xf32>
              %mul3A_397 = arith.mulf %bitcast_convert_type3A_349, %get3A_396 : vector<16xf32>
              %add3A_398 = arith.addf %add3A_393, %mul3A_397 : vector<16xf32>
              %get3A_399 = arith.constant 128 : index
              %get3A_400 = tpu.vector_load %arg9[%get3A_399] {strides = array<i32>} : memref<256xf32, #tpu.memory_space<vmem>>, vector<16xf32>,
              %get3A_401 = vector.shape_cast %get3A_400 : vector<16xf32> to vector<16xf32>
              %mul3A_402 = arith.mulf %bitcast_convert_type3A_367, %get3A_401 : vector<16xf32>
              %add3A_403 = arith.addf %add3A_398, %mul3A_402 : vector<16xf32>
              %get3A_404 = arith.constant 192 : index
              %get3A_405 = tpu.vector_load %arg9[%get3A_404] {strides = array<i32>} : memref<256xf32, #tpu.memory_space<vmem>>, vector<16xf32>,
              %get3A_406 = vector.shape_cast %get3A_405 : vector<16xf32> to vector<16xf32>
              %mul3A_407 = arith.mulf %bitcast_convert_type3A_385, %get3A_406 : vector<16xf32>
              %add3A_408 = arith.addf %add3A_403, %mul3A_407 : vector<16xf32>
              %bitcast_convert_type3A_409 = tpu.bitcast %add3A_408 : vector<16xf32> -> vector<16xi32>
              %shift_right_arithmetic3A_410 = arith.constant 16 : i32
              %shift_right_arithmetic3A_411 = vector.broadcast %shift_right_arithmetic3A_410 : i32 to vector<16xi32>
              %shift_right_arithmetic3A_412 = arith.shrsi %bitcast_convert_type3A_409, %shift_right_arithmetic3A_411 : vector<16xi32>
              %and3A_413 = arith.constant 1 : i32
              %and3A_414 = vector.broadcast %and3A_413 : i32 to vector<16xi32>
              %and3A_415 = arith.andi %shift_right_arithmetic3A_412, %and3A_414 : vector<16xi32>
              %add3A_416 = arith.constant 32767 : i32
              %add3A_417 = vector.broadcast %add3A_416 : i32 to vector<16xi32>
              %add3A_418 = arith.addi %bitcast_convert_type3A_409, %add3A_417 : vector<16xi32>
              %add3A_419 = arith.addi %add3A_418, %and3A_415 : vector<16xi32>
              %and3A_420 = arith.constant -65536 : i32
              %and3A_421 = vector.broadcast %and3A_420 : i32 to vector<16xi32>
              %and3A_422 = arith.andi %add3A_419, %and3A_421 : vector<16xi32>
              %bitcast_convert_type3A_423 = tpu.bitcast %and3A_422 : vector<16xi32> -> vector<16xf32>
              %get3A_424 = arith.constant 0 : index
              %get3A_425 = tpu.vector_load %arg11[%get3A_424] {strides = array<i32>} : memref<80xf32, #tpu.memory_space<vmem>>, vector<16xf32>,
              %get3A_426 = vector.shape_cast %get3A_425 : vector<16xf32> to vector<16xf32>
              %add3A_427 = arith.addf %get3A_426, %bitcast_convert_type3A_423 : vector<16xf32>
              %swap3A_428 = arith.constant 0 : index
              %swap3A_429 = tpu.vector_load %arg11[%swap3A_428] {strides = array<i32>} : memref<80xf32, #tpu.memory_space<vmem>>, vector<16xf32>,
              %swap3A_430 = vector.shape_cast %swap3A_429 : vector<16xf32> to vector<16xf32>
              %swap3A_431 = vector.shape_cast %add3A_427 : vector<16xf32> to vector<16xf32>
              tpu.vector_store %arg11[%swap3A_428], %swap3A_431 {strides = array<i32>} : memref<80xf32, #tpu.memory_space<vmem>>, vector<16xf32>,
              %get3A_432 = arith.constant 16 : index
              %get3A_433 = tpu.vector_load %arg10[%get3A_432] {strides = array<i32>} : memref<64xf32, #tpu.memory_space<vmem>>, vector<16xf32>,
              %get3A_434 = vector.shape_cast %get3A_433 : vector<16xf32> to vector<16xf32>
              %get3A_435 = arith.constant 16 : index
              %get3A_436 = tpu.vector_load %arg9[%get3A_435] {strides = array<i32>} : memref<256xf32, #tpu.memory_space<vmem>>, vector<16xf32>,
              %get3A_437 = vector.shape_cast %get3A_436 : vector<16xf32> to vector<16xf32>
              %mul3A_438 = arith.mulf %bitcast_convert_type3A_331, %get3A_437 : vector<16xf32>
              %add3A_439 = arith.addf %get3A_434, %mul3A_438 : vector<16xf32>
              %get3A_440 = arith.constant 80 : index
              %get3A_441 = tpu.vector_load %arg9[%get3A_440] {strides = array<i32>} : memref<256xf32, #tpu.memory_space<vmem>>, vector<16xf32>,
              %get3A_442 = vector.shape_cast %get3A_441 : vector<16xf32> to vector<16xf32>
              %mul3A_443 = arith.mulf %bitcast_convert_type3A_349, %get3A_442 : vector<16xf32>
              %add3A_444 = arith.addf %add3A_439, %mul3A_443 : vector<16xf32>
              %get3A_445 = arith.constant 144 : index
              %get3A_446 = tpu.vector_load %arg9[%get3A_445] {strides = array<i32>} : memref<256xf32, #tpu.memory_space<vmem>>, vector<16xf32>,
              %get3A_447 = vector.shape_cast %get3A_446 : vector<16xf32> to vector<16xf32>
              %mul3A_448 = arith.mulf %bitcast_convert_type3A_367, %get3A_447 : vector<16xf32>
              %add3A_449 = arith.addf %add3A_444, %mul3A_448 : vector<16xf32>
              %get3A_450 = arith.constant 208 : index
              %get3A_451 = tpu.vector_load %arg9[%get3A_450] {strides = array<i32>} : memref<256xf32, #tpu.memory_space<vmem>>, vector<16xf32>,
              %get3A_452 = vector.shape_cast %get3A_451 : vector<16xf32> to vector<16xf32>
              %mul3A_453 = arith.mulf %bitcast_convert_type3A_385, %get3A_452 : vector<16xf32>
              %add3A_454 = arith.addf %add3A_449, %mul3A_453 : vector<16xf32>
              %bitcast_convert_type3A_455 = tpu.bitcast %add3A_454 : vector<16xf32> -> vector<16xi32>
              %shift_right_arithmetic3A_456 = arith.constant 16 : i32
              %shift_right_arithmetic3A_457 = vector.broadcast %shift_right_arithmetic3A_456 : i32 to vector<16xi32>
              %shift_right_arithmetic3A_458 = arith.shrsi %bitcast_convert_type3A_455, %shift_right_arithmetic3A_457 : vector<16xi32>
              %and3A_459 = arith.constant 1 : i32
              %and3A_460 = vector.broadcast %and3A_459 : i32 to vector<16xi32>
              %and3A_461 = arith.andi %shift_right_arithmetic3A_458, %and3A_460 : vector<16xi32>
              %add3A_462 = arith.constant 32767 : i32
              %add3A_463 = vector.broadcast %add3A_462 : i32 to vector<16xi32>
              %add3A_464 = arith.addi %bitcast_convert_type3A_455, %add3A_463 : vector<16xi32>
              %add3A_465 = arith.addi %add3A_464, %and3A_461 : vector<16xi32>
              %and3A_466 = arith.constant -65536 : i32
              %and3A_467 = vector.broadcast %and3A_466 : i32 to vector<16xi32>
              %and3A_468 = arith.andi %add3A_465, %and3A_467 : vector<16xi32>
              %bitcast_convert_type3A_469 = tpu.bitcast %and3A_468 : vector<16xi32> -> vector<16xf32>
              %get3A_470 = arith.constant 16 : index
              %get3A_471 = tpu.vector_load %arg11[%get3A_470] {strides = array<i32>} : memref<80xf32, #tpu.memory_space<vmem>>, vector<16xf32>,
              %get3A_472 = vector.shape_cast %get3A_471 : vector<16xf32> to vector<16xf32>
              %add3A_473 = arith.addf %get3A_472, %bitcast_convert_type3A_469 : vector<16xf32>
              %swap3A_474 = arith.constant 16 : index
              %swap3A_475 = tpu.vector_load %arg11[%swap3A_474] {strides = array<i32>} : memref<80xf32, #tpu.memory_space<vmem>>, vector<16xf32>,
              %swap3A_476 = vector.shape_cast %swap3A_475 : vector<16xf32> to vector<16xf32>
              %swap3A_477 = vector.shape_cast %add3A_473 : vector<16xf32> to vector<16xf32>
              tpu.vector_store %arg11[%swap3A_474], %swap3A_477 {strides = array<i32>} : memref<80xf32, #tpu.memory_space<vmem>>, vector<16xf32>,
              %get3A_478 = arith.constant 32 : index
              %get3A_479 = tpu.vector_load %arg10[%get3A_478] {strides = array<i32>} : memref<64xf32, #tpu.memory_space<vmem>>, vector<16xf32>,
              %get3A_480 = vector.shape_cast %get3A_479 : vector<16xf32> to vector<16xf32>
              %get3A_481 = arith.constant 32 : index
              %get3A_482 = tpu.vector_load %arg9[%get3A_481] {strides = array<i32>} : memref<256xf32, #tpu.memory_space<vmem>>, vector<16xf32>,
              %get3A_483 = vector.shape_cast %get3A_482 : vector<16xf32> to vector<16xf32>
              %mul3A_484 = arith.mulf %bitcast_convert_type3A_331, %get3A_483 : vector<16xf32>
              %add3A_485 = arith.addf %get3A_480, %mul3A_484 : vector<16xf32>
              %get3A_486 = arith.constant 96 : index
              %get3A_487 = tpu.vector_load %arg9[%get3A_486] {strides = array<i32>} : memref<256xf32, #tpu.memory_space<vmem>>, vector<16xf32>,
              %get3A_488 = vector.shape_cast %get3A_487 : vector<16xf32> to vector<16xf32>
              %mul3A_489 = arith.mulf %bitcast_convert_type3A_349, %get3A_488 : vector<16xf32>
              %add3A_490 = arith.addf %add3A_485, %mul3A_489 : vector<16xf32>
              %get3A_491 = arith.constant 160 : index
              %get3A_492 = tpu.vector_load %arg9[%get3A_491] {strides = array<i32>} : memref<256xf32, #tpu.memory_space<vmem>>, vector<16xf32>,
              %get3A_493 = vector.shape_cast %get3A_492 : vector<16xf32> to vector<16xf32>
              %mul3A_494 = arith.mulf %bitcast_convert_type3A_367, %get3A_493 : vector<16xf32>
              %add3A_495 = arith.addf %add3A_490, %mul3A_494 : vector<16xf32>
              %get3A_496 = arith.constant 224 : index
              %get3A_497 = tpu.vector_load %arg9[%get3A_496] {strides = array<i32>} : memref<256xf32, #tpu.memory_space<vmem>>, vector<16xf32>,
              %get3A_498 = vector.shape_cast %get3A_497 : vector<16xf32> to vector<16xf32>
              %mul3A_499 = arith.mulf %bitcast_convert_type3A_385, %get3A_498 : vector<16xf32>
              %add3A_500 = arith.addf %add3A_495, %mul3A_499 : vector<16xf32>
              %bitcast_convert_type3A_501 = tpu.bitcast %add3A_500 : vector<16xf32> -> vector<16xi32>
              %shift_right_arithmetic3A_502 = arith.constant 16 : i32
              %shift_right_arithmetic3A_503 = vector.broadcast %shift_right_arithmetic3A_502 : i32 to vector<16xi32>
              %shift_right_arithmetic3A_504 = arith.shrsi %bitcast_convert_type3A_501, %shift_right_arithmetic3A_503 : vector<16xi32>
              %and3A_505 = arith.constant 1 : i32
              %and3A_506 = vector.broadcast %and3A_505 : i32 to vector<16xi32>
              %and3A_507 = arith.andi %shift_right_arithmetic3A_504, %and3A_506 : vector<16xi32>
              %add3A_508 = arith.constant 32767 : i32
              %add3A_509 = vector.broadcast %add3A_508 : i32 to vector<16xi32>
              %add3A_510 = arith.addi %bitcast_convert_type3A_501, %add3A_509 : vector<16xi32>
              %add3A_511 = arith.addi %add3A_510, %and3A_507 : vector<16xi32>
              %and3A_512 = arith.constant -65536 : i32
              %and3A_513 = vector.broadcast %and3A_512 : i32 to vector<16xi32>
              %and3A_514 = arith.andi %add3A_511, %and3A_513 : vector<16xi32>
              %bitcast_convert_type3A_515 = tpu.bitcast %and3A_514 : vector<16xi32> -> vector<16xf32>
              %get3A_516 = arith.constant 32 : index
              %get3A_517 = tpu.vector_load %arg11[%get3A_516] {strides = array<i32>} : memref<80xf32, #tpu.memory_space<vmem>>, vector<16xf32>,
              %get3A_518 = vector.shape_cast %get3A_517 : vector<16xf32> to vector<16xf32>
              %add3A_519 = arith.addf %get3A_518, %bitcast_convert_type3A_515 : vector<16xf32>
              %swap3A_520 = arith.constant 32 : index
              %swap3A_521 = tpu.vector_load %arg11[%swap3A_520] {strides = array<i32>} : memref<80xf32, #tpu.memory_space<vmem>>, vector<16xf32>,
              %swap3A_522 = vector.shape_cast %swap3A_521 : vector<16xf32> to vector<16xf32>
              %swap3A_523 = vector.shape_cast %add3A_519 : vector<16xf32> to vector<16xf32>
              tpu.vector_store %arg11[%swap3A_520], %swap3A_523 {strides = array<i32>} : memref<80xf32, #tpu.memory_space<vmem>>, vector<16xf32>,
              %get3A_524 = arith.constant 48 : index
              %get3A_525 = tpu.vector_load %arg10[%get3A_524] {strides = array<i32>} : memref<64xf32, #tpu.memory_space<vmem>>, vector<16xf32>,
              %get3A_526 = vector.shape_cast %get3A_525 : vector<16xf32> to vector<16xf32>
              %get3A_527 = arith.constant 48 : index
              %get3A_528 = tpu.vector_load %arg9[%get3A_527] {strides = array<i32>} : memref<256xf32, #tpu.memory_space<vmem>>, vector<16xf32>,
              %get3A_529 = vector.shape_cast %get3A_528 : vector<16xf32> to vector<16xf32>
              %mul3A_530 = arith.mulf %bitcast_convert_type3A_331, %get3A_529 : vector<16xf32>
              %add3A_531 = arith.addf %get3A_526, %mul3A_530 : vector<16xf32>
              %get3A_532 = arith.constant 112 : index
              %get3A_533 = tpu.vector_load %arg9[%get3A_532] {strides = array<i32>} : memref<256xf32, #tpu.memory_space<vmem>>, vector<16xf32>,
              %get3A_534 = vector.shape_cast %get3A_533 : vector<16xf32> to vector<16xf32>
              %mul3A_535 = arith.mulf %bitcast_convert_type3A_349, %get3A_534 : vector<16xf32>
              %add3A_536 = arith.addf %add3A_531, %mul3A_535 : vector<16xf32>
              %get3A_537 = arith.constant 176 : index
              %get3A_538 = tpu.vector_load %arg9[%get3A_537] {strides = array<i32>} : memref<256xf32, #tpu.memory_space<vmem>>, vector<16xf32>,
              %get3A_539 = vector.shape_cast %get3A_538 : vector<16xf32> to vector<16xf32>
              %mul3A_540 = arith.mulf %bitcast_convert_type3A_367, %get3A_539 : vector<16xf32>
              %add3A_541 = arith.addf %add3A_536, %mul3A_540 : vector<16xf32>
              %get3A_542 = arith.constant 240 : index
              %get3A_543 = tpu.vector_load %arg9[%get3A_542] {strides = array<i32>} : memref<256xf32, #tpu.memory_space<vmem>>, vector<16xf32>,
              %get3A_544 = vector.shape_cast %get3A_543 : vector<16xf32> to vector<16xf32>
              %mul3A_545 = arith.mulf %bitcast_convert_type3A_385, %get3A_544 : vector<16xf32>
              %add3A_546 = arith.addf %add3A_541, %mul3A_545 : vector<16xf32>
              %bitcast_convert_type3A_547 = tpu.bitcast %add3A_546 : vector<16xf32> -> vector<16xi32>
              %shift_right_arithmetic3A_548 = arith.constant 16 : i32
              %shift_right_arithmetic3A_549 = vector.broadcast %shift_right_arithmetic3A_548 : i32 to vector<16xi32>
              %shift_right_arithmetic3A_550 = arith.shrsi %bitcast_convert_type3A_547, %shift_right_arithmetic3A_549 : vector<16xi32>
              %and3A_551 = arith.constant 1 : i32
              %and3A_552 = vector.broadcast %and3A_551 : i32 to vector<16xi32>
              %and3A_553 = arith.andi %shift_right_arithmetic3A_550, %and3A_552 : vector<16xi32>
              %add3A_554 = arith.constant 32767 : i32
              %add3A_555 = vector.broadcast %add3A_554 : i32 to vector<16xi32>
              %add3A_556 = arith.addi %bitcast_convert_type3A_547, %add3A_555 : vector<16xi32>
              %add3A_557 = arith.addi %add3A_556, %and3A_553 : vector<16xi32>
              %and3A_558 = arith.constant -65536 : i32
              %and3A_559 = vector.broadcast %and3A_558 : i32 to vector<16xi32>
              %and3A_560 = arith.andi %add3A_557, %and3A_559 : vector<16xi32>
              %bitcast_convert_type3A_561 = tpu.bitcast %and3A_560 : vector<16xi32> -> vector<16xf32>
              %get3A_562 = arith.constant 48 : index
              %get3A_563 = tpu.vector_load %arg11[%get3A_562] {strides = array<i32>} : memref<80xf32, #tpu.memory_space<vmem>>, vector<16xf32>,
              %get3A_564 = vector.shape_cast %get3A_563 : vector<16xf32> to vector<16xf32>
              %add3A_565 = arith.addf %get3A_564, %bitcast_convert_type3A_561 : vector<16xf32>
              %swap3A_566 = arith.constant 48 : index
              %swap3A_567 = tpu.vector_load %arg11[%swap3A_566] {strides = array<i32>} : memref<80xf32, #tpu.memory_space<vmem>>, vector<16xf32>,
              %swap3A_568 = vector.shape_cast %swap3A_567 : vector<16xf32> to vector<16xf32>
              %swap3A_569 = vector.shape_cast %add3A_565 : vector<16xf32> to vector<16xf32>
              tpu.vector_store %arg11[%swap3A_566], %swap3A_569 {strides = array<i32>} : memref<80xf32, #tpu.memory_space<vmem>>, vector<16xf32>,
            } else {
            }
            %slice3A_288 = vector.extract_strided_slice %get3A_140 {offsets = [13], sizes = [1], strides = [1]} : vector<16xi32> to vector<1xi32>
            %squeeze3A_289 = vector.extract %slice3A_288[0] : i32 from vector<1xi32>
            %eq3A_290 = arith.constant 0 : i32
            %eq3A_291 = arith.cmpi eq, %squeeze3A_289, %eq3A_290 : i32
            %convert_element_type3A_292 = arith.extui %eq3A_291 : i1 to i32
            %cond3A_293 = arith.constant 0 : i32
            %cond3A_294 = arith.cmpi ne, %convert_element_type3A_292, %cond3A_293 : i32
            scf.if %cond3A_294 {
              %add3A_309 = arith.constant 13 : i32
              %add3A_310 = arith.addi %add3A_138, %add3A_309 : i32
              %mul3A_311 = arith.constant 4 : i32
              %mul3A_312 = arith.muli %add3A_310, %mul3A_311 : i32
              %get3A_313 = arith.index_cast %mul3A_312 : i32 to index
              %get3A_314 = tpu.vector_load %arg7[%get3A_313] {strides = array<i32>} : memref<40016xf32, #tpu.memory_space<vmem>>, vector<16xf32>,
              %get3A_315 = vector.shape_cast %get3A_314 : vector<16xf32> to vector<16xf32>
              %slice3A_316 = vector.extract_strided_slice %get3A_315 {offsets = [0], sizes = [1], strides = [1]} : vector<16xf32> to vector<1xf32>
              %squeeze3A_317 = vector.extract %slice3A_316[0] : f32 from vector<1xf32>
              %broadcast_in_dim3A_318 = vector.broadcast %squeeze3A_317 : f32 to vector<16xf32>
              %bitcast_convert_type3A = tpu.bitcast %broadcast_in_dim3A_318 : vector<16xf32> -> vector<16xi32>
              %shift_right_arithmetic3A = arith.constant 16 : i32
              %shift_right_arithmetic3A_319 = vector.broadcast %shift_right_arithmetic3A : i32 to vector<16xi32>
              %shift_right_arithmetic3A_320 = arith.shrsi %bitcast_convert_type3A, %shift_right_arithmetic3A_319 : vector<16xi32>
              %and3A_321 = arith.constant 1 : i32
              %and3A_322 = vector.broadcast %and3A_321 : i32 to vector<16xi32>
              %and3A_323 = arith.andi %shift_right_arithmetic3A_320, %and3A_322 : vector<16xi32>
              %add3A_324 = arith.constant 32767 : i32
              %add3A_325 = vector.broadcast %add3A_324 : i32 to vector<16xi32>
              %add3A_326 = arith.addi %bitcast_convert_type3A, %add3A_325 : vector<16xi32>
              %add3A_327 = arith.addi %add3A_326, %and3A_323 : vector<16xi32>
              %and3A_328 = arith.constant -65536 : i32
              %and3A_329 = vector.broadcast %and3A_328 : i32 to vector<16xi32>
              %and3A_330 = arith.andi %add3A_327, %and3A_329 : vector<16xi32>
              %bitcast_convert_type3A_331 = tpu.bitcast %and3A_330 : vector<16xi32> -> vector<16xf32>
              %slice3A_332 = vector.extract_strided_slice %get3A_315 {offsets = [1], sizes = [1], strides = [1]} : vector<16xf32> to vector<1xf32>
              %squeeze3A_333 = vector.extract %slice3A_332[0] : f32 from vector<1xf32>
              %broadcast_in_dim3A_334 = vector.broadcast %squeeze3A_333 : f32 to vector<16xf32>
              %bitcast_convert_type3A_335 = tpu.bitcast %broadcast_in_dim3A_334 : vector<16xf32> -> vector<16xi32>
              %shift_right_arithmetic3A_336 = arith.constant 16 : i32
              %shift_right_arithmetic3A_337 = vector.broadcast %shift_right_arithmetic3A_336 : i32 to vector<16xi32>
              %shift_right_arithmetic3A_338 = arith.shrsi %bitcast_convert_type3A_335, %shift_right_arithmetic3A_337 : vector<16xi32>
              %and3A_339 = arith.constant 1 : i32
              %and3A_340 = vector.broadcast %and3A_339 : i32 to vector<16xi32>
              %and3A_341 = arith.andi %shift_right_arithmetic3A_338, %and3A_340 : vector<16xi32>
              %add3A_342 = arith.constant 32767 : i32
              %add3A_343 = vector.broadcast %add3A_342 : i32 to vector<16xi32>
              %add3A_344 = arith.addi %bitcast_convert_type3A_335, %add3A_343 : vector<16xi32>
              %add3A_345 = arith.addi %add3A_344, %and3A_341 : vector<16xi32>
              %and3A_346 = arith.constant -65536 : i32
              %and3A_347 = vector.broadcast %and3A_346 : i32 to vector<16xi32>
              %and3A_348 = arith.andi %add3A_345, %and3A_347 : vector<16xi32>
              %bitcast_convert_type3A_349 = tpu.bitcast %and3A_348 : vector<16xi32> -> vector<16xf32>
              %slice3A_350 = vector.extract_strided_slice %get3A_315 {offsets = [2], sizes = [1], strides = [1]} : vector<16xf32> to vector<1xf32>
              %squeeze3A_351 = vector.extract %slice3A_350[0] : f32 from vector<1xf32>
              %broadcast_in_dim3A_352 = vector.broadcast %squeeze3A_351 : f32 to vector<16xf32>
              %bitcast_convert_type3A_353 = tpu.bitcast %broadcast_in_dim3A_352 : vector<16xf32> -> vector<16xi32>
              %shift_right_arithmetic3A_354 = arith.constant 16 : i32
              %shift_right_arithmetic3A_355 = vector.broadcast %shift_right_arithmetic3A_354 : i32 to vector<16xi32>
              %shift_right_arithmetic3A_356 = arith.shrsi %bitcast_convert_type3A_353, %shift_right_arithmetic3A_355 : vector<16xi32>
              %and3A_357 = arith.constant 1 : i32
              %and3A_358 = vector.broadcast %and3A_357 : i32 to vector<16xi32>
              %and3A_359 = arith.andi %shift_right_arithmetic3A_356, %and3A_358 : vector<16xi32>
              %add3A_360 = arith.constant 32767 : i32
              %add3A_361 = vector.broadcast %add3A_360 : i32 to vector<16xi32>
              %add3A_362 = arith.addi %bitcast_convert_type3A_353, %add3A_361 : vector<16xi32>
              %add3A_363 = arith.addi %add3A_362, %and3A_359 : vector<16xi32>
              %and3A_364 = arith.constant -65536 : i32
              %and3A_365 = vector.broadcast %and3A_364 : i32 to vector<16xi32>
              %and3A_366 = arith.andi %add3A_363, %and3A_365 : vector<16xi32>
              %bitcast_convert_type3A_367 = tpu.bitcast %and3A_366 : vector<16xi32> -> vector<16xf32>
              %slice3A_368 = vector.extract_strided_slice %get3A_315 {offsets = [3], sizes = [1], strides = [1]} : vector<16xf32> to vector<1xf32>
              %squeeze3A_369 = vector.extract %slice3A_368[0] : f32 from vector<1xf32>
              %broadcast_in_dim3A_370 = vector.broadcast %squeeze3A_369 : f32 to vector<16xf32>
              %bitcast_convert_type3A_371 = tpu.bitcast %broadcast_in_dim3A_370 : vector<16xf32> -> vector<16xi32>
              %shift_right_arithmetic3A_372 = arith.constant 16 : i32
              %shift_right_arithmetic3A_373 = vector.broadcast %shift_right_arithmetic3A_372 : i32 to vector<16xi32>
              %shift_right_arithmetic3A_374 = arith.shrsi %bitcast_convert_type3A_371, %shift_right_arithmetic3A_373 : vector<16xi32>
              %and3A_375 = arith.constant 1 : i32
              %and3A_376 = vector.broadcast %and3A_375 : i32 to vector<16xi32>
              %and3A_377 = arith.andi %shift_right_arithmetic3A_374, %and3A_376 : vector<16xi32>
              %add3A_378 = arith.constant 32767 : i32
              %add3A_379 = vector.broadcast %add3A_378 : i32 to vector<16xi32>
              %add3A_380 = arith.addi %bitcast_convert_type3A_371, %add3A_379 : vector<16xi32>
              %add3A_381 = arith.addi %add3A_380, %and3A_377 : vector<16xi32>
              %and3A_382 = arith.constant -65536 : i32
              %and3A_383 = vector.broadcast %and3A_382 : i32 to vector<16xi32>
              %and3A_384 = arith.andi %add3A_381, %and3A_383 : vector<16xi32>
              %bitcast_convert_type3A_385 = tpu.bitcast %and3A_384 : vector<16xi32> -> vector<16xf32>
              %get3A_386 = arith.constant 0 : index
              %get3A_387 = tpu.vector_load %arg10[%get3A_386] {strides = array<i32>} : memref<64xf32, #tpu.memory_space<vmem>>, vector<16xf32>,
              %get3A_388 = vector.shape_cast %get3A_387 : vector<16xf32> to vector<16xf32>
              %get3A_389 = arith.constant 0 : index
              %get3A_390 = tpu.vector_load %arg9[%get3A_389] {strides = array<i32>} : memref<256xf32, #tpu.memory_space<vmem>>, vector<16xf32>,
              %get3A_391 = vector.shape_cast %get3A_390 : vector<16xf32> to vector<16xf32>
              %mul3A_392 = arith.mulf %bitcast_convert_type3A_331, %get3A_391 : vector<16xf32>
              %add3A_393 = arith.addf %get3A_388, %mul3A_392 : vector<16xf32>
              %get3A_394 = arith.constant 64 : index
              %get3A_395 = tpu.vector_load %arg9[%get3A_394] {strides = array<i32>} : memref<256xf32, #tpu.memory_space<vmem>>, vector<16xf32>,
              %get3A_396 = vector.shape_cast %get3A_395 : vector<16xf32> to vector<16xf32>
              %mul3A_397 = arith.mulf %bitcast_convert_type3A_349, %get3A_396 : vector<16xf32>
              %add3A_398 = arith.addf %add3A_393, %mul3A_397 : vector<16xf32>
              %get3A_399 = arith.constant 128 : index
              %get3A_400 = tpu.vector_load %arg9[%get3A_399] {strides = array<i32>} : memref<256xf32, #tpu.memory_space<vmem>>, vector<16xf32>,
              %get3A_401 = vector.shape_cast %get3A_400 : vector<16xf32> to vector<16xf32>
              %mul3A_402 = arith.mulf %bitcast_convert_type3A_367, %get3A_401 : vector<16xf32>
              %add3A_403 = arith.addf %add3A_398, %mul3A_402 : vector<16xf32>
              %get3A_404 = arith.constant 192 : index
              %get3A_405 = tpu.vector_load %arg9[%get3A_404] {strides = array<i32>} : memref<256xf32, #tpu.memory_space<vmem>>, vector<16xf32>,
              %get3A_406 = vector.shape_cast %get3A_405 : vector<16xf32> to vector<16xf32>
              %mul3A_407 = arith.mulf %bitcast_convert_type3A_385, %get3A_406 : vector<16xf32>
              %add3A_408 = arith.addf %add3A_403, %mul3A_407 : vector<16xf32>
              %bitcast_convert_type3A_409 = tpu.bitcast %add3A_408 : vector<16xf32> -> vector<16xi32>
              %shift_right_arithmetic3A_410 = arith.constant 16 : i32
              %shift_right_arithmetic3A_411 = vector.broadcast %shift_right_arithmetic3A_410 : i32 to vector<16xi32>
              %shift_right_arithmetic3A_412 = arith.shrsi %bitcast_convert_type3A_409, %shift_right_arithmetic3A_411 : vector<16xi32>
              %and3A_413 = arith.constant 1 : i32
              %and3A_414 = vector.broadcast %and3A_413 : i32 to vector<16xi32>
              %and3A_415 = arith.andi %shift_right_arithmetic3A_412, %and3A_414 : vector<16xi32>
              %add3A_416 = arith.constant 32767 : i32
              %add3A_417 = vector.broadcast %add3A_416 : i32 to vector<16xi32>
              %add3A_418 = arith.addi %bitcast_convert_type3A_409, %add3A_417 : vector<16xi32>
              %add3A_419 = arith.addi %add3A_418, %and3A_415 : vector<16xi32>
              %and3A_420 = arith.constant -65536 : i32
              %and3A_421 = vector.broadcast %and3A_420 : i32 to vector<16xi32>
              %and3A_422 = arith.andi %add3A_419, %and3A_421 : vector<16xi32>
              %bitcast_convert_type3A_423 = tpu.bitcast %and3A_422 : vector<16xi32> -> vector<16xf32>
              %get3A_424 = arith.constant 0 : index
              %get3A_425 = tpu.vector_load %arg11[%get3A_424] {strides = array<i32>} : memref<80xf32, #tpu.memory_space<vmem>>, vector<16xf32>,
              %get3A_426 = vector.shape_cast %get3A_425 : vector<16xf32> to vector<16xf32>
              %add3A_427 = arith.addf %get3A_426, %bitcast_convert_type3A_423 : vector<16xf32>
              %swap3A_428 = arith.constant 0 : index
              %swap3A_429 = tpu.vector_load %arg11[%swap3A_428] {strides = array<i32>} : memref<80xf32, #tpu.memory_space<vmem>>, vector<16xf32>,
              %swap3A_430 = vector.shape_cast %swap3A_429 : vector<16xf32> to vector<16xf32>
              %swap3A_431 = vector.shape_cast %add3A_427 : vector<16xf32> to vector<16xf32>
              tpu.vector_store %arg11[%swap3A_428], %swap3A_431 {strides = array<i32>} : memref<80xf32, #tpu.memory_space<vmem>>, vector<16xf32>,
              %get3A_432 = arith.constant 16 : index
              %get3A_433 = tpu.vector_load %arg10[%get3A_432] {strides = array<i32>} : memref<64xf32, #tpu.memory_space<vmem>>, vector<16xf32>,
              %get3A_434 = vector.shape_cast %get3A_433 : vector<16xf32> to vector<16xf32>
              %get3A_435 = arith.constant 16 : index
              %get3A_436 = tpu.vector_load %arg9[%get3A_435] {strides = array<i32>} : memref<256xf32, #tpu.memory_space<vmem>>, vector<16xf32>,
              %get3A_437 = vector.shape_cast %get3A_436 : vector<16xf32> to vector<16xf32>
              %mul3A_438 = arith.mulf %bitcast_convert_type3A_331, %get3A_437 : vector<16xf32>
              %add3A_439 = arith.addf %get3A_434, %mul3A_438 : vector<16xf32>
              %get3A_440 = arith.constant 80 : index
              %get3A_441 = tpu.vector_load %arg9[%get3A_440] {strides = array<i32>} : memref<256xf32, #tpu.memory_space<vmem>>, vector<16xf32>,
              %get3A_442 = vector.shape_cast %get3A_441 : vector<16xf32> to vector<16xf32>
              %mul3A_443 = arith.mulf %bitcast_convert_type3A_349, %get3A_442 : vector<16xf32>
              %add3A_444 = arith.addf %add3A_439, %mul3A_443 : vector<16xf32>
              %get3A_445 = arith.constant 144 : index
              %get3A_446 = tpu.vector_load %arg9[%get3A_445] {strides = array<i32>} : memref<256xf32, #tpu.memory_space<vmem>>, vector<16xf32>,
              %get3A_447 = vector.shape_cast %get3A_446 : vector<16xf32> to vector<16xf32>
              %mul3A_448 = arith.mulf %bitcast_convert_type3A_367, %get3A_447 : vector<16xf32>
              %add3A_449 = arith.addf %add3A_444, %mul3A_448 : vector<16xf32>
              %get3A_450 = arith.constant 208 : index
              %get3A_451 = tpu.vector_load %arg9[%get3A_450] {strides = array<i32>} : memref<256xf32, #tpu.memory_space<vmem>>, vector<16xf32>,
              %get3A_452 = vector.shape_cast %get3A_451 : vector<16xf32> to vector<16xf32>
              %mul3A_453 = arith.mulf %bitcast_convert_type3A_385, %get3A_452 : vector<16xf32>
              %add3A_454 = arith.addf %add3A_449, %mul3A_453 : vector<16xf32>
              %bitcast_convert_type3A_455 = tpu.bitcast %add3A_454 : vector<16xf32> -> vector<16xi32>
              %shift_right_arithmetic3A_456 = arith.constant 16 : i32
              %shift_right_arithmetic3A_457 = vector.broadcast %shift_right_arithmetic3A_456 : i32 to vector<16xi32>
              %shift_right_arithmetic3A_458 = arith.shrsi %bitcast_convert_type3A_455, %shift_right_arithmetic3A_457 : vector<16xi32>
              %and3A_459 = arith.constant 1 : i32
              %and3A_460 = vector.broadcast %and3A_459 : i32 to vector<16xi32>
              %and3A_461 = arith.andi %shift_right_arithmetic3A_458, %and3A_460 : vector<16xi32>
              %add3A_462 = arith.constant 32767 : i32
              %add3A_463 = vector.broadcast %add3A_462 : i32 to vector<16xi32>
              %add3A_464 = arith.addi %bitcast_convert_type3A_455, %add3A_463 : vector<16xi32>
              %add3A_465 = arith.addi %add3A_464, %and3A_461 : vector<16xi32>
              %and3A_466 = arith.constant -65536 : i32
              %and3A_467 = vector.broadcast %and3A_466 : i32 to vector<16xi32>
              %and3A_468 = arith.andi %add3A_465, %and3A_467 : vector<16xi32>
              %bitcast_convert_type3A_469 = tpu.bitcast %and3A_468 : vector<16xi32> -> vector<16xf32>
              %get3A_470 = arith.constant 16 : index
              %get3A_471 = tpu.vector_load %arg11[%get3A_470] {strides = array<i32>} : memref<80xf32, #tpu.memory_space<vmem>>, vector<16xf32>,
              %get3A_472 = vector.shape_cast %get3A_471 : vector<16xf32> to vector<16xf32>
              %add3A_473 = arith.addf %get3A_472, %bitcast_convert_type3A_469 : vector<16xf32>
              %swap3A_474 = arith.constant 16 : index
              %swap3A_475 = tpu.vector_load %arg11[%swap3A_474] {strides = array<i32>} : memref<80xf32, #tpu.memory_space<vmem>>, vector<16xf32>,
              %swap3A_476 = vector.shape_cast %swap3A_475 : vector<16xf32> to vector<16xf32>
              %swap3A_477 = vector.shape_cast %add3A_473 : vector<16xf32> to vector<16xf32>
              tpu.vector_store %arg11[%swap3A_474], %swap3A_477 {strides = array<i32>} : memref<80xf32, #tpu.memory_space<vmem>>, vector<16xf32>,
              %get3A_478 = arith.constant 32 : index
              %get3A_479 = tpu.vector_load %arg10[%get3A_478] {strides = array<i32>} : memref<64xf32, #tpu.memory_space<vmem>>, vector<16xf32>,
              %get3A_480 = vector.shape_cast %get3A_479 : vector<16xf32> to vector<16xf32>
              %get3A_481 = arith.constant 32 : index
              %get3A_482 = tpu.vector_load %arg9[%get3A_481] {strides = array<i32>} : memref<256xf32, #tpu.memory_space<vmem>>, vector<16xf32>,
              %get3A_483 = vector.shape_cast %get3A_482 : vector<16xf32> to vector<16xf32>
              %mul3A_484 = arith.mulf %bitcast_convert_type3A_331, %get3A_483 : vector<16xf32>
              %add3A_485 = arith.addf %get3A_480, %mul3A_484 : vector<16xf32>
              %get3A_486 = arith.constant 96 : index
              %get3A_487 = tpu.vector_load %arg9[%get3A_486] {strides = array<i32>} : memref<256xf32, #tpu.memory_space<vmem>>, vector<16xf32>,
              %get3A_488 = vector.shape_cast %get3A_487 : vector<16xf32> to vector<16xf32>
              %mul3A_489 = arith.mulf %bitcast_convert_type3A_349, %get3A_488 : vector<16xf32>
              %add3A_490 = arith.addf %add3A_485, %mul3A_489 : vector<16xf32>
              %get3A_491 = arith.constant 160 : index
              %get3A_492 = tpu.vector_load %arg9[%get3A_491] {strides = array<i32>} : memref<256xf32, #tpu.memory_space<vmem>>, vector<16xf32>,
              %get3A_493 = vector.shape_cast %get3A_492 : vector<16xf32> to vector<16xf32>
              %mul3A_494 = arith.mulf %bitcast_convert_type3A_367, %get3A_493 : vector<16xf32>
              %add3A_495 = arith.addf %add3A_490, %mul3A_494 : vector<16xf32>
              %get3A_496 = arith.constant 224 : index
              %get3A_497 = tpu.vector_load %arg9[%get3A_496] {strides = array<i32>} : memref<256xf32, #tpu.memory_space<vmem>>, vector<16xf32>,
              %get3A_498 = vector.shape_cast %get3A_497 : vector<16xf32> to vector<16xf32>
              %mul3A_499 = arith.mulf %bitcast_convert_type3A_385, %get3A_498 : vector<16xf32>
              %add3A_500 = arith.addf %add3A_495, %mul3A_499 : vector<16xf32>
              %bitcast_convert_type3A_501 = tpu.bitcast %add3A_500 : vector<16xf32> -> vector<16xi32>
              %shift_right_arithmetic3A_502 = arith.constant 16 : i32
              %shift_right_arithmetic3A_503 = vector.broadcast %shift_right_arithmetic3A_502 : i32 to vector<16xi32>
              %shift_right_arithmetic3A_504 = arith.shrsi %bitcast_convert_type3A_501, %shift_right_arithmetic3A_503 : vector<16xi32>
              %and3A_505 = arith.constant 1 : i32
              %and3A_506 = vector.broadcast %and3A_505 : i32 to vector<16xi32>
              %and3A_507 = arith.andi %shift_right_arithmetic3A_504, %and3A_506 : vector<16xi32>
              %add3A_508 = arith.constant 32767 : i32
              %add3A_509 = vector.broadcast %add3A_508 : i32 to vector<16xi32>
              %add3A_510 = arith.addi %bitcast_convert_type3A_501, %add3A_509 : vector<16xi32>
              %add3A_511 = arith.addi %add3A_510, %and3A_507 : vector<16xi32>
              %and3A_512 = arith.constant -65536 : i32
              %and3A_513 = vector.broadcast %and3A_512 : i32 to vector<16xi32>
              %and3A_514 = arith.andi %add3A_511, %and3A_513 : vector<16xi32>
              %bitcast_convert_type3A_515 = tpu.bitcast %and3A_514 : vector<16xi32> -> vector<16xf32>
              %get3A_516 = arith.constant 32 : index
              %get3A_517 = tpu.vector_load %arg11[%get3A_516] {strides = array<i32>} : memref<80xf32, #tpu.memory_space<vmem>>, vector<16xf32>,
              %get3A_518 = vector.shape_cast %get3A_517 : vector<16xf32> to vector<16xf32>
              %add3A_519 = arith.addf %get3A_518, %bitcast_convert_type3A_515 : vector<16xf32>
              %swap3A_520 = arith.constant 32 : index
              %swap3A_521 = tpu.vector_load %arg11[%swap3A_520] {strides = array<i32>} : memref<80xf32, #tpu.memory_space<vmem>>, vector<16xf32>,
              %swap3A_522 = vector.shape_cast %swap3A_521 : vector<16xf32> to vector<16xf32>
              %swap3A_523 = vector.shape_cast %add3A_519 : vector<16xf32> to vector<16xf32>
              tpu.vector_store %arg11[%swap3A_520], %swap3A_523 {strides = array<i32>} : memref<80xf32, #tpu.memory_space<vmem>>, vector<16xf32>,
              %get3A_524 = arith.constant 48 : index
              %get3A_525 = tpu.vector_load %arg10[%get3A_524] {strides = array<i32>} : memref<64xf32, #tpu.memory_space<vmem>>, vector<16xf32>,
              %get3A_526 = vector.shape_cast %get3A_525 : vector<16xf32> to vector<16xf32>
              %get3A_527 = arith.constant 48 : index
              %get3A_528 = tpu.vector_load %arg9[%get3A_527] {strides = array<i32>} : memref<256xf32, #tpu.memory_space<vmem>>, vector<16xf32>,
              %get3A_529 = vector.shape_cast %get3A_528 : vector<16xf32> to vector<16xf32>
              %mul3A_530 = arith.mulf %bitcast_convert_type3A_331, %get3A_529 : vector<16xf32>
              %add3A_531 = arith.addf %get3A_526, %mul3A_530 : vector<16xf32>
              %get3A_532 = arith.constant 112 : index
              %get3A_533 = tpu.vector_load %arg9[%get3A_532] {strides = array<i32>} : memref<256xf32, #tpu.memory_space<vmem>>, vector<16xf32>,
              %get3A_534 = vector.shape_cast %get3A_533 : vector<16xf32> to vector<16xf32>
              %mul3A_535 = arith.mulf %bitcast_convert_type3A_349, %get3A_534 : vector<16xf32>
              %add3A_536 = arith.addf %add3A_531, %mul3A_535 : vector<16xf32>
              %get3A_537 = arith.constant 176 : index
              %get3A_538 = tpu.vector_load %arg9[%get3A_537] {strides = array<i32>} : memref<256xf32, #tpu.memory_space<vmem>>, vector<16xf32>,
              %get3A_539 = vector.shape_cast %get3A_538 : vector<16xf32> to vector<16xf32>
              %mul3A_540 = arith.mulf %bitcast_convert_type3A_367, %get3A_539 : vector<16xf32>
              %add3A_541 = arith.addf %add3A_536, %mul3A_540 : vector<16xf32>
              %get3A_542 = arith.constant 240 : index
              %get3A_543 = tpu.vector_load %arg9[%get3A_542] {strides = array<i32>} : memref<256xf32, #tpu.memory_space<vmem>>, vector<16xf32>,
              %get3A_544 = vector.shape_cast %get3A_543 : vector<16xf32> to vector<16xf32>
              %mul3A_545 = arith.mulf %bitcast_convert_type3A_385, %get3A_544 : vector<16xf32>
              %add3A_546 = arith.addf %add3A_541, %mul3A_545 : vector<16xf32>
              %bitcast_convert_type3A_547 = tpu.bitcast %add3A_546 : vector<16xf32> -> vector<16xi32>
              %shift_right_arithmetic3A_548 = arith.constant 16 : i32
              %shift_right_arithmetic3A_549 = vector.broadcast %shift_right_arithmetic3A_548 : i32 to vector<16xi32>
              %shift_right_arithmetic3A_550 = arith.shrsi %bitcast_convert_type3A_547, %shift_right_arithmetic3A_549 : vector<16xi32>
              %and3A_551 = arith.constant 1 : i32
              %and3A_552 = vector.broadcast %and3A_551 : i32 to vector<16xi32>
              %and3A_553 = arith.andi %shift_right_arithmetic3A_550, %and3A_552 : vector<16xi32>
              %add3A_554 = arith.constant 32767 : i32
              %add3A_555 = vector.broadcast %add3A_554 : i32 to vector<16xi32>
              %add3A_556 = arith.addi %bitcast_convert_type3A_547, %add3A_555 : vector<16xi32>
              %add3A_557 = arith.addi %add3A_556, %and3A_553 : vector<16xi32>
              %and3A_558 = arith.constant -65536 : i32
              %and3A_559 = vector.broadcast %and3A_558 : i32 to vector<16xi32>
              %and3A_560 = arith.andi %add3A_557, %and3A_559 : vector<16xi32>
              %bitcast_convert_type3A_561 = tpu.bitcast %and3A_560 : vector<16xi32> -> vector<16xf32>
              %get3A_562 = arith.constant 48 : index
              %get3A_563 = tpu.vector_load %arg11[%get3A_562] {strides = array<i32>} : memref<80xf32, #tpu.memory_space<vmem>>, vector<16xf32>,
              %get3A_564 = vector.shape_cast %get3A_563 : vector<16xf32> to vector<16xf32>
              %add3A_565 = arith.addf %get3A_564, %bitcast_convert_type3A_561 : vector<16xf32>
              %swap3A_566 = arith.constant 48 : index
              %swap3A_567 = tpu.vector_load %arg11[%swap3A_566] {strides = array<i32>} : memref<80xf32, #tpu.memory_space<vmem>>, vector<16xf32>,
              %swap3A_568 = vector.shape_cast %swap3A_567 : vector<16xf32> to vector<16xf32>
              %swap3A_569 = vector.shape_cast %add3A_565 : vector<16xf32> to vector<16xf32>
              tpu.vector_store %arg11[%swap3A_566], %swap3A_569 {strides = array<i32>} : memref<80xf32, #tpu.memory_space<vmem>>, vector<16xf32>,
            } else {
            }
            %slice3A_295 = vector.extract_strided_slice %get3A_140 {offsets = [14], sizes = [1], strides = [1]} : vector<16xi32> to vector<1xi32>
            %squeeze3A_296 = vector.extract %slice3A_295[0] : i32 from vector<1xi32>
            %eq3A_297 = arith.constant 0 : i32
            %eq3A_298 = arith.cmpi eq, %squeeze3A_296, %eq3A_297 : i32
            %convert_element_type3A_299 = arith.extui %eq3A_298 : i1 to i32
            %cond3A_300 = arith.constant 0 : i32
            %cond3A_301 = arith.cmpi ne, %convert_element_type3A_299, %cond3A_300 : i32
            scf.if %cond3A_301 {
              %add3A_309 = arith.constant 14 : i32
              %add3A_310 = arith.addi %add3A_138, %add3A_309 : i32
              %mul3A_311 = arith.constant 4 : i32
              %mul3A_312 = arith.muli %add3A_310, %mul3A_311 : i32
              %get3A_313 = arith.index_cast %mul3A_312 : i32 to index
              %get3A_314 = tpu.vector_load %arg7[%get3A_313] {strides = array<i32>} : memref<40016xf32, #tpu.memory_space<vmem>>, vector<16xf32>,
              %get3A_315 = vector.shape_cast %get3A_314 : vector<16xf32> to vector<16xf32>
              %slice3A_316 = vector.extract_strided_slice %get3A_315 {offsets = [0], sizes = [1], strides = [1]} : vector<16xf32> to vector<1xf32>
              %squeeze3A_317 = vector.extract %slice3A_316[0] : f32 from vector<1xf32>
              %broadcast_in_dim3A_318 = vector.broadcast %squeeze3A_317 : f32 to vector<16xf32>
              %bitcast_convert_type3A = tpu.bitcast %broadcast_in_dim3A_318 : vector<16xf32> -> vector<16xi32>
              %shift_right_arithmetic3A = arith.constant 16 : i32
              %shift_right_arithmetic3A_319 = vector.broadcast %shift_right_arithmetic3A : i32 to vector<16xi32>
              %shift_right_arithmetic3A_320 = arith.shrsi %bitcast_convert_type3A, %shift_right_arithmetic3A_319 : vector<16xi32>
              %and3A_321 = arith.constant 1 : i32
              %and3A_322 = vector.broadcast %and3A_321 : i32 to vector<16xi32>
              %and3A_323 = arith.andi %shift_right_arithmetic3A_320, %and3A_322 : vector<16xi32>
              %add3A_324 = arith.constant 32767 : i32
              %add3A_325 = vector.broadcast %add3A_324 : i32 to vector<16xi32>
              %add3A_326 = arith.addi %bitcast_convert_type3A, %add3A_325 : vector<16xi32>
              %add3A_327 = arith.addi %add3A_326, %and3A_323 : vector<16xi32>
              %and3A_328 = arith.constant -65536 : i32
              %and3A_329 = vector.broadcast %and3A_328 : i32 to vector<16xi32>
              %and3A_330 = arith.andi %add3A_327, %and3A_329 : vector<16xi32>
              %bitcast_convert_type3A_331 = tpu.bitcast %and3A_330 : vector<16xi32> -> vector<16xf32>
              %slice3A_332 = vector.extract_strided_slice %get3A_315 {offsets = [1], sizes = [1], strides = [1]} : vector<16xf32> to vector<1xf32>
              %squeeze3A_333 = vector.extract %slice3A_332[0] : f32 from vector<1xf32>
              %broadcast_in_dim3A_334 = vector.broadcast %squeeze3A_333 : f32 to vector<16xf32>
              %bitcast_convert_type3A_335 = tpu.bitcast %broadcast_in_dim3A_334 : vector<16xf32> -> vector<16xi32>
              %shift_right_arithmetic3A_336 = arith.constant 16 : i32
              %shift_right_arithmetic3A_337 = vector.broadcast %shift_right_arithmetic3A_336 : i32 to vector<16xi32>
              %shift_right_arithmetic3A_338 = arith.shrsi %bitcast_convert_type3A_335, %shift_right_arithmetic3A_337 : vector<16xi32>
              %and3A_339 = arith.constant 1 : i32
              %and3A_340 = vector.broadcast %and3A_339 : i32 to vector<16xi32>
              %and3A_341 = arith.andi %shift_right_arithmetic3A_338, %and3A_340 : vector<16xi32>
              %add3A_342 = arith.constant 32767 : i32
              %add3A_343 = vector.broadcast %add3A_342 : i32 to vector<16xi32>
              %add3A_344 = arith.addi %bitcast_convert_type3A_335, %add3A_343 : vector<16xi32>
              %add3A_345 = arith.addi %add3A_344, %and3A_341 : vector<16xi32>
              %and3A_346 = arith.constant -65536 : i32
              %and3A_347 = vector.broadcast %and3A_346 : i32 to vector<16xi32>
              %and3A_348 = arith.andi %add3A_345, %and3A_347 : vector<16xi32>
              %bitcast_convert_type3A_349 = tpu.bitcast %and3A_348 : vector<16xi32> -> vector<16xf32>
              %slice3A_350 = vector.extract_strided_slice %get3A_315 {offsets = [2], sizes = [1], strides = [1]} : vector<16xf32> to vector<1xf32>
              %squeeze3A_351 = vector.extract %slice3A_350[0] : f32 from vector<1xf32>
              %broadcast_in_dim3A_352 = vector.broadcast %squeeze3A_351 : f32 to vector<16xf32>
              %bitcast_convert_type3A_353 = tpu.bitcast %broadcast_in_dim3A_352 : vector<16xf32> -> vector<16xi32>
              %shift_right_arithmetic3A_354 = arith.constant 16 : i32
              %shift_right_arithmetic3A_355 = vector.broadcast %shift_right_arithmetic3A_354 : i32 to vector<16xi32>
              %shift_right_arithmetic3A_356 = arith.shrsi %bitcast_convert_type3A_353, %shift_right_arithmetic3A_355 : vector<16xi32>
              %and3A_357 = arith.constant 1 : i32
              %and3A_358 = vector.broadcast %and3A_357 : i32 to vector<16xi32>
              %and3A_359 = arith.andi %shift_right_arithmetic3A_356, %and3A_358 : vector<16xi32>
              %add3A_360 = arith.constant 32767 : i32
              %add3A_361 = vector.broadcast %add3A_360 : i32 to vector<16xi32>
              %add3A_362 = arith.addi %bitcast_convert_type3A_353, %add3A_361 : vector<16xi32>
              %add3A_363 = arith.addi %add3A_362, %and3A_359 : vector<16xi32>
              %and3A_364 = arith.constant -65536 : i32
              %and3A_365 = vector.broadcast %and3A_364 : i32 to vector<16xi32>
              %and3A_366 = arith.andi %add3A_363, %and3A_365 : vector<16xi32>
              %bitcast_convert_type3A_367 = tpu.bitcast %and3A_366 : vector<16xi32> -> vector<16xf32>
              %slice3A_368 = vector.extract_strided_slice %get3A_315 {offsets = [3], sizes = [1], strides = [1]} : vector<16xf32> to vector<1xf32>
              %squeeze3A_369 = vector.extract %slice3A_368[0] : f32 from vector<1xf32>
              %broadcast_in_dim3A_370 = vector.broadcast %squeeze3A_369 : f32 to vector<16xf32>
              %bitcast_convert_type3A_371 = tpu.bitcast %broadcast_in_dim3A_370 : vector<16xf32> -> vector<16xi32>
              %shift_right_arithmetic3A_372 = arith.constant 16 : i32
              %shift_right_arithmetic3A_373 = vector.broadcast %shift_right_arithmetic3A_372 : i32 to vector<16xi32>
              %shift_right_arithmetic3A_374 = arith.shrsi %bitcast_convert_type3A_371, %shift_right_arithmetic3A_373 : vector<16xi32>
              %and3A_375 = arith.constant 1 : i32
              %and3A_376 = vector.broadcast %and3A_375 : i32 to vector<16xi32>
              %and3A_377 = arith.andi %shift_right_arithmetic3A_374, %and3A_376 : vector<16xi32>
              %add3A_378 = arith.constant 32767 : i32
              %add3A_379 = vector.broadcast %add3A_378 : i32 to vector<16xi32>
              %add3A_380 = arith.addi %bitcast_convert_type3A_371, %add3A_379 : vector<16xi32>
              %add3A_381 = arith.addi %add3A_380, %and3A_377 : vector<16xi32>
              %and3A_382 = arith.constant -65536 : i32
              %and3A_383 = vector.broadcast %and3A_382 : i32 to vector<16xi32>
              %and3A_384 = arith.andi %add3A_381, %and3A_383 : vector<16xi32>
              %bitcast_convert_type3A_385 = tpu.bitcast %and3A_384 : vector<16xi32> -> vector<16xf32>
              %get3A_386 = arith.constant 0 : index
              %get3A_387 = tpu.vector_load %arg10[%get3A_386] {strides = array<i32>} : memref<64xf32, #tpu.memory_space<vmem>>, vector<16xf32>,
              %get3A_388 = vector.shape_cast %get3A_387 : vector<16xf32> to vector<16xf32>
              %get3A_389 = arith.constant 0 : index
              %get3A_390 = tpu.vector_load %arg9[%get3A_389] {strides = array<i32>} : memref<256xf32, #tpu.memory_space<vmem>>, vector<16xf32>,
              %get3A_391 = vector.shape_cast %get3A_390 : vector<16xf32> to vector<16xf32>
              %mul3A_392 = arith.mulf %bitcast_convert_type3A_331, %get3A_391 : vector<16xf32>
              %add3A_393 = arith.addf %get3A_388, %mul3A_392 : vector<16xf32>
              %get3A_394 = arith.constant 64 : index
              %get3A_395 = tpu.vector_load %arg9[%get3A_394] {strides = array<i32>} : memref<256xf32, #tpu.memory_space<vmem>>, vector<16xf32>,
              %get3A_396 = vector.shape_cast %get3A_395 : vector<16xf32> to vector<16xf32>
              %mul3A_397 = arith.mulf %bitcast_convert_type3A_349, %get3A_396 : vector<16xf32>
              %add3A_398 = arith.addf %add3A_393, %mul3A_397 : vector<16xf32>
              %get3A_399 = arith.constant 128 : index
              %get3A_400 = tpu.vector_load %arg9[%get3A_399] {strides = array<i32>} : memref<256xf32, #tpu.memory_space<vmem>>, vector<16xf32>,
              %get3A_401 = vector.shape_cast %get3A_400 : vector<16xf32> to vector<16xf32>
              %mul3A_402 = arith.mulf %bitcast_convert_type3A_367, %get3A_401 : vector<16xf32>
              %add3A_403 = arith.addf %add3A_398, %mul3A_402 : vector<16xf32>
              %get3A_404 = arith.constant 192 : index
              %get3A_405 = tpu.vector_load %arg9[%get3A_404] {strides = array<i32>} : memref<256xf32, #tpu.memory_space<vmem>>, vector<16xf32>,
              %get3A_406 = vector.shape_cast %get3A_405 : vector<16xf32> to vector<16xf32>
              %mul3A_407 = arith.mulf %bitcast_convert_type3A_385, %get3A_406 : vector<16xf32>
              %add3A_408 = arith.addf %add3A_403, %mul3A_407 : vector<16xf32>
              %bitcast_convert_type3A_409 = tpu.bitcast %add3A_408 : vector<16xf32> -> vector<16xi32>
              %shift_right_arithmetic3A_410 = arith.constant 16 : i32
              %shift_right_arithmetic3A_411 = vector.broadcast %shift_right_arithmetic3A_410 : i32 to vector<16xi32>
              %shift_right_arithmetic3A_412 = arith.shrsi %bitcast_convert_type3A_409, %shift_right_arithmetic3A_411 : vector<16xi32>
              %and3A_413 = arith.constant 1 : i32
              %and3A_414 = vector.broadcast %and3A_413 : i32 to vector<16xi32>
              %and3A_415 = arith.andi %shift_right_arithmetic3A_412, %and3A_414 : vector<16xi32>
              %add3A_416 = arith.constant 32767 : i32
              %add3A_417 = vector.broadcast %add3A_416 : i32 to vector<16xi32>
              %add3A_418 = arith.addi %bitcast_convert_type3A_409, %add3A_417 : vector<16xi32>
              %add3A_419 = arith.addi %add3A_418, %and3A_415 : vector<16xi32>
              %and3A_420 = arith.constant -65536 : i32
              %and3A_421 = vector.broadcast %and3A_420 : i32 to vector<16xi32>
              %and3A_422 = arith.andi %add3A_419, %and3A_421 : vector<16xi32>
              %bitcast_convert_type3A_423 = tpu.bitcast %and3A_422 : vector<16xi32> -> vector<16xf32>
              %get3A_424 = arith.constant 0 : index
              %get3A_425 = tpu.vector_load %arg11[%get3A_424] {strides = array<i32>} : memref<80xf32, #tpu.memory_space<vmem>>, vector<16xf32>,
              %get3A_426 = vector.shape_cast %get3A_425 : vector<16xf32> to vector<16xf32>
              %add3A_427 = arith.addf %get3A_426, %bitcast_convert_type3A_423 : vector<16xf32>
              %swap3A_428 = arith.constant 0 : index
              %swap3A_429 = tpu.vector_load %arg11[%swap3A_428] {strides = array<i32>} : memref<80xf32, #tpu.memory_space<vmem>>, vector<16xf32>,
              %swap3A_430 = vector.shape_cast %swap3A_429 : vector<16xf32> to vector<16xf32>
              %swap3A_431 = vector.shape_cast %add3A_427 : vector<16xf32> to vector<16xf32>
              tpu.vector_store %arg11[%swap3A_428], %swap3A_431 {strides = array<i32>} : memref<80xf32, #tpu.memory_space<vmem>>, vector<16xf32>,
              %get3A_432 = arith.constant 16 : index
              %get3A_433 = tpu.vector_load %arg10[%get3A_432] {strides = array<i32>} : memref<64xf32, #tpu.memory_space<vmem>>, vector<16xf32>,
              %get3A_434 = vector.shape_cast %get3A_433 : vector<16xf32> to vector<16xf32>
              %get3A_435 = arith.constant 16 : index
              %get3A_436 = tpu.vector_load %arg9[%get3A_435] {strides = array<i32>} : memref<256xf32, #tpu.memory_space<vmem>>, vector<16xf32>,
              %get3A_437 = vector.shape_cast %get3A_436 : vector<16xf32> to vector<16xf32>
              %mul3A_438 = arith.mulf %bitcast_convert_type3A_331, %get3A_437 : vector<16xf32>
              %add3A_439 = arith.addf %get3A_434, %mul3A_438 : vector<16xf32>
              %get3A_440 = arith.constant 80 : index
              %get3A_441 = tpu.vector_load %arg9[%get3A_440] {strides = array<i32>} : memref<256xf32, #tpu.memory_space<vmem>>, vector<16xf32>,
              %get3A_442 = vector.shape_cast %get3A_441 : vector<16xf32> to vector<16xf32>
              %mul3A_443 = arith.mulf %bitcast_convert_type3A_349, %get3A_442 : vector<16xf32>
              %add3A_444 = arith.addf %add3A_439, %mul3A_443 : vector<16xf32>
              %get3A_445 = arith.constant 144 : index
              %get3A_446 = tpu.vector_load %arg9[%get3A_445] {strides = array<i32>} : memref<256xf32, #tpu.memory_space<vmem>>, vector<16xf32>,
              %get3A_447 = vector.shape_cast %get3A_446 : vector<16xf32> to vector<16xf32>
              %mul3A_448 = arith.mulf %bitcast_convert_type3A_367, %get3A_447 : vector<16xf32>
              %add3A_449 = arith.addf %add3A_444, %mul3A_448 : vector<16xf32>
              %get3A_450 = arith.constant 208 : index
              %get3A_451 = tpu.vector_load %arg9[%get3A_450] {strides = array<i32>} : memref<256xf32, #tpu.memory_space<vmem>>, vector<16xf32>,
              %get3A_452 = vector.shape_cast %get3A_451 : vector<16xf32> to vector<16xf32>
              %mul3A_453 = arith.mulf %bitcast_convert_type3A_385, %get3A_452 : vector<16xf32>
              %add3A_454 = arith.addf %add3A_449, %mul3A_453 : vector<16xf32>
              %bitcast_convert_type3A_455 = tpu.bitcast %add3A_454 : vector<16xf32> -> vector<16xi32>
              %shift_right_arithmetic3A_456 = arith.constant 16 : i32
              %shift_right_arithmetic3A_457 = vector.broadcast %shift_right_arithmetic3A_456 : i32 to vector<16xi32>
              %shift_right_arithmetic3A_458 = arith.shrsi %bitcast_convert_type3A_455, %shift_right_arithmetic3A_457 : vector<16xi32>
              %and3A_459 = arith.constant 1 : i32
              %and3A_460 = vector.broadcast %and3A_459 : i32 to vector<16xi32>
              %and3A_461 = arith.andi %shift_right_arithmetic3A_458, %and3A_460 : vector<16xi32>
              %add3A_462 = arith.constant 32767 : i32
              %add3A_463 = vector.broadcast %add3A_462 : i32 to vector<16xi32>
              %add3A_464 = arith.addi %bitcast_convert_type3A_455, %add3A_463 : vector<16xi32>
              %add3A_465 = arith.addi %add3A_464, %and3A_461 : vector<16xi32>
              %and3A_466 = arith.constant -65536 : i32
              %and3A_467 = vector.broadcast %and3A_466 : i32 to vector<16xi32>
              %and3A_468 = arith.andi %add3A_465, %and3A_467 : vector<16xi32>
              %bitcast_convert_type3A_469 = tpu.bitcast %and3A_468 : vector<16xi32> -> vector<16xf32>
              %get3A_470 = arith.constant 16 : index
              %get3A_471 = tpu.vector_load %arg11[%get3A_470] {strides = array<i32>} : memref<80xf32, #tpu.memory_space<vmem>>, vector<16xf32>,
              %get3A_472 = vector.shape_cast %get3A_471 : vector<16xf32> to vector<16xf32>
              %add3A_473 = arith.addf %get3A_472, %bitcast_convert_type3A_469 : vector<16xf32>
              %swap3A_474 = arith.constant 16 : index
              %swap3A_475 = tpu.vector_load %arg11[%swap3A_474] {strides = array<i32>} : memref<80xf32, #tpu.memory_space<vmem>>, vector<16xf32>,
              %swap3A_476 = vector.shape_cast %swap3A_475 : vector<16xf32> to vector<16xf32>
              %swap3A_477 = vector.shape_cast %add3A_473 : vector<16xf32> to vector<16xf32>
              tpu.vector_store %arg11[%swap3A_474], %swap3A_477 {strides = array<i32>} : memref<80xf32, #tpu.memory_space<vmem>>, vector<16xf32>,
              %get3A_478 = arith.constant 32 : index
              %get3A_479 = tpu.vector_load %arg10[%get3A_478] {strides = array<i32>} : memref<64xf32, #tpu.memory_space<vmem>>, vector<16xf32>,
              %get3A_480 = vector.shape_cast %get3A_479 : vector<16xf32> to vector<16xf32>
              %get3A_481 = arith.constant 32 : index
              %get3A_482 = tpu.vector_load %arg9[%get3A_481] {strides = array<i32>} : memref<256xf32, #tpu.memory_space<vmem>>, vector<16xf32>,
              %get3A_483 = vector.shape_cast %get3A_482 : vector<16xf32> to vector<16xf32>
              %mul3A_484 = arith.mulf %bitcast_convert_type3A_331, %get3A_483 : vector<16xf32>
              %add3A_485 = arith.addf %get3A_480, %mul3A_484 : vector<16xf32>
              %get3A_486 = arith.constant 96 : index
              %get3A_487 = tpu.vector_load %arg9[%get3A_486] {strides = array<i32>} : memref<256xf32, #tpu.memory_space<vmem>>, vector<16xf32>,
              %get3A_488 = vector.shape_cast %get3A_487 : vector<16xf32> to vector<16xf32>
              %mul3A_489 = arith.mulf %bitcast_convert_type3A_349, %get3A_488 : vector<16xf32>
              %add3A_490 = arith.addf %add3A_485, %mul3A_489 : vector<16xf32>
              %get3A_491 = arith.constant 160 : index
              %get3A_492 = tpu.vector_load %arg9[%get3A_491] {strides = array<i32>} : memref<256xf32, #tpu.memory_space<vmem>>, vector<16xf32>,
              %get3A_493 = vector.shape_cast %get3A_492 : vector<16xf32> to vector<16xf32>
              %mul3A_494 = arith.mulf %bitcast_convert_type3A_367, %get3A_493 : vector<16xf32>
              %add3A_495 = arith.addf %add3A_490, %mul3A_494 : vector<16xf32>
              %get3A_496 = arith.constant 224 : index
              %get3A_497 = tpu.vector_load %arg9[%get3A_496] {strides = array<i32>} : memref<256xf32, #tpu.memory_space<vmem>>, vector<16xf32>,
              %get3A_498 = vector.shape_cast %get3A_497 : vector<16xf32> to vector<16xf32>
              %mul3A_499 = arith.mulf %bitcast_convert_type3A_385, %get3A_498 : vector<16xf32>
              %add3A_500 = arith.addf %add3A_495, %mul3A_499 : vector<16xf32>
              %bitcast_convert_type3A_501 = tpu.bitcast %add3A_500 : vector<16xf32> -> vector<16xi32>
              %shift_right_arithmetic3A_502 = arith.constant 16 : i32
              %shift_right_arithmetic3A_503 = vector.broadcast %shift_right_arithmetic3A_502 : i32 to vector<16xi32>
              %shift_right_arithmetic3A_504 = arith.shrsi %bitcast_convert_type3A_501, %shift_right_arithmetic3A_503 : vector<16xi32>
              %and3A_505 = arith.constant 1 : i32
              %and3A_506 = vector.broadcast %and3A_505 : i32 to vector<16xi32>
              %and3A_507 = arith.andi %shift_right_arithmetic3A_504, %and3A_506 : vector<16xi32>
              %add3A_508 = arith.constant 32767 : i32
              %add3A_509 = vector.broadcast %add3A_508 : i32 to vector<16xi32>
              %add3A_510 = arith.addi %bitcast_convert_type3A_501, %add3A_509 : vector<16xi32>
              %add3A_511 = arith.addi %add3A_510, %and3A_507 : vector<16xi32>
              %and3A_512 = arith.constant -65536 : i32
              %and3A_513 = vector.broadcast %and3A_512 : i32 to vector<16xi32>
              %and3A_514 = arith.andi %add3A_511, %and3A_513 : vector<16xi32>
              %bitcast_convert_type3A_515 = tpu.bitcast %and3A_514 : vector<16xi32> -> vector<16xf32>
              %get3A_516 = arith.constant 32 : index
              %get3A_517 = tpu.vector_load %arg11[%get3A_516] {strides = array<i32>} : memref<80xf32, #tpu.memory_space<vmem>>, vector<16xf32>,
              %get3A_518 = vector.shape_cast %get3A_517 : vector<16xf32> to vector<16xf32>
              %add3A_519 = arith.addf %get3A_518, %bitcast_convert_type3A_515 : vector<16xf32>
              %swap3A_520 = arith.constant 32 : index
              %swap3A_521 = tpu.vector_load %arg11[%swap3A_520] {strides = array<i32>} : memref<80xf32, #tpu.memory_space<vmem>>, vector<16xf32>,
              %swap3A_522 = vector.shape_cast %swap3A_521 : vector<16xf32> to vector<16xf32>
              %swap3A_523 = vector.shape_cast %add3A_519 : vector<16xf32> to vector<16xf32>
              tpu.vector_store %arg11[%swap3A_520], %swap3A_523 {strides = array<i32>} : memref<80xf32, #tpu.memory_space<vmem>>, vector<16xf32>,
              %get3A_524 = arith.constant 48 : index
              %get3A_525 = tpu.vector_load %arg10[%get3A_524] {strides = array<i32>} : memref<64xf32, #tpu.memory_space<vmem>>, vector<16xf32>,
              %get3A_526 = vector.shape_cast %get3A_525 : vector<16xf32> to vector<16xf32>
              %get3A_527 = arith.constant 48 : index
              %get3A_528 = tpu.vector_load %arg9[%get3A_527] {strides = array<i32>} : memref<256xf32, #tpu.memory_space<vmem>>, vector<16xf32>,
              %get3A_529 = vector.shape_cast %get3A_528 : vector<16xf32> to vector<16xf32>
              %mul3A_530 = arith.mulf %bitcast_convert_type3A_331, %get3A_529 : vector<16xf32>
              %add3A_531 = arith.addf %get3A_526, %mul3A_530 : vector<16xf32>
              %get3A_532 = arith.constant 112 : index
              %get3A_533 = tpu.vector_load %arg9[%get3A_532] {strides = array<i32>} : memref<256xf32, #tpu.memory_space<vmem>>, vector<16xf32>,
              %get3A_534 = vector.shape_cast %get3A_533 : vector<16xf32> to vector<16xf32>
              %mul3A_535 = arith.mulf %bitcast_convert_type3A_349, %get3A_534 : vector<16xf32>
              %add3A_536 = arith.addf %add3A_531, %mul3A_535 : vector<16xf32>
              %get3A_537 = arith.constant 176 : index
              %get3A_538 = tpu.vector_load %arg9[%get3A_537] {strides = array<i32>} : memref<256xf32, #tpu.memory_space<vmem>>, vector<16xf32>,
              %get3A_539 = vector.shape_cast %get3A_538 : vector<16xf32> to vector<16xf32>
              %mul3A_540 = arith.mulf %bitcast_convert_type3A_367, %get3A_539 : vector<16xf32>
              %add3A_541 = arith.addf %add3A_536, %mul3A_540 : vector<16xf32>
              %get3A_542 = arith.constant 240 : index
              %get3A_543 = tpu.vector_load %arg9[%get3A_542] {strides = array<i32>} : memref<256xf32, #tpu.memory_space<vmem>>, vector<16xf32>,
              %get3A_544 = vector.shape_cast %get3A_543 : vector<16xf32> to vector<16xf32>
              %mul3A_545 = arith.mulf %bitcast_convert_type3A_385, %get3A_544 : vector<16xf32>
              %add3A_546 = arith.addf %add3A_541, %mul3A_545 : vector<16xf32>
              %bitcast_convert_type3A_547 = tpu.bitcast %add3A_546 : vector<16xf32> -> vector<16xi32>
              %shift_right_arithmetic3A_548 = arith.constant 16 : i32
              %shift_right_arithmetic3A_549 = vector.broadcast %shift_right_arithmetic3A_548 : i32 to vector<16xi32>
              %shift_right_arithmetic3A_550 = arith.shrsi %bitcast_convert_type3A_547, %shift_right_arithmetic3A_549 : vector<16xi32>
              %and3A_551 = arith.constant 1 : i32
              %and3A_552 = vector.broadcast %and3A_551 : i32 to vector<16xi32>
              %and3A_553 = arith.andi %shift_right_arithmetic3A_550, %and3A_552 : vector<16xi32>
              %add3A_554 = arith.constant 32767 : i32
              %add3A_555 = vector.broadcast %add3A_554 : i32 to vector<16xi32>
              %add3A_556 = arith.addi %bitcast_convert_type3A_547, %add3A_555 : vector<16xi32>
              %add3A_557 = arith.addi %add3A_556, %and3A_553 : vector<16xi32>
              %and3A_558 = arith.constant -65536 : i32
              %and3A_559 = vector.broadcast %and3A_558 : i32 to vector<16xi32>
              %and3A_560 = arith.andi %add3A_557, %and3A_559 : vector<16xi32>
              %bitcast_convert_type3A_561 = tpu.bitcast %and3A_560 : vector<16xi32> -> vector<16xf32>
              %get3A_562 = arith.constant 48 : index
              %get3A_563 = tpu.vector_load %arg11[%get3A_562] {strides = array<i32>} : memref<80xf32, #tpu.memory_space<vmem>>, vector<16xf32>,
              %get3A_564 = vector.shape_cast %get3A_563 : vector<16xf32> to vector<16xf32>
              %add3A_565 = arith.addf %get3A_564, %bitcast_convert_type3A_561 : vector<16xf32>
              %swap3A_566 = arith.constant 48 : index
              %swap3A_567 = tpu.vector_load %arg11[%swap3A_566] {strides = array<i32>} : memref<80xf32, #tpu.memory_space<vmem>>, vector<16xf32>,
              %swap3A_568 = vector.shape_cast %swap3A_567 : vector<16xf32> to vector<16xf32>
              %swap3A_569 = vector.shape_cast %add3A_565 : vector<16xf32> to vector<16xf32>
              tpu.vector_store %arg11[%swap3A_566], %swap3A_569 {strides = array<i32>} : memref<80xf32, #tpu.memory_space<vmem>>, vector<16xf32>,
            } else {
            }
            %slice3A_302 = vector.extract_strided_slice %get3A_140 {offsets = [15], sizes = [1], strides = [1]} : vector<16xi32> to vector<1xi32>
            %squeeze3A_303 = vector.extract %slice3A_302[0] : i32 from vector<1xi32>
            %eq3A_304 = arith.constant 0 : i32
            %eq3A_305 = arith.cmpi eq, %squeeze3A_303, %eq3A_304 : i32
            %convert_element_type3A_306 = arith.extui %eq3A_305 : i1 to i32
            %cond3A_307 = arith.constant 0 : i32
            %cond3A_308 = arith.cmpi ne, %convert_element_type3A_306, %cond3A_307 : i32
            scf.if %cond3A_308 {
              %add3A_309 = arith.constant 15 : i32
              %add3A_310 = arith.addi %add3A_138, %add3A_309 : i32
              %mul3A_311 = arith.constant 4 : i32
              %mul3A_312 = arith.muli %add3A_310, %mul3A_311 : i32
              %get3A_313 = arith.index_cast %mul3A_312 : i32 to index
              %get3A_314 = tpu.vector_load %arg7[%get3A_313] {strides = array<i32>} : memref<40016xf32, #tpu.memory_space<vmem>>, vector<16xf32>,
              %get3A_315 = vector.shape_cast %get3A_314 : vector<16xf32> to vector<16xf32>
              %slice3A_316 = vector.extract_strided_slice %get3A_315 {offsets = [0], sizes = [1], strides = [1]} : vector<16xf32> to vector<1xf32>
              %squeeze3A_317 = vector.extract %slice3A_316[0] : f32 from vector<1xf32>
              %broadcast_in_dim3A_318 = vector.broadcast %squeeze3A_317 : f32 to vector<16xf32>
              %bitcast_convert_type3A = tpu.bitcast %broadcast_in_dim3A_318 : vector<16xf32> -> vector<16xi32>
              %shift_right_arithmetic3A = arith.constant 16 : i32
              %shift_right_arithmetic3A_319 = vector.broadcast %shift_right_arithmetic3A : i32 to vector<16xi32>
              %shift_right_arithmetic3A_320 = arith.shrsi %bitcast_convert_type3A, %shift_right_arithmetic3A_319 : vector<16xi32>
              %and3A_321 = arith.constant 1 : i32
              %and3A_322 = vector.broadcast %and3A_321 : i32 to vector<16xi32>
              %and3A_323 = arith.andi %shift_right_arithmetic3A_320, %and3A_322 : vector<16xi32>
              %add3A_324 = arith.constant 32767 : i32
              %add3A_325 = vector.broadcast %add3A_324 : i32 to vector<16xi32>
              %add3A_326 = arith.addi %bitcast_convert_type3A, %add3A_325 : vector<16xi32>
              %add3A_327 = arith.addi %add3A_326, %and3A_323 : vector<16xi32>
              %and3A_328 = arith.constant -65536 : i32
              %and3A_329 = vector.broadcast %and3A_328 : i32 to vector<16xi32>
              %and3A_330 = arith.andi %add3A_327, %and3A_329 : vector<16xi32>
              %bitcast_convert_type3A_331 = tpu.bitcast %and3A_330 : vector<16xi32> -> vector<16xf32>
              %slice3A_332 = vector.extract_strided_slice %get3A_315 {offsets = [1], sizes = [1], strides = [1]} : vector<16xf32> to vector<1xf32>
              %squeeze3A_333 = vector.extract %slice3A_332[0] : f32 from vector<1xf32>
              %broadcast_in_dim3A_334 = vector.broadcast %squeeze3A_333 : f32 to vector<16xf32>
              %bitcast_convert_type3A_335 = tpu.bitcast %broadcast_in_dim3A_334 : vector<16xf32> -> vector<16xi32>
              %shift_right_arithmetic3A_336 = arith.constant 16 : i32
              %shift_right_arithmetic3A_337 = vector.broadcast %shift_right_arithmetic3A_336 : i32 to vector<16xi32>
              %shift_right_arithmetic3A_338 = arith.shrsi %bitcast_convert_type3A_335, %shift_right_arithmetic3A_337 : vector<16xi32>
              %and3A_339 = arith.constant 1 : i32
              %and3A_340 = vector.broadcast %and3A_339 : i32 to vector<16xi32>
              %and3A_341 = arith.andi %shift_right_arithmetic3A_338, %and3A_340 : vector<16xi32>
              %add3A_342 = arith.constant 32767 : i32
              %add3A_343 = vector.broadcast %add3A_342 : i32 to vector<16xi32>
              %add3A_344 = arith.addi %bitcast_convert_type3A_335, %add3A_343 : vector<16xi32>
              %add3A_345 = arith.addi %add3A_344, %and3A_341 : vector<16xi32>
              %and3A_346 = arith.constant -65536 : i32
              %and3A_347 = vector.broadcast %and3A_346 : i32 to vector<16xi32>
              %and3A_348 = arith.andi %add3A_345, %and3A_347 : vector<16xi32>
              %bitcast_convert_type3A_349 = tpu.bitcast %and3A_348 : vector<16xi32> -> vector<16xf32>
              %slice3A_350 = vector.extract_strided_slice %get3A_315 {offsets = [2], sizes = [1], strides = [1]} : vector<16xf32> to vector<1xf32>
              %squeeze3A_351 = vector.extract %slice3A_350[0] : f32 from vector<1xf32>
              %broadcast_in_dim3A_352 = vector.broadcast %squeeze3A_351 : f32 to vector<16xf32>
              %bitcast_convert_type3A_353 = tpu.bitcast %broadcast_in_dim3A_352 : vector<16xf32> -> vector<16xi32>
              %shift_right_arithmetic3A_354 = arith.constant 16 : i32
              %shift_right_arithmetic3A_355 = vector.broadcast %shift_right_arithmetic3A_354 : i32 to vector<16xi32>
              %shift_right_arithmetic3A_356 = arith.shrsi %bitcast_convert_type3A_353, %shift_right_arithmetic3A_355 : vector<16xi32>
              %and3A_357 = arith.constant 1 : i32
              %and3A_358 = vector.broadcast %and3A_357 : i32 to vector<16xi32>
              %and3A_359 = arith.andi %shift_right_arithmetic3A_356, %and3A_358 : vector<16xi32>
              %add3A_360 = arith.constant 32767 : i32
              %add3A_361 = vector.broadcast %add3A_360 : i32 to vector<16xi32>
              %add3A_362 = arith.addi %bitcast_convert_type3A_353, %add3A_361 : vector<16xi32>
              %add3A_363 = arith.addi %add3A_362, %and3A_359 : vector<16xi32>
              %and3A_364 = arith.constant -65536 : i32
              %and3A_365 = vector.broadcast %and3A_364 : i32 to vector<16xi32>
              %and3A_366 = arith.andi %add3A_363, %and3A_365 : vector<16xi32>
              %bitcast_convert_type3A_367 = tpu.bitcast %and3A_366 : vector<16xi32> -> vector<16xf32>
              %slice3A_368 = vector.extract_strided_slice %get3A_315 {offsets = [3], sizes = [1], strides = [1]} : vector<16xf32> to vector<1xf32>
              %squeeze3A_369 = vector.extract %slice3A_368[0] : f32 from vector<1xf32>
              %broadcast_in_dim3A_370 = vector.broadcast %squeeze3A_369 : f32 to vector<16xf32>
              %bitcast_convert_type3A_371 = tpu.bitcast %broadcast_in_dim3A_370 : vector<16xf32> -> vector<16xi32>
              %shift_right_arithmetic3A_372 = arith.constant 16 : i32
              %shift_right_arithmetic3A_373 = vector.broadcast %shift_right_arithmetic3A_372 : i32 to vector<16xi32>
              %shift_right_arithmetic3A_374 = arith.shrsi %bitcast_convert_type3A_371, %shift_right_arithmetic3A_373 : vector<16xi32>
              %and3A_375 = arith.constant 1 : i32
              %and3A_376 = vector.broadcast %and3A_375 : i32 to vector<16xi32>
              %and3A_377 = arith.andi %shift_right_arithmetic3A_374, %and3A_376 : vector<16xi32>
              %add3A_378 = arith.constant 32767 : i32
              %add3A_379 = vector.broadcast %add3A_378 : i32 to vector<16xi32>
              %add3A_380 = arith.addi %bitcast_convert_type3A_371, %add3A_379 : vector<16xi32>
              %add3A_381 = arith.addi %add3A_380, %and3A_377 : vector<16xi32>
              %and3A_382 = arith.constant -65536 : i32
              %and3A_383 = vector.broadcast %and3A_382 : i32 to vector<16xi32>
              %and3A_384 = arith.andi %add3A_381, %and3A_383 : vector<16xi32>
              %bitcast_convert_type3A_385 = tpu.bitcast %and3A_384 : vector<16xi32> -> vector<16xf32>
              %get3A_386 = arith.constant 0 : index
              %get3A_387 = tpu.vector_load %arg10[%get3A_386] {strides = array<i32>} : memref<64xf32, #tpu.memory_space<vmem>>, vector<16xf32>,
              %get3A_388 = vector.shape_cast %get3A_387 : vector<16xf32> to vector<16xf32>
              %get3A_389 = arith.constant 0 : index
              %get3A_390 = tpu.vector_load %arg9[%get3A_389] {strides = array<i32>} : memref<256xf32, #tpu.memory_space<vmem>>, vector<16xf32>,
              %get3A_391 = vector.shape_cast %get3A_390 : vector<16xf32> to vector<16xf32>
              %mul3A_392 = arith.mulf %bitcast_convert_type3A_331, %get3A_391 : vector<16xf32>
              %add3A_393 = arith.addf %get3A_388, %mul3A_392 : vector<16xf32>
              %get3A_394 = arith.constant 64 : index
              %get3A_395 = tpu.vector_load %arg9[%get3A_394] {strides = array<i32>} : memref<256xf32, #tpu.memory_space<vmem>>, vector<16xf32>,
              %get3A_396 = vector.shape_cast %get3A_395 : vector<16xf32> to vector<16xf32>
              %mul3A_397 = arith.mulf %bitcast_convert_type3A_349, %get3A_396 : vector<16xf32>
              %add3A_398 = arith.addf %add3A_393, %mul3A_397 : vector<16xf32>
              %get3A_399 = arith.constant 128 : index
              %get3A_400 = tpu.vector_load %arg9[%get3A_399] {strides = array<i32>} : memref<256xf32, #tpu.memory_space<vmem>>, vector<16xf32>,
              %get3A_401 = vector.shape_cast %get3A_400 : vector<16xf32> to vector<16xf32>
              %mul3A_402 = arith.mulf %bitcast_convert_type3A_367, %get3A_401 : vector<16xf32>
              %add3A_403 = arith.addf %add3A_398, %mul3A_402 : vector<16xf32>
              %get3A_404 = arith.constant 192 : index
              %get3A_405 = tpu.vector_load %arg9[%get3A_404] {strides = array<i32>} : memref<256xf32, #tpu.memory_space<vmem>>, vector<16xf32>,
              %get3A_406 = vector.shape_cast %get3A_405 : vector<16xf32> to vector<16xf32>
              %mul3A_407 = arith.mulf %bitcast_convert_type3A_385, %get3A_406 : vector<16xf32>
              %add3A_408 = arith.addf %add3A_403, %mul3A_407 : vector<16xf32>
              %bitcast_convert_type3A_409 = tpu.bitcast %add3A_408 : vector<16xf32> -> vector<16xi32>
              %shift_right_arithmetic3A_410 = arith.constant 16 : i32
              %shift_right_arithmetic3A_411 = vector.broadcast %shift_right_arithmetic3A_410 : i32 to vector<16xi32>
              %shift_right_arithmetic3A_412 = arith.shrsi %bitcast_convert_type3A_409, %shift_right_arithmetic3A_411 : vector<16xi32>
              %and3A_413 = arith.constant 1 : i32
              %and3A_414 = vector.broadcast %and3A_413 : i32 to vector<16xi32>
              %and3A_415 = arith.andi %shift_right_arithmetic3A_412, %and3A_414 : vector<16xi32>
              %add3A_416 = arith.constant 32767 : i32
              %add3A_417 = vector.broadcast %add3A_416 : i32 to vector<16xi32>
              %add3A_418 = arith.addi %bitcast_convert_type3A_409, %add3A_417 : vector<16xi32>
              %add3A_419 = arith.addi %add3A_418, %and3A_415 : vector<16xi32>
              %and3A_420 = arith.constant -65536 : i32
              %and3A_421 = vector.broadcast %and3A_420 : i32 to vector<16xi32>
              %and3A_422 = arith.andi %add3A_419, %and3A_421 : vector<16xi32>
              %bitcast_convert_type3A_423 = tpu.bitcast %and3A_422 : vector<16xi32> -> vector<16xf32>
              %get3A_424 = arith.constant 0 : index
              %get3A_425 = tpu.vector_load %arg11[%get3A_424] {strides = array<i32>} : memref<80xf32, #tpu.memory_space<vmem>>, vector<16xf32>,
              %get3A_426 = vector.shape_cast %get3A_425 : vector<16xf32> to vector<16xf32>
              %add3A_427 = arith.addf %get3A_426, %bitcast_convert_type3A_423 : vector<16xf32>
              %swap3A_428 = arith.constant 0 : index
              %swap3A_429 = tpu.vector_load %arg11[%swap3A_428] {strides = array<i32>} : memref<80xf32, #tpu.memory_space<vmem>>, vector<16xf32>,
              %swap3A_430 = vector.shape_cast %swap3A_429 : vector<16xf32> to vector<16xf32>
              %swap3A_431 = vector.shape_cast %add3A_427 : vector<16xf32> to vector<16xf32>
              tpu.vector_store %arg11[%swap3A_428], %swap3A_431 {strides = array<i32>} : memref<80xf32, #tpu.memory_space<vmem>>, vector<16xf32>,
              %get3A_432 = arith.constant 16 : index
              %get3A_433 = tpu.vector_load %arg10[%get3A_432] {strides = array<i32>} : memref<64xf32, #tpu.memory_space<vmem>>, vector<16xf32>,
              %get3A_434 = vector.shape_cast %get3A_433 : vector<16xf32> to vector<16xf32>
              %get3A_435 = arith.constant 16 : index
              %get3A_436 = tpu.vector_load %arg9[%get3A_435] {strides = array<i32>} : memref<256xf32, #tpu.memory_space<vmem>>, vector<16xf32>,
              %get3A_437 = vector.shape_cast %get3A_436 : vector<16xf32> to vector<16xf32>
              %mul3A_438 = arith.mulf %bitcast_convert_type3A_331, %get3A_437 : vector<16xf32>
              %add3A_439 = arith.addf %get3A_434, %mul3A_438 : vector<16xf32>
              %get3A_440 = arith.constant 80 : index
              %get3A_441 = tpu.vector_load %arg9[%get3A_440] {strides = array<i32>} : memref<256xf32, #tpu.memory_space<vmem>>, vector<16xf32>,
              %get3A_442 = vector.shape_cast %get3A_441 : vector<16xf32> to vector<16xf32>
              %mul3A_443 = arith.mulf %bitcast_convert_type3A_349, %get3A_442 : vector<16xf32>
              %add3A_444 = arith.addf %add3A_439, %mul3A_443 : vector<16xf32>
              %get3A_445 = arith.constant 144 : index
              %get3A_446 = tpu.vector_load %arg9[%get3A_445] {strides = array<i32>} : memref<256xf32, #tpu.memory_space<vmem>>, vector<16xf32>,
              %get3A_447 = vector.shape_cast %get3A_446 : vector<16xf32> to vector<16xf32>
              %mul3A_448 = arith.mulf %bitcast_convert_type3A_367, %get3A_447 : vector<16xf32>
              %add3A_449 = arith.addf %add3A_444, %mul3A_448 : vector<16xf32>
              %get3A_450 = arith.constant 208 : index
              %get3A_451 = tpu.vector_load %arg9[%get3A_450] {strides = array<i32>} : memref<256xf32, #tpu.memory_space<vmem>>, vector<16xf32>,
              %get3A_452 = vector.shape_cast %get3A_451 : vector<16xf32> to vector<16xf32>
              %mul3A_453 = arith.mulf %bitcast_convert_type3A_385, %get3A_452 : vector<16xf32>
              %add3A_454 = arith.addf %add3A_449, %mul3A_453 : vector<16xf32>
              %bitcast_convert_type3A_455 = tpu.bitcast %add3A_454 : vector<16xf32> -> vector<16xi32>
              %shift_right_arithmetic3A_456 = arith.constant 16 : i32
              %shift_right_arithmetic3A_457 = vector.broadcast %shift_right_arithmetic3A_456 : i32 to vector<16xi32>
              %shift_right_arithmetic3A_458 = arith.shrsi %bitcast_convert_type3A_455, %shift_right_arithmetic3A_457 : vector<16xi32>
              %and3A_459 = arith.constant 1 : i32
              %and3A_460 = vector.broadcast %and3A_459 : i32 to vector<16xi32>
              %and3A_461 = arith.andi %shift_right_arithmetic3A_458, %and3A_460 : vector<16xi32>
              %add3A_462 = arith.constant 32767 : i32
              %add3A_463 = vector.broadcast %add3A_462 : i32 to vector<16xi32>
              %add3A_464 = arith.addi %bitcast_convert_type3A_455, %add3A_463 : vector<16xi32>
              %add3A_465 = arith.addi %add3A_464, %and3A_461 : vector<16xi32>
              %and3A_466 = arith.constant -65536 : i32
              %and3A_467 = vector.broadcast %and3A_466 : i32 to vector<16xi32>
              %and3A_468 = arith.andi %add3A_465, %and3A_467 : vector<16xi32>
              %bitcast_convert_type3A_469 = tpu.bitcast %and3A_468 : vector<16xi32> -> vector<16xf32>
              %get3A_470 = arith.constant 16 : index
              %get3A_471 = tpu.vector_load %arg11[%get3A_470] {strides = array<i32>} : memref<80xf32, #tpu.memory_space<vmem>>, vector<16xf32>,
              %get3A_472 = vector.shape_cast %get3A_471 : vector<16xf32> to vector<16xf32>
              %add3A_473 = arith.addf %get3A_472, %bitcast_convert_type3A_469 : vector<16xf32>
              %swap3A_474 = arith.constant 16 : index
              %swap3A_475 = tpu.vector_load %arg11[%swap3A_474] {strides = array<i32>} : memref<80xf32, #tpu.memory_space<vmem>>, vector<16xf32>,
              %swap3A_476 = vector.shape_cast %swap3A_475 : vector<16xf32> to vector<16xf32>
              %swap3A_477 = vector.shape_cast %add3A_473 : vector<16xf32> to vector<16xf32>
              tpu.vector_store %arg11[%swap3A_474], %swap3A_477 {strides = array<i32>} : memref<80xf32, #tpu.memory_space<vmem>>, vector<16xf32>,
              %get3A_478 = arith.constant 32 : index
              %get3A_479 = tpu.vector_load %arg10[%get3A_478] {strides = array<i32>} : memref<64xf32, #tpu.memory_space<vmem>>, vector<16xf32>,
              %get3A_480 = vector.shape_cast %get3A_479 : vector<16xf32> to vector<16xf32>
              %get3A_481 = arith.constant 32 : index
              %get3A_482 = tpu.vector_load %arg9[%get3A_481] {strides = array<i32>} : memref<256xf32, #tpu.memory_space<vmem>>, vector<16xf32>,
              %get3A_483 = vector.shape_cast %get3A_482 : vector<16xf32> to vector<16xf32>
              %mul3A_484 = arith.mulf %bitcast_convert_type3A_331, %get3A_483 : vector<16xf32>
              %add3A_485 = arith.addf %get3A_480, %mul3A_484 : vector<16xf32>
              %get3A_486 = arith.constant 96 : index
              %get3A_487 = tpu.vector_load %arg9[%get3A_486] {strides = array<i32>} : memref<256xf32, #tpu.memory_space<vmem>>, vector<16xf32>,
              %get3A_488 = vector.shape_cast %get3A_487 : vector<16xf32> to vector<16xf32>
              %mul3A_489 = arith.mulf %bitcast_convert_type3A_349, %get3A_488 : vector<16xf32>
              %add3A_490 = arith.addf %add3A_485, %mul3A_489 : vector<16xf32>
              %get3A_491 = arith.constant 160 : index
              %get3A_492 = tpu.vector_load %arg9[%get3A_491] {strides = array<i32>} : memref<256xf32, #tpu.memory_space<vmem>>, vector<16xf32>,
              %get3A_493 = vector.shape_cast %get3A_492 : vector<16xf32> to vector<16xf32>
              %mul3A_494 = arith.mulf %bitcast_convert_type3A_367, %get3A_493 : vector<16xf32>
              %add3A_495 = arith.addf %add3A_490, %mul3A_494 : vector<16xf32>
              %get3A_496 = arith.constant 224 : index
              %get3A_497 = tpu.vector_load %arg9[%get3A_496] {strides = array<i32>} : memref<256xf32, #tpu.memory_space<vmem>>, vector<16xf32>,
              %get3A_498 = vector.shape_cast %get3A_497 : vector<16xf32> to vector<16xf32>
              %mul3A_499 = arith.mulf %bitcast_convert_type3A_385, %get3A_498 : vector<16xf32>
              %add3A_500 = arith.addf %add3A_495, %mul3A_499 : vector<16xf32>
              %bitcast_convert_type3A_501 = tpu.bitcast %add3A_500 : vector<16xf32> -> vector<16xi32>
              %shift_right_arithmetic3A_502 = arith.constant 16 : i32
              %shift_right_arithmetic3A_503 = vector.broadcast %shift_right_arithmetic3A_502 : i32 to vector<16xi32>
              %shift_right_arithmetic3A_504 = arith.shrsi %bitcast_convert_type3A_501, %shift_right_arithmetic3A_503 : vector<16xi32>
              %and3A_505 = arith.constant 1 : i32
              %and3A_506 = vector.broadcast %and3A_505 : i32 to vector<16xi32>
              %and3A_507 = arith.andi %shift_right_arithmetic3A_504, %and3A_506 : vector<16xi32>
              %add3A_508 = arith.constant 32767 : i32
              %add3A_509 = vector.broadcast %add3A_508 : i32 to vector<16xi32>
              %add3A_510 = arith.addi %bitcast_convert_type3A_501, %add3A_509 : vector<16xi32>
              %add3A_511 = arith.addi %add3A_510, %and3A_507 : vector<16xi32>
              %and3A_512 = arith.constant -65536 : i32
              %and3A_513 = vector.broadcast %and3A_512 : i32 to vector<16xi32>
              %and3A_514 = arith.andi %add3A_511, %and3A_513 : vector<16xi32>
              %bitcast_convert_type3A_515 = tpu.bitcast %and3A_514 : vector<16xi32> -> vector<16xf32>
              %get3A_516 = arith.constant 32 : index
              %get3A_517 = tpu.vector_load %arg11[%get3A_516] {strides = array<i32>} : memref<80xf32, #tpu.memory_space<vmem>>, vector<16xf32>,
              %get3A_518 = vector.shape_cast %get3A_517 : vector<16xf32> to vector<16xf32>
              %add3A_519 = arith.addf %get3A_518, %bitcast_convert_type3A_515 : vector<16xf32>
              %swap3A_520 = arith.constant 32 : index
              %swap3A_521 = tpu.vector_load %arg11[%swap3A_520] {strides = array<i32>} : memref<80xf32, #tpu.memory_space<vmem>>, vector<16xf32>,
              %swap3A_522 = vector.shape_cast %swap3A_521 : vector<16xf32> to vector<16xf32>
              %swap3A_523 = vector.shape_cast %add3A_519 : vector<16xf32> to vector<16xf32>
              tpu.vector_store %arg11[%swap3A_520], %swap3A_523 {strides = array<i32>} : memref<80xf32, #tpu.memory_space<vmem>>, vector<16xf32>,
              %get3A_524 = arith.constant 48 : index
              %get3A_525 = tpu.vector_load %arg10[%get3A_524] {strides = array<i32>} : memref<64xf32, #tpu.memory_space<vmem>>, vector<16xf32>,
              %get3A_526 = vector.shape_cast %get3A_525 : vector<16xf32> to vector<16xf32>
              %get3A_527 = arith.constant 48 : index
              %get3A_528 = tpu.vector_load %arg9[%get3A_527] {strides = array<i32>} : memref<256xf32, #tpu.memory_space<vmem>>, vector<16xf32>,
              %get3A_529 = vector.shape_cast %get3A_528 : vector<16xf32> to vector<16xf32>
              %mul3A_530 = arith.mulf %bitcast_convert_type3A_331, %get3A_529 : vector<16xf32>
              %add3A_531 = arith.addf %get3A_526, %mul3A_530 : vector<16xf32>
              %get3A_532 = arith.constant 112 : index
              %get3A_533 = tpu.vector_load %arg9[%get3A_532] {strides = array<i32>} : memref<256xf32, #tpu.memory_space<vmem>>, vector<16xf32>,
              %get3A_534 = vector.shape_cast %get3A_533 : vector<16xf32> to vector<16xf32>
              %mul3A_535 = arith.mulf %bitcast_convert_type3A_349, %get3A_534 : vector<16xf32>
              %add3A_536 = arith.addf %add3A_531, %mul3A_535 : vector<16xf32>
              %get3A_537 = arith.constant 176 : index
              %get3A_538 = tpu.vector_load %arg9[%get3A_537] {strides = array<i32>} : memref<256xf32, #tpu.memory_space<vmem>>, vector<16xf32>,
              %get3A_539 = vector.shape_cast %get3A_538 : vector<16xf32> to vector<16xf32>
              %mul3A_540 = arith.mulf %bitcast_convert_type3A_367, %get3A_539 : vector<16xf32>
              %add3A_541 = arith.addf %add3A_536, %mul3A_540 : vector<16xf32>
              %get3A_542 = arith.constant 240 : index
              %get3A_543 = tpu.vector_load %arg9[%get3A_542] {strides = array<i32>} : memref<256xf32, #tpu.memory_space<vmem>>, vector<16xf32>,
              %get3A_544 = vector.shape_cast %get3A_543 : vector<16xf32> to vector<16xf32>
              %mul3A_545 = arith.mulf %bitcast_convert_type3A_385, %get3A_544 : vector<16xf32>
              %add3A_546 = arith.addf %add3A_541, %mul3A_545 : vector<16xf32>
              %bitcast_convert_type3A_547 = tpu.bitcast %add3A_546 : vector<16xf32> -> vector<16xi32>
              %shift_right_arithmetic3A_548 = arith.constant 16 : i32
              %shift_right_arithmetic3A_549 = vector.broadcast %shift_right_arithmetic3A_548 : i32 to vector<16xi32>
              %shift_right_arithmetic3A_550 = arith.shrsi %bitcast_convert_type3A_547, %shift_right_arithmetic3A_549 : vector<16xi32>
              %and3A_551 = arith.constant 1 : i32
              %and3A_552 = vector.broadcast %and3A_551 : i32 to vector<16xi32>
              %and3A_553 = arith.andi %shift_right_arithmetic3A_550, %and3A_552 : vector<16xi32>
              %add3A_554 = arith.constant 32767 : i32
              %add3A_555 = vector.broadcast %add3A_554 : i32 to vector<16xi32>
              %add3A_556 = arith.addi %bitcast_convert_type3A_547, %add3A_555 : vector<16xi32>
              %add3A_557 = arith.addi %add3A_556, %and3A_553 : vector<16xi32>
              %and3A_558 = arith.constant -65536 : i32
              %and3A_559 = vector.broadcast %and3A_558 : i32 to vector<16xi32>
              %and3A_560 = arith.andi %add3A_557, %and3A_559 : vector<16xi32>
              %bitcast_convert_type3A_561 = tpu.bitcast %and3A_560 : vector<16xi32> -> vector<16xf32>
              %get3A_562 = arith.constant 48 : index
              %get3A_563 = tpu.vector_load %arg11[%get3A_562] {strides = array<i32>} : memref<80xf32, #tpu.memory_space<vmem>>, vector<16xf32>,
              %get3A_564 = vector.shape_cast %get3A_563 : vector<16xf32> to vector<16xf32>
              %add3A_565 = arith.addf %get3A_564, %bitcast_convert_type3A_561 : vector<16xf32>
              %swap3A_566 = arith.constant 48 : index
              %swap3A_567 = tpu.vector_load %arg11[%swap3A_566] {strides = array<i32>} : memref<80xf32, #tpu.memory_space<vmem>>, vector<16xf32>,
              %swap3A_568 = vector.shape_cast %swap3A_567 : vector<16xf32> to vector<16xf32>
              %swap3A_569 = vector.shape_cast %add3A_565 : vector<16xf32> to vector<16xf32>
              tpu.vector_store %arg11[%swap3A_566], %swap3A_569 {strides = array<i32>} : memref<80xf32, #tpu.memory_space<vmem>>, vector<16xf32>,
            } else {
            }
          } else {
          }
          %scan3A_196 = arith.constant 0 : i32
          scf.yield %scan3A_196 : i32
        }
        %scan3A_133 = arith.constant 25 : i32
      } else {
      }
      scf.yield %scan3A_83#0 : vector<16xf32>
    }
    %scan3A_29 = arith.constant 25 : i32
    %add3A_30 = arith.constant 8 : i32
    %add3A_31 = vector.broadcast %add3A_30 : i32 to vector<16xi32>
    %add3A_32 = arith.addi %iota3A, %add3A_31 : vector<16xi32>
    %and3A = arith.constant 15 : i32
    %and3A_33 = vector.broadcast %and3A : i32 to vector<16xi32>
    %and3A_34 = arith.andi %add3A_32, %and3A_33 : vector<16xi32>
    %broadcast_in_dim3A_35 = vector.shape_cast %and3A_34 : vector<16xi32> to vector<16x1xi32>
    %gather3A = vector.shape_cast %broadcast_in_dim3A_35 : vector<16x1xi32> to vector<16xi32>
    %gather3A_36 = tpu.dynamic_gather %scan3A_28[%gather3A] in [0] : vector<16xf32>, vector<16xi32> -> vector<16xf32>
    %add3A_37 = arith.addf %scan3A_28, %gather3A_36 : vector<16xf32>
    %add3A_38 = arith.constant 4 : i32
    %add3A_39 = vector.broadcast %add3A_38 : i32 to vector<16xi32>
    %add3A_40 = arith.addi %iota3A, %add3A_39 : vector<16xi32>
    %and3A_41 = arith.constant 15 : i32
    %and3A_42 = vector.broadcast %and3A_41 : i32 to vector<16xi32>
    %and3A_43 = arith.andi %add3A_40, %and3A_42 : vector<16xi32>
    %broadcast_in_dim3A_44 = vector.shape_cast %and3A_43 : vector<16xi32> to vector<16x1xi32>
    %gather3A_45 = vector.shape_cast %broadcast_in_dim3A_44 : vector<16x1xi32> to vector<16xi32>
    %gather3A_46 = tpu.dynamic_gather %add3A_37[%gather3A_45] in [0] : vector<16xf32>, vector<16xi32> -> vector<16xf32>
    %add3A_47 = arith.addf %add3A_37, %gather3A_46 : vector<16xf32>
    %add3A_48 = arith.constant 2 : i32
    %add3A_49 = vector.broadcast %add3A_48 : i32 to vector<16xi32>
    %add3A_50 = arith.addi %iota3A, %add3A_49 : vector<16xi32>
    %and3A_51 = arith.constant 15 : i32
    %and3A_52 = vector.broadcast %and3A_51 : i32 to vector<16xi32>
    %and3A_53 = arith.andi %add3A_50, %and3A_52 : vector<16xi32>
    %broadcast_in_dim3A_54 = vector.shape_cast %and3A_53 : vector<16xi32> to vector<16x1xi32>
    %gather3A_55 = vector.shape_cast %broadcast_in_dim3A_54 : vector<16x1xi32> to vector<16xi32>
    %gather3A_56 = tpu.dynamic_gather %add3A_47[%gather3A_55] in [0] : vector<16xf32>, vector<16xi32> -> vector<16xf32>
    %add3A_57 = arith.addf %add3A_47, %gather3A_56 : vector<16xf32>
    %add3A_58 = arith.constant 1 : i32
    %add3A_59 = vector.broadcast %add3A_58 : i32 to vector<16xi32>
    %add3A_60 = arith.addi %iota3A, %add3A_59 : vector<16xi32>
    %and3A_61 = arith.constant 15 : i32
    %and3A_62 = vector.broadcast %and3A_61 : i32 to vector<16xi32>
    %and3A_63 = arith.andi %add3A_60, %and3A_62 : vector<16xi32>
    %broadcast_in_dim3A_64 = vector.shape_cast %and3A_63 : vector<16xi32> to vector<16x1xi32>
    %gather3A_65 = vector.shape_cast %broadcast_in_dim3A_64 : vector<16x1xi32> to vector<16xi32>
    %gather3A_66 = tpu.dynamic_gather %add3A_57[%gather3A_65] in [0] : vector<16xf32>, vector<16xi32> -> vector<16xf32>
    %add3A_67 = arith.addf %add3A_57, %gather3A_66 : vector<16xf32>
    %eq3A = arith.constant 0 : i32
    %eq3A_68 = vector.broadcast %eq3A : i32 to vector<16xi32>
    %eq3A_69 = arith.cmpi eq, %iota3A, %eq3A_68 : vector<16xi32>
    %jit3A = arith.constant 0.000000e+00 : f32
    %broadcast_in_dim3A_70 = vector.broadcast %jit3A : f32 to vector<16xf32>
    %select_n3A = arith.select %eq3A_69, %add3A_67, %broadcast_in_dim3A_70 : vector<16xi1>, vector<16xf32>
    %swap3A_71 = arith.constant 64 : index
    %swap3A_72 = tpu.vector_load %arg11[%swap3A_71] {strides = array<i32>} : memref<80xf32, #tpu.memory_space<vmem>>, vector<16xf32>,
    %swap3A_73 = vector.shape_cast %swap3A_72 : vector<16xf32> to vector<16xf32>
    %swap3A_74 = vector.shape_cast %select_n3A : vector<16xf32> to vector<16xf32>
    tpu.vector_store %arg11[%swap3A_71], %swap3A_74 {strides = array<i32>} : memref<80xf32, #tpu.memory_space<vmem>>, vector<16xf32>,
    "tpu.region"() ({
      %run_scoped3A = tpu.sem_alloc : memref<!tpu.dma_semaphore, #tpu.memory_space<semaphore_mem>>
      %dma_start3A = arith.constant 0 : i32
      %dma_start3A_75 = tpu.memref_slice %arg6[%add3A, %dma_start3A] : memref<32x80xf32, #tpu.memory_space<hbm>> -> memref<1x80xf32, #tpu.memory_space<hbm>>
      %dma_start3A_76 = tpu.memref_squeeze %dma_start3A_75 : memref<1x80xf32, #tpu.memory_space<hbm>> -> memref<80xf32, #tpu.memory_space<hbm>>
      %dma_start3A_77 = arith.constant 0 : i32
      %dma_start3A_78 = tpu.memref_slice %arg6[%add3A, %dma_start3A_77] : memref<32x80xf32, #tpu.memory_space<hbm>> -> memref<1x80xf32, #tpu.memory_space<hbm>>
      %dma_start3A_79 = tpu.memref_squeeze %dma_start3A_78 : memref<1x80xf32, #tpu.memory_space<hbm>> -> memref<80xf32, #tpu.memory_space<hbm>>
      tpu.enqueue_dma source(%arg11 : memref<80xf32, #tpu.memory_space<vmem>>) target(%dma_start3A_79 : memref<80xf32, #tpu.memory_space<hbm>>) target_semaphore(%run_scoped3A : memref<!tpu.dma_semaphore, #tpu.memory_space<semaphore_mem>>)
      %dma_wait3A = arith.constant 0 : i32
      %dma_wait3A_80 = tpu.memref_slice %arg6[%add3A, %dma_wait3A] : memref<32x80xf32, #tpu.memory_space<hbm>> -> memref<1x80xf32, #tpu.memory_space<hbm>>
      %dma_wait3A_81 = tpu.memref_squeeze %dma_wait3A_80 : memref<1x80xf32, #tpu.memory_space<hbm>> -> memref<80xf32, #tpu.memory_space<hbm>>
      %dma_wait3A_82 = arith.constant 0 : i32
      %dma_wait3A_83 = tpu.memref_slice %arg6[%add3A, %dma_wait3A_82] : memref<32x80xf32, #tpu.memory_space<hbm>> -> memref<1x80xf32, #tpu.memory_space<hbm>>
      %dma_wait3A_84 = tpu.memref_squeeze %dma_wait3A_83 : memref<1x80xf32, #tpu.memory_space<hbm>> -> memref<80xf32, #tpu.memory_space<hbm>>
      tpu.wait_dma2 semaphore(%run_scoped3A : memref<!tpu.dma_semaphore, #tpu.memory_space<semaphore_mem>>) src(%arg11 : memref<80xf32, #tpu.memory_space<vmem>>) dst(%dma_wait3A_84 : memref<80xf32, #tpu.memory_space<hbm>>)
      tpu.yield
    }) : () -> ()
    return
  }
}

module attributes {stable_mosaic.version = 14 : i64} {
  func.func @gcbf_head_tc(%arg0: memref<32x80xf32, #tpu.memory_space<vmem>>, %arg1: memref<1x128xf32, #tpu.memory_space<vmem>>, %arg2: memref<128x64xf32, #tpu.memory_space<vmem>>, %arg3: memref<1x64xf32, #tpu.memory_space<vmem>>, %arg4: memref<3x64x64xf32, #tpu.memory_space<vmem>>, %arg5: memref<3x1x64xf32, #tpu.memory_space<vmem>>, %arg6: memref<3x128x64xf32, #tpu.memory_space<vmem>>, %arg7: memref<3x1x64xf32, #tpu.memory_space<vmem>>, %arg8: memref<64x64xf32, #tpu.memory_space<vmem>>, %arg9: memref<1x64xf32, #tpu.memory_space<vmem>>, %arg10: memref<64x32xf32, #tpu.memory_space<vmem>>, %arg11: memref<1x32xf32, #tpu.memory_space<vmem>>, %arg12: memref<1x32xf32, #tpu.memory_space<vmem>>, %arg13: memref<1x1xf32, #tpu.memory_space<vmem>>, %arg14: memref<1x128xf32, #tpu.memory_space<vmem>>) attributes {dimension_semantics = [], scalar_prefetch = 0 : i64, scratch_operands = 0 : i64, tpu.core_type = #tpu.core_type<tc>} {
    %get3A = arith.constant 0 : index
    %get3A_0 = arith.constant 0 : index
    %get3A_1 = vector.load %arg0[%get3A, %get3A_0] : memref<32x80xf32, #tpu.memory_space<vmem>>, vector<32x80xf32>
    %reduce_sum3A = arith.constant dense<0.000000e+00> : vector<80xf32>
    %reduce_sum3A_2 = vector.multi_reduction <add>, %get3A_1, %reduce_sum3A [0] : vector<32x80xf32> to vector<80xf32>
    %broadcast_in_dim3A = vector.shape_cast %reduce_sum3A_2 : vector<80xf32> to vector<1x80xf32>
    %slice3A = vector.extract_strided_slice %broadcast_in_dim3A {offsets = [0, 0], sizes = [1, 64], strides = [1, 1]} : vector<1x80xf32> to vector<1x64xf32>
    %slice3A_3 = vector.extract_strided_slice %broadcast_in_dim3A {offsets = [0, 64], sizes = [1, 1], strides = [1, 1]} : vector<1x80xf32> to vector<1x1xf32>
    %bitcast_convert_type3A = tpu.bitcast %slice3A : vector<1x64xf32> -> vector<1x64xi32>
    %shift_right_arithmetic3A = arith.constant 16 : i32
    %shift_right_arithmetic3A_4 = vector.broadcast %shift_right_arithmetic3A : i32 to vector<1x64xi32>
    %shift_right_arithmetic3A_5 = arith.shrsi %bitcast_convert_type3A, %shift_right_arithmetic3A_4 : vector<1x64xi32>
    %and3A = arith.constant 1 : i32
    %and3A_6 = vector.broadcast %and3A : i32 to vector<1x64xi32>
    %and3A_7 = arith.andi %shift_right_arithmetic3A_5, %and3A_6 : vector<1x64xi32>
    %add3A = arith.constant 32767 : i32
    %add3A_8 = vector.broadcast %add3A : i32 to vector<1x64xi32>
    %add3A_9 = arith.addi %bitcast_convert_type3A, %add3A_8 : vector<1x64xi32>
    %add3A_10 = arith.addi %add3A_9, %and3A_7 : vector<1x64xi32>
    %and3A_11 = arith.constant -65536 : i32
    %and3A_12 = vector.broadcast %and3A_11 : i32 to vector<1x64xi32>
    %and3A_13 = arith.andi %add3A_10, %and3A_12 : vector<1x64xi32>
    %bitcast_convert_type3A_14 = tpu.bitcast %and3A_13 : vector<1x64xi32> -> vector<1x64xf32>
    %sub3A = arith.subf %slice3A, %bitcast_convert_type3A_14 : vector<1x64xf32>
    %bitcast_convert_type3A_15 = tpu.bitcast %sub3A : vector<1x64xf32> -> vector<1x64xi32>
    %shift_right_arithmetic3A_16 = arith.constant 16 : i32
    %shift_right_arithmetic3A_17 = vector.broadcast %shift_right_arithmetic3A_16 : i32 to vector<1x64xi32>
    %shift_right_arithmetic3A_18 = arith.shrsi %bitcast_convert_type3A_15, %shift_right_arithmetic3A_17 : vector<1x64xi32>
    %and3A_19 = arith.constant 1 : i32
    %and3A_20 = vector.broadcast %and3A_19 : i32 to vector<1x64xi32>
    %and3A_21 = arith.andi %shift_right_arithmetic3A_18, %and3A_20 : vector<1x64xi32>
    %add3A_22 = arith.constant 32767 : i32
    %add3A_23 = vector.broadcast %add3A_22 : i32 to vector<1x64xi32>
    %add3A_24 = arith.addi %bitcast_convert_type3A_15, %add3A_23 : vector<1x64xi32>
    %add3A_25 = arith.addi %add3A_24, %and3A_21 : vector<1x64xi32>
    %and3A_26 = arith.constant -65536 : i32
    %and3A_27 = vector.broadcast %and3A_26 : i32 to vector<1x64xi32>
    %and3A_28 = arith.andi %add3A_25, %and3A_27 : vector<1x64xi32>
    %bitcast_convert_type3A_29 = tpu.bitcast %and3A_28 : vector<1x64xi32> -> vector<1x64xf32>
    %sub3A_30 = arith.subf %slice3A, %bitcast_convert_type3A_14 : vector<1x64xf32>
    %sub3A_31 = arith.subf %sub3A_30, %bitcast_convert_type3A_29 : vector<1x64xf32>
    %bitcast_convert_type3A_32 = tpu.bitcast %sub3A_31 : vector<1x64xf32> -> vector<1x64xi32>
    %shift_right_arithmetic3A_33 = arith.constant 16 : i32
    %shift_right_arithmetic3A_34 = vector.broadcast %shift_right_arithmetic3A_33 : i32 to vector<1x64xi32>
    %shift_right_arithmetic3A_35 = arith.shrsi %bitcast_convert_type3A_32, %shift_right_arithmetic3A_34 : vector<1x64xi32>
    %and3A_36 = arith.constant 1 : i32
    %and3A_37 = vector.broadcast %and3A_36 : i32 to vector<1x64xi32>
    %and3A_38 = arith.andi %shift_right_arithmetic3A_35, %and3A_37 : vector<1x64xi32>
    %add3A_39 = arith.constant 32767 : i32
    %add3A_40 = vector.broadcast %add3A_39 : i32 to vector<1x64xi32>
    %add3A_41 = arith.addi %bitcast_convert_type3A_32, %add3A_40 : vector<1x64xi32>
    %add3A_42 = arith.addi %add3A_41, %and3A_38 : vector<1x64xi32>
    %and3A_43 = arith.constant -65536 : i32
    %and3A_44 = vector.broadcast %and3A_43 : i32 to vector<1x64xi32>
    %and3A_45 = arith.andi %add3A_42, %and3A_44 : vector<1x64xi32>
    %bitcast_convert_type3A_46 = tpu.bitcast %and3A_45 : vector<1x64xi32> -> vector<1x64xf32>
    %get3A_47 = arith.constant 0 : index
    %get3A_48 = arith.constant 0 : index
    %get3A_49 = vector.load %arg1[%get3A_47, %get3A_48] : memref<1x128xf32, #tpu.memory_space<vmem>>, vector<1x128xf32>
    %get3A_50 = arith.constant 0 : index
    %get3A_51 = arith.constant 0 : index
    %get3A_52 = vector.load %arg2[%get3A_50, %get3A_51] : memref<128x64xf32, #tpu.memory_space<vmem>>, vector<128x64xf32>
    %convert_element_type3A = arith.truncf %get3A_49 : vector<1x128xf32> to vector<1x128xbf16>
    %convert_element_type3A_53 = arith.truncf %get3A_52 : vector<128x64xf32> to vector<128x64xbf16>
    %dot_general3A = arith.constant dense<0.000000e+00> : vector<1x64xf32>
    %dot_general3A_54 = tpu.matmul %convert_element_type3A, %convert_element_type3A_53, %dot_general3A {dimension_numbers = #tpu.dot_dimension_numbers<[1], [0], [0], [1], [0, 0, 1, 1], [], []>, transpose_lhs_hint = false} : vector<1x128xbf16>, vector<128x64xbf16>, vector<1x64xf32> -> vector<1x64xf32>
    %get3A_55 = arith.constant 0 : index
    %get3A_56 = arith.constant 0 : index
    %get3A_57 = vector.load %arg3[%get3A_55, %get3A_56] : memref<1x64xf32, #tpu.memory_space<vmem>>, vector<1x64xf32>
    %add3A_58 = arith.addf %dot_general3A_54, %get3A_57 : vector<1x64xf32>
    %get3A_59 = arith.constant 0 : index
    %get3A_60 = arith.constant 0 : index
    %get3A_61 = arith.constant 0 : index
    %get3A_62 = vector.load %arg4[%get3A_59, %get3A_60, %get3A_61] : memref<3x64x64xf32, #tpu.memory_space<vmem>>, vector<1x64x64xf32>
    %get3A_63 = vector.shape_cast %get3A_62 : vector<1x64x64xf32> to vector<64x64xf32>
    %convert_element_type3A_64 = arith.truncf %bitcast_convert_type3A_14 : vector<1x64xf32> to vector<1x64xbf16>
    %convert_element_type3A_65 = arith.truncf %get3A_63 : vector<64x64xf32> to vector<64x64xbf16>
    %dot_general3A_66 = arith.constant dense<0.000000e+00> : vector<1x64xf32>
    %dot_general3A_67 = tpu.matmul %convert_element_type3A_64, %convert_element_type3A_65, %dot_general3A_66 {dimension_numbers = #tpu.dot_dimension_numbers<[1], [0], [0], [1], [0, 0, 1, 1], [], []>, transpose_lhs_hint = false} : vector<1x64xbf16>, vector<64x64xbf16>, vector<1x64xf32> -> vector<1x64xf32>
    %convert_element_type3A_68 = arith.truncf %bitcast_convert_type3A_29 : vector<1x64xf32> to vector<1x64xbf16>
    %convert_element_type3A_69 = arith.truncf %get3A_63 : vector<64x64xf32> to vector<64x64xbf16>
    %dot_general3A_70 = arith.constant dense<0.000000e+00> : vector<1x64xf32>
    %dot_general3A_71 = tpu.matmul %convert_element_type3A_68, %convert_element_type3A_69, %dot_general3A_70 {dimension_numbers = #tpu.dot_dimension_numbers<[1], [0], [0], [1], [0, 0, 1, 1], [], []>, transpose_lhs_hint = false} : vector<1x64xbf16>, vector<64x64xbf16>, vector<1x64xf32> -> vector<1x64xf32>
    %add3A_72 = arith.addf %dot_general3A_67, %dot_general3A_71 : vector<1x64xf32>
    %convert_element_type3A_73 = arith.truncf %bitcast_convert_type3A_46 : vector<1x64xf32> to vector<1x64xbf16>
    %convert_element_type3A_74 = arith.truncf %get3A_63 : vector<64x64xf32> to vector<64x64xbf16>
    %dot_general3A_75 = arith.constant dense<0.000000e+00> : vector<1x64xf32>
    %dot_general3A_76 = tpu.matmul %convert_element_type3A_73, %convert_element_type3A_74, %dot_general3A_75 {dimension_numbers = #tpu.dot_dimension_numbers<[1], [0], [0], [1], [0, 0, 1, 1], [], []>, transpose_lhs_hint = false} : vector<1x64xbf16>, vector<64x64xbf16>, vector<1x64xf32> -> vector<1x64xf32>
    %add3A_77 = arith.addf %add3A_72, %dot_general3A_76 : vector<1x64xf32>
    %get3A_78 = arith.constant 0 : index
    %get3A_79 = arith.constant 0 : index
    %get3A_80 = arith.constant 0 : index
    %get3A_81 = vector.load %arg5[%get3A_78, %get3A_79, %get3A_80] : memref<3x1x64xf32, #tpu.memory_space<vmem>>, vector<1x1x64xf32>
    %get3A_82 = vector.shape_cast %get3A_81 : vector<1x1x64xf32> to vector<1x64xf32>
    %mul3A = vector.broadcast %slice3A_3 : vector<1x1xf32> to vector<1x64xf32>
    %mul3A_83 = arith.mulf %mul3A, %get3A_82 : vector<1x64xf32>
    %add3A_84 = arith.addf %add3A_77, %mul3A_83 : vector<1x64xf32>
    %bitcast_convert_type3A_85 = tpu.bitcast %add3A_58 : vector<1x64xf32> -> vector<1x64xi32>
    %shift_right_arithmetic3A_86 = arith.constant 16 : i32
    %shift_right_arithmetic3A_87 = vector.broadcast %shift_right_arithmetic3A_86 : i32 to vector<1x64xi32>
    %shift_right_arithmetic3A_88 = arith.shrsi %bitcast_convert_type3A_85, %shift_right_arithmetic3A_87 : vector<1x64xi32>
    %and3A_89 = arith.constant 1 : i32
    %and3A_90 = vector.broadcast %and3A_89 : i32 to vector<1x64xi32>
    %and3A_91 = arith.andi %shift_right_arithmetic3A_88, %and3A_90 : vector<1x64xi32>
    %add3A_92 = arith.constant 32767 : i32
    %add3A_93 = vector.broadcast %add3A_92 : i32 to vector<1x64xi32>
    %add3A_94 = arith.addi %bitcast_convert_type3A_85, %add3A_93 : vector<1x64xi32>
    %add3A_95 = arith.addi %add3A_94, %and3A_91 : vector<1x64xi32>
    %and3A_96 = arith.constant -65536 : i32
    %and3A_97 = vector.broadcast %and3A_96 : i32 to vector<1x64xi32>
    %and3A_98 = arith.andi %add3A_95, %and3A_97 : vector<1x64xi32>
    %bitcast_convert_type3A_99 = tpu.bitcast %and3A_98 : vector<1x64xi32> -> vector<1x64xf32>
    %bitcast_convert_type3A_100 = tpu.bitcast %add3A_84 : vector<1x64xf32> -> vector<1x64xi32>
    %shift_right_arithmetic3A_101 = arith.constant 16 : i32
    %shift_right_arithmetic3A_102 = vector.broadcast %shift_right_arithmetic3A_101 : i32 to vector<1x64xi32>
    %shift_right_arithmetic3A_103 = arith.shrsi %bitcast_convert_type3A_100, %shift_right_arithmetic3A_102 : vector<1x64xi32>
    %and3A_104 = arith.constant 1 : i32
    %and3A_105 = vector.broadcast %and3A_104 : i32 to vector<1x64xi32>
    %and3A_106 = arith.andi %shift_right_arithmetic3A_103, %and3A_105 : vector<1x64xi32>
    %add3A_107 = arith.constant 32767 : i32
    %add3A_108 = vector.broadcast %add3A_107 : i32 to vector<1x64xi32>
    %add3A_109 = arith.addi %bitcast_convert_type3A_100, %add3A_108 : vector<1x64xi32>
    %add3A_110 = arith.addi %add3A_109, %and3A_106 : vector<1x64xi32>
    %and3A_111 = arith.constant -65536 : i32
    %and3A_112 = vector.broadcast %and3A_111 : i32 to vector<1x64xi32>
    %and3A_113 = arith.andi %add3A_110, %and3A_112 : vector<1x64xi32>
    %bitcast_convert_type3A_114 = tpu.bitcast %and3A_113 : vector<1x64xi32> -> vector<1x64xf32>
    %concatenate3A = tpu.concatenate %bitcast_convert_type3A_99, %bitcast_convert_type3A_114 in 1 : vector<1x64xf32>, vector<1x64xf32> -> vector<1x128xf32>
    %get3A_115 = arith.constant 0 : index
    %get3A_116 = arith.constant 0 : index
    %get3A_117 = arith.constant 0 : index
    %get3A_118 = vector.load %arg6[%get3A_115, %get3A_116, %get3A_117] : memref<3x128x64xf32, #tpu.memory_space<vmem>>, vector<1x128x64xf32>
    %get3A_119 = vector.shape_cast %get3A_118 : vector<1x128x64xf32> to vector<128x64xf32>
    %convert_element_type3A_120 = arith.truncf %concatenate3A : vector<1x128xf32> to vector<1x128xbf16>
    %convert_element_type3A_121 = arith.truncf %get3A_119 : vector<128x64xf32> to vector<128x64xbf16>
    %dot_general3A_122 = arith.constant dense<0.000000e+00> : vector<1x64xf32>
    %dot_general3A_123 = tpu.matmul %convert_element_type3A_120, %convert_element_type3A_121, %dot_general3A_122 {dimension_numbers = #tpu.dot_dimension_numbers<[1], [0], [0], [1], [0, 0, 1, 1], [], []>, transpose_lhs_hint = false} : vector<1x128xbf16>, vector<128x64xbf16>, vector<1x64xf32> -> vector<1x64xf32>
    %get3A_124 = arith.constant 0 : index
    %get3A_125 = arith.constant 0 : index
    %get3A_126 = arith.constant 0 : index
    %get3A_127 = vector.load %arg7[%get3A_124, %get3A_125, %get3A_126] : memref<3x1x64xf32, #tpu.memory_space<vmem>>, vector<1x1x64xf32>
    %get3A_128 = vector.shape_cast %get3A_127 : vector<1x1x64xf32> to vector<1x64xf32>
    %add3A_129 = arith.addf %dot_general3A_123, %get3A_128 : vector<1x64xf32>
    %ge3A = arith.constant 0.000000e+00 : f32
    %ge3A_130 = vector.broadcast %ge3A : f32 to vector<1x64xf32>
    %ge3A_131 = arith.cmpf oge, %add3A_129, %ge3A_130 : vector<1x64xf32>
    %mul3A_132 = arith.constant 0.00999999977 : f32
    %mul3A_133 = vector.broadcast %mul3A_132 : f32 to vector<1x64xf32>
    %mul3A_134 = arith.mulf %mul3A_133, %add3A_129 : vector<1x64xf32>
    %select_n3A = arith.select %ge3A_131, %add3A_129, %mul3A_134 : vector<1x64xi1>, vector<1x64xf32>
    %get3A_135 = arith.constant 1 : index
    %get3A_136 = arith.constant 0 : index
    %get3A_137 = arith.constant 0 : index
    %get3A_138 = vector.load %arg4[%get3A_135, %get3A_136, %get3A_137] : memref<3x64x64xf32, #tpu.memory_space<vmem>>, vector<1x64x64xf32>
    %get3A_139 = vector.shape_cast %get3A_138 : vector<1x64x64xf32> to vector<64x64xf32>
    %convert_element_type3A_140 = arith.truncf %bitcast_convert_type3A_14 : vector<1x64xf32> to vector<1x64xbf16>
    %convert_element_type3A_141 = arith.truncf %get3A_139 : vector<64x64xf32> to vector<64x64xbf16>
    %dot_general3A_142 = arith.constant dense<0.000000e+00> : vector<1x64xf32>
    %dot_general3A_143 = tpu.matmul %convert_element_type3A_140, %convert_element_type3A_141, %dot_general3A_142 {dimension_numbers = #tpu.dot_dimension_numbers<[1], [0], [0], [1], [0, 0, 1, 1], [], []>, transpose_lhs_hint = false} : vector<1x64xbf16>, vector<64x64xbf16>, vector<1x64xf32> -> vector<1x64xf32>
    %convert_element_type3A_144 = arith.truncf %bitcast_convert_type3A_29 : vector<1x64xf32> to vector<1x64xbf16>
    %convert_element_type3A_145 = arith.truncf %get3A_139 : vector<64x64xf32> to vector<64x64xbf16>
    %dot_general3A_146 = arith.constant dense<0.000000e+00> : vector<1x64xf32>
    %dot_general3A_147 = tpu.matmul %convert_element_type3A_144, %convert_element_type3A_145, %dot_general3A_146 {dimension_numbers = #tpu.dot_dimension_numbers<[1], [0], [0], [1], [0, 0, 1, 1], [], []>, transpose_lhs_hint = false} : vector<1x64xbf16>, vector<64x64xbf16>, vector<1x64xf32> -> vector<1x64xf32>
    %add3A_148 = arith.addf %dot_general3A_143, %dot_general3A_147 : vector<1x64xf32>
    %convert_element_type3A_149 = arith.truncf %bitcast_convert_type3A_46 : vector<1x64xf32> to vector<1x64xbf16>
    %convert_element_type3A_150 = arith.truncf %get3A_139 : vector<64x64xf32> to vector<64x64xbf16>
    %dot_general3A_151 = arith.constant dense<0.000000e+00> : vector<1x64xf32>
    %dot_general3A_152 = tpu.matmul %convert_element_type3A_149, %convert_element_type3A_150, %dot_general3A_151 {dimension_numbers = #tpu.dot_dimension_numbers<[1], [0], [0], [1], [0, 0, 1, 1], [], []>, transpose_lhs_hint = false} : vector<1x64xbf16>, vector<64x64xbf16>, vector<1x64xf32> -> vector<1x64xf32>
    %add3A_153 = arith.addf %add3A_148, %dot_general3A_152 : vector<1x64xf32>
    %get3A_154 = arith.constant 1 : index
    %get3A_155 = arith.constant 0 : index
    %get3A_156 = arith.constant 0 : index
    %get3A_157 = vector.load %arg5[%get3A_154, %get3A_155, %get3A_156] : memref<3x1x64xf32, #tpu.memory_space<vmem>>, vector<1x1x64xf32>
    %get3A_158 = vector.shape_cast %get3A_157 : vector<1x1x64xf32> to vector<1x64xf32>
    %mul3A_159 = vector.broadcast %slice3A_3 : vector<1x1xf32> to vector<1x64xf32>
    %mul3A_160 = arith.mulf %mul3A_159, %get3A_158 : vector<1x64xf32>
    %add3A_161 = arith.addf %add3A_153, %mul3A_160 : vector<1x64xf32>
    %bitcast_convert_type3A_162 = tpu.bitcast %select_n3A : vector<1x64xf32> -> vector<1x64xi32>
    %shift_right_arithmetic3A_163 = arith.constant 16 : i32
    %shift_right_arithmetic3A_164 = vector.broadcast %shift_right_arithmetic3A_163 : i32 to vector<1x64xi32>
    %shift_right_arithmetic3A_165 = arith.shrsi %bitcast_convert_type3A_162, %shift_right_arithmetic3A_164 : vector<1x64xi32>
    %and3A_166 = arith.constant 1 : i32
    %and3A_167 = vector.broadcast %and3A_166 : i32 to vector<1x64xi32>
    %and3A_168 = arith.andi %shift_right_arithmetic3A_165, %and3A_167 : vector<1x64xi32>
    %add3A_169 = arith.constant 32767 : i32
    %add3A_170 = vector.broadcast %add3A_169 : i32 to vector<1x64xi32>
    %add3A_171 = arith.addi %bitcast_convert_type3A_162, %add3A_170 : vector<1x64xi32>
    %add3A_172 = arith.addi %add3A_171, %and3A_168 : vector<1x64xi32>
    %and3A_173 = arith.constant -65536 : i32
    %and3A_174 = vector.broadcast %and3A_173 : i32 to vector<1x64xi32>
    %and3A_175 = arith.andi %add3A_172, %and3A_174 : vector<1x64xi32>
    %bitcast_convert_type3A_176 = tpu.bitcast %and3A_175 : vector<1x64xi32> -> vector<1x64xf32>
    %bitcast_convert_type3A_177 = tpu.bitcast %add3A_161 : vector<1x64xf32> -> vector<1x64xi32>
    %shift_right_arithmetic3A_178 = arith.constant 16 : i32
    %shift_right_arithmetic3A_179 = vector.broadcast %shift_right_arithmetic3A_178 : i32 to vector<1x64xi32>
    %shift_right_arithmetic3A_180 = arith.shrsi %bitcast_convert_type3A_177, %shift_right_arithmetic3A_179 : vector<1x64xi32>
    %and3A_181 = arith.constant 1 : i32
    %and3A_182 = vector.broadcast %and3A_181 : i32 to vector<1x64xi32>
    %and3A_183 = arith.andi %shift_right_arithmetic3A_180, %and3A_182 : vector<1x64xi32>
    %add3A_184 = arith.constant 32767 : i32
    %add3A_185 = vector.broadcast %add3A_184 : i32 to vector<1x64xi32>
    %add3A_186 = arith.addi %bitcast_convert_type3A_177, %add3A_185 : vector<1x64xi32>
    %add3A_187 = arith.addi %add3A_186, %and3A_183 : vector<1x64xi32>
    %and3A_188 = arith.constant -65536 : i32
    %and3A_189 = vector.broadcast %and3A_188 : i32 to vector<1x64xi32>
    %and3A_190 = arith.andi %add3A_187, %and3A_189 : vector<1x64xi32>
    %bitcast_convert_type3A_191 = tpu.bitcast %and3A_190 : vector<1x64xi32> -> vector<1x64xf32>
    %concatenate3A_192 = tpu.concatenate %bitcast_convert_type3A_176, %bitcast_convert_type3A_191 in 1 : vector<1x64xf32>, vector<1x64xf32> -> vector<1x128xf32>
    %get3A_193 = arith.constant 1 : index
    %get3A_194 = arith.constant 0 : index
    %get3A_195 = arith.constant 0 : index
    %get3A_196 = vector.load %arg6[%get3A_193, %get3A_194, %get3A_195] : memref<3x128x64xf32, #tpu.memory_space<vmem>>, vector<1x128x64xf32>
    %get3A_197 = vector.shape_cast %get3A_196 : vector<1x128x64xf32> to vector<128x64xf32>
    %convert_element_type3A_198 = arith.truncf %concatenate3A_192 : vector<1x128xf32> to vector<1x128xbf16>
    %convert_element_type3A_199 = arith.truncf %get3A_197 : vector<128x64xf32> to vector<128x64xbf16>
    %dot_general3A_200 = arith.constant dense<0.000000e+00> : vector<1x64xf32>
    %dot_general3A_201 = tpu.matmul %convert_element_type3A_198, %convert_element_type3A_199, %dot_general3A_200 {dimension_numbers = #tpu.dot_dimension_numbers<[1], [0], [0], [1], [0, 0, 1, 1], [], []>, transpose_lhs_hint = false} : vector<1x128xbf16>, vector<128x64xbf16>, vector<1x64xf32> -> vector<1x64xf32>
    %get3A_202 = arith.constant 1 : index
    %get3A_203 = arith.constant 0 : index
    %get3A_204 = arith.constant 0 : index
    %get3A_205 = vector.load %arg7[%get3A_202, %get3A_203, %get3A_204] : memref<3x1x64xf32, #tpu.memory_space<vmem>>, vector<1x1x64xf32>
    %get3A_206 = vector.shape_cast %get3A_205 : vector<1x1x64xf32> to vector<1x64xf32>
    %add3A_207 = arith.addf %dot_general3A_201, %get3A_206 : vector<1x64xf32>
    %ge3A_208 = arith.constant 0.000000e+00 : f32
    %ge3A_209 = vector.broadcast %ge3A_208 : f32 to vector<1x64xf32>
    %ge3A_210 = arith.cmpf oge, %add3A_207, %ge3A_209 : vector<1x64xf32>
    %mul3A_211 = arith.constant 0.00999999977 : f32
    %mul3A_212 = vector.broadcast %mul3A_211 : f32 to vector<1x64xf32>
    %mul3A_213 = arith.mulf %mul3A_212, %add3A_207 : vector<1x64xf32>
    %select_n3A_214 = arith.select %ge3A_210, %add3A_207, %mul3A_213 : vector<1x64xi1>, vector<1x64xf32>
    %get3A_215 = arith.constant 2 : index
    %get3A_216 = arith.constant 0 : index
    %get3A_217 = arith.constant 0 : index
    %get3A_218 = vector.load %arg4[%get3A_215, %get3A_216, %get3A_217] : memref<3x64x64xf32, #tpu.memory_space<vmem>>, vector<1x64x64xf32>
    %get3A_219 = vector.shape_cast %get3A_218 : vector<1x64x64xf32> to vector<64x64xf32>
    %convert_element_type3A_220 = arith.truncf %bitcast_convert_type3A_14 : vector<1x64xf32> to vector<1x64xbf16>
    %convert_element_type3A_221 = arith.truncf %get3A_219 : vector<64x64xf32> to vector<64x64xbf16>
    %dot_general3A_222 = arith.constant dense<0.000000e+00> : vector<1x64xf32>
    %dot_general3A_223 = tpu.matmul %convert_element_type3A_220, %convert_element_type3A_221, %dot_general3A_222 {dimension_numbers = #tpu.dot_dimension_numbers<[1], [0], [0], [1], [0, 0, 1, 1], [], []>, transpose_lhs_hint = false} : vector<1x64xbf16>, vector<64x64xbf16>, vector<1x64xf32> -> vector<1x64xf32>
    %convert_element_type3A_224 = arith.truncf %bitcast_convert_type3A_29 : vector<1x64xf32> to vector<1x64xbf16>
    %convert_element_type3A_225 = arith.truncf %get3A_219 : vector<64x64xf32> to vector<64x64xbf16>
    %dot_general3A_226 = arith.constant dense<0.000000e+00> : vector<1x64xf32>
    %dot_general3A_227 = tpu.matmul %convert_element_type3A_224, %convert_element_type3A_225, %dot_general3A_226 {dimension_numbers = #tpu.dot_dimension_numbers<[1], [0], [0], [1], [0, 0, 1, 1], [], []>, transpose_lhs_hint = false} : vector<1x64xbf16>, vector<64x64xbf16>, vector<1x64xf32> -> vector<1x64xf32>
    %add3A_228 = arith.addf %dot_general3A_223, %dot_general3A_227 : vector<1x64xf32>
    %convert_element_type3A_229 = arith.truncf %bitcast_convert_type3A_46 : vector<1x64xf32> to vector<1x64xbf16>
    %convert_element_type3A_230 = arith.truncf %get3A_219 : vector<64x64xf32> to vector<64x64xbf16>
    %dot_general3A_231 = arith.constant dense<0.000000e+00> : vector<1x64xf32>
    %dot_general3A_232 = tpu.matmul %convert_element_type3A_229, %convert_element_type3A_230, %dot_general3A_231 {dimension_numbers = #tpu.dot_dimension_numbers<[1], [0], [0], [1], [0, 0, 1, 1], [], []>, transpose_lhs_hint = false} : vector<1x64xbf16>, vector<64x64xbf16>, vector<1x64xf32> -> vector<1x64xf32>
    %add3A_233 = arith.addf %add3A_228, %dot_general3A_232 : vector<1x64xf32>
    %get3A_234 = arith.constant 2 : index
    %get3A_235 = arith.constant 0 : index
    %get3A_236 = arith.constant 0 : index
    %get3A_237 = vector.load %arg5[%get3A_234, %get3A_235, %get3A_236] : memref<3x1x64xf32, #tpu.memory_space<vmem>>, vector<1x1x64xf32>
    %get3A_238 = vector.shape_cast %get3A_237 : vector<1x1x64xf32> to vector<1x64xf32>
    %mul3A_239 = vector.broadcast %slice3A_3 : vector<1x1xf32> to vector<1x64xf32>
    %mul3A_240 = arith.mulf %mul3A_239, %get3A_238 : vector<1x64xf32>
    %add3A_241 = arith.addf %add3A_233, %mul3A_240 : vector<1x64xf32>
    %bitcast_convert_type3A_242 = tpu.bitcast %select_n3A_214 : vector<1x64xf32> -> vector<1x64xi32>
    %shift_right_arithmetic3A_243 = arith.constant 16 : i32
    %shift_right_arithmetic3A_244 = vector.broadcast %shift_right_arithmetic3A_243 : i32 to vector<1x64xi32>
    %shift_right_arithmetic3A_245 = arith.shrsi %bitcast_convert_type3A_242, %shift_right_arithmetic3A_244 : vector<1x64xi32>
    %and3A_246 = arith.constant 1 : i32
    %and3A_247 = vector.broadcast %and3A_246 : i32 to vector<1x64xi32>
    %and3A_248 = arith.andi %shift_right_arithmetic3A_245, %and3A_247 : vector<1x64xi32>
    %add3A_249 = arith.constant 32767 : i32
    %add3A_250 = vector.broadcast %add3A_249 : i32 to vector<1x64xi32>
    %add3A_251 = arith.addi %bitcast_convert_type3A_242, %add3A_250 : vector<1x64xi32>
    %add3A_252 = arith.addi %add3A_251, %and3A_248 : vector<1x64xi32>
    %and3A_253 = arith.constant -65536 : i32
    %and3A_254 = vector.broadcast %and3A_253 : i32 to vector<1x64xi32>
    %and3A_255 = arith.andi %add3A_252, %and3A_254 : vector<1x64xi32>
    %bitcast_convert_type3A_256 = tpu.bitcast %and3A_255 : vector<1x64xi32> -> vector<1x64xf32>
    %bitcast_convert_type3A_257 = tpu.bitcast %add3A_241 : vector<1x64xf32> -> vector<1x64xi32>
    %shift_right_arithmetic3A_258 = arith.constant 16 : i32
    %shift_right_arithmetic3A_259 = vector.broadcast %shift_right_arithmetic3A_258 : i32 to vector<1x64xi32>
    %shift_right_arithmetic3A_260 = arith.shrsi %bitcast_convert_type3A_257, %shift_right_arithmetic3A_259 : vector<1x64xi32>
    %and3A_261 = arith.constant 1 : i32
    %and3A_262 = vector.broadcast %and3A_261 : i32 to vector<1x64xi32>
    %and3A_263 = arith.andi %shift_right_arithmetic3A_260, %and3A_262 : vector<1x64xi32>
    %add3A_264 = arith.constant 32767 : i32
    %add3A_265 = vector.broadcast %add3A_264 : i32 to vector<1x64xi32>
    %add3A_266 = arith.addi %bitcast_convert_type3A_257, %add3A_265 : vector<1x64xi32>
    %add3A_267 = arith.addi %add3A_266, %and3A_263 : vector<1x64xi32>
    %and3A_268 = arith.constant -65536 : i32
    %and3A_269 = vector.broadcast %and3A_268 : i32 to vector<1x64xi32>
    %and3A_270 = arith.andi %add3A_267, %and3A_269 : vector<1x64xi32>
    %bitcast_convert_type3A_271 = tpu.bitcast %and3A_270 : vector<1x64xi32> -> vector<1x64xf32>
    %concatenate3A_272 = tpu.concatenate %bitcast_convert_type3A_256, %bitcast_convert_type3A_271 in 1 : vector<1x64xf32>, vector<1x64xf32> -> vector<1x128xf32>
    %get3A_273 = arith.constant 2 : index
    %get3A_274 = arith.constant 0 : index
    %get3A_275 = arith.constant 0 : index
    %get3A_276 = vector.load %arg6[%get3A_273, %get3A_274, %get3A_275] : memref<3x128x64xf32, #tpu.memory_space<vmem>>, vector<1x128x64xf32>
    %get3A_277 = vector.shape_cast %get3A_276 : vector<1x128x64xf32> to vector<128x64xf32>
    %convert_element_type3A_278 = arith.truncf %concatenate3A_272 : vector<1x128xf32> to vector<1x128xbf16>
    %convert_element_type3A_279 = arith.truncf %get3A_277 : vector<128x64xf32> to vector<128x64xbf16>
    %dot_general3A_280 = arith.constant dense<0.000000e+00> : vector<1x64xf32>
    %dot_general3A_281 = tpu.matmul %convert_element_type3A_278, %convert_element_type3A_279, %dot_general3A_280 {dimension_numbers = #tpu.dot_dimension_numbers<[1], [0], [0], [1], [0, 0, 1, 1], [], []>, transpose_lhs_hint = false} : vector<1x128xbf16>, vector<128x64xbf16>, vector<1x64xf32> -> vector<1x64xf32>
    %get3A_282 = arith.constant 2 : index
    %get3A_283 = arith.constant 0 : index
    %get3A_284 = arith.constant 0 : index
    %get3A_285 = vector.load %arg7[%get3A_282, %get3A_283, %get3A_284] : memref<3x1x64xf32, #tpu.memory_space<vmem>>, vector<1x1x64xf32>
    %get3A_286 = vector.shape_cast %get3A_285 : vector<1x1x64xf32> to vector<1x64xf32>
    %add3A_287 = arith.addf %dot_general3A_281, %get3A_286 : vector<1x64xf32>
    %ge3A_288 = arith.constant 0.000000e+00 : f32
    %ge3A_289 = vector.broadcast %ge3A_288 : f32 to vector<1x64xf32>
    %ge3A_290 = arith.cmpf oge, %add3A_287, %ge3A_289 : vector<1x64xf32>
    %mul3A_291 = arith.constant 0.00999999977 : f32
    %mul3A_292 = vector.broadcast %mul3A_291 : f32 to vector<1x64xf32>
    %mul3A_293 = arith.mulf %mul3A_292, %add3A_287 : vector<1x64xf32>
    %select_n3A_294 = arith.select %ge3A_290, %add3A_287, %mul3A_293 : vector<1x64xi1>, vector<1x64xf32>
    %get3A_295 = arith.constant 0 : index
    %get3A_296 = arith.constant 0 : index
    %get3A_297 = vector.load %arg8[%get3A_295, %get3A_296] : memref<64x64xf32, #tpu.memory_space<vmem>>, vector<64x64xf32>
    %convert_element_type3A_298 = arith.truncf %select_n3A_294 : vector<1x64xf32> to vector<1x64xbf16>
    %convert_element_type3A_299 = arith.truncf %get3A_297 : vector<64x64xf32> to vector<64x64xbf16>
    %dot_general3A_300 = arith.constant dense<0.000000e+00> : vector<1x64xf32>
    %dot_general3A_301 = tpu.matmul %convert_element_type3A_298, %convert_element_type3A_299, %dot_general3A_300 {dimension_numbers = #tpu.dot_dimension_numbers<[1], [0], [0], [1], [0, 0, 1, 1], [], []>, transpose_lhs_hint = false} : vector<1x64xbf16>, vector<64x64xbf16>, vector<1x64xf32> -> vector<1x64xf32>
    %get3A_302 = arith.constant 0 : index
    %get3A_303 = arith.constant 0 : index
    %get3A_304 = vector.load %arg9[%get3A_302, %get3A_303] : memref<1x64xf32, #tpu.memory_space<vmem>>, vector<1x64xf32>
    %add3A_305 = arith.addf %dot_general3A_301, %get3A_304 : vector<1x64xf32>
    %ge3A_306 = arith.constant 0.000000e+00 : f32
    %ge3A_307 = vector.broadcast %ge3A_306 : f32 to vector<1x64xf32>
    %ge3A_308 = arith.cmpf oge, %add3A_305, %ge3A_307 : vector<1x64xf32>
    %mul3A_309 = arith.constant 0.00999999977 : f32
    %mul3A_310 = vector.broadcast %mul3A_309 : f32 to vector<1x64xf32>
    %mul3A_311 = arith.mulf %mul3A_310, %add3A_305 : vector<1x64xf32>
    %select_n3A_312 = arith.select %ge3A_308, %add3A_305, %mul3A_311 : vector<1x64xi1>, vector<1x64xf32>
    %get3A_313 = arith.constant 0 : index
    %get3A_314 = arith.constant 0 : index
    %get3A_315 = vector.load %arg10[%get3A_313, %get3A_314] : memref<64x32xf32, #tpu.memory_space<vmem>>, vector<64x32xf32>
    %convert_element_type3A_316 = arith.truncf %select_n3A_312 : vector<1x64xf32> to vector<1x64xbf16>
    %convert_element_type3A_317 = arith.truncf %get3A_315 : vector<64x32xf32> to vector<64x32xbf16>
    %dot_general3A_318 = arith.constant dense<0.000000e+00> : vector<1x32xf32>
    %dot_general3A_319 = tpu.matmul %convert_element_type3A_316, %convert_element_type3A_317, %dot_general3A_318 {dimension_numbers = #tpu.dot_dimension_numbers<[1], [0], [0], [1], [0, 0, 1, 1], [], []>, transpose_lhs_hint = false} : vector<1x64xbf16>, vector<64x32xbf16>, vector<1x32xf32> -> vector<1x32xf32>
    %get3A_320 = arith.constant 0 : index
    %get3A_321 = arith.constant 0 : index
    %get3A_322 = vector.load %arg11[%get3A_320, %get3A_321] : memref<1x32xf32, #tpu.memory_space<vmem>>, vector<1x32xf32>
    %add3A_323 = arith.addf %dot_general3A_319, %get3A_322 : vector<1x32xf32>
    %ge3A_324 = arith.constant 0.000000e+00 : f32
    %ge3A_325 = vector.broadcast %ge3A_324 : f32 to vector<1x32xf32>
    %ge3A_326 = arith.cmpf oge, %add3A_323, %ge3A_325 : vector<1x32xf32>
    %mul3A_327 = arith.constant 0.00999999977 : f32
    %mul3A_328 = vector.broadcast %mul3A_327 : f32 to vector<1x32xf32>
    %mul3A_329 = arith.mulf %mul3A_328, %add3A_323 : vector<1x32xf32>
    %select_n3A_330 = arith.select %ge3A_326, %add3A_323, %mul3A_329 : vector<1x32xi1>, vector<1x32xf32>
    %get3A_331 = arith.constant 0 : index
    %get3A_332 = arith.constant 0 : index
    %get3A_333 = vector.load %arg12[%get3A_331, %get3A_332] : memref<1x32xf32, #tpu.memory_space<vmem>>, vector<1x32xf32>
    %mul3A_334 = arith.mulf %select_n3A_330, %get3A_333 : vector<1x32xf32>
    %reduce_sum3A_335 = arith.constant dense<0.000000e+00> : vector<1xf32>
    %reduce_sum3A_336 = vector.multi_reduction <add>, %mul3A_334, %reduce_sum3A_335 [1] : vector<1x32xf32> to vector<1xf32>
    %broadcast_in_dim3A_337 = vector.shape_cast %reduce_sum3A_336 : vector<1xf32> to vector<1x1xf32>
    %get3A_338 = arith.constant 0 : index
    %get3A_339 = arith.constant 0 : index
    %get3A_340 = vector.load %arg13[%get3A_338, %get3A_339] : memref<1x1xf32, #tpu.memory_space<vmem>>, vector<1x1xf32>
    %add3A_341 = arith.addf %broadcast_in_dim3A_337, %get3A_340 : vector<1x1xf32>
    %broadcast_in_dim3A_342 = arith.constant 0.000000e+00 : f32
    %broadcast_in_dim3A_343 = vector.broadcast %broadcast_in_dim3A_342 : f32 to vector<1x127xf32>
    %concatenate3A_344 = tpu.concatenate %add3A_341, %broadcast_in_dim3A_343 in 1 : vector<1x1xf32>, vector<1x127xf32> -> vector<1x128xf32>
    %swap3A = arith.constant 0 : index
    %swap3A_345 = arith.constant 0 : index
    %swap3A_346 = vector.load %arg14[%swap3A, %swap3A_345] : memref<1x128xf32, #tpu.memory_space<vmem>>, vector<1x128xf32>
    tpu.vector_store %arg14[%swap3A, %swap3A_345], %concatenate3A_344 {strides = array<i32>} : memref<1x128xf32, #tpu.memory_space<vmem>>, vector<1x128xf32>,
    return
  }
}

</mosaic_0001>

<sc_bundles>
// kernel: edge_seg_reduce_sc.3.cloned.1.call-start
scs
__scs_entry_jumppad:
0x0: {  	(pc) =	sbr.rel $0x88, $3  }
0x1: {  	(tag) =	ssettag $0x0;
	lr =	simm.s32 $0x1  }
0x2: {  	[smem:$0x3F90] =	sst lr;
	_ =	strace $0xD0000000  }
0x3: {  	_ = 	snop  }
0x4: {  	_ = 	snop  }
0x5: {  	_ = 	snop  }
0x6: {  	_ = 	snop  }
0x7: {  	_ = 	snop  }
__scs_overlays_trampoline_lowered:
0x8: {  	[smem:$0x3F9F] =	sst s0  }
0x9: {  	[smem:$0x3FA0] =	sst s1  }
0xa: {  	[smem:$0x3FA1] =	sst s2  }
0xb: {  	[smem:$0x3FA2] =	sst s3  }
0xc: {  	[smem:$0x3FA3] =	sst s4  }
0xd: {  	[smem:$0x3FA4] =	sst s5  }
0xe: {  	[smem:$0x3FA5] =	sst s6  }
0xf: {  	[smem:$0x3FA6] =	sst s7  }
0x10: {  	[smem:$0x3FA7] =	sst s8  }
0x11: {  	[smem:$0x3FA8] =	sst s9;
	s0 =	simm.s32 @!p0 $0x0  }
0x12: {  	s1 =	sld [smem:$0x3F8E];
	s0 =	simm.s32 @p0 $0x1  }
0x13: {  	[smem:$0x3FA9] =	sst s0;
	s0 =	simm.s32 @!p1 $0x0  }
0x14: {  	s2 =	sld [smem:$0x3F8D];
	s0 =	simm.s32 @p1 $0x1  }
0x15: {  	[smem:$0x3FAA] =	sst s0;
	s0 =	simm.s32 @!p2 $0x0  }
0x16: {  	s3 =	sld [smem:$0x3FDB];
	s0 =	simm.s32 @p2 $0x1  }
0x17: {  	s4 =	simm.s32 $0x1BF5;
	[smem:$0x3FAC] =	sst s0  }
0x18: {  	s0 =	sld [smem:$0x3F8F];
	_ =	swait.ge [sflag:s4], $0x0  }
0x19: {  	s7 =	sld [smem:$0x3F90]  }
0x1a: {  	s8 =	sadd.s32 $0xFFFFE003, lr  }
0x1b: {  	s9 =	sadd.s32 $0xFFFFFEF7, lr;
	s5 =	simm.s32 $0xFFFFFFFF;
	p2 =	slt.u32 s8, $0xFFFFF086  }
0x1c: {  	p1 =	slt.u32 s9, $0xF7A;
	s5 =	simm.s32 @!p2 $0x0  }
0x1d: {  	s5 =	simm.s32 @p1 $0x1;
	p0 =	seq.s32 s7, s2  }
0x1e: {  	s7 =	smul.u32 @!p0 $0xF7A, s2;
	p2 =	seq.s32 @!p0 s5, $0x0  }
0x1f: {  	s9 =	smul.u32 $0xF7A, s1;
	s8 =	simm.s32 @!p0 $0x1BF5;
	p2 =	por !p2, p0  }
0x20: {  	[sflag:s8] =	ssyncset.s32 @!p0 $0xFFFFF086;
	s6 =	sadd.s32 @!p0 s3, s7;
	s7 =	simm.s32 @!p0 $0x108  }
0x21: {  	s3 =	sadd.s32 s3, s9;
	s6 =	sadd.s32 @!p0 $0x88, s6;
	s7 =	simm.s32 @p2 $0x1082  }
0x22: {  	[simem:s7], [sflag:s8] =	dma.local @!p0 [hbm:s6], $0xF7A  }
0x23: {  	s9 =	sor.u32 $0xD0000000, s2;
	s6 =	simm.s32 $0x108;
	_ =	swait.ge @!p0 [sflag:s8], $0x0  }
0x24: {  	s3 =	sadd.s32 $0x88, s3;
	s6 =	simm.s32 @!p1 $0x1082;
	[sflag:s4] =	ssyncset.s32 $0xFFFFF086  }
0x25: {  	[simem:s6], [sflag:s4] =	dma.local [hbm:s3], $0xF7A  }
0x26: {  	[smem:$0x3F90] =	sst s1;
	(tag) =	ssettag s2;
	_ =	strace s9  }
0x27: {  	s1 =	sld [smem:$0x3FA0]  }
0x28: {  	s2 =	sld [smem:$0x3FA1]  }
0x29: {  	s4 =	sld [smem:$0x3FA3]  }
0x2a: {  	p0 =	seq.s32 s5, $0x0;
	s5 =	sld [smem:$0x3FA4]  }
0x2b: {  	s6 =	sld [smem:$0x3FA5]  }
0x2c: {  	s7 =	sld [smem:$0x3FA6]  }
0x2d: {  	s3 =	simm.s32 $0x108;
	s8 =	sld [smem:$0x3FA7]  }
0x2e: {  	s3 =	simm.s32 @!p0 $0x1082;
	s9 =	sld [smem:$0x3FA8]  }
0x2f: {  	lr =	sadd.s32 s0, s3;
	s0 =	sld [smem:$0x3F9F]  }
0x30: {  	s3 =	sld [smem:$0x3FA2]  }
0x31: {  	[smem:$0x3FAB] =	sst s10  }
0x32: {  	s10 =	sld [smem:$0x3FA9];
	_ =	sdelay $0x3  }
0x33: {  	p0 =	seq.s32 s10, $0x1;
	s10 =	sld [smem:$0x3FAB];
	_ =	sdelay $0x3  }
0x34: {  	[smem:$0x3FAB] =	sst s10  }
0x35: {  	s10 =	sld [smem:$0x3FAA];
	_ =	sdelay $0x3  }
0x36: {  	p1 =	seq.s32 s10, $0x1;
	s10 =	sld [smem:$0x3FAB];
	_ =	sdelay $0x3  }
0x37: {  	[smem:$0x3FAB] =	sst s10  }
0x38: {  	s10 =	sld [smem:$0x3FAC]  }
0x39: {  	_ = 	snop;
	(pc) =	sbr.ind lr, $3  }
0x3a: {  	_ = 	snop  }
0x3b: {  	_ = 	snop  }
0x3c: {  	p2 =	seq.s32 s10, $0x1;
	s10 =	sld [smem:$0x3FAB]  }
0x3d: {  	_ =	shalt  }
0x3e: {  	_ =	shalt  }
0x3f: {  	_ =	shalt  }
0x40: {  	_ =	shalt  }
0x41: {  	_ =	shalt  }
0x42: {  	_ =	shalt  }
0x43: {  	_ =	shalt  }
0x44: {  	_ =	shalt  }
0x45: {  	_ =	shalt  }
0x46: {  	_ =	shalt  }
0x47: {  	_ =	shalt  }
0x48: {  	_ =	shalt  }
0x49: {  	_ =	shalt  }
0x4a: {  	_ =	shalt  }
0x4b: {  	_ =	shalt  }
0x4c: {  	_ =	shalt  }
0x4d: {  	_ =	shalt  }
0x4e: {  	_ =	shalt  }
0x4f: {  	_ =	shalt  }
0x50: {  	_ =	shalt  }
0x51: {  	_ =	shalt  }
0x52: {  	_ =	shalt  }
0x53: {  	_ =	shalt  }
0x54: {  	_ =	shalt  }
0x55: {  	_ =	shalt  }
0x56: {  	_ =	shalt  }
0x57: {  	_ =	shalt  }
0x58: {  	_ =	shalt  }
0x59: {  	_ =	shalt  }
0x5a: {  	_ =	shalt  }
0x5b: {  	_ =	shalt  }
0x5c: {  	_ =	shalt  }
0x5d: {  	_ =	shalt  }
0x5e: {  	_ =	shalt  }
0x5f: {  	_ =	shalt  }
0x60: {  	_ =	shalt  }
0x61: {  	_ =	shalt  }
0x62: {  	_ =	shalt  }
0x63: {  	_ =	shalt  }
0x64: {  	_ =	shalt  }
0x65: {  	_ =	shalt  }
0x66: {  	_ =	shalt  }
0x67: {  	_ =	shalt  }
0x68: {  	_ =	shalt  }
0x69: {  	_ =	shalt  }
0x6a: {  	_ =	shalt  }
0x6b: {  	_ =	shalt  }
0x6c: {  	_ =	shalt  }
0x6d: {  	_ =	shalt  }
0x6e: {  	_ =	shalt  }
0x6f: {  	_ =	shalt  }
0x70: {  	_ =	shalt  }
0x71: {  	_ =	shalt  }
0x72: {  	_ =	shalt  }
0x73: {  	_ =	shalt  }
0x74: {  	_ =	shalt  }
0x75: {  	_ =	shalt  }
0x76: {  	_ =	shalt  }
0x77: {  	_ =	shalt  }
0x78: {  	_ =	shalt  }
0x79: {  	_ =	shalt  }
0x7a: {  	_ =	shalt  }
0x7b: {  	_ =	shalt  }
0x7c: {  	_ =	shalt  }
0x7d: {  	_ =	shalt  }
0x7e: {  	_ =	shalt  }
0x7f: {  	_ =	shalt  }
0x80: {  	_ =	shalt  }
0x81: {  	_ =	shalt  }
0x82: {  	_ =	shalt  }
0x83: {  	_ =	shalt  }
0x84: {  	_ =	shalt  }
0x85: {  	_ =	shalt  }
0x86: {  	_ =	shalt  }
0x87: {  	_ =	shalt  }
.Lfunc_end0:
.L_simem_size_0:
called_computation_lowered:
.L_overlay_start_0:
0x88: {  	s2 =	sld [smem:$0x3FD9]  }
0x89: {  	s3 =	sld [smem:$0x3FFE];
	_ =	sdelay $0x1  }
0x8a: {  	s1 =	srdreg.scid  }
0x8b: {  	s0 =	sand.u32 $0x1, s1  }
0x8c: {  	s17 =	sshll.u32 s0, $0xA;
	s2 =	sadd.s32 s3, s2  }
0x8d: {  	s2 =	sadd.s32 s2, s17  }
0x8e: {  	[smem:$0x3FB7] =	sst s2  }
0x8f: {  	_ = 	snop  }
0x90: {  	s2 =	sld [smem:$0x3FC7]  }
0x91: {  	s18 =	sld [smem:$0x3FC3];
	(tm) =	ssettm $0x1  }
0x92: {  	s4 =	sld [smem:$0x3FFB];
	_ =	sdelay $0x3  }
0x93: {  	_ =	strace s4  }
0x94: {  	s4 =	sld [smem:$0x3FFC];
	_ =	sdelay $0x3  }
0x95: {  	_ =	strace s4  }
0x96: {  	s4 =	sld [smem:$0x3FFD];
	_ =	sdelay $0x3  }
0x97: {  	_ =	strace s4  }
0x98: {  	_ =	strace $0x8FFFFFFF  }
0x99: {  	s19 =	sld [smem:$0x3FDB];
	_ =	sdelay $0x1  }
0x9a: {  	s5 =	simm.s32 $_scs_section_size  }
0x9b: {  	s6 =	simm.s32 $_size__tile_overlayer_lowered;
	s7 =	simm.s32 $_tile_overlayer_lowered  }
0x9c: {  	s22 =	simm.s32 $0x1BFF;
	s21 =	sshll.u32 s7, $0x1;
	s4 =	sadd.s32 s5, s19  }
0x9d: {  	s8 =	simm.s32 $0x0;
	s20 =	sshll.u32 s6, $0x1;
	s6 =	sadd.s32 s21, s4  }
0x9e: {  	[timem:s8], [sflag:s22] =	dma.local [hbm:s6], s20  }
0x9f: {  	_ =	swait.ge [sflag:s22], s20  }
0xa0: {  	s5 =	ssub.s32 $0x0, s20;
	[sflag:s22] =	ssyncset.done $0x0  }
0xa1: {  	[sflag:s22] =	ssyncadd.s32 s5;
	_ =	sdelay $0x1  }
0xa2: {  	s23 =	simm.s32 $0x1B8B  }
0xa3: {  	_ =	swait.ge [sflag:s23], $0x1  }
0xa4: {  	[sflag:s23] =	ssyncset.done $0x0  }
0xa5: {  	s25 =	simm.s32 $0x1B8E;
	s24 =	sld [smem:$0x3FFE];
	[sflag:s23] =	ssyncadd.s32 $0xFFFFFFFF  }
0xa6: {  	s26 =	simm.s32 $execute0_lowered;
	[smem:$0x3FD2] =	sst s25  }
0xa7: {  	s6 =	sshll.u32 s26, $0x1;
	_ =	strace $0x80000046;
	[dreg:$0x1] =	wrdreg $0xFFFFFFFF  }
0xa8: {  	s28 =	simm.s32 $_size_execute0_lowered;
	s4 =	sadd.s32 s4, s6;
	[dreg:$0x0] =	wrdreg $0x0  }
0xa9: {  	s6 =	sshll.u32 s28, $0x1;
	[dreg:$0x2] =	wrdreg s4  }
0xaa: {  	[dreg:$0x3] =	wrdreg s6  }
0xab: {  	[dreg:$0x4] =	wrdreg $0xC0  }
0xac: {  	_ =	task [dreg:s8], $0x5FFFF  }
0xad: {  	[dreg:$0x1] =	wrdreg $0xFFFFFFFF  }
0xae: {  	[dreg:$0x0] =	wrdreg $0x60  }
0xaf: {  	[dreg:$0x2] =	wrdreg s24  }
0xb0: {  	[dreg:$0x3] =	wrdreg s2  }
0xb1: {  	[dreg:$0x4] =	wrdreg s18  }
0xb2: {  	[dreg:$0x5] =	wrdreg $0x9  }
0xb3: {  	_ =	task.clear_ibuf [dreg:s8], $0x6FFFF;
	_ =	strace $0x90000046  }
0xb4: {  	s29 =	simm.s32 $0x9;
	_ =	strace $0x80000048  }
0xb5: {  	_ =	swait.ge [sflag:s29], $0x1  }
0xb6: {  	[sflag:s29] =	ssyncadd.s32 $0xFFFFFFFF  }
0xb7: {  	_ =	strace $0x90000048  }
0xb8: {  	_ =	sfence  }
0xb9: {  	s30 =	sld [smem:$0x0];
	_ =	sdelay $0x2  }
0xba: {  	s31 =	sshll.u32 s1, $0xD;
	s1 =	sshrl.u32 s1, $0x2  }
0xbb: {  	s3 =	sand.u32 $0x4000, s31;
	s1 =	sadd.s32 s1, s30  }
0xbc: {  	s0 =	sor.u32 s3, s0;
	s1 =	sshll.u32 s1, $0x11  }
0xbd: {  	s0 =	sor.u32 s1, s0  }
0xbe: {  	s0 =	sadd.s32 $0x8F2B, s0  }
0xbf: {  	[sflag:s0] =	ssyncadd.remote.s32 $0x1  }
0xc0: {  	_ =	sfence.sel $0xFFFF  }
0xc1: {  	[dreg:$0x0] =	wrdreg $0xFFFFFFFF;
	(pc) =	sbr.abs _section_cstart, $3  }
0xc2: {  	[dreg:$0x1] =	wrdreg $0xFFFFFFFF  }
0xc3: {  	_ =	task.clear_ibuf [dreg:s8], $0x2FFFF;
	_ =	strace $0x9FFFFFFF  }
0xc4: {  	(tm) =	ssettm $0x7FFFFFFF  }
0xc5: {  	_ =	shalt  }
tec
execute0_lowered:
.L_overlay_start_1:
0x0: {  	(tag) =	ssettag $0x1  }
0x1: {  	v0 =	vimm.s32 $0xFEDCBA98;
	s5 =	rddreg [dreg:$0x0];
	s1 =	srdreg.scid  }
0x2: {  	s0 =	stileid.u32;
	v1 =	vimm.s32 $0x76543210;
	s6 =	rddreg [dreg:$0x1];
	v2 =	vimm.s32 $0x3210FEDC;
	v3 =	vimm.s32 $0xBA987654  }
0x3: {  	s3 =	simm.s32 $0x0;
	v4 =	vimm.s32 $0x10FEDCBA;
	v5 =	vimm.s32 $0x98765432;
	v6 =	vimm.s32 $0xFEDCBA9;
	s4 =	sand.u32 $0x1, s1;
	s1 =	rddreg [dreg:$0x2]  }
0x4: {  	v7 =	vimm.s32 $0x87654321;
	s12 =	simm.s32 $0xC580;
	v0 =	vunpack.c.l.s4.s8 v0;
	s2 =	sshll.u32 s0, $0x1;
	v1 =	vunpack.c.l.s4.s8 v1;
	[smem:$0x7FF] =	sst s3  }
0x5: {  	s13 =	simm.s32 $0x0;
	v2 =	vunpack.c.l.s4.s8 v2;
	v3 =	vunpack.c.l.s4.s8 v3;
	v4 =	vunpack.c.l.s4.s8 v4;
	s7 =	sor.u32 s4, s2;
	s2 =	rddreg [dreg:$0x3]  }
0x6: {  	v5 =	vunpack.c.l.s4.s8 v5;
	v6 =	vunpack.c.l.s4.s8 v6;
	v7 =	vunpack.c.l.s4.s8 v7;
	_ =	strace $0x80000047;
	s9 =	ssub.s32 $0x2, s4;
	s8 =	smul.u32 $0x1388, s7  }
.Ltmp0:
0x7: {  	s4 =	sadd.s32 $0x2000, s5;
	v0 =	vunpack.c.0.s8.s32 v0;
	v1 =	vunpack.c.0.s8.s32 v1;
	s10 =	sshll.u32 s7, $0x4;
	v2 =	vunpack.c.0.s8.s32 v2;
	(pc) =	sbr.rel .LBB2_1-.Ltmp0, $4  }
0x8: {  	s11 =	sshrl.u32 s9, $0x1;
	s7 =	smul.u32 $0x4E2, s7;
	v3 =	vunpack.c.0.s8.s32 v3;
	v4 =	vunpack.c.0.s8.s32 v4;
	v5 =	vunpack.c.0.s8.s32 v5;
	s10 =	sadd.s32 s10, s5  }
0x9: {  	v6 =	vunpack.c.0.s8.s32 v6;
	v7 =	vunpack.c.0.s8.s32 v7;
	s9 =	ssub.s32 s9, s11;
	s11 =	simm.s32 $0xC500;
	v0 =	vand.u32 $0xF, v0;
	s8 =	sadd.s32 s8, s5  }
0xa: {  	s6 =	sadd.s32 s6, s7;
	s7 =	sadd.s32 $0x2200, s10;
	s10 =	simm.s32 $0xC400;
	v0 =	vcombine.low v0, v1;
	v1 =	vcombine.low v3, v2  }
0xb: {  	s5 =	sadd.s32 $0x4E4000, s8;
	s8 =	smax.u32 s9, $0x1;
	s9 =	simm.s32 $0x1;
	v2 =	vcombine.low v5, v4;
	v3 =	vimm.f32 $0.0e+00;
	v4 =	vcombine.low v7, v6  }
.LBB2_40:
0xc: {  	v5 =	vperm.xlane v6, v0;
	_ =	sdelay $0x1  }
0xd: {  	v5 =	vadd.f32 v5, v6;
	_ =	sdelay $0x1  }
0xe: {  	v6 =	vperm.xlane v5, v1;
	_ =	sdelay $0x1  }
0xf: {  	v5 =	vadd.f32 v6, v5;
	_ =	sdelay $0x1  }
0x10: {  	v6 =	vperm.xlane v5, v2;
	_ =	sdelay $0x1  }
0x11: {  	v5 =	vadd.f32 v6, v5;
	_ =	sdelay $0x1  }
0x12: {  	v6 =	vperm.xlane v5, v4;
	_ =	sdelay $0x1  }
0x13: {  	v5 =	vadd.f32 v6, v5  }
0x14: {  	vm0 =	vmmov $0x1;
	s13 =	sadd.s32 $0x1, s13  }
0x15: {  	p0 =	sne.s32 s13, s8;
	v5 =	vnsel vm0, $0x0, v5  }
.Ltmp1:
0x16: {  	[tilespmem:$0xC5C0] =	vst v5;
	(pc) =	sbr.rel @!p0 .LBB2_41-.Ltmp1, $4  }
0x17: {  	[hbm4b:s7+s3] =	stream.linear.scatter [tilespmem:s12], [sflag:$0x1], $0x80, $0x38;
	[tilespmem:$0xC600] =	vst v63  }
0x18: {  	_ =	swait.ge [sflag:s9], $0x80  }
0x19: {  	[sflag:s9] =	ssyncset.done $0x0  }
0x1a: {  	[sflag:s9] =	ssyncadd.s32 $0xFFFFFF80  }
.LBB2_1:
0x1b: {  	[tilespmem:s3], [sflag:$0x1] =	stream.linear.gather [hbm4b:s5+s3], $0x9C40, $0x38;
	[tilespmem:$0xC600] =	vst v63  }
0x1c: {  	_ =	swait.ge [sflag:s9], $0x9C40  }
0x1d: {  	[sflag:s9] =	ssyncset.done $0x0  }
0x1e: {  	s14 =	simm.s32 $0x9C80;
	[sflag:s9] =	ssyncadd.s32 $0xFFFF63C0  }
0x1f: {  	[tilespmem:s14], [sflag:$0x1] =	stream.linear.gather [hbm4b:s6+s3], $0x2710, $0x38;
	[tilespmem:$0xC600] =	vst v63  }
0x20: {  	_ =	swait.ge [sflag:s9], $0x2710  }
0x21: {  	[sflag:s9] =	ssyncset.done $0x0  }
0x22: {  	[sflag:s9] =	ssyncadd.s32 $0xFFFFD8F0  }
0x23: {  	[tilespmem:s10], [sflag:$0x1] =	stream.linear.gather [hbm4b:s4+s3], $0x100, $0x38;
	[tilespmem:$0xC600] =	vst v63  }
0x24: {  	_ =	swait.ge [sflag:s9], $0x100  }
0x25: {  	[sflag:s9] =	ssyncset.done $0x0  }
0x26: {  	[sflag:s9] =	ssyncadd.s32 $0xFFFFFF00  }
0x27: {  	[tilespmem:s11], [sflag:$0x1] =	stream.linear.gather [hbm4b:s1+s3], $0x80, $0x38;
	[tilespmem:$0xC600] =	vst v63  }
0x28: {  	_ =	swait.ge [sflag:s9], $0x80  }
0x29: {  	[sflag:s9] =	ssyncset.done $0x0  }
0x2a: {  	[sflag:s9] =	ssyncadd.s32 $0xFFFFFF80  }
.Ltmp2:
0x2b: {  	[tilespmem:$0xC580] =	vst v3;
	(pc) =	sbr.rel .LBB2_2-.Ltmp2, $4  }
0x2c: {  	[tilespmem:$0xC590] =	vst v3  }
0x2d: {  	[tilespmem:$0xC5A0] =	vst v3  }
0x2e: {  	v5 =	vimm.f32 $0.0e+00;
	[tilespmem:$0xC5B0] =	vst v3  }
0x2f: {  	s15 =	simm.s32 $0x20;
	v7 =	vimm.f32 $0.0e+00;
	v8 =	vimm.f32 $0.0e+00;
	v6 =	vimm.f32 $0.0e+00;
	s16 =	simm.s32 $0x0;
	[tilespmem:$0xC5C0] =	vst v3  }
.LBB2_39:
0x30: {  	s16 =	sadd.s32 $0x1, s16  }
0x31: {  	p0 =	sne.s32 s16, $0x19  }
.Ltmp3:
0x32: {  	_ = 	snop;
	(pc) =	sbr.rel @!p0 .LBB2_40-.Ltmp3, $2  }
0x33: {  	_ =	sdelay $0x2  }
0x34: {  	s14 =	sadd.s32 $0x190, s14;
	s15 =	sadd.s32 $0x640, s15  }
.LBB2_2:
0x35: {  	v10 =	vmov s14;
	_ =	sdelay $0x3  }
0x36: {  	s18 =	simm.s32 $0x0  }
0x37: {  	v9 =	vimm.f32 $0.0e+00;
	s17 =	simm.s32 $0x40;
	v11 =	vld.idx.msk [tilespmem:v10+s18+$0x0 ss:$0x1], $0xffff  }
.LBB2_3:
0x38: {  	_ = 	snop  }
0x39: {  	p0 =	sne.s32 s17, $0x600  }
.Ltmp4:
0x3a: {  	_ = 	snop;
	(pc) =	sbr.rel @p0 .LBB2_3-.Ltmp4, $4  }
0x3b: {  	_ = 	snop  }
0x3c: {  	vm0 =	veq.s32 v11, $0x0  }
0x3d: {  	s18 =	sshra.s32 s17, $0x2;
	v12 =	vsel vm0, $0x3F800000, v3  }
0x3e: {  	s17 =	sadd.s32 $0x40, s17;
	v11 =	vld.idx.msk [tilespmem:v10+s18+$0x0 ss:$0x1], $0xffff;
	v6 =	vadd.f32 v12, v6;
	v9 =	vadd.f32 v12, v9  }
0x3f: {  	_ =	sdelay $0x3  }
0x40: {  	vm0 =	veq.s32 v11, $0x0  }
0x41: {  	v10 =	vsel vm0, $0x3F800000, v3  }
0x42: {  	v9 =	vadd.f32 v10, v9;
	_ =	sdelay $0x1  }
0x43: {  	v11 =	vperm.xlane v9, v0;
	_ =	sdelay $0x1  }
0x44: {  	v9 =	vadd.f32 v11, v9;
	_ =	sdelay $0x1  }
0x45: {  	v11 =	vperm.xlane v9, v1;
	_ =	sdelay $0x1  }
0x46: {  	v9 =	vadd.f32 v11, v9;
	_ =	sdelay $0x1  }
0x47: {  	v11 =	vperm.xlane v9, v2;
	_ =	sdelay $0x1  }
0x48: {  	v9 =	vadd.f32 v11, v9;
	_ =	sdelay $0x1  }
0x49: {  	v11 =	vperm.xlane v9, v4;
	_ =	sdelay $0x1  }
0x4a: {  	v9 =	vadd.f32 v11, v9;
	_ =	sdelay $0x1  }
0x4b: {  	(v2sf) =	vpush v9, $0x0;
	_ =	sdelay $0xe  }
0x4c: {  	s17 =	spop (v2sf)  }
0x4d: {  	p0 =	sgt.f32 s17, $0.0e+00  }
.Ltmp5:
0x4e: {  	_ = 	snop;
	(pc) =	sbr.rel @!p0 .LBB2_39-.Ltmp5, $4  }
.Ltmp6:
0x4f: {  	_ = 	snop;
	(pc) =	sbr.rel @p0 .LBB2_5-.Ltmp6, $4  }
0x50: {  	_ = 	snop  }
0x51: {  	_ = 	snop  }
0x52: {  	s18 =	smov.u32 s15;
	v6 =	vadd.f32 v10, v6;
	s17 =	simm.s32 $0x0  }
0x53: {  	_ = 	snop  }
.LBB2_38:
0x54: {  	s17 =	sadd.s32 $0x40, s17  }
0x55: {  	p0 =	sne.s32 s17, $0x640  }
.Ltmp7:
0x56: {  	_ = 	snop;
	(pc) =	sbr.rel @!p0 .LBB2_39-.Ltmp7, $2  }
0x57: {  	_ =	sdelay $0x2  }
0x58: {  	s18 =	sadd.s32 $0x40, s18  }
.LBB2_5:
0x59: {  	s19 =	sshra.s32 s17, $0x2  }
0x5a: {  	s19 =	sadd.s32 s19, s14  }
0x5b: {  	v9 =	vld [tilespmem:s19+$0x0];
	_ =	sdelay $0x4  }
0x5c: {  	vm0 =	veq.s32 v9, $0x0  }
0x5d: {  	v10 =	vsel vm0, $0x3F800000, v3  }
0x5e: {  	v11 =	vperm.xlane v10, v0;
	_ =	sdelay $0x1  }
0x5f: {  	v10 =	vadd.f32 v10, v11;
	_ =	sdelay $0x1  }
0x60: {  	v11 =	vperm.xlane v10, v1;
	_ =	sdelay $0x1  }
0x61: {  	v10 =	vadd.f32 v10, v11;
	_ =	sdelay $0x1  }
0x62: {  	v11 =	vperm.xlane v10, v2;
	_ =	sdelay $0x1  }
0x63: {  	v10 =	vadd.f32 v10, v11;
	_ =	sdelay $0x1  }
0x64: {  	v11 =	vperm.xlane v10, v4;
	_ =	sdelay $0x1  }
0x65: {  	v10 =	vadd.f32 v10, v11;
	_ =	sdelay $0x1  }
0x66: {  	(v2sf) =	vpush v10, $0x0;
	_ =	sdelay $0xe  }
0x67: {  	s31 =	spop (v2sf)  }
0x68: {  	p0 =	sgt.f32 s31, $0.0e+00  }
.Ltmp8:
0x69: {  	_ = 	snop;
	(pc) =	sbr.rel @!p0 .LBB2_38-.Ltmp8, $1  }
0x6a: {  	_ =	sdelay $0x3  }
0x6b: {  	(v2sf) =	vpush v9, $0x0;
	_ =	sdelay $0xe  }
0x6c: {  	s19 =	spop (v2sf)  }
0x6d: {  	p0 =	sne.s32 s19, $0x0  }
.Ltmp9:
0x6e: {  	_ = 	snop;
	(pc) =	sbr.rel @p0 .LBB2_8-.Ltmp9, $1  }
0x6f: {  	_ =	sdelay $0x3  }
0x70: {  	v10 =	vld [tilespmem:s18+$0xFFFFFFE0]  }
0x71: {  	v11 =	vld [tilespmem:$0xC500]  }
0x72: {  	v12 =	vld [tilespmem:$0xC400]  }
0x73: {  	v13 =	vld [tilespmem:$0xC440]  }
0x74: {  	v15 =	vld [tilespmem:$0xC480]  }
0x75: {  	v17 =	vld [tilespmem:$0xC4C0]  }
0x76: {  	v19 =	vld [tilespmem:$0xC510]  }
0x77: {  	v22 =	vld [tilespmem:$0xC410];
	v14 =	vbroadcast v10, $0x0  }
0x78: {  	v39 =	vld [tilespmem:$0xC450];
	v16 =	vbroadcast v10, $0x1;
	v21 =	vbroadcast v10, $0x2  }
0x79: {  	v23 =	vld [tilespmem:$0xC490];
	v10 =	vbroadcast v10, $0x3  }
0x7a: {  	v41 =	vld [tilespmem:$0xC420];
	v18 =	vshrl.u32 v14, $0x10;
	v20 =	vshrl.u32 v16, $0x10;
	v40 =	vshrl.u32 v21, $0x10  }
0x7b: {  	v25 =	vld [tilespmem:$0xC460];
	v26 =	vshrl.u32 v10, $0x10;
	v18 =	vand.u32 $0x1, v18;
	v38 =	vand.u32 $0x1, v20  }
0x7c: {  	v43 =	vld [tilespmem:$0xC430];
	v26 =	vand.u32 $0x1, v26;
	v14 =	vadd.s32 v18, v14;
	v16 =	vadd.s32 v38, v16  }
0x7d: {  	v27 =	vld [tilespmem:$0xC530];
	v18 =	vand.u32 $0x1, v40;
	v10 =	vadd.s32 v26, v10;
	v14 =	vadd.s32 $0x7FFF, v14  }
0x7e: {  	v46 =	vld [tilespmem:$0xC4D0];
	v16 =	vadd.s32 $0x7FFF, v16;
	v18 =	vadd.s32 v18, v21;
	v14 =	vand.u32 $0xFFFF0000, v14  }
0x7f: {  	v52 =	vld [tilespmem:$0xC4E0];
	v10 =	vadd.s32 $0x7FFF, v10;
	v16 =	vand.u32 $0xFFFF0000, v16;
	v12 =	vmul.f32 v14, v12  }
0x80: {  	v45 =	vld [tilespmem:$0xC470];
	v18 =	vadd.s32 $0x7FFF, v18;
	v42 =	vmul.f32 v16, v13;
	v22 =	vmul.f32 v14, v22  }
0x81: {  	v24 =	vld [tilespmem:$0xC520];
	v10 =	vand.u32 $0xFFFF0000, v10;
	v20 =	vmul.f32 v16, v39;
	v47 =	vmul.f32 v14, v41  }
0x82: {  	v49 =	vld [tilespmem:$0xC4B0];
	v17 =	vmul.f32 v10, v17;
	v13 =	vmul.f32 v14, v43;
	v11 =	vadd.f32 v12, v11  }
0x83: {  	v48 =	vld [tilespmem:$0xC4A0];
	v18 =	vand.u32 $0xFFFF0000, v18;
	v51 =	vmul.f32 v16, v25;
	v57 =	vmul.f32 v10, v46  }
0x84: {  	v53 =	vld [tilespmem:$0xC4F0];
	v58 =	vmul.f32 v10, v52;
	v44 =	vmul.f32 v18, v15;
	v11 =	vadd.f32 v11, v42  }
0x85: {  	v15 =	vmul.f32 v16, v45;
	v19 =	vadd.f32 v22, v19;
	v13 =	vadd.f32 v13, v27  }
0x86: {  	v50 =	vmul.f32 v18, v23;
	v12 =	vadd.f32 v47, v24;
	v11 =	vadd.f32 v11, v44  }
0x87: {  	v14 =	vmul.f32 v18, v49;
	v19 =	vadd.f32 v20, v19;
	v13 =	vadd.f32 v15, v13  }
0x88: {  	v56 =	vmul.f32 v18, v48;
	v12 =	vadd.f32 v51, v12;
	v11 =	vadd.f32 v11, v17  }
0x89: {  	v10 =	vmul.f32 v10, v53;
	v54 =	vadd.f32 v50, v19;
	v13 =	vadd.f32 v14, v13  }
0x8a: {  	v12 =	vadd.f32 v56, v12;
	v55 =	vshrl.u32 v11, $0x10  }
0x8b: {  	v17 =	vadd.f32 v57, v54;
	v10 =	vadd.f32 v10, v13;
	v15 =	vand.u32 $0x1, v55  }
0x8c: {  	v12 =	vadd.f32 v58, v12;
	v11 =	vadd.s32 v15, v11  }
0x8d: {  	v62 =	vld [tilespmem:$0xC5B0];
	v59 =	vshrl.u32 v17, $0x10;
	v61 =	vshrl.u32 v10, $0x10;
	v11 =	vadd.s32 $0x7FFF, v11  }
0x8e: {  	v60 =	vshrl.u32 v12, $0x10;
	v63 =	vand.u32 $0x1, v61;
	v11 =	vand.u32 $0xFFFF0000, v11  }
0x8f: {  	v10 =	vadd.s32 v63, v10;
	v8 =	vadd.f32 v11, v8;
	v11 =	vand.u32 $0x1, v59  }
0x90: {  	v13 =	vand.u32 $0x1, v60;
	v10 =	vadd.s32 $0x7FFF, v10;
	v11 =	vadd.s32 v11, v17  }
0x91: {  	v12 =	vadd.s32 v13, v12;
	v10 =	vand.u32 $0xFFFF0000, v10;
	v11 =	vadd.s32 $0x7FFF, v11  }
0x92: {  	v12 =	vadd.s32 $0x7FFF, v12;
	v10 =	vadd.f32 v10, v62;
	v11 =	vand.u32 $0xFFFF0000, v11  }
0x93: {  	[tilespmem:$0xC580] =	vst v8;
	v7 =	vadd.f32 v11, v7;
	v11 =	vand.u32 $0xFFFF0000, v12  }
0x94: {  	[tilespmem:$0xC5B0] =	vst v10;
	v5 =	vadd.f32 v11, v5  }
0x95: {  	[tilespmem:$0xC590] =	vst v7  }
0x96: {  	[tilespmem:$0xC5A0] =	vst v5  }
.LBB2_8:
0x97: {  	(v2sf) =	vpush v9, $0x1;
	_ =	sdelay $0xe  }
0x98: {  	s19 =	spop (v2sf)  }
0x99: {  	p0 =	sne.s32 s19, $0x0  }
.Ltmp10:
0x9a: {  	_ = 	snop;
	(pc) =	sbr.rel @p0 .LBB2_10-.Ltmp10, $1  }
0x9b: {  	_ =	sdelay $0x3  }
0x9c: {  	v10 =	vld [tilespmem:s18+$0xFFFFFFE4]  }
0x9d: {  	v11 =	vld [tilespmem:$0xC500]  }
0x9e: {  	v12 =	vld [tilespmem:$0xC400]  }
0x9f: {  	v13 =	vld [tilespmem:$0xC440]  }
0xa0: {  	v15 =	vld [tilespmem:$0xC480]  }
0xa1: {  	v17 =	vld [tilespmem:$0xC4C0]  }
0xa2: {  	v19 =	vld [tilespmem:$0xC510]  }
0xa3: {  	v22 =	vld [tilespmem:$0xC410];
	v14 =	vbroadcast v10, $0x0  }
0xa4: {  	v39 =	vld [tilespmem:$0xC450];
	v16 =	vbroadcast v10, $0x1;
	v21 =	vbroadcast v10, $0x2  }
0xa5: {  	v23 =	vld [tilespmem:$0xC490];
	v10 =	vbroadcast v10, $0x3  }
0xa6: {  	v41 =	vld [tilespmem:$0xC420];
	v18 =	vshrl.u32 v14, $0x10;
	v20 =	vshrl.u32 v16, $0x10;
	v40 =	vshrl.u32 v21, $0x10  }
0xa7: {  	v25 =	vld [tilespmem:$0xC460];
	v26 =	vshrl.u32 v10, $0x10;
	v18 =	vand.u32 $0x1, v18;
	v38 =	vand.u32 $0x1, v20  }
0xa8: {  	v43 =	vld [tilespmem:$0xC430];
	v26 =	vand.u32 $0x1, v26;
	v14 =	vadd.s32 v18, v14;
	v16 =	vadd.s32 v38, v16  }
0xa9: {  	v27 =	vld [tilespmem:$0xC530];
	v18 =	vand.u32 $0x1, v40;
	v10 =	vadd.s32 v26, v10;
	v14 =	vadd.s32 $0x7FFF, v14  }
0xaa: {  	v46 =	vld [tilespmem:$0xC4D0];
	v16 =	vadd.s32 $0x7FFF, v16;
	v18 =	vadd.s32 v18, v21;
	v14 =	vand.u32 $0xFFFF0000, v14  }
0xab: {  	v52 =	vld [tilespmem:$0xC4E0];
	v10 =	vadd.s32 $0x7FFF, v10;
	v16 =	vand.u32 $0xFFFF0000, v16;
	v12 =	vmul.f32 v14, v12  }
0xac: {  	v45 =	vld [tilespmem:$0xC470];
	v18 =	vadd.s32 $0x7FFF, v18;
	v42 =	vmul.f32 v16, v13;
	v22 =	vmul.f32 v14, v22  }
0xad: {  	v24 =	vld [tilespmem:$0xC520];
	v10 =	vand.u32 $0xFFFF0000, v10;
	v20 =	vmul.f32 v16, v39;
	v47 =	vmul.f32 v14, v41  }
0xae: {  	v49 =	vld [tilespmem:$0xC4B0];
	v17 =	vmul.f32 v10, v17;
	v13 =	vmul.f32 v14, v43;
	v11 =	vadd.f32 v12, v11  }
0xaf: {  	v48 =	vld [tilespmem:$0xC4A0];
	v18 =	vand.u32 $0xFFFF0000, v18;
	v51 =	vmul.f32 v16, v25;
	v57 =	vmul.f32 v10, v46  }
0xb0: {  	v53 =	vld [tilespmem:$0xC4F0];
	v58 =	vmul.f32 v10, v52;
	v44 =	vmul.f32 v18, v15;
	v11 =	vadd.f32 v11, v42  }
0xb1: {  	v15 =	vmul.f32 v16, v45;
	v19 =	vadd.f32 v22, v19;
	v13 =	vadd.f32 v13, v27  }
0xb2: {  	v50 =	vmul.f32 v18, v23;
	v12 =	vadd.f32 v47, v24;
	v11 =	vadd.f32 v11, v44  }
0xb3: {  	v14 =	vmul.f32 v18, v49;
	v19 =	vadd.f32 v20, v19;
	v13 =	vadd.f32 v15, v13  }
0xb4: {  	v56 =	vmul.f32 v18, v48;
	v12 =	vadd.f32 v51, v12;
	v11 =	vadd.f32 v11, v17  }
0xb5: {  	v10 =	vmul.f32 v10, v53;
	v54 =	vadd.f32 v50, v19;
	v13 =	vadd.f32 v14, v13  }
0xb6: {  	v12 =	vadd.f32 v56, v12;
	v55 =	vshrl.u32 v11, $0x10  }
0xb7: {  	v17 =	vadd.f32 v57, v54;
	v10 =	vadd.f32 v10, v13;
	v15 =	vand.u32 $0x1, v55  }
0xb8: {  	v12 =	vadd.f32 v58, v12;
	v11 =	vadd.s32 v15, v11  }
0xb9: {  	v62 =	vld [tilespmem:$0xC5B0];
	v59 =	vshrl.u32 v17, $0x10;
	v61 =	vshrl.u32 v10, $0x10;
	v11 =	vadd.s32 $0x7FFF, v11  }
0xba: {  	v60 =	vshrl.u32 v12, $0x10;
	v63 =	vand.u32 $0x1, v61;
	v11 =	vand.u32 $0xFFFF0000, v11  }
0xbb: {  	v10 =	vadd.s32 v63, v10;
	v8 =	vadd.f32 v11, v8;
	v11 =	vand.u32 $0x1, v59  }
0xbc: {  	v13 =	vand.u32 $0x1, v60;
	v10 =	vadd.s32 $0x7FFF, v10;
	v11 =	vadd.s32 v11, v17  }
0xbd: {  	v12 =	vadd.s32 v13, v12;
	v10 =	vand.u32 $0xFFFF0000, v10;
	v11 =	vadd.s32 $0x7FFF, v11  }
0xbe: {  	v12 =	vadd.s32 $0x7FFF, v12;
	v10 =	vadd.f32 v10, v62;
	v11 =	vand.u32 $0xFFFF0000, v11  }
0xbf: {  	[tilespmem:$0xC580] =	vst v8;
	v7 =	vadd.f32 v11, v7;
	v11 =	vand.u32 $0xFFFF0000, v12  }
0xc0: {  	[tilespmem:$0xC5B0] =	vst v10;
	v5 =	vadd.f32 v11, v5  }
0xc1: {  	[tilespmem:$0xC590] =	vst v7  }
0xc2: {  	[tilespmem:$0xC5A0] =	vst v5  }
.LBB2_10:
0xc3: {  	(v2sf) =	vpush v9, $0x2;
	_ =	sdelay $0xe  }
0xc4: {  	s19 =	spop (v2sf)  }
0xc5: {  	p0 =	sne.s32 s19, $0x0  }
.Ltmp11:
0xc6: {  	_ = 	snop;
	(pc) =	sbr.rel @p0 .LBB2_12-.Ltmp11, $1  }
0xc7: {  	_ =	sdelay $0x3  }
0xc8: {  	v10 =	vld [tilespmem:s18+$0xFFFFFFE8]  }
0xc9: {  	v11 =	vld [tilespmem:$0xC500]  }
0xca: {  	v12 =	vld [tilespmem:$0xC400]  }
0xcb: {  	v13 =	vld [tilespmem:$0xC440]  }
0xcc: {  	v15 =	vld [tilespmem:$0xC480]  }
0xcd: {  	v17 =	vld [tilespmem:$0xC4C0]  }
0xce: {  	v19 =	vld [tilespmem:$0xC510]  }
0xcf: {  	v22 =	vld [tilespmem:$0xC410];
	v14 =	vbroadcast v10, $0x0  }
0xd0: {  	v39 =	vld [tilespmem:$0xC450];
	v16 =	vbroadcast v10, $0x1;
	v21 =	vbroadcast v10, $0x2  }
0xd1: {  	v23 =	vld [tilespmem:$0xC490];
	v10 =	vbroadcast v10, $0x3  }
0xd2: {  	v41 =	vld [tilespmem:$0xC420];
	v18 =	vshrl.u32 v14, $0x10;
	v20 =	vshrl.u32 v16, $0x10;
	v40 =	vshrl.u32 v21, $0x10  }
0xd3: {  	v25 =	vld [tilespmem:$0xC460];
	v26 =	vshrl.u32 v10, $0x10;
	v18 =	vand.u32 $0x1, v18;
	v38 =	vand.u32 $0x1, v20  }
0xd4: {  	v43 =	vld [tilespmem:$0xC430];
	v26 =	vand.u32 $0x1, v26;
	v14 =	vadd.s32 v18, v14;
	v16 =	vadd.s32 v38, v16  }
0xd5: {  	v27 =	vld [tilespmem:$0xC530];
	v18 =	vand.u32 $0x1, v40;
	v10 =	vadd.s32 v26, v10;
	v14 =	vadd.s32 $0x7FFF, v14  }
0xd6: {  	v46 =	vld [tilespmem:$0xC4D0];
	v16 =	vadd.s32 $0x7FFF, v16;
	v18 =	vadd.s32 v18, v21;
	v14 =	vand.u32 $0xFFFF0000, v14  }
0xd7: {  	v52 =	vld [tilespmem:$0xC4E0];
	v10 =	vadd.s32 $0x7FFF, v10;
	v16 =	vand.u32 $0xFFFF0000, v16;
	v12 =	vmul.f32 v14, v12  }
0xd8: {  	v45 =	vld [tilespmem:$0xC470];
	v18 =	vadd.s32 $0x7FFF, v18;
	v42 =	vmul.f32 v16, v13;
	v22 =	vmul.f32 v14, v22  }
0xd9: {  	v24 =	vld [tilespmem:$0xC520];
	v10 =	vand.u32 $0xFFFF0000, v10;
	v20 =	vmul.f32 v16, v39;
	v47 =	vmul.f32 v14, v41  }
0xda: {  	v49 =	vld [tilespmem:$0xC4B0];
	v17 =	vmul.f32 v10, v17;
	v13 =	vmul.f32 v14, v43;
	v11 =	vadd.f32 v12, v11  }
0xdb: {  	v48 =	vld [tilespmem:$0xC4A0];
	v18 =	vand.u32 $0xFFFF0000, v18;
	v51 =	vmul.f32 v16, v25;
	v57 =	vmul.f32 v10, v46  }
0xdc: {  	v53 =	vld [tilespmem:$0xC4F0];
	v58 =	vmul.f32 v10, v52;
	v44 =	vmul.f32 v18, v15;
	v11 =	vadd.f32 v11, v42  }
0xdd: {  	v15 =	vmul.f32 v16, v45;
	v19 =	vadd.f32 v22, v19;
	v13 =	vadd.f32 v13, v27  }
0xde: {  	v50 =	vmul.f32 v18, v23;
	v12 =	vadd.f32 v47, v24;
	v11 =	vadd.f32 v11, v44  }
0xdf: {  	v14 =	vmul.f32 v18, v49;
	v19 =	vadd.f32 v20, v19;
	v13 =	vadd.f32 v15, v13  }
0xe0: {  	v56 =	vmul.f32 v18, v48;
	v12 =	vadd.f32 v51, v12;
	v11 =	vadd.f32 v11, v17  }
0xe1: {  	v10 =	vmul.f32 v10, v53;
	v54 =	vadd.f32 v50, v19;
	v13 =	vadd.f32 v14, v13  }
0xe2: {  	v12 =	vadd.f32 v56, v12;
	v55 =	vshrl.u32 v11, $0x10  }
0xe3: {  	v17 =	vadd.f32 v57, v54;
	v10 =	vadd.f32 v10, v13;
	v15 =	vand.u32 $0x1, v55  }
0xe4: {  	v12 =	vadd.f32 v58, v12;
	v11 =	vadd.s32 v15, v11  }
0xe5: {  	v62 =	vld [tilespmem:$0xC5B0];
	v59 =	vshrl.u32 v17, $0x10;
	v61 =	vshrl.u32 v10, $0x10;
	v11 =	vadd.s32 $0x7FFF, v11  }
0xe6: {  	v60 =	vshrl.u32 v12, $0x10;
	v63 =	vand.u32 $0x1, v61;
	v11 =	vand.u32 $0xFFFF0000, v11  }
0xe7: {  	v10 =	vadd.s32 v63, v10;
	v8 =	vadd.f32 v11, v8;
	v11 =	vand.u32 $0x1, v59  }
0xe8: {  	v13 =	vand.u32 $0x1, v60;
	v10 =	vadd.s32 $0x7FFF, v10;
	v11 =	vadd.s32 v11, v17  }
0xe9: {  	v12 =	vadd.s32 v13, v12;
	v10 =	vand.u32 $0xFFFF0000, v10;
	v11 =	vadd.s32 $0x7FFF, v11  }
0xea: {  	v12 =	vadd.s32 $0x7FFF, v12;
	v10 =	vadd.f32 v10, v62;
	v11 =	vand.u32 $0xFFFF0000, v11  }
0xeb: {  	[tilespmem:$0xC580] =	vst v8;
	v7 =	vadd.f32 v11, v7;
	v11 =	vand.u32 $0xFFFF0000, v12  }
0xec: {  	[tilespmem:$0xC5B0] =	vst v10;
	v5 =	vadd.f32 v11, v5  }
0xed: {  	[tilespmem:$0xC590] =	vst v7  }
0xee: {  	[tilespmem:$0xC5A0] =	vst v5  }
.LBB2_12:
0xef: {  	(v2sf) =	vpush v9, $0x3;
	_ =	sdelay $0xe  }
0xf0: {  	s19 =	spop (v2sf)  }
0xf1: {  	p0 =	sne.s32 s19, $0x0  }
.Ltmp12:
0xf2: {  	_ = 	snop;
	(pc) =	sbr.rel @p0 .LBB2_14-.Ltmp12, $1  }
0xf3: {  	_ =	sdelay $0x3  }
0xf4: {  	v10 =	vld [tilespmem:s18+$0xFFFFFFEC]  }
0xf5: {  	v11 =	vld [tilespmem:$0xC500]  }
0xf6: {  	v12 =	vld [tilespmem:$0xC400]  }
0xf7: {  	v13 =	vld [tilespmem:$0xC440]  }
0xf8: {  	v15 =	vld [tilespmem:$0xC480]  }
0xf9: {  	v17 =	vld [tilespmem:$0xC4C0]  }
0xfa: {  	v19 =	vld [tilespmem:$0xC510]  }
0xfb: {  	v22 =	vld [tilespmem:$0xC410];
	v14 =	vbroadcast v10, $0x0  }
0xfc: {  	v39 =	vld [tilespmem:$0xC450];
	v16 =	vbroadcast v10, $0x1;
	v21 =	vbroadcast v10, $0x2  }
0xfd: {  	v23 =	vld [tilespmem:$0xC490];
	v10 =	vbroadcast v10, $0x3  }
0xfe: {  	v41 =	vld [tilespmem:$0xC420];
	v18 =	vshrl.u32 v14, $0x10;
	v20 =	vshrl.u32 v16, $0x10;
	v40 =	vshrl.u32 v21, $0x10  }
0xff: {  	v25 =	vld [tilespmem:$0xC460];
	v26 =	vshrl.u32 v10, $0x10;
	v18 =	vand.u32 $0x1, v18;
	v38 =	vand.u32 $0x1, v20  }
0x100: {  	v43 =	vld [tilespmem:$0xC430];
	v26 =	vand.u32 $0x1, v26;
	v14 =	vadd.s32 v18, v14;
	v16 =	vadd.s32 v38, v16  }
0x101: {  	v27 =	vld [tilespmem:$0xC530];
	v18 =	vand.u32 $0x1, v40;
	v10 =	vadd.s32 v26, v10;
	v14 =	vadd.s32 $0x7FFF, v14  }
0x102: {  	v46 =	vld [tilespmem:$0xC4D0];
	v16 =	vadd.s32 $0x7FFF, v16;
	v18 =	vadd.s32 v18, v21;
	v14 =	vand.u32 $0xFFFF0000, v14  }
0x103: {  	v52 =	vld [tilespmem:$0xC4E0];
	v10 =	vadd.s32 $0x7FFF, v10;
	v16 =	vand.u32 $0xFFFF0000, v16;
	v12 =	vmul.f32 v14, v12  }
0x104: {  	v45 =	vld [tilespmem:$0xC470];
	v18 =	vadd.s32 $0x7FFF, v18;
	v42 =	vmul.f32 v16, v13;
	v22 =	vmul.f32 v14, v22  }
0x105: {  	v24 =	vld [tilespmem:$0xC520];
	v10 =	vand.u32 $0xFFFF0000, v10;
	v20 =	vmul.f32 v16, v39;
	v47 =	vmul.f32 v14, v41  }
0x106: {  	v49 =	vld [tilespmem:$0xC4B0];
	v17 =	vmul.f32 v10, v17;
	v13 =	vmul.f32 v14, v43;
	v11 =	vadd.f32 v12, v11  }
0x107: {  	v48 =	vld [tilespmem:$0xC4A0];
	v18 =	vand.u32 $0xFFFF0000, v18;
	v51 =	vmul.f32 v16, v25;
	v57 =	vmul.f32 v10, v46  }
0x108: {  	v53 =	vld [tilespmem:$0xC4F0];
	v58 =	vmul.f32 v10, v52;
	v44 =	vmul.f32 v18, v15;
	v11 =	vadd.f32 v11, v42  }
0x109: {  	v15 =	vmul.f32 v16, v45;
	v19 =	vadd.f32 v22, v19;
	v13 =	vadd.f32 v13, v27  }
0x10a: {  	v50 =	vmul.f32 v18, v23;
	v12 =	vadd.f32 v47, v24;
	v11 =	vadd.f32 v11, v44  }
0x10b: {  	v14 =	vmul.f32 v18, v49;
	v19 =	vadd.f32 v20, v19;
	v13 =	vadd.f32 v15, v13  }
0x10c: {  	v56 =	vmul.f32 v18, v48;
	v12 =	vadd.f32 v51, v12;
	v11 =	vadd.f32 v11, v17  }
0x10d: {  	v10 =	vmul.f32 v10, v53;
	v54 =	vadd.f32 v50, v19;
	v13 =	vadd.f32 v14, v13  }
0x10e: {  	v12 =	vadd.f32 v56, v12;
	v55 =	vshrl.u32 v11, $0x10  }
0x10f: {  	v17 =	vadd.f32 v57, v54;
	v10 =	vadd.f32 v10, v13;
	v15 =	vand.u32 $0x1, v55  }
0x110: {  	v12 =	vadd.f32 v58, v12;
	v11 =	vadd.s32 v15, v11  }
0x111: {  	v62 =	vld [tilespmem:$0xC5B0];
	v59 =	vshrl.u32 v17, $0x10;
	v61 =	vshrl.u32 v10, $0x10;
	v11 =	vadd.s32 $0x7FFF, v11  }
0x112: {  	v60 =	vshrl.u32 v12, $0x10;
	v63 =	vand.u32 $0x1, v61;
	v11 =	vand.u32 $0xFFFF0000, v11  }
0x113: {  	v10 =	vadd.s32 v63, v10;
	v8 =	vadd.f32 v11, v8;
	v11 =	vand.u32 $0x1, v59  }
0x114: {  	v13 =	vand.u32 $0x1, v60;
	v10 =	vadd.s32 $0x7FFF, v10;
	v11 =	vadd.s32 v11, v17  }
0x115: {  	v12 =	vadd.s32 v13, v12;
	v10 =	vand.u32 $0xFFFF0000, v10;
	v11 =	vadd.s32 $0x7FFF, v11  }
0x116: {  	v12 =	vadd.s32 $0x7FFF, v12;
	v10 =	vadd.f32 v10, v62;
	v11 =	vand.u32 $0xFFFF0000, v11  }
0x117: {  	[tilespmem:$0xC580] =	vst v8;
	v7 =	vadd.f32 v11, v7;
	v11 =	vand.u32 $0xFFFF0000, v12  }
0x118: {  	[tilespmem:$0xC5B0] =	vst v10;
	v5 =	vadd.f32 v11, v5  }
0x119: {  	[tilespmem:$0xC590] =	vst v7  }
0x11a: {  	[tilespmem:$0xC5A0] =	vst v5  }
.LBB2_14:
0x11b: {  	(v2sf) =	vpush v9, $0x4;
	_ =	sdelay $0xe  }
0x11c: {  	s19 =	spop (v2sf)  }
0x11d: {  	p0 =	sne.s32 s19, $0x0  }
.Ltmp13:
0x11e: {  	_ = 	snop;
	(pc) =	sbr.rel @p0 .LBB2_16-.Ltmp13, $1  }
0x11f: {  	_ =	sdelay $0x3  }
0x120: {  	v10 =	vld [tilespmem:s18+$0xFFFFFFF0]  }
0x121: {  	v11 =	vld [tilespmem:$0xC500]  }
0x122: {  	v12 =	vld [tilespmem:$0xC400]  }
0x123: {  	v13 =	vld [tilespmem:$0xC440]  }
0x124: {  	v15 =	vld [tilespmem:$0xC480]  }
0x125: {  	v17 =	vld [tilespmem:$0xC4C0]  }
0x126: {  	v19 =	vld [tilespmem:$0xC510]  }
0x127: {  	v22 =	vld [tilespmem:$0xC410];
	v14 =	vbroadcast v10, $0x0  }
0x128: {  	v39 =	vld [tilespmem:$0xC450];
	v16 =	vbroadcast v10, $0x1;
	v21 =	vbroadcast v10, $0x2  }
0x129: {  	v23 =	vld [tilespmem:$0xC490];
	v10 =	vbroadcast v10, $0x3  }
0x12a: {  	v41 =	vld [tilespmem:$0xC420];
	v18 =	vshrl.u32 v14, $0x10;
	v20 =	vshrl.u32 v16, $0x10;
	v40 =	vshrl.u32 v21, $0x10  }
0x12b: {  	v25 =	vld [tilespmem:$0xC460];
	v26 =	vshrl.u32 v10, $0x10;
	v18 =	vand.u32 $0x1, v18;
	v38 =	vand.u32 $0x1, v20  }
0x12c: {  	v43 =	vld [tilespmem:$0xC430];
	v26 =	vand.u32 $0x1, v26;
	v14 =	vadd.s32 v18, v14;
	v16 =	vadd.s32 v38, v16  }
0x12d: {  	v27 =	vld [tilespmem:$0xC530];
	v18 =	vand.u32 $0x1, v40;
	v10 =	vadd.s32 v26, v10;
	v14 =	vadd.s32 $0x7FFF, v14  }
0x12e: {  	v46 =	vld [tilespmem:$0xC4D0];
	v16 =	vadd.s32 $0x7FFF, v16;
	v18 =	vadd.s32 v18, v21;
	v14 =	vand.u32 $0xFFFF0000, v14  }
0x12f: {  	v52 =	vld [tilespmem:$0xC4E0];
	v10 =	vadd.s32 $0x7FFF, v10;
	v16 =	vand.u32 $0xFFFF0000, v16;
	v12 =	vmul.f32 v14, v12  }
0x130: {  	v45 =	vld [tilespmem:$0xC470];
	v18 =	vadd.s32 $0x7FFF, v18;
	v42 =	vmul.f32 v16, v13;
	v22 =	vmul.f32 v14, v22  }
0x131: {  	v24 =	vld [tilespmem:$0xC520];
	v10 =	vand.u32 $0xFFFF0000, v10;
	v20 =	vmul.f32 v16, v39;
	v47 =	vmul.f32 v14, v41  }
0x132: {  	v49 =	vld [tilespmem:$0xC4B0];
	v17 =	vmul.f32 v10, v17;
	v13 =	vmul.f32 v14, v43;
	v11 =	vadd.f32 v12, v11  }
0x133: {  	v48 =	vld [tilespmem:$0xC4A0];
	v18 =	vand.u32 $0xFFFF0000, v18;
	v51 =	vmul.f32 v16, v25;
	v57 =	vmul.f32 v10, v46  }
0x134: {  	v53 =	vld [tilespmem:$0xC4F0];
	v58 =	vmul.f32 v10, v52;
	v44 =	vmul.f32 v18, v15;
	v11 =	vadd.f32 v11, v42  }
0x135: {  	v15 =	vmul.f32 v16, v45;
	v19 =	vadd.f32 v22, v19;
	v13 =	vadd.f32 v13, v27  }
0x136: {  	v50 =	vmul.f32 v18, v23;
	v12 =	vadd.f32 v47, v24;
	v11 =	vadd.f32 v11, v44  }
0x137: {  	v14 =	vmul.f32 v18, v49;
	v19 =	vadd.f32 v20, v19;
	v13 =	vadd.f32 v15, v13  }
0x138: {  	v56 =	vmul.f32 v18, v48;
	v12 =	vadd.f32 v51, v12;
	v11 =	vadd.f32 v11, v17  }
0x139: {  	v10 =	vmul.f32 v10, v53;
	v54 =	vadd.f32 v50, v19;
	v13 =	vadd.f32 v14, v13  }
0x13a: {  	v12 =	vadd.f32 v56, v12;
	v55 =	vshrl.u32 v11, $0x10  }
0x13b: {  	v17 =	vadd.f32 v57, v54;
	v10 =	vadd.f32 v10, v13;
	v15 =	vand.u32 $0x1, v55  }
0x13c: {  	v12 =	vadd.f32 v58, v12;
	v11 =	vadd.s32 v15, v11  }
0x13d: {  	v62 =	vld [tilespmem:$0xC5B0];
	v59 =	vshrl.u32 v17, $0x10;
	v61 =	vshrl.u32 v10, $0x10;
	v11 =	vadd.s32 $0x7FFF, v11  }
0x13e: {  	v60 =	vshrl.u32 v12, $0x10;
	v63 =	vand.u32 $0x1, v61;
	v11 =	vand.u32 $0xFFFF0000, v11  }
0x13f: {  	v10 =	vadd.s32 v63, v10;
	v8 =	vadd.f32 v11, v8;
	v11 =	vand.u32 $0x1, v59  }
0x140: {  	v13 =	vand.u32 $0x1, v60;
	v10 =	vadd.s32 $0x7FFF, v10;
	v11 =	vadd.s32 v11, v17  }
0x141: {  	v12 =	vadd.s32 v13, v12;
	v10 =	vand.u32 $0xFFFF0000, v10;
	v11 =	vadd.s32 $0x7FFF, v11  }
0x142: {  	v12 =	vadd.s32 $0x7FFF, v12;
	v10 =	vadd.f32 v10, v62;
	v11 =	vand.u32 $0xFFFF0000, v11  }
0x143: {  	[tilespmem:$0xC580] =	vst v8;
	v7 =	vadd.f32 v11, v7;
	v11 =	vand.u32 $0xFFFF0000, v12  }
0x144: {  	[tilespmem:$0xC5B0] =	vst v10;
	v5 =	vadd.f32 v11, v5  }
0x145: {  	[tilespmem:$0xC590] =	vst v7  }
0x146: {  	[tilespmem:$0xC5A0] =	vst v5  }
.LBB2_16:
0x147: {  	(v2sf) =	vpush v9, $0x5;
	_ =	sdelay $0xe  }
0x148: {  	s19 =	spop (v2sf)  }
0x149: {  	p0 =	sne.s32 s19, $0x0  }
.Ltmp14:
0x14a: {  	_ = 	snop;
	(pc) =	sbr.rel @p0 .LBB2_18-.Ltmp14, $1  }
0x14b: {  	_ =	sdelay $0x3  }
0x14c: {  	v10 =	vld [tilespmem:s18+$0xFFFFFFF4]  }
0x14d: {  	v11 =	vld [tilespmem:$0xC500]  }
0x14e: {  	v12 =	vld [tilespmem:$0xC400]  }
0x14f: {  	v13 =	vld [tilespmem:$0xC440]  }
0x150: {  	v15 =	vld [tilespmem:$0xC480]  }
0x151: {  	v17 =	vld [tilespmem:$0xC4C0]  }
0x152: {  	v19 =	vld [tilespmem:$0xC510]  }
0x153: {  	v22 =	vld [tilespmem:$0xC410];
	v14 =	vbroadcast v10, $0x0  }
0x154: {  	v39 =	vld [tilespmem:$0xC450];
	v16 =	vbroadcast v10, $0x1;
	v21 =	vbroadcast v10, $0x2  }
0x155: {  	v23 =	vld [tilespmem:$0xC490];
	v10 =	vbroadcast v10, $0x3  }
0x156: {  	v41 =	vld [tilespmem:$0xC420];
	v18 =	vshrl.u32 v14, $0x10;
	v20 =	vshrl.u32 v16, $0x10;
	v40 =	vshrl.u32 v21, $0x10  }
0x157: {  	v25 =	vld [tilespmem:$0xC460];
	v26 =	vshrl.u32 v10, $0x10;
	v18 =	vand.u32 $0x1, v18;
	v38 =	vand.u32 $0x1, v20  }
0x158: {  	v43 =	vld [tilespmem:$0xC430];
	v26 =	vand.u32 $0x1, v26;
	v14 =	vadd.s32 v18, v14;
	v16 =	vadd.s32 v38, v16  }
0x159: {  	v27 =	vld [tilespmem:$0xC530];
	v18 =	vand.u32 $0x1, v40;
	v10 =	vadd.s32 v26, v10;
	v14 =	vadd.s32 $0x7FFF, v14  }
0x15a: {  	v46 =	vld [tilespmem:$0xC4D0];
	v16 =	vadd.s32 $0x7FFF, v16;
	v18 =	vadd.s32 v18, v21;
	v14 =	vand.u32 $0xFFFF0000, v14  }
0x15b: {  	v52 =	vld [tilespmem:$0xC4E0];
	v10 =	vadd.s32 $0x7FFF, v10;
	v16 =	vand.u32 $0xFFFF0000, v16;
	v12 =	vmul.f32 v14, v12  }
0x15c: {  	v45 =	vld [tilespmem:$0xC470];
	v18 =	vadd.s32 $0x7FFF, v18;
	v42 =	vmul.f32 v16, v13;
	v22 =	vmul.f32 v14, v22  }
0x15d: {  	v24 =	vld [tilespmem:$0xC520];
	v10 =	vand.u32 $0xFFFF0000, v10;
	v20 =	vmul.f32 v16, v39;
	v47 =	vmul.f32 v14, v41  }
0x15e: {  	v49 =	vld [tilespmem:$0xC4B0];
	v17 =	vmul.f32 v10, v17;
	v13 =	vmul.f32 v14, v43;
	v11 =	vadd.f32 v12, v11  }
0x15f: {  	v48 =	vld [tilespmem:$0xC4A0];
	v18 =	vand.u32 $0xFFFF0000, v18;
	v51 =	vmul.f32 v16, v25;
	v57 =	vmul.f32 v10, v46  }
0x160: {  	v53 =	vld [tilespmem:$0xC4F0];
	v58 =	vmul.f32 v10, v52;
	v44 =	vmul.f32 v18, v15;
	v11 =	vadd.f32 v11, v42  }
0x161: {  	v15 =	vmul.f32 v16, v45;
	v19 =	vadd.f32 v22, v19;
	v13 =	vadd.f32 v13, v27  }
0x162: {  	v50 =	vmul.f32 v18, v23;
	v12 =	vadd.f32 v47, v24;
	v11 =	vadd.f32 v11, v44  }
0x163: {  	v14 =	vmul.f32 v18, v49;
	v19 =	vadd.f32 v20, v19;
	v13 =	vadd.f32 v15, v13  }
0x164: {  	v56 =	vmul.f32 v18, v48;
	v12 =	vadd.f32 v51, v12;
	v11 =	vadd.f32 v11, v17  }
0x165: {  	v10 =	vmul.f32 v10, v53;
	v54 =	vadd.f32 v50, v19;
	v13 =	vadd.f32 v14, v13  }
0x166: {  	v12 =	vadd.f32 v56, v12;
	v55 =	vshrl.u32 v11, $0x10  }
0x167: {  	v17 =	vadd.f32 v57, v54;
	v10 =	vadd.f32 v10, v13;
	v15 =	vand.u32 $0x1, v55  }
0x168: {  	v12 =	vadd.f32 v58, v12;
	v11 =	vadd.s32 v15, v11  }
0x169: {  	v62 =	vld [tilespmem:$0xC5B0];
	v59 =	vshrl.u32 v17, $0x10;
	v61 =	vshrl.u32 v10, $0x10;
	v11 =	vadd.s32 $0x7FFF, v11  }
0x16a: {  	v60 =	vshrl.u32 v12, $0x10;
	v63 =	vand.u32 $0x1, v61;
	v11 =	vand.u32 $0xFFFF0000, v11  }
0x16b: {  	v10 =	vadd.s32 v63, v10;
	v8 =	vadd.f32 v11, v8;
	v11 =	vand.u32 $0x1, v59  }
0x16c: {  	v13 =	vand.u32 $0x1, v60;
	v10 =	vadd.s32 $0x7FFF, v10;
	v11 =	vadd.s32 v11, v17  }
0x16d: {  	v12 =	vadd.s32 v13, v12;
	v10 =	vand.u32 $0xFFFF0000, v10;
	v11 =	vadd.s32 $0x7FFF, v11  }
0x16e: {  	v12 =	vadd.s32 $0x7FFF, v12;
	v10 =	vadd.f32 v10, v62;
	v11 =	vand.u32 $0xFFFF0000, v11  }
0x16f: {  	[tilespmem:$0xC580] =	vst v8;
	v7 =	vadd.f32 v11, v7;
	v11 =	vand.u32 $0xFFFF0000, v12  }
0x170: {  	[tilespmem:$0xC5B0] =	vst v10;
	v5 =	vadd.f32 v11, v5  }
0x171: {  	[tilespmem:$0xC590] =	vst v7  }
0x172: {  	[tilespmem:$0xC5A0] =	vst v5  }
.LBB2_18:
0x173: {  	(v2sf) =	vpush v9, $0x6;
	_ =	sdelay $0xe  }
0x174: {  	s19 =	spop (v2sf)  }
0x175: {  	p0 =	sne.s32 s19, $0x0  }
.Ltmp15:
0x176: {  	_ = 	snop;
	(pc) =	sbr.rel @p0 .LBB2_20-.Ltmp15, $1  }
0x177: {  	_ =	sdelay $0x3  }
0x178: {  	v10 =	vld [tilespmem:s18+$0xFFFFFFF8]  }
0x179: {  	v11 =	vld [tilespmem:$0xC500]  }
0x17a: {  	v12 =	vld [tilespmem:$0xC400]  }
0x17b: {  	v13 =	vld [tilespmem:$0xC440]  }
0x17c: {  	v15 =	vld [tilespmem:$0xC480]  }
0x17d: {  	v17 =	vld [tilespmem:$0xC4C0]  }
0x17e: {  	v19 =	vld [tilespmem:$0xC510]  }
0x17f: {  	v22 =	vld [tilespmem:$0xC410];
	v14 =	vbroadcast v10, $0x0  }
0x180: {  	v39 =	vld [tilespmem:$0xC450];
	v16 =	vbroadcast v10, $0x1;
	v21 =	vbroadcast v10, $0x2  }
0x181: {  	v23 =	vld [tilespmem:$0xC490];
	v10 =	vbroadcast v10, $0x3  }
0x182: {  	v41 =	vld [tilespmem:$0xC420];
	v18 =	vshrl.u32 v14, $0x10;
	v20 =	vshrl.u32 v16, $0x10;
	v40 =	vshrl.u32 v21, $0x10  }
0x183: {  	v25 =	vld [tilespmem:$0xC460];
	v26 =	vshrl.u32 v10, $0x10;
	v18 =	vand.u32 $0x1, v18;
	v38 =	vand.u32 $0x1, v20  }
0x184: {  	v43 =	vld [tilespmem:$0xC430];
	v26 =	vand.u32 $0x1, v26;
	v14 =	vadd.s32 v18, v14;
	v16 =	vadd.s32 v38, v16  }
0x185: {  	v27 =	vld [tilespmem:$0xC530];
	v18 =	vand.u32 $0x1, v40;
	v10 =	vadd.s32 v26, v10;
	v14 =	vadd.s32 $0x7FFF, v14  }
0x186: {  	v46 =	vld [tilespmem:$0xC4D0];
	v16 =	vadd.s32 $0x7FFF, v16;
	v18 =	vadd.s32 v18, v21;
	v14 =	vand.u32 $0xFFFF0000, v14  }
0x187: {  	v52 =	vld [tilespmem:$0xC4E0];
	v10 =	vadd.s32 $0x7FFF, v10;
	v16 =	vand.u32 $0xFFFF0000, v16;
	v12 =	vmul.f32 v14, v12  }
0x188: {  	v45 =	vld [tilespmem:$0xC470];
	v18 =	vadd.s32 $0x7FFF, v18;
	v42 =	vmul.f32 v16, v13;
	v22 =	vmul.f32 v14, v22  }
0x189: {  	v24 =	vld [tilespmem:$0xC520];
	v10 =	vand.u32 $0xFFFF0000, v10;
	v20 =	vmul.f32 v16, v39;
	v47 =	vmul.f32 v14, v41  }
0x18a: {  	v49 =	vld [tilespmem:$0xC4B0];
	v17 =	vmul.f32 v10, v17;
	v13 =	vmul.f32 v14, v43;
	v11 =	vadd.f32 v12, v11  }
0x18b: {  	v48 =	vld [tilespmem:$0xC4A0];
	v18 =	vand.u32 $0xFFFF0000, v18;
	v51 =	vmul.f32 v16, v25;
	v57 =	vmul.f32 v10, v46  }
0x18c: {  	v53 =	vld [tilespmem:$0xC4F0];
	v58 =	vmul.f32 v10, v52;
	v44 =	vmul.f32 v18, v15;
	v11 =	vadd.f32 v11, v42  }
0x18d: {  	v15 =	vmul.f32 v16, v45;
	v19 =	vadd.f32 v22, v19;
	v13 =	vadd.f32 v13, v27  }
0x18e: {  	v50 =	vmul.f32 v18, v23;
	v12 =	vadd.f32 v47, v24;
	v11 =	vadd.f32 v11, v44  }
0x18f: {  	v14 =	vmul.f32 v18, v49;
	v19 =	vadd.f32 v20, v19;
	v13 =	vadd.f32 v15, v13  }
0x190: {  	v56 =	vmul.f32 v18, v48;
	v12 =	vadd.f32 v51, v12;
	v11 =	vadd.f32 v11, v17  }
0x191: {  	v10 =	vmul.f32 v10, v53;
	v54 =	vadd.f32 v50, v19;
	v13 =	vadd.f32 v14, v13  }
0x192: {  	v12 =	vadd.f32 v56, v12;
	v55 =	vshrl.u32 v11, $0x10  }
0x193: {  	v17 =	vadd.f32 v57, v54;
	v10 =	vadd.f32 v10, v13;
	v15 =	vand.u32 $0x1, v55  }
0x194: {  	v12 =	vadd.f32 v58, v12;
	v11 =	vadd.s32 v15, v11  }
0x195: {  	v62 =	vld [tilespmem:$0xC5B0];
	v59 =	vshrl.u32 v17, $0x10;
	v61 =	vshrl.u32 v10, $0x10;
	v11 =	vadd.s32 $0x7FFF, v11  }
0x196: {  	v60 =	vshrl.u32 v12, $0x10;
	v63 =	vand.u32 $0x1, v61;
	v11 =	vand.u32 $0xFFFF0000, v11  }
0x197: {  	v10 =	vadd.s32 v63, v10;
	v8 =	vadd.f32 v11, v8;
	v11 =	vand.u32 $0x1, v59  }
0x198: {  	v13 =	vand.u32 $0x1, v60;
	v10 =	vadd.s32 $0x7FFF, v10;
	v11 =	vadd.s32 v11, v17  }
0x199: {  	v12 =	vadd.s32 v13, v12;
	v10 =	vand.u32 $0xFFFF0000, v10;
	v11 =	vadd.s32 $0x7FFF, v11  }
0x19a: {  	v12 =	vadd.s32 $0x7FFF, v12;
	v10 =	vadd.f32 v10, v62;
	v11 =	vand.u32 $0xFFFF0000, v11  }
0x19b: {  	[tilespmem:$0xC580] =	vst v8;
	v7 =	vadd.f32 v11, v7;
	v11 =	vand.u32 $0xFFFF0000, v12  }
0x19c: {  	[tilespmem:$0xC5B0] =	vst v10;
	v5 =	vadd.f32 v11, v5  }
0x19d: {  	[tilespmem:$0xC590] =	vst v7  }
0x19e: {  	[tilespmem:$0xC5A0] =	vst v5  }
.LBB2_20:
0x19f: {  	(v2sf) =	vpush v9, $0x7;
	_ =	sdelay $0xe  }
0x1a0: {  	s19 =	spop (v2sf)  }
0x1a1: {  	p0 =	sne.s32 s19, $0x0  }
.Ltmp16:
0x1a2: {  	_ = 	snop;
	(pc) =	sbr.rel @p0 .LBB2_22-.Ltmp16, $1  }
0x1a3: {  	_ =	sdelay $0x3  }
0x1a4: {  	v10 =	vld [tilespmem:s18+$0xFFFFFFFC]  }
0x1a5: {  	v11 =	vld [tilespmem:$0xC500]  }
0x1a6: {  	v12 =	vld [tilespmem:$0xC400]  }
0x1a7: {  	v13 =	vld [tilespmem:$0xC440]  }
0x1a8: {  	v15 =	vld [tilespmem:$0xC480]  }
0x1a9: {  	v17 =	vld [tilespmem:$0xC4C0]  }
0x1aa: {  	v19 =	vld [tilespmem:$0xC510]  }
0x1ab: {  	v22 =	vld [tilespmem:$0xC410];
	v14 =	vbroadcast v10, $0x0  }
0x1ac: {  	v39 =	vld [tilespmem:$0xC450];
	v16 =	vbroadcast v10, $0x1;
	v21 =	vbroadcast v10, $0x2  }
0x1ad: {  	v23 =	vld [tilespmem:$0xC490];
	v10 =	vbroadcast v10, $0x3  }
0x1ae: {  	v41 =	vld [tilespmem:$0xC420];
	v18 =	vshrl.u32 v14, $0x10;
	v20 =	vshrl.u32 v16, $0x10;
	v40 =	vshrl.u32 v21, $0x10  }
0x1af: {  	v25 =	vld [tilespmem:$0xC460];
	v26 =	vshrl.u32 v10, $0x10;
	v18 =	vand.u32 $0x1, v18;
	v38 =	vand.u32 $0x1, v20  }
0x1b0: {  	v43 =	vld [tilespmem:$0xC430];
	v26 =	vand.u32 $0x1, v26;
	v14 =	vadd.s32 v18, v14;
	v16 =	vadd.s32 v38, v16  }
0x1b1: {  	v27 =	vld [tilespmem:$0xC530];
	v18 =	vand.u32 $0x1, v40;
	v10 =	vadd.s32 v26, v10;
	v14 =	vadd.s32 $0x7FFF, v14  }
0x1b2: {  	v46 =	vld [tilespmem:$0xC4D0];
	v16 =	vadd.s32 $0x7FFF, v16;
	v18 =	vadd.s32 v18, v21;
	v14 =	vand.u32 $0xFFFF0000, v14  }
0x1b3: {  	v52 =	vld [tilespmem:$0xC4E0];
	v10 =	vadd.s32 $0x7FFF, v10;
	v16 =	vand.u32 $0xFFFF0000, v16;
	v12 =	vmul.f32 v14, v12  }
0x1b4: {  	v45 =	vld [tilespmem:$0xC470];
	v18 =	vadd.s32 $0x7FFF, v18;
	v42 =	vmul.f32 v16, v13;
	v22 =	vmul.f32 v14, v22  }
0x1b5: {  	v24 =	vld [tilespmem:$0xC520];
	v10 =	vand.u32 $0xFFFF0000, v10;
	v20 =	vmul.f32 v16, v39;
	v47 =	vmul.f32 v14, v41  }
0x1b6: {  	v49 =	vld [tilespmem:$0xC4B0];
	v17 =	vmul.f32 v10, v17;
	v13 =	vmul.f32 v14, v43;
	v11 =	vadd.f32 v12, v11  }
0x1b7: {  	v48 =	vld [tilespmem:$0xC4A0];
	v18 =	vand.u32 $0xFFFF0000, v18;
	v51 =	vmul.f32 v16, v25;
	v57 =	vmul.f32 v10, v46  }
0x1b8: {  	v53 =	vld [tilespmem:$0xC4F0];
	v58 =	vmul.f32 v10, v52;
	v44 =	vmul.f32 v18, v15;
	v11 =	vadd.f32 v11, v42  }
0x1b9: {  	v15 =	vmul.f32 v16, v45;
	v19 =	vadd.f32 v22, v19;
	v13 =	vadd.f32 v13, v27  }
0x1ba: {  	v50 =	vmul.f32 v18, v23;
	v12 =	vadd.f32 v47, v24;
	v11 =	vadd.f32 v11, v44  }
0x1bb: {  	v14 =	vmul.f32 v18, v49;
	v19 =	vadd.f32 v20, v19;
	v13 =	vadd.f32 v15, v13  }
0x1bc: {  	v56 =	vmul.f32 v18, v48;
	v12 =	vadd.f32 v51, v12;
	v11 =	vadd.f32 v11, v17  }
0x1bd: {  	v10 =	vmul.f32 v10, v53;
	v54 =	vadd.f32 v50, v19;
	v13 =	vadd.f32 v14, v13  }
0x1be: {  	v12 =	vadd.f32 v56, v12;
	v55 =	vshrl.u32 v11, $0x10  }
0x1bf: {  	v17 =	vadd.f32 v57, v54;
	v10 =	vadd.f32 v10, v13;
	v15 =	vand.u32 $0x1, v55  }
0x1c0: {  	v12 =	vadd.f32 v58, v12;
	v11 =	vadd.s32 v15, v11  }
0x1c1: {  	v62 =	vld [tilespmem:$0xC5B0];
	v59 =	vshrl.u32 v17, $0x10;
	v61 =	vshrl.u32 v10, $0x10;
	v11 =	vadd.s32 $0x7FFF, v11  }
0x1c2: {  	v60 =	vshrl.u32 v12, $0x10;
	v63 =	vand.u32 $0x1, v61;
	v11 =	vand.u32 $0xFFFF0000, v11  }
0x1c3: {  	v10 =	vadd.s32 v63, v10;
	v8 =	vadd.f32 v11, v8;
	v11 =	vand.u32 $0x1, v59  }
0x1c4: {  	v13 =	vand.u32 $0x1, v60;
	v10 =	vadd.s32 $0x7FFF, v10;
	v11 =	vadd.s32 v11, v17  }
0x1c5: {  	v12 =	vadd.s32 v13, v12;
	v10 =	vand.u32 $0xFFFF0000, v10;
	v11 =	vadd.s32 $0x7FFF, v11  }
0x1c6: {  	v12 =	vadd.s32 $0x7FFF, v12;
	v10 =	vadd.f32 v10, v62;
	v11 =	vand.u32 $0xFFFF0000, v11  }
0x1c7: {  	[tilespmem:$0xC580] =	vst v8;
	v7 =	vadd.f32 v11, v7;
	v11 =	vand.u32 $0xFFFF0000, v12  }
0x1c8: {  	[tilespmem:$0xC5B0] =	vst v10;
	v5 =	vadd.f32 v11, v5  }
0x1c9: {  	[tilespmem:$0xC590] =	vst v7  }
0x1ca: {  	[tilespmem:$0xC5A0] =	vst v5  }
.LBB2_22:
0x1cb: {  	(v2sf) =	vpush v9, $0x8;
	_ =	sdelay $0xe  }
0x1cc: {  	s19 =	spop (v2sf)  }
0x1cd: {  	p0 =	sne.s32 s19, $0x0  }
.Ltmp17:
0x1ce: {  	_ = 	snop;
	(pc) =	sbr.rel @p0 .LBB2_24-.Ltmp17, $1  }
0x1cf: {  	_ =	sdelay $0x3  }
0x1d0: {  	v10 =	vld [tilespmem:s18+$0x0]  }
0x1d1: {  	v11 =	vld [tilespmem:$0xC500]  }
0x1d2: {  	v12 =	vld [tilespmem:$0xC400]  }
0x1d3: {  	v13 =	vld [tilespmem:$0xC440]  }
0x1d4: {  	v15 =	vld [tilespmem:$0xC480]  }
0x1d5: {  	v17 =	vld [tilespmem:$0xC4C0]  }
0x1d6: {  	v19 =	vld [tilespmem:$0xC510]  }
0x1d7: {  	v22 =	vld [tilespmem:$0xC410];
	v14 =	vbroadcast v10, $0x0  }
0x1d8: {  	v39 =	vld [tilespmem:$0xC450];
	v16 =	vbroadcast v10, $0x1;
	v21 =	vbroadcast v10, $0x2  }
0x1d9: {  	v23 =	vld [tilespmem:$0xC490];
	v10 =	vbroadcast v10, $0x3  }
0x1da: {  	v41 =	vld [tilespmem:$0xC420];
	v18 =	vshrl.u32 v14, $0x10;
	v20 =	vshrl.u32 v16, $0x10;
	v40 =	vshrl.u32 v21, $0x10  }
0x1db: {  	v25 =	vld [tilespmem:$0xC460];
	v26 =	vshrl.u32 v10, $0x10;
	v18 =	vand.u32 $0x1, v18;
	v38 =	vand.u32 $0x1, v20  }
0x1dc: {  	v43 =	vld [tilespmem:$0xC430];
	v26 =	vand.u32 $0x1, v26;
	v14 =	vadd.s32 v18, v14;
	v16 =	vadd.s32 v38, v16  }
0x1dd: {  	v27 =	vld [tilespmem:$0xC530];
	v18 =	vand.u32 $0x1, v40;
	v10 =	vadd.s32 v26, v10;
	v14 =	vadd.s32 $0x7FFF, v14  }
0x1de: {  	v46 =	vld [tilespmem:$0xC4D0];
	v16 =	vadd.s32 $0x7FFF, v16;
	v18 =	vadd.s32 v18, v21;
	v14 =	vand.u32 $0xFFFF0000, v14  }
0x1df: {  	v52 =	vld [tilespmem:$0xC4E0];
	v10 =	vadd.s32 $0x7FFF, v10;
	v16 =	vand.u32 $0xFFFF0000, v16;
	v12 =	vmul.f32 v14, v12  }
0x1e0: {  	v45 =	vld [tilespmem:$0xC470];
	v18 =	vadd.s32 $0x7FFF, v18;
	v42 =	vmul.f32 v16, v13;
	v22 =	vmul.f32 v14, v22  }
0x1e1: {  	v24 =	vld [tilespmem:$0xC520];
	v10 =	vand.u32 $0xFFFF0000, v10;
	v20 =	vmul.f32 v16, v39;
	v47 =	vmul.f32 v14, v41  }
0x1e2: {  	v49 =	vld [tilespmem:$0xC4B0];
	v17 =	vmul.f32 v10, v17;
	v13 =	vmul.f32 v14, v43;
	v11 =	vadd.f32 v12, v11  }
0x1e3: {  	v48 =	vld [tilespmem:$0xC4A0];
	v18 =	vand.u32 $0xFFFF0000, v18;
	v51 =	vmul.f32 v16, v25;
	v57 =	vmul.f32 v10, v46  }
0x1e4: {  	v53 =	vld [tilespmem:$0xC4F0];
	v58 =	vmul.f32 v10, v52;
	v44 =	vmul.f32 v18, v15;
	v11 =	vadd.f32 v11, v42  }
0x1e5: {  	v15 =	vmul.f32 v16, v45;
	v19 =	vadd.f32 v22, v19;
	v13 =	vadd.f32 v13, v27  }
0x1e6: {  	v50 =	vmul.f32 v18, v23;
	v12 =	vadd.f32 v47, v24;
	v11 =	vadd.f32 v11, v44  }
0x1e7: {  	v14 =	vmul.f32 v18, v49;
	v19 =	vadd.f32 v20, v19;
	v13 =	vadd.f32 v15, v13  }
0x1e8: {  	v56 =	vmul.f32 v18, v48;
	v12 =	vadd.f32 v51, v12;
	v11 =	vadd.f32 v11, v17  }
0x1e9: {  	v10 =	vmul.f32 v10, v53;
	v54 =	vadd.f32 v50, v19;
	v13 =	vadd.f32 v14, v13  }
0x1ea: {  	v12 =	vadd.f32 v56, v12;
	v55 =	vshrl.u32 v11, $0x10  }
0x1eb: {  	v17 =	vadd.f32 v57, v54;
	v10 =	vadd.f32 v10, v13;
	v15 =	vand.u32 $0x1, v55  }
0x1ec: {  	v12 =	vadd.f32 v58, v12;
	v11 =	vadd.s32 v15, v11  }
0x1ed: {  	v62 =	vld [tilespmem:$0xC5B0];
	v59 =	vshrl.u32 v17, $0x10;
	v61 =	vshrl.u32 v10, $0x10;
	v11 =	vadd.s32 $0x7FFF, v11  }
0x1ee: {  	v60 =	vshrl.u32 v12, $0x10;
	v63 =	vand.u32 $0x1, v61;
	v11 =	vand.u32 $0xFFFF0000, v11  }
0x1ef: {  	v10 =	vadd.s32 v63, v10;
	v8 =	vadd.f32 v11, v8;
	v11 =	vand.u32 $0x1, v59  }
0x1f0: {  	v13 =	vand.u32 $0x1, v60;
	v10 =	vadd.s32 $0x7FFF, v10;
	v11 =	vadd.s32 v11, v17  }
0x1f1: {  	v12 =	vadd.s32 v13, v12;
	v10 =	vand.u32 $0xFFFF0000, v10;
	v11 =	vadd.s32 $0x7FFF, v11  }
0x1f2: {  	v12 =	vadd.s32 $0x7FFF, v12;
	v10 =	vadd.f32 v10, v62;
	v11 =	vand.u32 $0xFFFF0000, v11  }
0x1f3: {  	[tilespmem:$0xC580] =	vst v8;
	v7 =	vadd.f32 v11, v7;
	v11 =	vand.u32 $0xFFFF0000, v12  }
0x1f4: {  	[tilespmem:$0xC5B0] =	vst v10;
	v5 =	vadd.f32 v11, v5  }
0x1f5: {  	[tilespmem:$0xC590] =	vst v7  }
0x1f6: {  	[tilespmem:$0xC5A0] =	vst v5  }
.LBB2_24:
0x1f7: {  	(v2sf) =	vpush v9, $0x9;
	_ =	sdelay $0xe  }
0x1f8: {  	s19 =	spop (v2sf)  }
0x1f9: {  	p0 =	sne.s32 s19, $0x0  }
.Ltmp18:
0x1fa: {  	_ = 	snop;
	(pc) =	sbr.rel @p0 .LBB2_26-.Ltmp18, $1  }
0x1fb: {  	_ =	sdelay $0x3  }
0x1fc: {  	v10 =	vld [tilespmem:s18+$0x4]  }
0x1fd: {  	v11 =	vld [tilespmem:$0xC500]  }
0x1fe: {  	v12 =	vld [tilespmem:$0xC400]  }
0x1ff: {  	v13 =	vld [tilespmem:$0xC440]  }
0x200: {  	v15 =	vld [tilespmem:$0xC480]  }
0x201: {  	v17 =	vld [tilespmem:$0xC4C0]  }
0x202: {  	v19 =	vld [tilespmem:$0xC510]  }
0x203: {  	v22 =	vld [tilespmem:$0xC410];
	v14 =	vbroadcast v10, $0x0  }
0x204: {  	v39 =	vld [tilespmem:$0xC450];
	v16 =	vbroadcast v10, $0x1;
	v21 =	vbroadcast v10, $0x2  }
0x205: {  	v23 =	vld [tilespmem:$0xC490];
	v10 =	vbroadcast v10, $0x3  }
0x206: {  	v41 =	vld [tilespmem:$0xC420];
	v18 =	vshrl.u32 v14, $0x10;
	v20 =	vshrl.u32 v16, $0x10;
	v40 =	vshrl.u32 v21, $0x10  }
0x207: {  	v25 =	vld [tilespmem:$0xC460];
	v26 =	vshrl.u32 v10, $0x10;
	v18 =	vand.u32 $0x1, v18;
	v38 =	vand.u32 $0x1, v20  }
0x208: {  	v43 =	vld [tilespmem:$0xC430];
	v26 =	vand.u32 $0x1, v26;
	v14 =	vadd.s32 v18, v14;
	v16 =	vadd.s32 v38, v16  }
0x209: {  	v27 =	vld [tilespmem:$0xC530];
	v18 =	vand.u32 $0x1, v40;
	v10 =	vadd.s32 v26, v10;
	v14 =	vadd.s32 $0x7FFF, v14  }
0x20a: {  	v46 =	vld [tilespmem:$0xC4D0];
	v16 =	vadd.s32 $0x7FFF, v16;
	v18 =	vadd.s32 v18, v21;
	v14 =	vand.u32 $0xFFFF0000, v14  }
0x20b: {  	v52 =	vld [tilespmem:$0xC4E0];
	v10 =	vadd.s32 $0x7FFF, v10;
	v16 =	vand.u32 $0xFFFF0000, v16;
	v12 =	vmul.f32 v14, v12  }
0x20c: {  	v45 =	vld [tilespmem:$0xC470];
	v18 =	vadd.s32 $0x7FFF, v18;
	v42 =	vmul.f32 v16, v13;
	v22 =	vmul.f32 v14, v22  }
0x20d: {  	v24 =	vld [tilespmem:$0xC520];
	v10 =	vand.u32 $0xFFFF0000, v10;
	v20 =	vmul.f32 v16, v39;
	v47 =	vmul.f32 v14, v41  }
0x20e: {  	v49 =	vld [tilespmem:$0xC4B0];
	v17 =	vmul.f32 v10, v17;
	v13 =	vmul.f32 v14, v43;
	v11 =	vadd.f32 v12, v11  }
0x20f: {  	v48 =	vld [tilespmem:$0xC4A0];
	v18 =	vand.u32 $0xFFFF0000, v18;
	v51 =	vmul.f32 v16, v25;
	v57 =	vmul.f32 v10, v46  }
0x210: {  	v53 =	vld [tilespmem:$0xC4F0];
	v58 =	vmul.f32 v10, v52;
	v44 =	vmul.f32 v18, v15;
	v11 =	vadd.f32 v11, v42  }
0x211: {  	v15 =	vmul.f32 v16, v45;
	v19 =	vadd.f32 v22, v19;
	v13 =	vadd.f32 v13, v27  }
0x212: {  	v50 =	vmul.f32 v18, v23;
	v12 =	vadd.f32 v47, v24;
	v11 =	vadd.f32 v11, v44  }
0x213: {  	v14 =	vmul.f32 v18, v49;
	v19 =	vadd.f32 v20, v19;
	v13 =	vadd.f32 v15, v13  }
0x214: {  	v56 =	vmul.f32 v18, v48;
	v12 =	vadd.f32 v51, v12;
	v11 =	vadd.f32 v11, v17  }
0x215: {  	v10 =	vmul.f32 v10, v53;
	v54 =	vadd.f32 v50, v19;
	v13 =	vadd.f32 v14, v13  }
0x216: {  	v12 =	vadd.f32 v56, v12;
	v55 =	vshrl.u32 v11, $0x10  }
0x217: {  	v17 =	vadd.f32 v57, v54;
	v10 =	vadd.f32 v10, v13;
	v15 =	vand.u32 $0x1, v55  }
0x218: {  	v12 =	vadd.f32 v58, v12;
	v11 =	vadd.s32 v15, v11  }
0x219: {  	v62 =	vld [tilespmem:$0xC5B0];
	v59 =	vshrl.u32 v17, $0x10;
	v61 =	vshrl.u32 v10, $0x10;
	v11 =	vadd.s32 $0x7FFF, v11  }
0x21a: {  	v60 =	vshrl.u32 v12, $0x10;
	v63 =	vand.u32 $0x1, v61;
	v11 =	vand.u32 $0xFFFF0000, v11  }
0x21b: {  	v10 =	vadd.s32 v63, v10;
	v8 =	vadd.f32 v11, v8;
	v11 =	vand.u32 $0x1, v59  }
0x21c: {  	v13 =	vand.u32 $0x1, v60;
	v10 =	vadd.s32 $0x7FFF, v10;
	v11 =	vadd.s32 v11, v17  }
0x21d: {  	v12 =	vadd.s32 v13, v12;
	v10 =	vand.u32 $0xFFFF0000, v10;
	v11 =	vadd.s32 $0x7FFF, v11  }
0x21e: {  	v12 =	vadd.s32 $0x7FFF, v12;
	v10 =	vadd.f32 v10, v62;
	v11 =	vand.u32 $0xFFFF0000, v11  }
0x21f: {  	[tilespmem:$0xC580] =	vst v8;
	v7 =	vadd.f32 v11, v7;
	v11 =	vand.u32 $0xFFFF0000, v12  }
0x220: {  	[tilespmem:$0xC5B0] =	vst v10;
	v5 =	vadd.f32 v11, v5  }
0x221: {  	[tilespmem:$0xC590] =	vst v7  }
0x222: {  	[tilespmem:$0xC5A0] =	vst v5  }
.LBB2_26:
0x223: {  	(v2sf) =	vpush v9, $0xA;
	_ =	sdelay $0xe  }
0x224: {  	s19 =	spop (v2sf)  }
0x225: {  	p0 =	sne.s32 s19, $0x0  }
.Ltmp19:
0x226: {  	_ = 	snop;
	(pc) =	sbr.rel @p0 .LBB2_28-.Ltmp19, $1  }
0x227: {  	_ =	sdelay $0x3  }
0x228: {  	v10 =	vld [tilespmem:s18+$0x8]  }
0x229: {  	v11 =	vld [tilespmem:$0xC500]  }
0x22a: {  	v12 =	vld [tilespmem:$0xC400]  }
0x22b: {  	v13 =	vld [tilespmem:$0xC440]  }
0x22c: {  	v15 =	vld [tilespmem:$0xC480]  }
0x22d: {  	v17 =	vld [tilespmem:$0xC4C0]  }
0x22e: {  	v19 =	vld [tilespmem:$0xC510]  }
0x22f: {  	v22 =	vld [tilespmem:$0xC410];
	v14 =	vbroadcast v10, $0x0  }
0x230: {  	v39 =	vld [tilespmem:$0xC450];
	v16 =	vbroadcast v10, $0x1;
	v21 =	vbroadcast v10, $0x2  }
0x231: {  	v23 =	vld [tilespmem:$0xC490];
	v10 =	vbroadcast v10, $0x3  }
0x232: {  	v41 =	vld [tilespmem:$0xC420];
	v18 =	vshrl.u32 v14, $0x10;
	v20 =	vshrl.u32 v16, $0x10;
	v40 =	vshrl.u32 v21, $0x10  }
0x233: {  	v25 =	vld [tilespmem:$0xC460];
	v26 =	vshrl.u32 v10, $0x10;
	v18 =	vand.u32 $0x1, v18;
	v38 =	vand.u32 $0x1, v20  }
0x234: {  	v43 =	vld [tilespmem:$0xC430];
	v26 =	vand.u32 $0x1, v26;
	v14 =	vadd.s32 v18, v14;
	v16 =	vadd.s32 v38, v16  }
0x235: {  	v27 =	vld [tilespmem:$0xC530];
	v18 =	vand.u32 $0x1, v40;
	v10 =	vadd.s32 v26, v10;
	v14 =	vadd.s32 $0x7FFF, v14  }
0x236: {  	v46 =	vld [tilespmem:$0xC4D0];
	v16 =	vadd.s32 $0x7FFF, v16;
	v18 =	vadd.s32 v18, v21;
	v14 =	vand.u32 $0xFFFF0000, v14  }
0x237: {  	v52 =	vld [tilespmem:$0xC4E0];
	v10 =	vadd.s32 $0x7FFF, v10;
	v16 =	vand.u32 $0xFFFF0000, v16;
	v12 =	vmul.f32 v14, v12  }
0x238: {  	v45 =	vld [tilespmem:$0xC470];
	v18 =	vadd.s32 $0x7FFF, v18;
	v42 =	vmul.f32 v16, v13;
	v22 =	vmul.f32 v14, v22  }
0x239: {  	v24 =	vld [tilespmem:$0xC520];
	v10 =	vand.u32 $0xFFFF0000, v10;
	v20 =	vmul.f32 v16, v39;
	v47 =	vmul.f32 v14, v41  }
0x23a: {  	v49 =	vld [tilespmem:$0xC4B0];
	v17 =	vmul.f32 v10, v17;
	v13 =	vmul.f32 v14, v43;
	v11 =	vadd.f32 v12, v11  }
0x23b: {  	v48 =	vld [tilespmem:$0xC4A0];
	v18 =	vand.u32 $0xFFFF0000, v18;
	v51 =	vmul.f32 v16, v25;
	v57 =	vmul.f32 v10, v46  }
0x23c: {  	v53 =	vld [tilespmem:$0xC4F0];
	v58 =	vmul.f32 v10, v52;
	v44 =	vmul.f32 v18, v15;
	v11 =	vadd.f32 v11, v42  }
0x23d: {  	v15 =	vmul.f32 v16, v45;
	v19 =	vadd.f32 v22, v19;
	v13 =	vadd.f32 v13, v27  }
0x23e: {  	v50 =	vmul.f32 v18, v23;
	v12 =	vadd.f32 v47, v24;
	v11 =	vadd.f32 v11, v44  }
0x23f: {  	v14 =	vmul.f32 v18, v49;
	v19 =	vadd.f32 v20, v19;
	v13 =	vadd.f32 v15, v13  }
0x240: {  	v56 =	vmul.f32 v18, v48;
	v12 =	vadd.f32 v51, v12;
	v11 =	vadd.f32 v11, v17  }
0x241: {  	v10 =	vmul.f32 v10, v53;
	v54 =	vadd.f32 v50, v19;
	v13 =	vadd.f32 v14, v13  }
0x242: {  	v12 =	vadd.f32 v56, v12;
	v55 =	vshrl.u32 v11, $0x10  }
0x243: {  	v17 =	vadd.f32 v57, v54;
	v10 =	vadd.f32 v10, v13;
	v15 =	vand.u32 $0x1, v55  }
0x244: {  	v12 =	vadd.f32 v58, v12;
	v11 =	vadd.s32 v15, v11  }
0x245: {  	v62 =	vld [tilespmem:$0xC5B0];
	v59 =	vshrl.u32 v17, $0x10;
	v61 =	vshrl.u32 v10, $0x10;
	v11 =	vadd.s32 $0x7FFF, v11  }
0x246: {  	v60 =	vshrl.u32 v12, $0x10;
	v63 =	vand.u32 $0x1, v61;
	v11 =	vand.u32 $0xFFFF0000, v11  }
0x247: {  	v10 =	vadd.s32 v63, v10;
	v8 =	vadd.f32 v11, v8;
	v11 =	vand.u32 $0x1, v59  }
0x248: {  	v13 =	vand.u32 $0x1, v60;
	v10 =	vadd.s32 $0x7FFF, v10;
	v11 =	vadd.s32 v11, v17  }
0x249: {  	v12 =	vadd.s32 v13, v12;
	v10 =	vand.u32 $0xFFFF0000, v10;
	v11 =	vadd.s32 $0x7FFF, v11  }
0x24a: {  	v12 =	vadd.s32 $0x7FFF, v12;
	v10 =	vadd.f32 v10, v62;
	v11 =	vand.u32 $0xFFFF0000, v11  }
0x24b: {  	[tilespmem:$0xC580] =	vst v8;
	v7 =	vadd.f32 v11, v7;
	v11 =	vand.u32 $0xFFFF0000, v12  }
0x24c: {  	[tilespmem:$0xC5B0] =	vst v10;
	v5 =	vadd.f32 v11, v5  }
0x24d: {  	[tilespmem:$0xC590] =	vst v7  }
0x24e: {  	[tilespmem:$0xC5A0] =	vst v5  }
.LBB2_28:
0x24f: {  	(v2sf) =	vpush v9, $0xB;
	_ =	sdelay $0xe  }
0x250: {  	s19 =	spop (v2sf)  }
0x251: {  	p0 =	sne.s32 s19, $0x0  }
.Ltmp20:
0x252: {  	_ = 	snop;
	(pc) =	sbr.rel @p0 .LBB2_30-.Ltmp20, $1  }
0x253: {  	_ =	sdelay $0x3  }
0x254: {  	v10 =	vld [tilespmem:s18+$0xC]  }
0x255: {  	v11 =	vld [tilespmem:$0xC500]  }
0x256: {  	v12 =	vld [tilespmem:$0xC400]  }
0x257: {  	v13 =	vld [tilespmem:$0xC440]  }
0x258: {  	v15 =	vld [tilespmem:$0xC480]  }
0x259: {  	v17 =	vld [tilespmem:$0xC4C0]  }
0x25a: {  	v19 =	vld [tilespmem:$0xC510]  }
0x25b: {  	v22 =	vld [tilespmem:$0xC410];
	v14 =	vbroadcast v10, $0x0  }
0x25c: {  	v39 =	vld [tilespmem:$0xC450];
	v16 =	vbroadcast v10, $0x1;
	v21 =	vbroadcast v10, $0x2  }
0x25d: {  	v23 =	vld [tilespmem:$0xC490];
	v10 =	vbroadcast v10, $0x3  }
0x25e: {  	v41 =	vld [tilespmem:$0xC420];
	v18 =	vshrl.u32 v14, $0x10;
	v20 =	vshrl.u32 v16, $0x10;
	v40 =	vshrl.u32 v21, $0x10  }
0x25f: {  	v25 =	vld [tilespmem:$0xC460];
	v26 =	vshrl.u32 v10, $0x10;
	v18 =	vand.u32 $0x1, v18;
	v38 =	vand.u32 $0x1, v20  }
0x260: {  	v43 =	vld [tilespmem:$0xC430];
	v26 =	vand.u32 $0x1, v26;
	v14 =	vadd.s32 v18, v14;
	v16 =	vadd.s32 v38, v16  }
0x261: {  	v27 =	vld [tilespmem:$0xC530];
	v18 =	vand.u32 $0x1, v40;
	v10 =	vadd.s32 v26, v10;
	v14 =	vadd.s32 $0x7FFF, v14  }
0x262: {  	v46 =	vld [tilespmem:$0xC4D0];
	v16 =	vadd.s32 $0x7FFF, v16;
	v18 =	vadd.s32 v18, v21;
	v14 =	vand.u32 $0xFFFF0000, v14  }
0x263: {  	v52 =	vld [tilespmem:$0xC4E0];
	v10 =	vadd.s32 $0x7FFF, v10;
	v16 =	vand.u32 $0xFFFF0000, v16;
	v12 =	vmul.f32 v14, v12  }
0x264: {  	v45 =	vld [tilespmem:$0xC470];
	v18 =	vadd.s32 $0x7FFF, v18;
	v42 =	vmul.f32 v16, v13;
	v22 =	vmul.f32 v14, v22  }
0x265: {  	v24 =	vld [tilespmem:$0xC520];
	v10 =	vand.u32 $0xFFFF0000, v10;
	v20 =	vmul.f32 v16, v39;
	v47 =	vmul.f32 v14, v41  }
0x266: {  	v49 =	vld [tilespmem:$0xC4B0];
	v17 =	vmul.f32 v10, v17;
	v13 =	vmul.f32 v14, v43;
	v11 =	vadd.f32 v12, v11  }
0x267: {  	v48 =	vld [tilespmem:$0xC4A0];
	v18 =	vand.u32 $0xFFFF0000, v18;
	v51 =	vmul.f32 v16, v25;
	v57 =	vmul.f32 v10, v46  }
0x268: {  	v53 =	vld [tilespmem:$0xC4F0];
	v58 =	vmul.f32 v10, v52;
	v44 =	vmul.f32 v18, v15;
	v11 =	vadd.f32 v11, v42  }
0x269: {  	v15 =	vmul.f32 v16, v45;
	v19 =	vadd.f32 v22, v19;
	v13 =	vadd.f32 v13, v27  }
0x26a: {  	v50 =	vmul.f32 v18, v23;
	v12 =	vadd.f32 v47, v24;
	v11 =	vadd.f32 v11, v44  }
0x26b: {  	v14 =	vmul.f32 v18, v49;
	v19 =	vadd.f32 v20, v19;
	v13 =	vadd.f32 v15, v13  }
0x26c: {  	v56 =	vmul.f32 v18, v48;
	v12 =	vadd.f32 v51, v12;
	v11 =	vadd.f32 v11, v17  }
0x26d: {  	v10 =	vmul.f32 v10, v53;
	v54 =	vadd.f32 v50, v19;
	v13 =	vadd.f32 v14, v13  }
0x26e: {  	v12 =	vadd.f32 v56, v12;
	v55 =	vshrl.u32 v11, $0x10  }
0x26f: {  	v17 =	vadd.f32 v57, v54;
	v10 =	vadd.f32 v10, v13;
	v15 =	vand.u32 $0x1, v55  }
0x270: {  	v12 =	vadd.f32 v58, v12;
	v11 =	vadd.s32 v15, v11  }
0x271: {  	v62 =	vld [tilespmem:$0xC5B0];
	v59 =	vshrl.u32 v17, $0x10;
	v61 =	vshrl.u32 v10, $0x10;
	v11 =	vadd.s32 $0x7FFF, v11  }
0x272: {  	v60 =	vshrl.u32 v12, $0x10;
	v63 =	vand.u32 $0x1, v61;
	v11 =	vand.u32 $0xFFFF0000, v11  }
0x273: {  	v10 =	vadd.s32 v63, v10;
	v8 =	vadd.f32 v11, v8;
	v11 =	vand.u32 $0x1, v59  }
0x274: {  	v13 =	vand.u32 $0x1, v60;
	v10 =	vadd.s32 $0x7FFF, v10;
	v11 =	vadd.s32 v11, v17  }
0x275: {  	v12 =	vadd.s32 v13, v12;
	v10 =	vand.u32 $0xFFFF0000, v10;
	v11 =	vadd.s32 $0x7FFF, v11  }
0x276: {  	v12 =	vadd.s32 $0x7FFF, v12;
	v10 =	vadd.f32 v10, v62;
	v11 =	vand.u32 $0xFFFF0000, v11  }
0x277: {  	[tilespmem:$0xC580] =	vst v8;
	v7 =	vadd.f32 v11, v7;
	v11 =	vand.u32 $0xFFFF0000, v12  }
0x278: {  	[tilespmem:$0xC5B0] =	vst v10;
	v5 =	vadd.f32 v11, v5  }
0x279: {  	[tilespmem:$0xC590] =	vst v7  }
0x27a: {  	[tilespmem:$0xC5A0] =	vst v5  }
.LBB2_30:
0x27b: {  	(v2sf) =	vpush v9, $0xC;
	_ =	sdelay $0xe  }
0x27c: {  	s19 =	spop (v2sf)  }
0x27d: {  	p0 =	sne.s32 s19, $0x0  }
.Ltmp21:
0x27e: {  	_ = 	snop;
	(pc) =	sbr.rel @p0 .LBB2_32-.Ltmp21, $1  }
0x27f: {  	_ =	sdelay $0x3  }
0x280: {  	v10 =	vld [tilespmem:s18+$0x10]  }
0x281: {  	v11 =	vld [tilespmem:$0xC500]  }
0x282: {  	v12 =	vld [tilespmem:$0xC400]  }
0x283: {  	v13 =	vld [tilespmem:$0xC440]  }
0x284: {  	v15 =	vld [tilespmem:$0xC480]  }
0x285: {  	v17 =	vld [tilespmem:$0xC4C0]  }
0x286: {  	v19 =	vld [tilespmem:$0xC510]  }
0x287: {  	v22 =	vld [tilespmem:$0xC410];
	v14 =	vbroadcast v10, $0x0  }
0x288: {  	v39 =	vld [tilespmem:$0xC450];
	v16 =	vbroadcast v10, $0x1;
	v21 =	vbroadcast v10, $0x2  }
0x289: {  	v23 =	vld [tilespmem:$0xC490];
	v10 =	vbroadcast v10, $0x3  }
0x28a: {  	v41 =	vld [tilespmem:$0xC420];
	v18 =	vshrl.u32 v14, $0x10;
	v20 =	vshrl.u32 v16, $0x10;
	v40 =	vshrl.u32 v21, $0x10  }
0x28b: {  	v25 =	vld [tilespmem:$0xC460];
	v26 =	vshrl.u32 v10, $0x10;
	v18 =	vand.u32 $0x1, v18;
	v38 =	vand.u32 $0x1, v20  }
0x28c: {  	v43 =	vld [tilespmem:$0xC430];
	v26 =	vand.u32 $0x1, v26;
	v14 =	vadd.s32 v18, v14;
	v16 =	vadd.s32 v38, v16  }
0x28d: {  	v27 =	vld [tilespmem:$0xC530];
	v18 =	vand.u32 $0x1, v40;
	v10 =	vadd.s32 v26, v10;
	v14 =	vadd.s32 $0x7FFF, v14  }
0x28e: {  	v46 =	vld [tilespmem:$0xC4D0];
	v16 =	vadd.s32 $0x7FFF, v16;
	v18 =	vadd.s32 v18, v21;
	v14 =	vand.u32 $0xFFFF0000, v14  }
0x28f: {  	v52 =	vld [tilespmem:$0xC4E0];
	v10 =	vadd.s32 $0x7FFF, v10;
	v16 =	vand.u32 $0xFFFF0000, v16;
	v12 =	vmul.f32 v14, v12  }
0x290: {  	v45 =	vld [tilespmem:$0xC470];
	v18 =	vadd.s32 $0x7FFF, v18;
	v42 =	vmul.f32 v16, v13;
	v22 =	vmul.f32 v14, v22  }
0x291: {  	v24 =	vld [tilespmem:$0xC520];
	v10 =	vand.u32 $0xFFFF0000, v10;
	v20 =	vmul.f32 v16, v39;
	v47 =	vmul.f32 v14, v41  }
0x292: {  	v49 =	vld [tilespmem:$0xC4B0];
	v17 =	vmul.f32 v10, v17;
	v13 =	vmul.f32 v14, v43;
	v11 =	vadd.f32 v12, v11  }
0x293: {  	v48 =	vld [tilespmem:$0xC4A0];
	v18 =	vand.u32 $0xFFFF0000, v18;
	v51 =	vmul.f32 v16, v25;
	v57 =	vmul.f32 v10, v46  }
0x294: {  	v53 =	vld [tilespmem:$0xC4F0];
	v58 =	vmul.f32 v10, v52;
	v44 =	vmul.f32 v18, v15;
	v11 =	vadd.f32 v11, v42  }
0x295: {  	v15 =	vmul.f32 v16, v45;
	v19 =	vadd.f32 v22, v19;
	v13 =	vadd.f32 v13, v27  }
0x296: {  	v50 =	vmul.f32 v18, v23;
	v12 =	vadd.f32 v47, v24;
	v11 =	vadd.f32 v11, v44  }
0x297: {  	v14 =	vmul.f32 v18, v49;
	v19 =	vadd.f32 v20, v19;
	v13 =	vadd.f32 v15, v13  }
0x298: {  	v56 =	vmul.f32 v18, v48;
	v12 =	vadd.f32 v51, v12;
	v11 =	vadd.f32 v11, v17  }
0x299: {  	v10 =	vmul.f32 v10, v53;
	v54 =	vadd.f32 v50, v19;
	v13 =	vadd.f32 v14, v13  }
0x29a: {  	v12 =	vadd.f32 v56, v12;
	v55 =	vshrl.u32 v11, $0x10  }
0x29b: {  	v17 =	vadd.f32 v57, v54;
	v10 =	vadd.f32 v10, v13;
	v15 =	vand.u32 $0x1, v55  }
0x29c: {  	v12 =	vadd.f32 v58, v12;
	v11 =	vadd.s32 v15, v11  }
0x29d: {  	v62 =	vld [tilespmem:$0xC5B0];
	v59 =	vshrl.u32 v17, $0x10;
	v61 =	vshrl.u32 v10, $0x10;
	v11 =	vadd.s32 $0x7FFF, v11  }
0x29e: {  	v60 =	vshrl.u32 v12, $0x10;
	v63 =	vand.u32 $0x1, v61;
	v11 =	vand.u32 $0xFFFF0000, v11  }
0x29f: {  	v10 =	vadd.s32 v63, v10;
	v8 =	vadd.f32 v11, v8;
	v11 =	vand.u32 $0x1, v59  }
0x2a0: {  	v13 =	vand.u32 $0x1, v60;
	v10 =	vadd.s32 $0x7FFF, v10;
	v11 =	vadd.s32 v11, v17  }
0x2a1: {  	v12 =	vadd.s32 v13, v12;
	v10 =	vand.u32 $0xFFFF0000, v10;
	v11 =	vadd.s32 $0x7FFF, v11  }
0x2a2: {  	v12 =	vadd.s32 $0x7FFF, v12;
	v10 =	vadd.f32 v10, v62;
	v11 =	vand.u32 $0xFFFF0000, v11  }
0x2a3: {  	[tilespmem:$0xC580] =	vst v8;
	v7 =	vadd.f32 v11, v7;
	v11 =	vand.u32 $0xFFFF0000, v12  }
0x2a4: {  	[tilespmem:$0xC5B0] =	vst v10;
	v5 =	vadd.f32 v11, v5  }
0x2a5: {  	[tilespmem:$0xC590] =	vst v7  }
0x2a6: {  	[tilespmem:$0xC5A0] =	vst v5  }
.LBB2_32:
0x2a7: {  	(v2sf) =	vpush v9, $0xD;
	_ =	sdelay $0xe  }
0x2a8: {  	s19 =	spop (v2sf)  }
0x2a9: {  	p0 =	sne.s32 s19, $0x0  }
.Ltmp22:
0x2aa: {  	_ = 	snop;
	(pc) =	sbr.rel @p0 .LBB2_34-.Ltmp22, $1  }
0x2ab: {  	_ =	sdelay $0x3  }
0x2ac: {  	v10 =	vld [tilespmem:s18+$0x14]  }
0x2ad: {  	v11 =	vld [tilespmem:$0xC500]  }
0x2ae: {  	v12 =	vld [tilespmem:$0xC400]  }
0x2af: {  	v13 =	vld [tilespmem:$0xC440]  }
0x2b0: {  	v15 =	vld [tilespmem:$0xC480]  }
0x2b1: {  	v17 =	vld [tilespmem:$0xC4C0]  }
0x2b2: {  	v19 =	vld [tilespmem:$0xC510]  }
0x2b3: {  	v22 =	vld [tilespmem:$0xC410];
	v14 =	vbroadcast v10, $0x0  }
0x2b4: {  	v39 =	vld [tilespmem:$0xC450];
	v16 =	vbroadcast v10, $0x1;
	v21 =	vbroadcast v10, $0x2  }
0x2b5: {  	v23 =	vld [tilespmem:$0xC490];
	v10 =	vbroadcast v10, $0x3  }
0x2b6: {  	v41 =	vld [tilespmem:$0xC420];
	v18 =	vshrl.u32 v14, $0x10;
	v20 =	vshrl.u32 v16, $0x10;
	v40 =	vshrl.u32 v21, $0x10  }
0x2b7: {  	v25 =	vld [tilespmem:$0xC460];
	v26 =	vshrl.u32 v10, $0x10;
	v18 =	vand.u32 $0x1, v18;
	v38 =	vand.u32 $0x1, v20  }
0x2b8: {  	v43 =	vld [tilespmem:$0xC430];
	v26 =	vand.u32 $0x1, v26;
	v14 =	vadd.s32 v18, v14;
	v16 =	vadd.s32 v38, v16  }
0x2b9: {  	v27 =	vld [tilespmem:$0xC530];
	v18 =	vand.u32 $0x1, v40;
	v10 =	vadd.s32 v26, v10;
	v14 =	vadd.s32 $0x7FFF, v14  }
0x2ba: {  	v46 =	vld [tilespmem:$0xC4D0];
	v16 =	vadd.s32 $0x7FFF, v16;
	v18 =	vadd.s32 v18, v21;
	v14 =	vand.u32 $0xFFFF0000, v14  }
0x2bb: {  	v52 =	vld [tilespmem:$0xC4E0];
	v10 =	vadd.s32 $0x7FFF, v10;
	v16 =	vand.u32 $0xFFFF0000, v16;
	v12 =	vmul.f32 v14, v12  }
0x2bc: {  	v45 =	vld [tilespmem:$0xC470];
	v18 =	vadd.s32 $0x7FFF, v18;
	v42 =	vmul.f32 v16, v13;
	v22 =	vmul.f32 v14, v22  }
0x2bd: {  	v24 =	vld [tilespmem:$0xC520];
	v10 =	vand.u32 $0xFFFF0000, v10;
	v20 =	vmul.f32 v16, v39;
	v47 =	vmul.f32 v14, v41  }
0x2be: {  	v49 =	vld [tilespmem:$0xC4B0];
	v17 =	vmul.f32 v10, v17;
	v13 =	vmul.f32 v14, v43;
	v11 =	vadd.f32 v12, v11  }
0x2bf: {  	v48 =	vld [tilespmem:$0xC4A0];
	v18 =	vand.u32 $0xFFFF0000, v18;
	v51 =	vmul.f32 v16, v25;
	v57 =	vmul.f32 v10, v46  }
0x2c0: {  	v53 =	vld [tilespmem:$0xC4F0];
	v58 =	vmul.f32 v10, v52;
	v44 =	vmul.f32 v18, v15;
	v11 =	vadd.f32 v11, v42  }
0x2c1: {  	v15 =	vmul.f32 v16, v45;
	v19 =	vadd.f32 v22, v19;
	v13 =	vadd.f32 v13, v27  }
0x2c2: {  	v50 =	vmul.f32 v18, v23;
	v12 =	vadd.f32 v47, v24;
	v11 =	vadd.f32 v11, v44  }
0x2c3: {  	v14 =	vmul.f32 v18, v49;
	v19 =	vadd.f32 v20, v19;
	v13 =	vadd.f32 v15, v13  }
0x2c4: {  	v56 =	vmul.f32 v18, v48;
	v12 =	vadd.f32 v51, v12;
	v11 =	vadd.f32 v11, v17  }
0x2c5: {  	v10 =	vmul.f32 v10, v53;
	v54 =	vadd.f32 v50, v19;
	v13 =	vadd.f32 v14, v13  }
0x2c6: {  	v12 =	vadd.f32 v56, v12;
	v55 =	vshrl.u32 v11, $0x10  }
0x2c7: {  	v17 =	vadd.f32 v57, v54;
	v10 =	vadd.f32 v10, v13;
	v15 =	vand.u32 $0x1, v55  }
0x2c8: {  	v12 =	vadd.f32 v58, v12;
	v11 =	vadd.s32 v15, v11  }
0x2c9: {  	v62 =	vld [tilespmem:$0xC5B0];
	v59 =	vshrl.u32 v17, $0x10;
	v61 =	vshrl.u32 v10, $0x10;
	v11 =	vadd.s32 $0x7FFF, v11  }
0x2ca: {  	v60 =	vshrl.u32 v12, $0x10;
	v63 =	vand.u32 $0x1, v61;
	v11 =	vand.u32 $0xFFFF0000, v11  }
0x2cb: {  	v10 =	vadd.s32 v63, v10;
	v8 =	vadd.f32 v11, v8;
	v11 =	vand.u32 $0x1, v59  }
0x2cc: {  	v13 =	vand.u32 $0x1, v60;
	v10 =	vadd.s32 $0x7FFF, v10;
	v11 =	vadd.s32 v11, v17  }
0x2cd: {  	v12 =	vadd.s32 v13, v12;
	v10 =	vand.u32 $0xFFFF0000, v10;
	v11 =	vadd.s32 $0x7FFF, v11  }
0x2ce: {  	v12 =	vadd.s32 $0x7FFF, v12;
	v10 =	vadd.f32 v10, v62;
	v11 =	vand.u32 $0xFFFF0000, v11  }
0x2cf: {  	[tilespmem:$0xC580] =	vst v8;
	v7 =	vadd.f32 v11, v7;
	v11 =	vand.u32 $0xFFFF0000, v12  }
0x2d0: {  	[tilespmem:$0xC5B0] =	vst v10;
	v5 =	vadd.f32 v11, v5  }
0x2d1: {  	[tilespmem:$0xC590] =	vst v7  }
0x2d2: {  	[tilespmem:$0xC5A0] =	vst v5  }
.LBB2_34:
0x2d3: {  	(v2sf) =	vpush v9, $0xE;
	_ =	sdelay $0xe  }
0x2d4: {  	s19 =	spop (v2sf)  }
0x2d5: {  	p0 =	sne.s32 s19, $0x0  }
.Ltmp23:
0x2d6: {  	_ = 	snop;
	(pc) =	sbr.rel @p0 .LBB2_36-.Ltmp23, $1  }
0x2d7: {  	_ =	sdelay $0x3  }
0x2d8: {  	v10 =	vld [tilespmem:s18+$0x18]  }
0x2d9: {  	v11 =	vld [tilespmem:$0xC500]  }
0x2da: {  	v12 =	vld [tilespmem:$0xC400]  }
0x2db: {  	v13 =	vld [tilespmem:$0xC440]  }
0x2dc: {  	v15 =	vld [tilespmem:$0xC480]  }
0x2dd: {  	v17 =	vld [tilespmem:$0xC4C0]  }
0x2de: {  	v19 =	vld [tilespmem:$0xC510]  }
0x2df: {  	v22 =	vld [tilespmem:$0xC410];
	v14 =	vbroadcast v10, $0x0  }
0x2e0: {  	v39 =	vld [tilespmem:$0xC450];
	v16 =	vbroadcast v10, $0x1;
	v21 =	vbroadcast v10, $0x2  }
0x2e1: {  	v23 =	vld [tilespmem:$0xC490];
	v10 =	vbroadcast v10, $0x3  }
0x2e2: {  	v41 =	vld [tilespmem:$0xC420];
	v18 =	vshrl.u32 v14, $0x10;
	v20 =	vshrl.u32 v16, $0x10;
	v40 =	vshrl.u32 v21, $0x10  }
0x2e3: {  	v25 =	vld [tilespmem:$0xC460];
	v26 =	vshrl.u32 v10, $0x10;
	v18 =	vand.u32 $0x1, v18;
	v38 =	vand.u32 $0x1, v20  }
0x2e4: {  	v43 =	vld [tilespmem:$0xC430];
	v26 =	vand.u32 $0x1, v26;
	v14 =	vadd.s32 v18, v14;
	v16 =	vadd.s32 v38, v16  }
0x2e5: {  	v27 =	vld [tilespmem:$0xC530];
	v18 =	vand.u32 $0x1, v40;
	v10 =	vadd.s32 v26, v10;
	v14 =	vadd.s32 $0x7FFF, v14  }
0x2e6: {  	v46 =	vld [tilespmem:$0xC4D0];
	v16 =	vadd.s32 $0x7FFF, v16;
	v18 =	vadd.s32 v18, v21;
	v14 =	vand.u32 $0xFFFF0000, v14  }
0x2e7: {  	v52 =	vld [tilespmem:$0xC4E0];
	v10 =	vadd.s32 $0x7FFF, v10;
	v16 =	vand.u32 $0xFFFF0000, v16;
	v12 =	vmul.f32 v14, v12  }
0x2e8: {  	v45 =	vld [tilespmem:$0xC470];
	v18 =	vadd.s32 $0x7FFF, v18;
	v42 =	vmul.f32 v16, v13;
	v22 =	vmul.f32 v14, v22  }
0x2e9: {  	v24 =	vld [tilespmem:$0xC520];
	v10 =	vand.u32 $0xFFFF0000, v10;
	v20 =	vmul.f32 v16, v39;
	v47 =	vmul.f32 v14, v41  }
0x2ea: {  	v49 =	vld [tilespmem:$0xC4B0];
	v17 =	vmul.f32 v10, v17;
	v13 =	vmul.f32 v14, v43;
	v11 =	vadd.f32 v12, v11  }
0x2eb: {  	v48 =	vld [tilespmem:$0xC4A0];
	v18 =	vand.u32 $0xFFFF0000, v18;
	v51 =	vmul.f32 v16, v25;
	v57 =	vmul.f32 v10, v46  }
0x2ec: {  	v53 =	vld [tilespmem:$0xC4F0];
	v58 =	vmul.f32 v10, v52;
	v44 =	vmul.f32 v18, v15;
	v11 =	vadd.f32 v11, v42  }
0x2ed: {  	v15 =	vmul.f32 v16, v45;
	v19 =	vadd.f32 v22, v19;
	v13 =	vadd.f32 v13, v27  }
0x2ee: {  	v50 =	vmul.f32 v18, v23;
	v12 =	vadd.f32 v47, v24;
	v11 =	vadd.f32 v11, v44  }
0x2ef: {  	v14 =	vmul.f32 v18, v49;
	v19 =	vadd.f32 v20, v19;
	v13 =	vadd.f32 v15, v13  }
0x2f0: {  	v56 =	vmul.f32 v18, v48;
	v12 =	vadd.f32 v51, v12;
	v11 =	vadd.f32 v11, v17  }
0x2f1: {  	v10 =	vmul.f32 v10, v53;
	v54 =	vadd.f32 v50, v19;
	v13 =	vadd.f32 v14, v13  }
0x2f2: {  	v12 =	vadd.f32 v56, v12;
	v55 =	vshrl.u32 v11, $0x10  }
0x2f3: {  	v17 =	vadd.f32 v57, v54;
	v10 =	vadd.f32 v10, v13;
	v15 =	vand.u32 $0x1, v55  }
0x2f4: {  	v12 =	vadd.f32 v58, v12;
	v11 =	vadd.s32 v15, v11  }
0x2f5: {  	v62 =	vld [tilespmem:$0xC5B0];
	v59 =	vshrl.u32 v17, $0x10;
	v61 =	vshrl.u32 v10, $0x10;
	v11 =	vadd.s32 $0x7FFF, v11  }
0x2f6: {  	v60 =	vshrl.u32 v12, $0x10;
	v63 =	vand.u32 $0x1, v61;
	v11 =	vand.u32 $0xFFFF0000, v11  }
0x2f7: {  	v10 =	vadd.s32 v63, v10;
	v8 =	vadd.f32 v11, v8;
	v11 =	vand.u32 $0x1, v59  }
0x2f8: {  	v13 =	vand.u32 $0x1, v60;
	v10 =	vadd.s32 $0x7FFF, v10;
	v11 =	vadd.s32 v11, v17  }
0x2f9: {  	v12 =	vadd.s32 v13, v12;
	v10 =	vand.u32 $0xFFFF0000, v10;
	v11 =	vadd.s32 $0x7FFF, v11  }
0x2fa: {  	v12 =	vadd.s32 $0x7FFF, v12;
	v10 =	vadd.f32 v10, v62;
	v11 =	vand.u32 $0xFFFF0000, v11  }
0x2fb: {  	[tilespmem:$0xC580] =	vst v8;
	v7 =	vadd.f32 v11, v7;
	v11 =	vand.u32 $0xFFFF0000, v12  }
0x2fc: {  	[tilespmem:$0xC5B0] =	vst v10;
	v5 =	vadd.f32 v11, v5  }
0x2fd: {  	[tilespmem:$0xC590] =	vst v7  }
0x2fe: {  	[tilespmem:$0xC5A0] =	vst v5  }
.LBB2_36:
0x2ff: {  	(v2sf) =	vpush v9, $0xF;
	_ =	sdelay $0xe  }
0x300: {  	s19 =	spop (v2sf)  }
0x301: {  	p0 =	sne.s32 s19, $0x0  }
.Ltmp24:
0x302: {  	_ = 	snop;
	(pc) =	sbr.rel @p0 .LBB2_38-.Ltmp24, $1  }
0x303: {  	_ =	sdelay $0x3  }
0x304: {  	v9 =	vld [tilespmem:s18+$0x1C]  }
0x305: {  	v10 =	vld [tilespmem:$0xC500]  }
0x306: {  	v11 =	vld [tilespmem:$0xC400]  }
0x307: {  	v12 =	vld [tilespmem:$0xC440]  }
0x308: {  	v14 =	vld [tilespmem:$0xC480]  }
0x309: {  	v16 =	vld [tilespmem:$0xC4C0]  }
0x30a: {  	v18 =	vld [tilespmem:$0xC510]  }
0x30b: {  	v21 =	vld [tilespmem:$0xC410];
	v13 =	vbroadcast v9, $0x0  }
0x30c: {  	v42 =	vld [tilespmem:$0xC450];
	v15 =	vbroadcast v9, $0x1;
	v20 =	vbroadcast v9, $0x2  }
0x30d: {  	v23 =	vld [tilespmem:$0xC520];
	v9 =	vbroadcast v9, $0x3  }
0x30e: {  	v44 =	vld [tilespmem:$0xC420];
	v17 =	vshrl.u32 v13, $0x10;
	v19 =	vshrl.u32 v15, $0x10;
	v43 =	vshrl.u32 v20, $0x10  }
0x30f: {  	v24 =	vld [tilespmem:$0xC460];
	v25 =	vshrl.u32 v9, $0x10;
	v17 =	vand.u32 $0x1, v17;
	v41 =	vand.u32 $0x1, v19  }
0x310: {  	v45 =	vld [tilespmem:$0xC430];
	v25 =	vand.u32 $0x1, v25;
	v13 =	vadd.s32 v17, v13;
	v15 =	vadd.s32 v41, v15  }
0x311: {  	v26 =	vld [tilespmem:$0xC530];
	v17 =	vand.u32 $0x1, v43;
	v9 =	vadd.s32 v25, v9;
	v13 =	vadd.s32 $0x7FFF, v13  }
0x312: {  	v46 =	vld [tilespmem:$0xC470];
	v15 =	vadd.s32 $0x7FFF, v15;
	v17 =	vadd.s32 v17, v20;
	v13 =	vand.u32 $0xFFFF0000, v13  }
0x313: {  	v47 =	vld [tilespmem:$0xC4D0];
	v9 =	vadd.s32 $0x7FFF, v9;
	v15 =	vand.u32 $0xFFFF0000, v15;
	v11 =	vmul.f32 v13, v11  }
0x314: {  	v49 =	vld [tilespmem:$0xC4B0];
	v17 =	vadd.s32 $0x7FFF, v17;
	v9 =	vand.u32 $0xFFFF0000, v9;
	v21 =	vmul.f32 v13, v21  }
0x315: {  	v52 =	vld [tilespmem:$0xC4E0];
	v19 =	vmul.f32 v15, v42;
	v10 =	vadd.f32 v11, v10;
	v11 =	vmul.f32 v15, v12  }
0x316: {  	v53 =	vld [tilespmem:$0xC4F0];
	v17 =	vand.u32 $0xFFFF0000, v17;
	v16 =	vmul.f32 v9, v16;
	v12 =	vmul.f32 v13, v45  }
0x317: {  	v22 =	vld [tilespmem:$0xC490];
	v51 =	vmul.f32 v15, v24;
	v10 =	vadd.f32 v10, v11;
	v11 =	vmul.f32 v17, v14  }
0x318: {  	v48 =	vld [tilespmem:$0xC4A0];
	v57 =	vmul.f32 v9, v47;
	v12 =	vadd.f32 v12, v26;
	v14 =	vmul.f32 v15, v46  }
0x319: {  	v18 =	vadd.f32 v21, v18;
	v10 =	vadd.f32 v10, v11;
	v11 =	vmul.f32 v13, v44  }
0x31a: {  	v58 =	vmul.f32 v9, v52;
	v12 =	vadd.f32 v14, v12;
	v13 =	vmul.f32 v17, v49  }
0x31b: {  	v9 =	vmul.f32 v9, v53;
	v18 =	vadd.f32 v19, v18;
	v11 =	vadd.f32 v11, v23  }
0x31c: {  	v50 =	vmul.f32 v17, v22;
	v10 =	vadd.f32 v10, v16;
	v12 =	vadd.f32 v13, v12  }
0x31d: {  	v56 =	vmul.f32 v17, v48;
	v11 =	vadd.f32 v51, v11  }
0x31e: {  	v54 =	vadd.f32 v50, v18;
	v55 =	vshrl.u32 v10, $0x10;
	v9 =	vadd.f32 v9, v12  }
0x31f: {  	v14 =	vand.u32 $0x1, v55;
	v11 =	vadd.f32 v56, v11  }
0x320: {  	v16 =	vadd.f32 v57, v54;
	v10 =	vadd.s32 v14, v10;
	v61 =	vshrl.u32 v9, $0x10  }
0x321: {  	v62 =	vld [tilespmem:$0xC5B0];
	v10 =	vadd.s32 $0x7FFF, v10;
	v63 =	vand.u32 $0x1, v61;
	v11 =	vadd.f32 v58, v11  }
0x322: {  	v59 =	vshrl.u32 v16, $0x10;
	v10 =	vand.u32 $0xFFFF0000, v10;
	v9 =	vadd.s32 v63, v9  }
0x323: {  	v8 =	vadd.f32 v10, v8;
	v10 =	vand.u32 $0x1, v59;
	v60 =	vshrl.u32 v11, $0x10  }
0x324: {  	v9 =	vadd.s32 $0x7FFF, v9;
	v10 =	vadd.s32 v10, v16;
	v12 =	vand.u32 $0x1, v60  }
0x325: {  	v9 =	vand.u32 $0xFFFF0000, v9;
	v10 =	vadd.s32 $0x7FFF, v10;
	v11 =	vadd.s32 v12, v11  }
.Ltmp25:
0x326: {  	v9 =	vadd.f32 v9, v62;
	v10 =	vand.u32 $0xFFFF0000, v10;
	v11 =	vadd.s32 $0x7FFF, v11;
	(pc) =	sbr.rel .LBB2_38-.Ltmp25, $4  }
0x327: {  	[tilespmem:$0xC580] =	vst v8;
	v7 =	vadd.f32 v10, v7;
	v10 =	vand.u32 $0xFFFF0000, v11  }
0x328: {  	[tilespmem:$0xC5B0] =	vst v9;
	v5 =	vadd.f32 v10, v5  }
0x329: {  	[tilespmem:$0xC590] =	vst v7  }
0x32a: {  	[tilespmem:$0xC5A0] =	vst v5  }
.LBB2_41:
0x32b: {  	_ =	sfence.sel $0x180000  }
0x32c: {  	[bflag:$0x0] =	sbarrier.arrive $0xFFFF  }
0x32d: {  	p0 =	sne.s32 s0, $0x0;
	_ =	strace $0x90000047  }
0x32e: {  	s0 =	sadd.s32 @!p0 $0x100000, s2;
	[bflag:$0x2] =	sbarrier.arrive $0xFFFF  }
0x32f: {  	[sflag:s0] =	ssyncadd.tile.s32 @!p0 $0x1;
	_ =	shalt  }
.Lfunc_end2:
_tile_overlayer_lowered:
.L_overlay_start_2:
0x330: {  	(tag) =	ssettag $0x2  }
0x331: {  	s0 =	rddreg [dreg:$0x0];
	s2 =	stileid.u32  }
0x332: {  	s1 =	rddreg [dreg:$0x1];
	p0 =	sne.s32 s2, $0x0  }
0x333: {  	s3 =	rddreg [dreg:$0x2];
	[bflag:$0x3] =	sbarrier.arrive $0xFFFF;
	s2 =	simm.s32 @!p0 $0x1C01  }
0x334: {  	[timem:s3], [sflag:s2] =	dma.local @!p0 [hbm:s0], s1  }
0x335: {  	s0 =	simm.s32 @!p0 $0x1  }
0x336: {  	_ =	swait.ge @!p0 [sflag:s0], s1  }
0x337: {  	s1 =	ssub.s32 @!p0 $0x0, s1;
	[sflag:s0] =	ssyncset.done @!p0 $0x0  }
0x338: {  	[sflag:s0] =	ssyncadd.s32 @!p0 s1  }
0x339: {  	[bflag:$0x3] =	sbarrier.arrive $0xFFFF  }
0x33a: {  	_ =	shalt  }

</sc_bundles>
